<compile_context>
chip_gen: v7x
topology: tpu7x:2x2x1
jax: 0.10.2.dev20260603
libtpu: 0.0.44.dev20260713+nightly
codegen_flags: <defaults>
</compile_context>

<pallas_src>
import jax
import jax.numpy as jnp
from jax import lax
from jax.experimental import pallas as pl
from jax.experimental.pallas import tpu as pltpu
from jax.experimental.pallas import tpu_sc as plsc

_N = 10000
_E = 320000
_D = 128
_DE = 16
_HID = 128

_BE = 2560

_NC = 2
_NS = 16
_NW = _NC * _NS
_GB = 80
_KB = 4
_KG = 8
_EP = 327680
_PADE = _EP - _E
_NBLK = _EP // _GB
_RW = _NBLK // _NW
_NP = 10240
_NROWS = _NP // _NS


def _sc_mesh(num_cores=_NC):
    return plsc.VectorSubcoreMesh(core_axis_name="c", subcore_axis_name="s",
                                  num_cores=num_cores)


def _sc_gather_body(table, idx2, out, idx_v, bufs, sem):
    wid = lax.axis_index("s") * _NC + lax.axis_index("c")
    rbase = wid * _RW
    pltpu.sync_copy(idx2.at[pl.ds(rbase, _RW)], idx_v)

    def burst(g, carry):
        descs = [
            pltpu.async_copy(table.at[idx_v.at[g * _KG + b]], bufs[b], sem)
            for b in range(_KG)
        ]
        for d in descs:
            d.wait()
        obase = (rbase + g * _KG) * _GB
        descs = [
            pltpu.async_copy(bufs[b], out.at[pl.ds(obase + b * _GB, _GB)], sem)
            for b in range(_KG)
        ]
        for d in descs:
            d.wait()
        return carry

    lax.fori_loop(0, _RW // _KG, burst, 0)


def _sc_gather(table, idx2):
    f = pl.kernel(
        _sc_gather_body,
        out_type=jax.ShapeDtypeStruct((_EP, _HID), jnp.float32),
        mesh=_sc_mesh(),
        scratch_types=[
            pltpu.VMEM((_RW, _GB), jnp.int32),
            [pltpu.VMEM((_GB, _HID), jnp.float32) for _ in range(_KG)],
            pltpu.SemaphoreType.DMA,
        ],
    )
    return f(table, idx2)


def _sc_msg_body(a, gn, src2, rev2, out, si_v, ri_v, bufs, sem):
    wid = lax.axis_index("s") * _NC + lax.axis_index("c")
    rbase = wid * _RW
    pltpu.sync_copy(src2.at[pl.ds(rbase, _RW)], si_v)
    pltpu.sync_copy(rev2.at[pl.ds(rbase, _RW)], ri_v)

    def burst(g, carry):
        descs = [
            pltpu.async_copy(a.at[si_v.at[g * _KG + b]], bufs[b], sem)
            for b in range(_KG)
        ]
        for d in descs:
            d.wait()
        descs = [
            pltpu.async_copy(gn.at[ri_v.at[g * _KG + b]], bufs[b], sem,
                             add=True)
            for b in range(_KG)
        ]
        for d in descs:
            d.wait()
        obase = (rbase + g * _KG) * _GB
        descs = [
            pltpu.async_copy(bufs[b], out.at[pl.ds(obase + b * _GB, _GB)], sem)
            for b in range(_KG)
        ]
        for d in descs:
            d.wait()
        return carry

    lax.fori_loop(0, _RW // _KG, burst, 0)


def _sc_msg(a, gn, src2, rev2):
    f = pl.kernel(
        _sc_msg_body,
        out_type=jax.ShapeDtypeStruct((_EP, _HID), jnp.float32),
        mesh=_sc_mesh(),
        scratch_types=[
            pltpu.VMEM((_RW, _GB), jnp.int32),
            pltpu.VMEM((_RW, _GB), jnp.int32),
            [pltpu.VMEM((_GB, _HID), jnp.float32) for _ in range(_KG)],
            pltpu.SemaphoreType.DMA,
        ],
    )
    return f(a, gn, src2, rev2)


_PW1 = _EP // _NW
_NB1 = _PW1 // _GB


def _sc_scatter_body(vals, dst1, zeros, out, idx_bufs, bufs, acc, sem, isem):
    cid = lax.axis_index("c")
    sid = lax.axis_index("s")

    srow = sid * _NROWS
    pltpu.sync_copy(zeros.at[pl.ds(0, _NROWS)], acc.at[pl.ds(srow, _NROWS)])
    plsc.subcore_barrier()

    base = cid * (_EP // _NC) + sid * _PW1

    def burst(g, carry):
        obase = base + g * _KB * _GB
        idescs = [
            pltpu.async_copy(dst1.at[pl.ds(obase + b * _GB, _GB)],
                             idx_bufs[b], isem)
            for b in range(_KB)
        ]
        vdescs = [
            pltpu.async_copy(vals.at[pl.ds(obase + b * _GB, _GB)], bufs[b],
                             sem)
            for b in range(_KB)
        ]
        for d in idescs:
            d.wait()
        for d in vdescs:
            d.wait()
        descs = [
            pltpu.async_copy(bufs[b], acc.at[idx_bufs[b]], sem, add=True)
            for b in range(_KB)
        ]
        for d in descs:
            d.wait()
        return carry

    lax.fori_loop(0, _NB1 // _KB, burst, 0)
    plsc.subcore_barrier()

    pltpu.sync_copy(acc.at[pl.ds(srow, _NROWS)],
                    out.at[cid, pl.ds(srow, _NROWS)])


def _sc_scatter(vals, dst1, zeros):
    f = pl.kernel(
        _sc_scatter_body,
        out_type=jax.ShapeDtypeStruct((_NC, _NP, _HID), jnp.float32),
        mesh=_sc_mesh(),
        scratch_types=[
            [pltpu.VMEM((_GB,), jnp.int32) for _ in range(_KB)],
            [pltpu.VMEM((_GB, _HID), jnp.float32) for _ in range(_KB)],
            pltpu.VMEM_SHARED((_NP, _HID), jnp.float32),
            pltpu.SemaphoreType.DMA,
            pltpu.SemaphoreType.DMA,
        ],
    )
    return f(vals, dst1, zeros)


def _sc_fin_body(h0b, a, gn, src1, rev1, dst1, zeros, out,
                 si_bufs, ri_bufs, di_bufs, bufs, acc, sem, isem):
    cid = lax.axis_index("c")
    sid = lax.axis_index("s")

    srow = sid * _NROWS
    pltpu.sync_copy(zeros.at[pl.ds(0, _NROWS)], acc.at[pl.ds(srow, _NROWS)])
    plsc.subcore_barrier()

    base = cid * (_EP // _NC) + sid * _PW1

    def burst(g, carry):
        obase = base + g * _KB * _GB
        idescs = []
        for b in range(_KB):
            off = pl.ds(obase + b * _GB, _GB)
            idescs.append(pltpu.async_copy(src1.at[off], si_bufs[b], isem))
            idescs.append(pltpu.async_copy(rev1.at[off], ri_bufs[b], isem))
            idescs.append(pltpu.async_copy(dst1.at[off], di_bufs[b], isem))
        hdescs = [
            pltpu.async_copy(h0b.at[pl.ds(obase + b * _GB, _GB)], bufs[b],
                             sem)
            for b in range(_KB)
        ]
        for d in idescs:
            d.wait()
        for d in hdescs:
            d.wait()
        descs = [
            pltpu.async_copy(a.at[si_bufs[b]], bufs[b], sem, add=True)
            for b in range(_KB)
        ]
        for d in descs:
            d.wait()
        descs = [
            pltpu.async_copy(gn.at[ri_bufs[b]], bufs[b], sem, add=True)
            for b in range(_KB)
        ]
        for d in descs:
            d.wait()

        for b in range(_KB):
            def relurow(r, carry2, _b=b):
                for cc in range(_HID // 16):
                    sl = pl.ds(cc * 16, 16)
                    bufs[_b][r, sl] = jnp.maximum(bufs[_b][r, sl], 0.0)
                return carry2

            lax.fori_loop(0, _GB, relurow, 0)

        descs = [
            pltpu.async_copy(bufs[b], acc.at[di_bufs[b]], sem, add=True)
            for b in range(_KB)
        ]
        for d in descs:
            d.wait()
        return carry

    lax.fori_loop(0, _NB1 // _KB, burst, 0)
    plsc.subcore_barrier()

    pltpu.sync_copy(acc.at[pl.ds(srow, _NROWS)],
                    out.at[cid, pl.ds(srow, _NROWS)])


def _sc_fin(h0b, a, gn, src1, rev1, dst1, zeros):
    f = pl.kernel(
        _sc_fin_body,
        out_type=jax.ShapeDtypeStruct((_NC, _NP, _HID), jnp.float32),
        mesh=_sc_mesh(),
        scratch_types=[
            [pltpu.VMEM((_GB,), jnp.int32) for _ in range(_KB)],
            [pltpu.VMEM((_GB,), jnp.int32) for _ in range(_KB)],
            [pltpu.VMEM((_GB,), jnp.int32) for _ in range(_KB)],
            [pltpu.VMEM((_GB, _HID), jnp.float32) for _ in range(_KB)],
            pltpu.VMEM_SHARED((_NP, _HID), jnp.float32),
            pltpu.SemaphoreType.DMA,
            pltpu.SemaphoreType.DMA,
        ],
    )
    return f(h0b, a, gn, src1, rev1, dst1, zeros)


def _combine_neg_body(p_ref, o_ref):
    o_ref[...] = -(p_ref[0] + p_ref[1])


def _combine_neg(p):
    return pl.pallas_call(
        _combine_neg_body,
        out_shape=jax.ShapeDtypeStruct((_NP, _HID), jnp.float32),
    )(p)


def _node_mm_body(x_ref, w_ref, o_ref):
    o_ref[...] = jnp.dot(x_ref[...], w_ref[...],
                         preferred_element_type=jnp.float32)


def _node_matmul(x, w):
    n, d = x.shape
    return pl.pallas_call(
        _node_mm_body,
        out_shape=jax.ShapeDtypeStruct((n, w.shape[1]), jnp.float32),
    )(x, w)


def _layer0_body(xs_ref, ea_ref, wie_ref, bi_ref, bh_ref, whn_ref,
                 h0b_ref, g0n_ref):
    h0 = xs_ref[...] + jnp.dot(ea_ref[...], wie_ref[...],
                               preferred_element_type=jnp.float32) + bi_ref[...]
    h0b_ref[...] = h0 + bh_ref[...]
    g0n_ref[...] = jnp.dot(jnp.maximum(h0, 0.0), whn_ref[...],
                           preferred_element_type=jnp.float32)


def _layer0(xwi_src, edge_attr, wie, bi, bh, whn):
    grid = (_E // _BE,)
    return pl.pallas_call(
        _layer0_body,
        grid=grid,
        in_specs=[
            pl.BlockSpec((_BE, _D), lambda i: (i, 0)),
            pl.BlockSpec((_BE, _DE), lambda i: (i, 0)),
            pl.BlockSpec((_DE, _HID), lambda i: (0, 0)),
            pl.BlockSpec((1, _HID), lambda i: (0, 0)),
            pl.BlockSpec((1, _HID), lambda i: (0, 0)),
            pl.BlockSpec((_HID, _HID), lambda i: (0, 0)),
        ],
        out_specs=[
            pl.BlockSpec((_BE, _HID), lambda i: (i, 0)),
            pl.BlockSpec((_BE, _HID), lambda i: (i, 0)),
        ],
        out_shape=[
            jax.ShapeDtypeStruct((_EP, _HID), jnp.float32),
            jax.ShapeDtypeStruct((_EP, _HID), jnp.float32),
        ],
        compiler_params=pltpu.CompilerParams(
            dimension_semantics=("parallel",)),
    )(xwi_src, edge_attr, wie, bi, bh, whn)


def _layer_mid_body(h0b_ref, m_ref, whn_ref, g_ref):
    ht = jnp.maximum(h0b_ref[...] + m_ref[...], 0.0)
    g_ref[...] = jnp.dot(ht, whn_ref[...], preferred_element_type=jnp.float32)


def _layer_mid(h0b, m, whn):
    grid = (_E // _BE,)
    return pl.pallas_call(
        _layer_mid_body,
        grid=grid,
        in_specs=[
            pl.BlockSpec((_BE, _HID), lambda i: (i, 0)),
            pl.BlockSpec((_BE, _HID), lambda i: (i, 0)),
            pl.BlockSpec((_HID, _HID), lambda i: (0, 0)),
        ],
        out_specs=pl.BlockSpec((_BE, _HID), lambda i: (i, 0)),
        out_shape=jax.ShapeDtypeStruct((_EP, _HID), jnp.float32),
        compiler_params=pltpu.CompilerParams(
            dimension_semantics=("parallel",)),
    )(h0b, m, whn)


def _layer_last_body(h0b_ref, m_ref, ht_ref):
    ht_ref[...] = jnp.maximum(h0b_ref[...] + m_ref[...], 0.0)


def _layer_last(h0b, m):
    grid = (_E // _BE,)
    return pl.pallas_call(
        _layer_last_body,
        grid=grid,
        in_specs=[
            pl.BlockSpec((_BE, _HID), lambda i: (i, 0)),
            pl.BlockSpec((_BE, _HID), lambda i: (i, 0)),
        ],
        out_specs=pl.BlockSpec((_BE, _HID), lambda i: (i, 0)),
        out_shape=jax.ShapeDtypeStruct((_EP, _HID), jnp.float32),
        compiler_params=pltpu.CompilerParams(
            dimension_semantics=("parallel",)),
    )(h0b, m)


def _final_body(x_ref, a_ref, wox_ref, wom_ref, bo_ref, o_ref):
    a = a_ref[0, :_N] + a_ref[1, :_N]
    rs = jnp.sum(a, axis=1, keepdims=True)
    m = jnp.where(rs == 0.0, x_ref[...], a)
    o = (jnp.dot(x_ref[...], wox_ref[...], preferred_element_type=jnp.float32)
         + jnp.dot(m, wom_ref[...], preferred_element_type=jnp.float32)
         + bo_ref[...])
    o_ref[...] = jnp.maximum(o, 0.0)


def _final(x, a2, wox, wom, bo):
    return pl.pallas_call(
        _final_body,
        out_shape=jax.ShapeDtypeStruct((_N, _HID), jnp.float32),
    )(x, a2, wox, wom, bo.reshape(1, _HID))


def kernel(x, edge_index, edge_attr, rev_edge_index, Wi, bi, Wh, bh, Wo, bo):
    pad = jnp.arange(_PADE, dtype=jnp.int32)
    src1 = jnp.concatenate([edge_index[0], pad % _N])
    dst1 = jnp.concatenate([edge_index[1], _N + pad % (_NP - _N)])
    rev1 = jnp.concatenate([rev_edge_index, pad % _E])
    src2 = src1.reshape(_NBLK, _GB)
    rev2 = rev1.reshape(_NBLK, _GB)

    zeros = jnp.zeros((_NROWS, _HID), jnp.float32)
    whn = -Wh

    xwi = _node_matmul(x, Wi[:_D])
    xwi_src = _sc_gather(xwi, src2)
    h0b, g0n = _layer0(xwi_src, edge_attr, Wi[_D:], bi.reshape(1, _HID),
                       bh.reshape(1, _HID), whn)

    a0 = _combine_neg(_sc_scatter(g0n, dst1, zeros))
    m1 = _sc_msg(a0, g0n, src2, rev2)
    g1n = _layer_mid(h0b, m1, whn)

    a1 = _combine_neg(_sc_scatter(g1n, dst1, zeros))
    a2p = _sc_fin(h0b, a1, g1n, src1, rev1, dst1, zeros)
    return _final(x, a2p, Wo[:_D], Wo[_D:], bo)

# --- scband reference (transcript-rebuilt; emitter-appended) ---
"""Pipeline reference for scband-organic-metal-gnn-30150670418426 (READ-ONLY COPY).

The authoritative reference and input builder live on the scoring server;
editing this copy changes nothing except your own understanding.
"""

import jax, jax.numpy as jnp
import numpy as np

N = 10000
E = 320000
D = 128
DE = 16
HID = 128
DEPTH = 3


def setup_inputs(seed: int = 0) -> dict:
    key = jax.random.key(seed)
    ks = jax.random.split(key, 12)
    x = jax.random.normal(ks[0], (N, D), dtype=jnp.float32)
    edge_index = jax.random.randint(ks[1], (2, E), 0, N, dtype=jnp.int32)
    edge_attr = jax.random.normal(ks[2], (E, DE), dtype=jnp.float32)
    rev_edge_index = jax.random.randint(ks[3], (E,), 0, E, dtype=jnp.int32)
    Wi = jax.random.normal(ks[4], (D + DE, HID), dtype=jnp.float32) * 0.05
    bi = jnp.zeros((HID,), dtype=jnp.float32)
    Wh = jax.random.normal(ks[5], (HID, HID), dtype=jnp.float32) * 0.05
    bh = jnp.zeros((HID,), dtype=jnp.float32)
    Wo = jax.random.normal(ks[6], (D + HID, HID), dtype=jnp.float32) * 0.05
    bo = jnp.zeros((HID,), dtype=jnp.float32)
    return {"x": x, "edge_index": edge_index, "edge_attr": edge_attr,
            "rev_edge_index": rev_edge_index, "Wi": Wi, "bi": bi,
            "Wh": Wh, "bh": bh, "Wo": Wo, "bo": bo}


def reference(x, edge_index, edge_attr, rev_edge_index, Wi, bi, Wh, bh, Wo, bo):
    # BondMessagePassing forward (eval mode: dropout = identity), depth=3
    src = edge_index[0]
    dst = edge_index[1]
    # H_0 = W_i(cat([x[src], edge_attr]))
    H0 = jnp.concatenate([x[src], edge_attr], axis=1) @ Wi + bi
    Ht = jax.nn.relu(H0)
    for _ in range(DEPTH - 1):
        # message: sum of H over incoming edges at dst, gathered back to src, minus reverse-edge H
        agg = jax.ops.segment_sum(Ht, dst, num_segments=N)
        M = agg[src] - Ht[rev_edge_index]
        # update: H = relu(H_0 + W_h(M))
        Ht = jax.nn.relu(H0 + M @ Wh + bh)
    agg = jax.ops.segment_sum(Ht, dst, num_segments=N)
    M = jnp.where(jnp.sum(agg, axis=1, keepdims=True) == 0, x, agg)
    out = jax.nn.relu(jnp.concatenate([x, M], axis=1) @ Wo + bo)
    return out

if __name__ == "__main__":
    import jax
    _d = setup_inputs()
    print(jax.jit(kernel)(*tuple(_d.values())))

</pallas_src>

<mosaic_0001>
#map = affine_map<(d0, d1) -> (0, 0)>
#map1 = affine_map<(d0, d1) -> (0)>
#map2 = affine_map<(d0, d1) -> (0, 0, 0)>
module attributes {stable_mosaic.version = 14 : i64} {
  func.func @_sc_scatter_body(%arg0: i32, %arg1: i32, %arg2: memref<327680x128xf32, #tpu.memory_space<hbm>>, %arg3: memref<327680xi32, #tpu.memory_space<hbm>>, %arg4: memref<640x128xf32, #tpu.memory_space<hbm>>, %arg5: memref<2x10240x128xf32, #tpu.memory_space<hbm>>, %arg6: memref<80xi32, #tpu.memory_space<vmem>>, %arg7: memref<80xi32, #tpu.memory_space<vmem>>, %arg8: memref<80xi32, #tpu.memory_space<vmem>>, %arg9: memref<80xi32, #tpu.memory_space<vmem>>, %arg10: memref<80x128xf32, #tpu.memory_space<vmem>>, %arg11: memref<80x128xf32, #tpu.memory_space<vmem>>, %arg12: memref<80x128xf32, #tpu.memory_space<vmem>>, %arg13: memref<80x128xf32, #tpu.memory_space<vmem>>, %arg14: memref<10240x128xf32, #tpu.memory_space<vmem_shared>>, %arg15: memref<!tpu.dma_semaphore, #tpu.memory_space<semaphore_mem>>, %arg16: memref<!tpu.dma_semaphore, #tpu.memory_space<semaphore_mem>>) attributes {dimension_semantics = [#tpu.dimension_semantics<core_parallel>, #tpu.dimension_semantics<subcore_parallel>], iteration_bounds = array<i64: 2, 16>, scalar_prefetch = 0 : i64, scratch_operands = 11 : i64, tpu.core_type = #tpu.core_type<sc_vector_subcore>, window_params = [{transform_indices = #map}, {transform_indices = #map1}, {transform_indices = #map}, {transform_indices = #map2}]} {
    %mul3A = arith.constant 640 : i32
    %mul3A_0 = arith.muli %arg1, %mul3A : i32
    "tpu.region"() ({
      %run_scoped3A = tpu.sem_alloc : memref<!tpu.dma_semaphore, #tpu.memory_space<semaphore_mem>>
      %dma_start3A = arith.constant 0 : i32
      %dma_start3A_11 = tpu.memref_slice %arg14[%mul3A_0, %dma_start3A] : memref<10240x128xf32, #tpu.memory_space<vmem_shared>> -> memref<640x128xf32, #tpu.memory_space<vmem_shared>>
      %dma_start3A_12 = arith.constant 0 : i32
      %dma_start3A_13 = arith.constant 0 : i32
      %dma_start3A_14 = tpu.memref_slice %arg4[%dma_start3A_12, %dma_start3A_13] : memref<640x128xf32, #tpu.memory_space<hbm>> -> memref<640x128xf32, #tpu.memory_space<hbm>>
      tpu.enqueue_dma source(%dma_start3A_14 : memref<640x128xf32, #tpu.memory_space<hbm>>) target(%dma_start3A_11 : memref<640x128xf32, #tpu.memory_space<vmem_shared>>) target_semaphore(%run_scoped3A : memref<!tpu.dma_semaphore, #tpu.memory_space<semaphore_mem>>)
      %dma_wait3A = arith.constant 0 : i32
      %dma_wait3A_15 = tpu.memref_slice %arg14[%mul3A_0, %dma_wait3A] : memref<10240x128xf32, #tpu.memory_space<vmem_shared>> -> memref<640x128xf32, #tpu.memory_space<vmem_shared>>
      %dma_wait3A_16 = arith.constant 0 : i32
      %dma_wait3A_17 = arith.constant 0 : i32
      %dma_wait3A_18 = tpu.memref_slice %arg4[%dma_wait3A_16, %dma_wait3A_17] : memref<640x128xf32, #tpu.memory_space<hbm>> -> memref<640x128xf32, #tpu.memory_space<hbm>>
      tpu.wait_dma2 semaphore(%run_scoped3A : memref<!tpu.dma_semaphore, #tpu.memory_space<semaphore_mem>>) src(%dma_wait3A_18 : memref<640x128xf32, #tpu.memory_space<hbm>>) dst(%dma_wait3A_15 : memref<640x128xf32, #tpu.memory_space<vmem_shared>>)
      tpu.yield
    }) : () -> ()
    %barrier3A = arith.constant 0 : index
    tpu.barrier barrier_id(%barrier3A)
    %mul3A_1 = arith.constant 163840 : i32
    %mul3A_2 = arith.muli %arg0, %mul3A_1 : i32
    %mul3A_3 = arith.constant 10240 : i32
    %mul3A_4 = arith.muli %arg1, %mul3A_3 : i32
    %add3A = arith.addi %mul3A_2, %mul3A_4 : i32
    %scan3A = arith.constant 0 : i32
    %scan3A_5 = arith.constant 0 : i32
    %scan3A_6 = arith.constant 32 : i32
    %scan3A_7 = arith.addi %scan3A_5, %scan3A_6 : i32
    %scan3A_8 = arith.constant 1 : i32
    scf.for %scan3A_11 = %scan3A_5 to %scan3A_7 step %scan3A_8  : i32 {
      %mul3A_12 = arith.constant 4 : i32
      %mul3A_13 = arith.muli %scan3A_11, %mul3A_12 : i32
      %mul3A_14 = arith.constant 80 : i32
      %mul3A_15 = arith.muli %mul3A_13, %mul3A_14 : i32
      %add3A_16 = arith.addi %add3A, %mul3A_15 : i32
      %add3A_17 = arith.constant 0 : i32
      %add3A_18 = arith.addi %add3A_16, %add3A_17 : i32
      %dma_start3A = tpu.memref_slice %arg3[%add3A_18] : memref<327680xi32, #tpu.memory_space<hbm>> -> memref<80xi32, #tpu.memory_space<hbm>>
      %dma_start3A_19 = tpu.memref_slice %arg3[%add3A_18] : memref<327680xi32, #tpu.memory_space<hbm>> -> memref<80xi32, #tpu.memory_space<hbm>>
      tpu.enqueue_dma source(%dma_start3A_19 : memref<80xi32, #tpu.memory_space<hbm>>) target(%arg6 : memref<80xi32, #tpu.memory_space<vmem>>) target_semaphore(%arg16 : memref<!tpu.dma_semaphore, #tpu.memory_space<semaphore_mem>>)
      %add3A_20 = arith.constant 80 : i32
      %add3A_21 = arith.addi %add3A_16, %add3A_20 : i32
      %dma_start3A_22 = tpu.memref_slice %arg3[%add3A_21] : memref<327680xi32, #tpu.memory_space<hbm>> -> memref<80xi32, #tpu.memory_space<hbm>>
      %dma_start3A_23 = tpu.memref_slice %arg3[%add3A_21] : memref<327680xi32, #tpu.memory_space<hbm>> -> memref<80xi32, #tpu.memory_space<hbm>>
      tpu.enqueue_dma source(%dma_start3A_23 : memref<80xi32, #tpu.memory_space<hbm>>) target(%arg7 : memref<80xi32, #tpu.memory_space<vmem>>) target_semaphore(%arg16 : memref<!tpu.dma_semaphore, #tpu.memory_space<semaphore_mem>>)
      %add3A_24 = arith.constant 160 : i32
      %add3A_25 = arith.addi %add3A_16, %add3A_24 : i32
      %dma_start3A_26 = tpu.memref_slice %arg3[%add3A_25] : memref<327680xi32, #tpu.memory_space<hbm>> -> memref<80xi32, #tpu.memory_space<hbm>>
      %dma_start3A_27 = tpu.memref_slice %arg3[%add3A_25] : memref<327680xi32, #tpu.memory_space<hbm>> -> memref<80xi32, #tpu.memory_space<hbm>>
      tpu.enqueue_dma source(%dma_start3A_27 : memref<80xi32, #tpu.memory_space<hbm>>) target(%arg8 : memref<80xi32, #tpu.memory_space<vmem>>) target_semaphore(%arg16 : memref<!tpu.dma_semaphore, #tpu.memory_space<semaphore_mem>>)
      %add3A_28 = arith.constant 240 : i32
      %add3A_29 = arith.addi %add3A_16, %add3A_28 : i32
      %dma_start3A_30 = tpu.memref_slice %arg3[%add3A_29] : memref<327680xi32, #tpu.memory_space<hbm>> -> memref<80xi32, #tpu.memory_space<hbm>>
      %dma_start3A_31 = tpu.memref_slice %arg3[%add3A_29] : memref<327680xi32, #tpu.memory_space<hbm>> -> memref<80xi32, #tpu.memory_space<hbm>>
      tpu.enqueue_dma source(%dma_start3A_31 : memref<80xi32, #tpu.memory_space<hbm>>) target(%arg9 : memref<80xi32, #tpu.memory_space<vmem>>) target_semaphore(%arg16 : memref<!tpu.dma_semaphore, #tpu.memory_space<semaphore_mem>>)
      %add3A_32 = arith.constant 0 : i32
      %add3A_33 = arith.addi %add3A_16, %add3A_32 : i32
      %dma_start3A_34 = arith.constant 0 : i32
      %dma_start3A_35 = tpu.memref_slice %arg2[%add3A_33, %dma_start3A_34] : memref<327680x128xf32, #tpu.memory_space<hbm>> -> memref<80x128xf32, #tpu.memory_space<hbm>>
      %dma_start3A_36 = arith.constant 0 : i32
      %dma_start3A_37 = tpu.memref_slice %arg2[%add3A_33, %dma_start3A_36] : memref<327680x128xf32, #tpu.memory_space<hbm>> -> memref<80x128xf32, #tpu.memory_space<hbm>>
      tpu.enqueue_dma source(%dma_start3A_37 : memref<80x128xf32, #tpu.memory_space<hbm>>) target(%arg10 : memref<80x128xf32, #tpu.memory_space<vmem>>) target_semaphore(%arg15 : memref<!tpu.dma_semaphore, #tpu.memory_space<semaphore_mem>>)
      %add3A_38 = arith.constant 80 : i32
      %add3A_39 = arith.addi %add3A_16, %add3A_38 : i32
      %dma_start3A_40 = arith.constant 0 : i32
      %dma_start3A_41 = tpu.memref_slice %arg2[%add3A_39, %dma_start3A_40] : memref<327680x128xf32, #tpu.memory_space<hbm>> -> memref<80x128xf32, #tpu.memory_space<hbm>>
      %dma_start3A_42 = arith.constant 0 : i32
      %dma_start3A_43 = tpu.memref_slice %arg2[%add3A_39, %dma_start3A_42] : memref<327680x128xf32, #tpu.memory_space<hbm>> -> memref<80x128xf32, #tpu.memory_space<hbm>>
      tpu.enqueue_dma source(%dma_start3A_43 : memref<80x128xf32, #tpu.memory_space<hbm>>) target(%arg11 : memref<80x128xf32, #tpu.memory_space<vmem>>) target_semaphore(%arg15 : memref<!tpu.dma_semaphore, #tpu.memory_space<semaphore_mem>>)
      %add3A_44 = arith.constant 160 : i32
      %add3A_45 = arith.addi %add3A_16, %add3A_44 : i32
      %dma_start3A_46 = arith.constant 0 : i32
      %dma_start3A_47 = tpu.memref_slice %arg2[%add3A_45, %dma_start3A_46] : memref<327680x128xf32, #tpu.memory_space<hbm>> -> memref<80x128xf32, #tpu.memory_space<hbm>>
      %dma_start3A_48 = arith.constant 0 : i32
      %dma_start3A_49 = tpu.memref_slice %arg2[%add3A_45, %dma_start3A_48] : memref<327680x128xf32, #tpu.memory_space<hbm>> -> memref<80x128xf32, #tpu.memory_space<hbm>>
      tpu.enqueue_dma source(%dma_start3A_49 : memref<80x128xf32, #tpu.memory_space<hbm>>) target(%arg12 : memref<80x128xf32, #tpu.memory_space<vmem>>) target_semaphore(%arg15 : memref<!tpu.dma_semaphore, #tpu.memory_space<semaphore_mem>>)
      %add3A_50 = arith.constant 240 : i32
      %add3A_51 = arith.addi %add3A_16, %add3A_50 : i32
      %dma_start3A_52 = arith.constant 0 : i32
      %dma_start3A_53 = tpu.memref_slice %arg2[%add3A_51, %dma_start3A_52] : memref<327680x128xf32, #tpu.memory_space<hbm>> -> memref<80x128xf32, #tpu.memory_space<hbm>>
      %dma_start3A_54 = arith.constant 0 : i32
      %dma_start3A_55 = tpu.memref_slice %arg2[%add3A_51, %dma_start3A_54] : memref<327680x128xf32, #tpu.memory_space<hbm>> -> memref<80x128xf32, #tpu.memory_space<hbm>>
      tpu.enqueue_dma source(%dma_start3A_55 : memref<80x128xf32, #tpu.memory_space<hbm>>) target(%arg13 : memref<80x128xf32, #tpu.memory_space<vmem>>) target_semaphore(%arg15 : memref<!tpu.dma_semaphore, #tpu.memory_space<semaphore_mem>>)
      %dma_wait3A = tpu.memref_slice %arg3[%add3A_18] : memref<327680xi32, #tpu.memory_space<hbm>> -> memref<80xi32, #tpu.memory_space<hbm>>
      %dma_wait3A_56 = tpu.memref_slice %arg3[%add3A_18] : memref<327680xi32, #tpu.memory_space<hbm>> -> memref<80xi32, #tpu.memory_space<hbm>>
      tpu.wait_dma2 semaphore(%arg16 : memref<!tpu.dma_semaphore, #tpu.memory_space<semaphore_mem>>) src(%dma_wait3A_56 : memref<80xi32, #tpu.memory_space<hbm>>) dst(%arg6 : memref<80xi32, #tpu.memory_space<vmem>>)
      %dma_wait3A_57 = tpu.memref_slice %arg3[%add3A_21] : memref<327680xi32, #tpu.memory_space<hbm>> -> memref<80xi32, #tpu.memory_space<hbm>>
      %dma_wait3A_58 = tpu.memref_slice %arg3[%add3A_21] : memref<327680xi32, #tpu.memory_space<hbm>> -> memref<80xi32, #tpu.memory_space<hbm>>
      tpu.wait_dma2 semaphore(%arg16 : memref<!tpu.dma_semaphore, #tpu.memory_space<semaphore_mem>>) src(%dma_wait3A_58 : memref<80xi32, #tpu.memory_space<hbm>>) dst(%arg7 : memref<80xi32, #tpu.memory_space<vmem>>)
      %dma_wait3A_59 = tpu.memref_slice %arg3[%add3A_25] : memref<327680xi32, #tpu.memory_space<hbm>> -> memref<80xi32, #tpu.memory_space<hbm>>
      %dma_wait3A_60 = tpu.memref_slice %arg3[%add3A_25] : memref<327680xi32, #tpu.memory_space<hbm>> -> memref<80xi32, #tpu.memory_space<hbm>>
      tpu.wait_dma2 semaphore(%arg16 : memref<!tpu.dma_semaphore, #tpu.memory_space<semaphore_mem>>) src(%dma_wait3A_60 : memref<80xi32, #tpu.memory_space<hbm>>) dst(%arg8 : memref<80xi32, #tpu.memory_space<vmem>>)
      %dma_wait3A_61 = tpu.memref_slice %arg3[%add3A_29] : memref<327680xi32, #tpu.memory_space<hbm>> -> memref<80xi32, #tpu.memory_space<hbm>>
      %dma_wait3A_62 = tpu.memref_slice %arg3[%add3A_29] : memref<327680xi32, #tpu.memory_space<hbm>> -> memref<80xi32, #tpu.memory_space<hbm>>
      tpu.wait_dma2 semaphore(%arg16 : memref<!tpu.dma_semaphore, #tpu.memory_space<semaphore_mem>>) src(%dma_wait3A_62 : memref<80xi32, #tpu.memory_space<hbm>>) dst(%arg9 : memref<80xi32, #tpu.memory_space<vmem>>)
      %dma_wait3A_63 = arith.constant 0 : i32
      %dma_wait3A_64 = tpu.memref_slice %arg2[%add3A_33, %dma_wait3A_63] : memref<327680x128xf32, #tpu.memory_space<hbm>> -> memref<80x128xf32, #tpu.memory_space<hbm>>
      %dma_wait3A_65 = arith.constant 0 : i32
      %dma_wait3A_66 = tpu.memref_slice %arg2[%add3A_33, %dma_wait3A_65] : memref<327680x128xf32, #tpu.memory_space<hbm>> -> memref<80x128xf32, #tpu.memory_space<hbm>>
      tpu.wait_dma2 semaphore(%arg15 : memref<!tpu.dma_semaphore, #tpu.memory_space<semaphore_mem>>) src(%dma_wait3A_66 : memref<80x128xf32, #tpu.memory_space<hbm>>) dst(%arg10 : memref<80x128xf32, #tpu.memory_space<vmem>>)
      %dma_wait3A_67 = arith.constant 0 : i32
      %dma_wait3A_68 = tpu.memref_slice %arg2[%add3A_39, %dma_wait3A_67] : memref<327680x128xf32, #tpu.memory_space<hbm>> -> memref<80x128xf32, #tpu.memory_space<hbm>>
      %dma_wait3A_69 = arith.constant 0 : i32
      %dma_wait3A_70 = tpu.memref_slice %arg2[%add3A_39, %dma_wait3A_69] : memref<327680x128xf32, #tpu.memory_space<hbm>> -> memref<80x128xf32, #tpu.memory_space<hbm>>
      tpu.wait_dma2 semaphore(%arg15 : memref<!tpu.dma_semaphore, #tpu.memory_space<semaphore_mem>>) src(%dma_wait3A_70 : memref<80x128xf32, #tpu.memory_space<hbm>>) dst(%arg11 : memref<80x128xf32, #tpu.memory_space<vmem>>)
      %dma_wait3A_71 = arith.constant 0 : i32
      %dma_wait3A_72 = tpu.memref_slice %arg2[%add3A_45, %dma_wait3A_71] : memref<327680x128xf32, #tpu.memory_space<hbm>> -> memref<80x128xf32, #tpu.memory_space<hbm>>
      %dma_wait3A_73 = arith.constant 0 : i32
      %dma_wait3A_74 = tpu.memref_slice %arg2[%add3A_45, %dma_wait3A_73] : memref<327680x128xf32, #tpu.memory_space<hbm>> -> memref<80x128xf32, #tpu.memory_space<hbm>>
      tpu.wait_dma2 semaphore(%arg15 : memref<!tpu.dma_semaphore, #tpu.memory_space<semaphore_mem>>) src(%dma_wait3A_74 : memref<80x128xf32, #tpu.memory_space<hbm>>) dst(%arg12 : memref<80x128xf32, #tpu.memory_space<vmem>>)
      %dma_wait3A_75 = arith.constant 0 : i32
      %dma_wait3A_76 = tpu.memref_slice %arg2[%add3A_51, %dma_wait3A_75] : memref<327680x128xf32, #tpu.memory_space<hbm>> -> memref<80x128xf32, #tpu.memory_space<hbm>>
      %dma_wait3A_77 = arith.constant 0 : i32
      %dma_wait3A_78 = tpu.memref_slice %arg2[%add3A_51, %dma_wait3A_77] : memref<327680x128xf32, #tpu.memory_space<hbm>> -> memref<80x128xf32, #tpu.memory_space<hbm>>
      tpu.wait_dma2 semaphore(%arg15 : memref<!tpu.dma_semaphore, #tpu.memory_space<semaphore_mem>>) src(%dma_wait3A_78 : memref<80x128xf32, #tpu.memory_space<hbm>>) dst(%arg13 : memref<80x128xf32, #tpu.memory_space<vmem>>)
      %dma_start3A_79 = arith.constant 0 : i32
      %dma_start3A_80 = arith.constant 0 : i32
      %dma_start3A_81 = tpu.memref_slice %arg14[%dma_start3A_79, %dma_start3A_80] : memref<10240x128xf32, #tpu.memory_space<vmem_shared>> -> memref<10240x128xf32, #tpu.memory_space<vmem_shared>>
      tpu.enqueue_indirect_dma source(%arg10 : memref<80x128xf32, #tpu.memory_space<vmem>>) target(%dma_start3A_81 : memref<10240x128xf32, #tpu.memory_space<vmem_shared>>) offsets(%arg6 : memref<80xi32, #tpu.memory_space<vmem>>) semaphore(%arg15 : memref<!tpu.dma_semaphore, #tpu.memory_space<semaphore_mem>>) {add = true}
      %dma_start3A_82 = arith.constant 0 : i32
      %dma_start3A_83 = arith.constant 0 : i32
      %dma_start3A_84 = tpu.memref_slice %arg14[%dma_start3A_82, %dma_start3A_83] : memref<10240x128xf32, #tpu.memory_space<vmem_shared>> -> memref<10240x128xf32, #tpu.memory_space<vmem_shared>>
      tpu.enqueue_indirect_dma source(%arg11 : memref<80x128xf32, #tpu.memory_space<vmem>>) target(%dma_start3A_84 : memref<10240x128xf32, #tpu.memory_space<vmem_shared>>) offsets(%arg7 : memref<80xi32, #tpu.memory_space<vmem>>) semaphore(%arg15 : memref<!tpu.dma_semaphore, #tpu.memory_space<semaphore_mem>>) {add = true}
      %dma_start3A_85 = arith.constant 0 : i32
      %dma_start3A_86 = arith.constant 0 : i32
      %dma_start3A_87 = tpu.memref_slice %arg14[%dma_start3A_85, %dma_start3A_86] : memref<10240x128xf32, #tpu.memory_space<vmem_shared>> -> memref<10240x128xf32, #tpu.memory_space<vmem_shared>>
      tpu.enqueue_indirect_dma source(%arg12 : memref<80x128xf32, #tpu.memory_space<vmem>>) target(%dma_start3A_87 : memref<10240x128xf32, #tpu.memory_space<vmem_shared>>) offsets(%arg8 : memref<80xi32, #tpu.memory_space<vmem>>) semaphore(%arg15 : memref<!tpu.dma_semaphore, #tpu.memory_space<semaphore_mem>>) {add = true}
      %dma_start3A_88 = arith.constant 0 : i32
      %dma_start3A_89 = arith.constant 0 : i32
      %dma_start3A_90 = tpu.memref_slice %arg14[%dma_start3A_88, %dma_start3A_89] : memref<10240x128xf32, #tpu.memory_space<vmem_shared>> -> memref<10240x128xf32, #tpu.memory_space<vmem_shared>>
      tpu.enqueue_indirect_dma source(%arg13 : memref<80x128xf32, #tpu.memory_space<vmem>>) target(%dma_start3A_90 : memref<10240x128xf32, #tpu.memory_space<vmem_shared>>) offsets(%arg9 : memref<80xi32, #tpu.memory_space<vmem>>) semaphore(%arg15 : memref<!tpu.dma_semaphore, #tpu.memory_space<semaphore_mem>>) {add = true}
      %dma_wait3A_91 = arith.constant 0 : i32
      %dma_wait3A_92 = arith.constant 0 : i32
      %dma_wait3A_93 = tpu.memref_slice %arg14[%dma_wait3A_91, %dma_wait3A_92] : memref<10240x128xf32, #tpu.memory_space<vmem_shared>> -> memref<10240x128xf32, #tpu.memory_space<vmem_shared>>
      tpu.wait_indirect_dma semaphore(%arg15 : memref<!tpu.dma_semaphore, #tpu.memory_space<semaphore_mem>>) src(%arg10 : memref<80x128xf32, #tpu.memory_space<vmem>>) dst(%dma_wait3A_93 : memref<10240x128xf32, #tpu.memory_space<vmem_shared>>)
      %dma_wait3A_94 = arith.constant 0 : i32
      %dma_wait3A_95 = arith.constant 0 : i32
      %dma_wait3A_96 = tpu.memref_slice %arg14[%dma_wait3A_94, %dma_wait3A_95] : memref<10240x128xf32, #tpu.memory_space<vmem_shared>> -> memref<10240x128xf32, #tpu.memory_space<vmem_shared>>
      tpu.wait_indirect_dma semaphore(%arg15 : memref<!tpu.dma_semaphore, #tpu.memory_space<semaphore_mem>>) src(%arg11 : memref<80x128xf32, #tpu.memory_space<vmem>>) dst(%dma_wait3A_96 : memref<10240x128xf32, #tpu.memory_space<vmem_shared>>)
      %dma_wait3A_97 = arith.constant 0 : i32
      %dma_wait3A_98 = arith.constant 0 : i32
      %dma_wait3A_99 = tpu.memref_slice %arg14[%dma_wait3A_97, %dma_wait3A_98] : memref<10240x128xf32, #tpu.memory_space<vmem_shared>> -> memref<10240x128xf32, #tpu.memory_space<vmem_shared>>
      tpu.wait_indirect_dma semaphore(%arg15 : memref<!tpu.dma_semaphore, #tpu.memory_space<semaphore_mem>>) src(%arg12 : memref<80x128xf32, #tpu.memory_space<vmem>>) dst(%dma_wait3A_99 : memref<10240x128xf32, #tpu.memory_space<vmem_shared>>)
      %dma_wait3A_100 = arith.constant 0 : i32
      %dma_wait3A_101 = arith.constant 0 : i32
      %dma_wait3A_102 = tpu.memref_slice %arg14[%dma_wait3A_100, %dma_wait3A_101] : memref<10240x128xf32, #tpu.memory_space<vmem_shared>> -> memref<10240x128xf32, #tpu.memory_space<vmem_shared>>
      tpu.wait_indirect_dma semaphore(%arg15 : memref<!tpu.dma_semaphore, #tpu.memory_space<semaphore_mem>>) src(%arg13 : memref<80x128xf32, #tpu.memory_space<vmem>>) dst(%dma_wait3A_102 : memref<10240x128xf32, #tpu.memory_space<vmem_shared>>)
    }
    %scan3A_9 = arith.constant 32 : i32
    %barrier3A_10 = arith.constant 0 : index
    tpu.barrier barrier_id(%barrier3A_10)
    "tpu.region"() ({
      %run_scoped3A = tpu.sem_alloc : memref<!tpu.dma_semaphore, #tpu.memory_space<semaphore_mem>>
      %dma_start3A = arith.constant 0 : i32
      %dma_start3A_11 = tpu.memref_slice %arg5[%arg0, %mul3A_0, %dma_start3A] : memref<2x10240x128xf32, #tpu.memory_space<hbm>> -> memref<1x640x128xf32, #tpu.memory_space<hbm>>
      %dma_start3A_12 = tpu.memref_squeeze %dma_start3A_11 : memref<1x640x128xf32, #tpu.memory_space<hbm>> -> memref<640x128xf32, #tpu.memory_space<hbm>>
      %dma_start3A_13 = arith.constant 0 : i32
      %dma_start3A_14 = tpu.memref_slice %arg14[%mul3A_0, %dma_start3A_13] : memref<10240x128xf32, #tpu.memory_space<vmem_shared>> -> memref<640x128xf32, #tpu.memory_space<vmem_shared>>
      tpu.enqueue_dma source(%dma_start3A_14 : memref<640x128xf32, #tpu.memory_space<vmem_shared>>) target(%dma_start3A_12 : memref<640x128xf32, #tpu.memory_space<hbm>>) target_semaphore(%run_scoped3A : memref<!tpu.dma_semaphore, #tpu.memory_space<semaphore_mem>>)
      %dma_wait3A = arith.constant 0 : i32
      %dma_wait3A_15 = tpu.memref_slice %arg5[%arg0, %mul3A_0, %dma_wait3A] : memref<2x10240x128xf32, #tpu.memory_space<hbm>> -> memref<1x640x128xf32, #tpu.memory_space<hbm>>
      %dma_wait3A_16 = tpu.memref_squeeze %dma_wait3A_15 : memref<1x640x128xf32, #tpu.memory_space<hbm>> -> memref<640x128xf32, #tpu.memory_space<hbm>>
      %dma_wait3A_17 = arith.constant 0 : i32
      %dma_wait3A_18 = tpu.memref_slice %arg14[%mul3A_0, %dma_wait3A_17] : memref<10240x128xf32, #tpu.memory_space<vmem_shared>> -> memref<640x128xf32, #tpu.memory_space<vmem_shared>>
      tpu.wait_dma2 semaphore(%run_scoped3A : memref<!tpu.dma_semaphore, #tpu.memory_space<semaphore_mem>>) src(%dma_wait3A_18 : memref<640x128xf32, #tpu.memory_space<vmem_shared>>) dst(%dma_wait3A_16 : memref<640x128xf32, #tpu.memory_space<hbm>>)
      tpu.yield
    }) : () -> ()
    return
  }
}

#map = affine_map<(d0, d1) -> (0, 0)>
module attributes {stable_mosaic.version = 14 : i64} {
  func.func @_sc_gather_body(%arg0: i32, %arg1: i32, %arg2: memref<10000x128xf32, #tpu.memory_space<hbm>>, %arg3: memref<4096x80xi32, #tpu.memory_space<hbm>>, %arg4: memref<327680x128xf32, #tpu.memory_space<hbm>>, %arg5: memref<128x80xi32, #tpu.memory_space<vmem>>, %arg6: memref<80x128xf32, #tpu.memory_space<vmem>>, %arg7: memref<80x128xf32, #tpu.memory_space<vmem>>, %arg8: memref<80x128xf32, #tpu.memory_space<vmem>>, %arg9: memref<80x128xf32, #tpu.memory_space<vmem>>, %arg10: memref<80x128xf32, #tpu.memory_space<vmem>>, %arg11: memref<80x128xf32, #tpu.memory_space<vmem>>, %arg12: memref<80x128xf32, #tpu.memory_space<vmem>>, %arg13: memref<80x128xf32, #tpu.memory_space<vmem>>, %arg14: memref<!tpu.dma_semaphore, #tpu.memory_space<semaphore_mem>>) attributes {dimension_semantics = [#tpu.dimension_semantics<core_parallel>, #tpu.dimension_semantics<subcore_parallel>], iteration_bounds = array<i64: 2, 16>, scalar_prefetch = 0 : i64, scratch_operands = 10 : i64, tpu.core_type = #tpu.core_type<sc_vector_subcore>, window_params = [{transform_indices = #map}, {transform_indices = #map}, {transform_indices = #map}]} {
    %mul3A = arith.constant 2 : i32
    %mul3A_0 = arith.muli %arg1, %mul3A : i32
    %add3A = arith.addi %mul3A_0, %arg0 : i32
    %mul3A_1 = arith.constant 128 : i32
    %mul3A_2 = arith.muli %add3A, %mul3A_1 : i32
    "tpu.region"() ({
      %run_scoped3A = tpu.sem_alloc : memref<!tpu.dma_semaphore, #tpu.memory_space<semaphore_mem>>
      %dma_start3A = arith.constant 0 : i32
      %dma_start3A_8 = tpu.memref_slice %arg3[%mul3A_2, %dma_start3A] : memref<4096x80xi32, #tpu.memory_space<hbm>> -> memref<128x80xi32, #tpu.memory_space<hbm>>
      %dma_start3A_9 = arith.constant 0 : i32
      %dma_start3A_10 = tpu.memref_slice %arg3[%mul3A_2, %dma_start3A_9] : memref<4096x80xi32, #tpu.memory_space<hbm>> -> memref<128x80xi32, #tpu.memory_space<hbm>>
      tpu.enqueue_dma source(%dma_start3A_10 : memref<128x80xi32, #tpu.memory_space<hbm>>) target(%arg5 : memref<128x80xi32, #tpu.memory_space<vmem>>) target_semaphore(%run_scoped3A : memref<!tpu.dma_semaphore, #tpu.memory_space<semaphore_mem>>)
      %dma_wait3A = arith.constant 0 : i32
      %dma_wait3A_11 = tpu.memref_slice %arg3[%mul3A_2, %dma_wait3A] : memref<4096x80xi32, #tpu.memory_space<hbm>> -> memref<128x80xi32, #tpu.memory_space<hbm>>
      %dma_wait3A_12 = arith.constant 0 : i32
      %dma_wait3A_13 = tpu.memref_slice %arg3[%mul3A_2, %dma_wait3A_12] : memref<4096x80xi32, #tpu.memory_space<hbm>> -> memref<128x80xi32, #tpu.memory_space<hbm>>
      tpu.wait_dma2 semaphore(%run_scoped3A : memref<!tpu.dma_semaphore, #tpu.memory_space<semaphore_mem>>) src(%dma_wait3A_13 : memref<128x80xi32, #tpu.memory_space<hbm>>) dst(%arg5 : memref<128x80xi32, #tpu.memory_space<vmem>>)
      tpu.yield
    }) : () -> ()
    %scan3A = arith.constant 0 : i32
    %scan3A_3 = arith.constant 0 : i32
    %scan3A_4 = arith.constant 16 : i32
    %scan3A_5 = arith.addi %scan3A_3, %scan3A_4 : i32
    %scan3A_6 = arith.constant 1 : i32
    scf.for %scan3A_8 = %scan3A_3 to %scan3A_5 step %scan3A_6  : i32 {
      %mul3A_9 = arith.constant 8 : i32
      %mul3A_10 = arith.muli %scan3A_8, %mul3A_9 : i32
      %add3A_11 = arith.constant 0 : i32
      %add3A_12 = arith.addi %mul3A_10, %add3A_11 : i32
      %dma_start3A = arith.constant 0 : i32
      %dma_start3A_13 = tpu.memref_slice %arg5[%add3A_12, %dma_start3A] : memref<128x80xi32, #tpu.memory_space<vmem>> -> memref<1x80xi32, #tpu.memory_space<vmem>>
      %dma_start3A_14 = tpu.memref_squeeze %dma_start3A_13 : memref<1x80xi32, #tpu.memory_space<vmem>> -> memref<80xi32, #tpu.memory_space<vmem>>
      %dma_start3A_15 = arith.constant 0 : i32
      %dma_start3A_16 = arith.constant 0 : i32
      %dma_start3A_17 = tpu.memref_slice %arg2[%dma_start3A_15, %dma_start3A_16] : memref<10000x128xf32, #tpu.memory_space<hbm>> -> memref<10000x128xf32, #tpu.memory_space<hbm>>
      tpu.enqueue_indirect_dma source(%dma_start3A_17 : memref<10000x128xf32, #tpu.memory_space<hbm>>) target(%arg6 : memref<80x128xf32, #tpu.memory_space<vmem>>) offsets(%dma_start3A_14 : memref<80xi32, #tpu.memory_space<vmem>>) semaphore(%arg14 : memref<!tpu.dma_semaphore, #tpu.memory_space<semaphore_mem>>)
      %mul3A_18 = arith.constant 8 : i32
      %mul3A_19 = arith.muli %scan3A_8, %mul3A_18 : i32
      %add3A_20 = arith.constant 1 : i32
      %add3A_21 = arith.addi %mul3A_19, %add3A_20 : i32
      %dma_start3A_22 = arith.constant 0 : i32
      %dma_start3A_23 = tpu.memref_slice %arg5[%add3A_21, %dma_start3A_22] : memref<128x80xi32, #tpu.memory_space<vmem>> -> memref<1x80xi32, #tpu.memory_space<vmem>>
      %dma_start3A_24 = tpu.memref_squeeze %dma_start3A_23 : memref<1x80xi32, #tpu.memory_space<vmem>> -> memref<80xi32, #tpu.memory_space<vmem>>
      %dma_start3A_25 = arith.constant 0 : i32
      %dma_start3A_26 = arith.constant 0 : i32
      %dma_start3A_27 = tpu.memref_slice %arg2[%dma_start3A_25, %dma_start3A_26] : memref<10000x128xf32, #tpu.memory_space<hbm>> -> memref<10000x128xf32, #tpu.memory_space<hbm>>
      tpu.enqueue_indirect_dma source(%dma_start3A_27 : memref<10000x128xf32, #tpu.memory_space<hbm>>) target(%arg7 : memref<80x128xf32, #tpu.memory_space<vmem>>) offsets(%dma_start3A_24 : memref<80xi32, #tpu.memory_space<vmem>>) semaphore(%arg14 : memref<!tpu.dma_semaphore, #tpu.memory_space<semaphore_mem>>)
      %mul3A_28 = arith.constant 8 : i32
      %mul3A_29 = arith.muli %scan3A_8, %mul3A_28 : i32
      %add3A_30 = arith.constant 2 : i32
      %add3A_31 = arith.addi %mul3A_29, %add3A_30 : i32
      %dma_start3A_32 = arith.constant 0 : i32
      %dma_start3A_33 = tpu.memref_slice %arg5[%add3A_31, %dma_start3A_32] : memref<128x80xi32, #tpu.memory_space<vmem>> -> memref<1x80xi32, #tpu.memory_space<vmem>>
      %dma_start3A_34 = tpu.memref_squeeze %dma_start3A_33 : memref<1x80xi32, #tpu.memory_space<vmem>> -> memref<80xi32, #tpu.memory_space<vmem>>
      %dma_start3A_35 = arith.constant 0 : i32
      %dma_start3A_36 = arith.constant 0 : i32
      %dma_start3A_37 = tpu.memref_slice %arg2[%dma_start3A_35, %dma_start3A_36] : memref<10000x128xf32, #tpu.memory_space<hbm>> -> memref<10000x128xf32, #tpu.memory_space<hbm>>
      tpu.enqueue_indirect_dma source(%dma_start3A_37 : memref<10000x128xf32, #tpu.memory_space<hbm>>) target(%arg8 : memref<80x128xf32, #tpu.memory_space<vmem>>) offsets(%dma_start3A_34 : memref<80xi32, #tpu.memory_space<vmem>>) semaphore(%arg14 : memref<!tpu.dma_semaphore, #tpu.memory_space<semaphore_mem>>)
      %mul3A_38 = arith.constant 8 : i32
      %mul3A_39 = arith.muli %scan3A_8, %mul3A_38 : i32
      %add3A_40 = arith.constant 3 : i32
      %add3A_41 = arith.addi %mul3A_39, %add3A_40 : i32
      %dma_start3A_42 = arith.constant 0 : i32
      %dma_start3A_43 = tpu.memref_slice %arg5[%add3A_41, %dma_start3A_42] : memref<128x80xi32, #tpu.memory_space<vmem>> -> memref<1x80xi32, #tpu.memory_space<vmem>>
      %dma_start3A_44 = tpu.memref_squeeze %dma_start3A_43 : memref<1x80xi32, #tpu.memory_space<vmem>> -> memref<80xi32, #tpu.memory_space<vmem>>
      %dma_start3A_45 = arith.constant 0 : i32
      %dma_start3A_46 = arith.constant 0 : i32
      %dma_start3A_47 = tpu.memref_slice %arg2[%dma_start3A_45, %dma_start3A_46] : memref<10000x128xf32, #tpu.memory_space<hbm>> -> memref<10000x128xf32, #tpu.memory_space<hbm>>
      tpu.enqueue_indirect_dma source(%dma_start3A_47 : memref<10000x128xf32, #tpu.memory_space<hbm>>) target(%arg9 : memref<80x128xf32, #tpu.memory_space<vmem>>) offsets(%dma_start3A_44 : memref<80xi32, #tpu.memory_space<vmem>>) semaphore(%arg14 : memref<!tpu.dma_semaphore, #tpu.memory_space<semaphore_mem>>)
      %mul3A_48 = arith.constant 8 : i32
      %mul3A_49 = arith.muli %scan3A_8, %mul3A_48 : i32
      %add3A_50 = arith.constant 4 : i32
      %add3A_51 = arith.addi %mul3A_49, %add3A_50 : i32
      %dma_start3A_52 = arith.constant 0 : i32
      %dma_start3A_53 = tpu.memref_slice %arg5[%add3A_51, %dma_start3A_52] : memref<128x80xi32, #tpu.memory_space<vmem>> -> memref<1x80xi32, #tpu.memory_space<vmem>>
      %dma_start3A_54 = tpu.memref_squeeze %dma_start3A_53 : memref<1x80xi32, #tpu.memory_space<vmem>> -> memref<80xi32, #tpu.memory_space<vmem>>
      %dma_start3A_55 = arith.constant 0 : i32
      %dma_start3A_56 = arith.constant 0 : i32
      %dma_start3A_57 = tpu.memref_slice %arg2[%dma_start3A_55, %dma_start3A_56] : memref<10000x128xf32, #tpu.memory_space<hbm>> -> memref<10000x128xf32, #tpu.memory_space<hbm>>
      tpu.enqueue_indirect_dma source(%dma_start3A_57 : memref<10000x128xf32, #tpu.memory_space<hbm>>) target(%arg10 : memref<80x128xf32, #tpu.memory_space<vmem>>) offsets(%dma_start3A_54 : memref<80xi32, #tpu.memory_space<vmem>>) semaphore(%arg14 : memref<!tpu.dma_semaphore, #tpu.memory_space<semaphore_mem>>)
      %mul3A_58 = arith.constant 8 : i32
      %mul3A_59 = arith.muli %scan3A_8, %mul3A_58 : i32
      %add3A_60 = arith.constant 5 : i32
      %add3A_61 = arith.addi %mul3A_59, %add3A_60 : i32
      %dma_start3A_62 = arith.constant 0 : i32
      %dma_start3A_63 = tpu.memref_slice %arg5[%add3A_61, %dma_start3A_62] : memref<128x80xi32, #tpu.memory_space<vmem>> -> memref<1x80xi32, #tpu.memory_space<vmem>>
      %dma_start3A_64 = tpu.memref_squeeze %dma_start3A_63 : memref<1x80xi32, #tpu.memory_space<vmem>> -> memref<80xi32, #tpu.memory_space<vmem>>
      %dma_start3A_65 = arith.constant 0 : i32
      %dma_start3A_66 = arith.constant 0 : i32
      %dma_start3A_67 = tpu.memref_slice %arg2[%dma_start3A_65, %dma_start3A_66] : memref<10000x128xf32, #tpu.memory_space<hbm>> -> memref<10000x128xf32, #tpu.memory_space<hbm>>
      tpu.enqueue_indirect_dma source(%dma_start3A_67 : memref<10000x128xf32, #tpu.memory_space<hbm>>) target(%arg11 : memref<80x128xf32, #tpu.memory_space<vmem>>) offsets(%dma_start3A_64 : memref<80xi32, #tpu.memory_space<vmem>>) semaphore(%arg14 : memref<!tpu.dma_semaphore, #tpu.memory_space<semaphore_mem>>)
      %mul3A_68 = arith.constant 8 : i32
      %mul3A_69 = arith.muli %scan3A_8, %mul3A_68 : i32
      %add3A_70 = arith.constant 6 : i32
      %add3A_71 = arith.addi %mul3A_69, %add3A_70 : i32
      %dma_start3A_72 = arith.constant 0 : i32
      %dma_start3A_73 = tpu.memref_slice %arg5[%add3A_71, %dma_start3A_72] : memref<128x80xi32, #tpu.memory_space<vmem>> -> memref<1x80xi32, #tpu.memory_space<vmem>>
      %dma_start3A_74 = tpu.memref_squeeze %dma_start3A_73 : memref<1x80xi32, #tpu.memory_space<vmem>> -> memref<80xi32, #tpu.memory_space<vmem>>
      %dma_start3A_75 = arith.constant 0 : i32
      %dma_start3A_76 = arith.constant 0 : i32
      %dma_start3A_77 = tpu.memref_slice %arg2[%dma_start3A_75, %dma_start3A_76] : memref<10000x128xf32, #tpu.memory_space<hbm>> -> memref<10000x128xf32, #tpu.memory_space<hbm>>
      tpu.enqueue_indirect_dma source(%dma_start3A_77 : memref<10000x128xf32, #tpu.memory_space<hbm>>) target(%arg12 : memref<80x128xf32, #tpu.memory_space<vmem>>) offsets(%dma_start3A_74 : memref<80xi32, #tpu.memory_space<vmem>>) semaphore(%arg14 : memref<!tpu.dma_semaphore, #tpu.memory_space<semaphore_mem>>)
      %mul3A_78 = arith.constant 8 : i32
      %mul3A_79 = arith.muli %scan3A_8, %mul3A_78 : i32
      %add3A_80 = arith.constant 7 : i32
      %add3A_81 = arith.addi %mul3A_79, %add3A_80 : i32
      %dma_start3A_82 = arith.constant 0 : i32
      %dma_start3A_83 = tpu.memref_slice %arg5[%add3A_81, %dma_start3A_82] : memref<128x80xi32, #tpu.memory_space<vmem>> -> memref<1x80xi32, #tpu.memory_space<vmem>>
      %dma_start3A_84 = tpu.memref_squeeze %dma_start3A_83 : memref<1x80xi32, #tpu.memory_space<vmem>> -> memref<80xi32, #tpu.memory_space<vmem>>
      %dma_start3A_85 = arith.constant 0 : i32
      %dma_start3A_86 = arith.constant 0 : i32
      %dma_start3A_87 = tpu.memref_slice %arg2[%dma_start3A_85, %dma_start3A_86] : memref<10000x128xf32, #tpu.memory_space<hbm>> -> memref<10000x128xf32, #tpu.memory_space<hbm>>
      tpu.enqueue_indirect_dma source(%dma_start3A_87 : memref<10000x128xf32, #tpu.memory_space<hbm>>) target(%arg13 : memref<80x128xf32, #tpu.memory_space<vmem>>) offsets(%dma_start3A_84 : memref<80xi32, #tpu.memory_space<vmem>>) semaphore(%arg14 : memref<!tpu.dma_semaphore, #tpu.memory_space<semaphore_mem>>)
      %dma_wait3A = arith.constant 0 : i32
      %dma_wait3A_88 = tpu.memref_slice %arg5[%add3A_12, %dma_wait3A] : memref<128x80xi32, #tpu.memory_space<vmem>> -> memref<1x80xi32, #tpu.memory_space<vmem>>
      %dma_wait3A_89 = tpu.memref_squeeze %dma_wait3A_88 : memref<1x80xi32, #tpu.memory_space<vmem>> -> memref<80xi32, #tpu.memory_space<vmem>>
      %dma_wait3A_90 = arith.constant 0 : i32
      %dma_wait3A_91 = arith.constant 0 : i32
      %dma_wait3A_92 = tpu.memref_slice %arg2[%dma_wait3A_90, %dma_wait3A_91] : memref<10000x128xf32, #tpu.memory_space<hbm>> -> memref<10000x128xf32, #tpu.memory_space<hbm>>
      tpu.wait_indirect_dma semaphore(%arg14 : memref<!tpu.dma_semaphore, #tpu.memory_space<semaphore_mem>>) src(%dma_wait3A_92 : memref<10000x128xf32, #tpu.memory_space<hbm>>) dst(%arg6 : memref<80x128xf32, #tpu.memory_space<vmem>>)
      %dma_wait3A_93 = arith.constant 0 : i32
      %dma_wait3A_94 = tpu.memref_slice %arg5[%add3A_21, %dma_wait3A_93] : memref<128x80xi32, #tpu.memory_space<vmem>> -> memref<1x80xi32, #tpu.memory_space<vmem>>
      %dma_wait3A_95 = tpu.memref_squeeze %dma_wait3A_94 : memref<1x80xi32, #tpu.memory_space<vmem>> -> memref<80xi32, #tpu.memory_space<vmem>>
      %dma_wait3A_96 = arith.constant 0 : i32
      %dma_wait3A_97 = arith.constant 0 : i32
      %dma_wait3A_98 = tpu.memref_slice %arg2[%dma_wait3A_96, %dma_wait3A_97] : memref<10000x128xf32, #tpu.memory_space<hbm>> -> memref<10000x128xf32, #tpu.memory_space<hbm>>
      tpu.wait_indirect_dma semaphore(%arg14 : memref<!tpu.dma_semaphore, #tpu.memory_space<semaphore_mem>>) src(%dma_wait3A_98 : memref<10000x128xf32, #tpu.memory_space<hbm>>) dst(%arg7 : memref<80x128xf32, #tpu.memory_space<vmem>>)
      %dma_wait3A_99 = arith.constant 0 : i32
      %dma_wait3A_100 = tpu.memref_slice %arg5[%add3A_31, %dma_wait3A_99] : memref<128x80xi32, #tpu.memory_space<vmem>> -> memref<1x80xi32, #tpu.memory_space<vmem>>
      %dma_wait3A_101 = tpu.memref_squeeze %dma_wait3A_100 : memref<1x80xi32, #tpu.memory_space<vmem>> -> memref<80xi32, #tpu.memory_space<vmem>>
      %dma_wait3A_102 = arith.constant 0 : i32
      %dma_wait3A_103 = arith.constant 0 : i32
      %dma_wait3A_104 = tpu.memref_slice %arg2[%dma_wait3A_102, %dma_wait3A_103] : memref<10000x128xf32, #tpu.memory_space<hbm>> -> memref<10000x128xf32, #tpu.memory_space<hbm>>
      tpu.wait_indirect_dma semaphore(%arg14 : memref<!tpu.dma_semaphore, #tpu.memory_space<semaphore_mem>>) src(%dma_wait3A_104 : memref<10000x128xf32, #tpu.memory_space<hbm>>) dst(%arg8 : memref<80x128xf32, #tpu.memory_space<vmem>>)
      %dma_wait3A_105 = arith.constant 0 : i32
      %dma_wait3A_106 = tpu.memref_slice %arg5[%add3A_41, %dma_wait3A_105] : memref<128x80xi32, #tpu.memory_space<vmem>> -> memref<1x80xi32, #tpu.memory_space<vmem>>
      %dma_wait3A_107 = tpu.memref_squeeze %dma_wait3A_106 : memref<1x80xi32, #tpu.memory_space<vmem>> -> memref<80xi32, #tpu.memory_space<vmem>>
      %dma_wait3A_108 = arith.constant 0 : i32
      %dma_wait3A_109 = arith.constant 0 : i32
      %dma_wait3A_110 = tpu.memref_slice %arg2[%dma_wait3A_108, %dma_wait3A_109] : memref<10000x128xf32, #tpu.memory_space<hbm>> -> memref<10000x128xf32, #tpu.memory_space<hbm>>
      tpu.wait_indirect_dma semaphore(%arg14 : memref<!tpu.dma_semaphore, #tpu.memory_space<semaphore_mem>>) src(%dma_wait3A_110 : memref<10000x128xf32, #tpu.memory_space<hbm>>) dst(%arg9 : memref<80x128xf32, #tpu.memory_space<vmem>>)
      %dma_wait3A_111 = arith.constant 0 : i32
      %dma_wait3A_112 = tpu.memref_slice %arg5[%add3A_51, %dma_wait3A_111] : memref<128x80xi32, #tpu.memory_space<vmem>> -> memref<1x80xi32, #tpu.memory_space<vmem>>
      %dma_wait3A_113 = tpu.memref_squeeze %dma_wait3A_112 : memref<1x80xi32, #tpu.memory_space<vmem>> -> memref<80xi32, #tpu.memory_space<vmem>>
      %dma_wait3A_114 = arith.constant 0 : i32
      %dma_wait3A_115 = arith.constant 0 : i32
      %dma_wait3A_116 = tpu.memref_slice %arg2[%dma_wait3A_114, %dma_wait3A_115] : memref<10000x128xf32, #tpu.memory_space<hbm>> -> memref<10000x128xf32, #tpu.memory_space<hbm>>
      tpu.wait_indirect_dma semaphore(%arg14 : memref<!tpu.dma_semaphore, #tpu.memory_space<semaphore_mem>>) src(%dma_wait3A_116 : memref<10000x128xf32, #tpu.memory_space<hbm>>) dst(%arg10 : memref<80x128xf32, #tpu.memory_space<vmem>>)
      %dma_wait3A_117 = arith.constant 0 : i32
      %dma_wait3A_118 = tpu.memref_slice %arg5[%add3A_61, %dma_wait3A_117] : memref<128x80xi32, #tpu.memory_space<vmem>> -> memref<1x80xi32, #tpu.memory_space<vmem>>
      %dma_wait3A_119 = tpu.memref_squeeze %dma_wait3A_118 : memref<1x80xi32, #tpu.memory_space<vmem>> -> memref<80xi32, #tpu.memory_space<vmem>>
      %dma_wait3A_120 = arith.constant 0 : i32
      %dma_wait3A_121 = arith.constant 0 : i32
      %dma_wait3A_122 = tpu.memref_slice %arg2[%dma_wait3A_120, %dma_wait3A_121] : memref<10000x128xf32, #tpu.memory_space<hbm>> -> memref<10000x128xf32, #tpu.memory_space<hbm>>
      tpu.wait_indirect_dma semaphore(%arg14 : memref<!tpu.dma_semaphore, #tpu.memory_space<semaphore_mem>>) src(%dma_wait3A_122 : memref<10000x128xf32, #tpu.memory_space<hbm>>) dst(%arg11 : memref<80x128xf32, #tpu.memory_space<vmem>>)
      %dma_wait3A_123 = arith.constant 0 : i32
      %dma_wait3A_124 = tpu.memref_slice %arg5[%add3A_71, %dma_wait3A_123] : memref<128x80xi32, #tpu.memory_space<vmem>> -> memref<1x80xi32, #tpu.memory_space<vmem>>
      %dma_wait3A_125 = tpu.memref_squeeze %dma_wait3A_124 : memref<1x80xi32, #tpu.memory_space<vmem>> -> memref<80xi32, #tpu.memory_space<vmem>>
      %dma_wait3A_126 = arith.constant 0 : i32
      %dma_wait3A_127 = arith.constant 0 : i32
      %dma_wait3A_128 = tpu.memref_slice %arg2[%dma_wait3A_126, %dma_wait3A_127] : memref<10000x128xf32, #tpu.memory_space<hbm>> -> memref<10000x128xf32, #tpu.memory_space<hbm>>
      tpu.wait_indirect_dma semaphore(%arg14 : memref<!tpu.dma_semaphore, #tpu.memory_space<semaphore_mem>>) src(%dma_wait3A_128 : memref<10000x128xf32, #tpu.memory_space<hbm>>) dst(%arg12 : memref<80x128xf32, #tpu.memory_space<vmem>>)
      %dma_wait3A_129 = arith.constant 0 : i32
      %dma_wait3A_130 = tpu.memref_slice %arg5[%add3A_81, %dma_wait3A_129] : memref<128x80xi32, #tpu.memory_space<vmem>> -> memref<1x80xi32, #tpu.memory_space<vmem>>
      %dma_wait3A_131 = tpu.memref_squeeze %dma_wait3A_130 : memref<1x80xi32, #tpu.memory_space<vmem>> -> memref<80xi32, #tpu.memory_space<vmem>>
      %dma_wait3A_132 = arith.constant 0 : i32
      %dma_wait3A_133 = arith.constant 0 : i32
      %dma_wait3A_134 = tpu.memref_slice %arg2[%dma_wait3A_132, %dma_wait3A_133] : memref<10000x128xf32, #tpu.memory_space<hbm>> -> memref<10000x128xf32, #tpu.memory_space<hbm>>
      tpu.wait_indirect_dma semaphore(%arg14 : memref<!tpu.dma_semaphore, #tpu.memory_space<semaphore_mem>>) src(%dma_wait3A_134 : memref<10000x128xf32, #tpu.memory_space<hbm>>) dst(%arg13 : memref<80x128xf32, #tpu.memory_space<vmem>>)
      %mul3A_135 = arith.constant 8 : i32
      %mul3A_136 = arith.muli %scan3A_8, %mul3A_135 : i32
      %add3A_137 = arith.addi %mul3A_2, %mul3A_136 : i32
      %mul3A_138 = arith.constant 80 : i32
      %mul3A_139 = arith.muli %add3A_137, %mul3A_138 : i32
      %add3A_140 = arith.constant 0 : i32
      %add3A_141 = arith.addi %mul3A_139, %add3A_140 : i32
      %dma_start3A_142 = arith.constant 0 : i32
      %dma_start3A_143 = tpu.memref_slice %arg4[%add3A_141, %dma_start3A_142] : memref<327680x128xf32, #tpu.memory_space<hbm>> -> memref<80x128xf32, #tpu.memory_space<hbm>>
      %dma_start3A_144 = arith.constant 0 : i32
      %dma_start3A_145 = tpu.memref_slice %arg4[%add3A_141, %dma_start3A_144] : memref<327680x128xf32, #tpu.memory_space<hbm>> -> memref<80x128xf32, #tpu.memory_space<hbm>>
      tpu.enqueue_dma source(%arg6 : memref<80x128xf32, #tpu.memory_space<vmem>>) target(%dma_start3A_145 : memref<80x128xf32, #tpu.memory_space<hbm>>) target_semaphore(%arg14 : memref<!tpu.dma_semaphore, #tpu.memory_space<semaphore_mem>>)
      %add3A_146 = arith.constant 80 : i32
      %add3A_147 = arith.addi %mul3A_139, %add3A_146 : i32
      %dma_start3A_148 = arith.constant 0 : i32
      %dma_start3A_149 = tpu.memref_slice %arg4[%add3A_147, %dma_start3A_148] : memref<327680x128xf32, #tpu.memory_space<hbm>> -> memref<80x128xf32, #tpu.memory_space<hbm>>
      %dma_start3A_150 = arith.constant 0 : i32
      %dma_start3A_151 = tpu.memref_slice %arg4[%add3A_147, %dma_start3A_150] : memref<327680x128xf32, #tpu.memory_space<hbm>> -> memref<80x128xf32, #tpu.memory_space<hbm>>
      tpu.enqueue_dma source(%arg7 : memref<80x128xf32, #tpu.memory_space<vmem>>) target(%dma_start3A_151 : memref<80x128xf32, #tpu.memory_space<hbm>>) target_semaphore(%arg14 : memref<!tpu.dma_semaphore, #tpu.memory_space<semaphore_mem>>)
      %add3A_152 = arith.constant 160 : i32
      %add3A_153 = arith.addi %mul3A_139, %add3A_152 : i32
      %dma_start3A_154 = arith.constant 0 : i32
      %dma_start3A_155 = tpu.memref_slice %arg4[%add3A_153, %dma_start3A_154] : memref<327680x128xf32, #tpu.memory_space<hbm>> -> memref<80x128xf32, #tpu.memory_space<hbm>>
      %dma_start3A_156 = arith.constant 0 : i32
      %dma_start3A_157 = tpu.memref_slice %arg4[%add3A_153, %dma_start3A_156] : memref<327680x128xf32, #tpu.memory_space<hbm>> -> memref<80x128xf32, #tpu.memory_space<hbm>>
      tpu.enqueue_dma source(%arg8 : memref<80x128xf32, #tpu.memory_space<vmem>>) target(%dma_start3A_157 : memref<80x128xf32, #tpu.memory_space<hbm>>) target_semaphore(%arg14 : memref<!tpu.dma_semaphore, #tpu.memory_space<semaphore_mem>>)
      %add3A_158 = arith.constant 240 : i32
      %add3A_159 = arith.addi %mul3A_139, %add3A_158 : i32
      %dma_start3A_160 = arith.constant 0 : i32
      %dma_start3A_161 = tpu.memref_slice %arg4[%add3A_159, %dma_start3A_160] : memref<327680x128xf32, #tpu.memory_space<hbm>> -> memref<80x128xf32, #tpu.memory_space<hbm>>
      %dma_start3A_162 = arith.constant 0 : i32
      %dma_start3A_163 = tpu.memref_slice %arg4[%add3A_159, %dma_start3A_162] : memref<327680x128xf32, #tpu.memory_space<hbm>> -> memref<80x128xf32, #tpu.memory_space<hbm>>
      tpu.enqueue_dma source(%arg9 : memref<80x128xf32, #tpu.memory_space<vmem>>) target(%dma_start3A_163 : memref<80x128xf32, #tpu.memory_space<hbm>>) target_semaphore(%arg14 : memref<!tpu.dma_semaphore, #tpu.memory_space<semaphore_mem>>)
      %add3A_164 = arith.constant 320 : i32
      %add3A_165 = arith.addi %mul3A_139, %add3A_164 : i32
      %dma_start3A_166 = arith.constant 0 : i32
      %dma_start3A_167 = tpu.memref_slice %arg4[%add3A_165, %dma_start3A_166] : memref<327680x128xf32, #tpu.memory_space<hbm>> -> memref<80x128xf32, #tpu.memory_space<hbm>>
      %dma_start3A_168 = arith.constant 0 : i32
      %dma_start3A_169 = tpu.memref_slice %arg4[%add3A_165, %dma_start3A_168] : memref<327680x128xf32, #tpu.memory_space<hbm>> -> memref<80x128xf32, #tpu.memory_space<hbm>>
      tpu.enqueue_dma source(%arg10 : memref<80x128xf32, #tpu.memory_space<vmem>>) target(%dma_start3A_169 : memref<80x128xf32, #tpu.memory_space<hbm>>) target_semaphore(%arg14 : memref<!tpu.dma_semaphore, #tpu.memory_space<semaphore_mem>>)
      %add3A_170 = arith.constant 400 : i32
      %add3A_171 = arith.addi %mul3A_139, %add3A_170 : i32
      %dma_start3A_172 = arith.constant 0 : i32
      %dma_start3A_173 = tpu.memref_slice %arg4[%add3A_171, %dma_start3A_172] : memref<327680x128xf32, #tpu.memory_space<hbm>> -> memref<80x128xf32, #tpu.memory_space<hbm>>
      %dma_start3A_174 = arith.constant 0 : i32
      %dma_start3A_175 = tpu.memref_slice %arg4[%add3A_171, %dma_start3A_174] : memref<327680x128xf32, #tpu.memory_space<hbm>> -> memref<80x128xf32, #tpu.memory_space<hbm>>
      tpu.enqueue_dma source(%arg11 : memref<80x128xf32, #tpu.memory_space<vmem>>) target(%dma_start3A_175 : memref<80x128xf32, #tpu.memory_space<hbm>>) target_semaphore(%arg14 : memref<!tpu.dma_semaphore, #tpu.memory_space<semaphore_mem>>)
      %add3A_176 = arith.constant 480 : i32
      %add3A_177 = arith.addi %mul3A_139, %add3A_176 : i32
      %dma_start3A_178 = arith.constant 0 : i32
      %dma_start3A_179 = tpu.memref_slice %arg4[%add3A_177, %dma_start3A_178] : memref<327680x128xf32, #tpu.memory_space<hbm>> -> memref<80x128xf32, #tpu.memory_space<hbm>>
      %dma_start3A_180 = arith.constant 0 : i32
      %dma_start3A_181 = tpu.memref_slice %arg4[%add3A_177, %dma_start3A_180] : memref<327680x128xf32, #tpu.memory_space<hbm>> -> memref<80x128xf32, #tpu.memory_space<hbm>>
      tpu.enqueue_dma source(%arg12 : memref<80x128xf32, #tpu.memory_space<vmem>>) target(%dma_start3A_181 : memref<80x128xf32, #tpu.memory_space<hbm>>) target_semaphore(%arg14 : memref<!tpu.dma_semaphore, #tpu.memory_space<semaphore_mem>>)
      %add3A_182 = arith.constant 560 : i32
      %add3A_183 = arith.addi %mul3A_139, %add3A_182 : i32
      %dma_start3A_184 = arith.constant 0 : i32
      %dma_start3A_185 = tpu.memref_slice %arg4[%add3A_183, %dma_start3A_184] : memref<327680x128xf32, #tpu.memory_space<hbm>> -> memref<80x128xf32, #tpu.memory_space<hbm>>
      %dma_start3A_186 = arith.constant 0 : i32
      %dma_start3A_187 = tpu.memref_slice %arg4[%add3A_183, %dma_start3A_186] : memref<327680x128xf32, #tpu.memory_space<hbm>> -> memref<80x128xf32, #tpu.memory_space<hbm>>
      tpu.enqueue_dma source(%arg13 : memref<80x128xf32, #tpu.memory_space<vmem>>) target(%dma_start3A_187 : memref<80x128xf32, #tpu.memory_space<hbm>>) target_semaphore(%arg14 : memref<!tpu.dma_semaphore, #tpu.memory_space<semaphore_mem>>)
      %dma_wait3A_188 = arith.constant 0 : i32
      %dma_wait3A_189 = tpu.memref_slice %arg4[%add3A_141, %dma_wait3A_188] : memref<327680x128xf32, #tpu.memory_space<hbm>> -> memref<80x128xf32, #tpu.memory_space<hbm>>
      %dma_wait3A_190 = arith.constant 0 : i32
      %dma_wait3A_191 = tpu.memref_slice %arg4[%add3A_141, %dma_wait3A_190] : memref<327680x128xf32, #tpu.memory_space<hbm>> -> memref<80x128xf32, #tpu.memory_space<hbm>>
      tpu.wait_dma2 semaphore(%arg14 : memref<!tpu.dma_semaphore, #tpu.memory_space<semaphore_mem>>) src(%arg6 : memref<80x128xf32, #tpu.memory_space<vmem>>) dst(%dma_wait3A_191 : memref<80x128xf32, #tpu.memory_space<hbm>>)
      %dma_wait3A_192 = arith.constant 0 : i32
      %dma_wait3A_193 = tpu.memref_slice %arg4[%add3A_147, %dma_wait3A_192] : memref<327680x128xf32, #tpu.memory_space<hbm>> -> memref<80x128xf32, #tpu.memory_space<hbm>>
      %dma_wait3A_194 = arith.constant 0 : i32
      %dma_wait3A_195 = tpu.memref_slice %arg4[%add3A_147, %dma_wait3A_194] : memref<327680x128xf32, #tpu.memory_space<hbm>> -> memref<80x128xf32, #tpu.memory_space<hbm>>
      tpu.wait_dma2 semaphore(%arg14 : memref<!tpu.dma_semaphore, #tpu.memory_space<semaphore_mem>>) src(%arg7 : memref<80x128xf32, #tpu.memory_space<vmem>>) dst(%dma_wait3A_195 : memref<80x128xf32, #tpu.memory_space<hbm>>)
      %dma_wait3A_196 = arith.constant 0 : i32
      %dma_wait3A_197 = tpu.memref_slice %arg4[%add3A_153, %dma_wait3A_196] : memref<327680x128xf32, #tpu.memory_space<hbm>> -> memref<80x128xf32, #tpu.memory_space<hbm>>
      %dma_wait3A_198 = arith.constant 0 : i32
      %dma_wait3A_199 = tpu.memref_slice %arg4[%add3A_153, %dma_wait3A_198] : memref<327680x128xf32, #tpu.memory_space<hbm>> -> memref<80x128xf32, #tpu.memory_space<hbm>>
      tpu.wait_dma2 semaphore(%arg14 : memref<!tpu.dma_semaphore, #tpu.memory_space<semaphore_mem>>) src(%arg8 : memref<80x128xf32, #tpu.memory_space<vmem>>) dst(%dma_wait3A_199 : memref<80x128xf32, #tpu.memory_space<hbm>>)
      %dma_wait3A_200 = arith.constant 0 : i32
      %dma_wait3A_201 = tpu.memref_slice %arg4[%add3A_159, %dma_wait3A_200] : memref<327680x128xf32, #tpu.memory_space<hbm>> -> memref<80x128xf32, #tpu.memory_space<hbm>>
      %dma_wait3A_202 = arith.constant 0 : i32
      %dma_wait3A_203 = tpu.memref_slice %arg4[%add3A_159, %dma_wait3A_202] : memref<327680x128xf32, #tpu.memory_space<hbm>> -> memref<80x128xf32, #tpu.memory_space<hbm>>
      tpu.wait_dma2 semaphore(%arg14 : memref<!tpu.dma_semaphore, #tpu.memory_space<semaphore_mem>>) src(%arg9 : memref<80x128xf32, #tpu.memory_space<vmem>>) dst(%dma_wait3A_203 : memref<80x128xf32, #tpu.memory_space<hbm>>)
      %dma_wait3A_204 = arith.constant 0 : i32
      %dma_wait3A_205 = tpu.memref_slice %arg4[%add3A_165, %dma_wait3A_204] : memref<327680x128xf32, #tpu.memory_space<hbm>> -> memref<80x128xf32, #tpu.memory_space<hbm>>
      %dma_wait3A_206 = arith.constant 0 : i32
      %dma_wait3A_207 = tpu.memref_slice %arg4[%add3A_165, %dma_wait3A_206] : memref<327680x128xf32, #tpu.memory_space<hbm>> -> memref<80x128xf32, #tpu.memory_space<hbm>>
      tpu.wait_dma2 semaphore(%arg14 : memref<!tpu.dma_semaphore, #tpu.memory_space<semaphore_mem>>) src(%arg10 : memref<80x128xf32, #tpu.memory_space<vmem>>) dst(%dma_wait3A_207 : memref<80x128xf32, #tpu.memory_space<hbm>>)
      %dma_wait3A_208 = arith.constant 0 : i32
      %dma_wait3A_209 = tpu.memref_slice %arg4[%add3A_171, %dma_wait3A_208] : memref<327680x128xf32, #tpu.memory_space<hbm>> -> memref<80x128xf32, #tpu.memory_space<hbm>>
      %dma_wait3A_210 = arith.constant 0 : i32
      %dma_wait3A_211 = tpu.memref_slice %arg4[%add3A_171, %dma_wait3A_210] : memref<327680x128xf32, #tpu.memory_space<hbm>> -> memref<80x128xf32, #tpu.memory_space<hbm>>
      tpu.wait_dma2 semaphore(%arg14 : memref<!tpu.dma_semaphore, #tpu.memory_space<semaphore_mem>>) src(%arg11 : memref<80x128xf32, #tpu.memory_space<vmem>>) dst(%dma_wait3A_211 : memref<80x128xf32, #tpu.memory_space<hbm>>)
      %dma_wait3A_212 = arith.constant 0 : i32
      %dma_wait3A_213 = tpu.memref_slice %arg4[%add3A_177, %dma_wait3A_212] : memref<327680x128xf32, #tpu.memory_space<hbm>> -> memref<80x128xf32, #tpu.memory_space<hbm>>
      %dma_wait3A_214 = arith.constant 0 : i32
      %dma_wait3A_215 = tpu.memref_slice %arg4[%add3A_177, %dma_wait3A_214] : memref<327680x128xf32, #tpu.memory_space<hbm>> -> memref<80x128xf32, #tpu.memory_space<hbm>>
      tpu.wait_dma2 semaphore(%arg14 : memref<!tpu.dma_semaphore, #tpu.memory_space<semaphore_mem>>) src(%arg12 : memref<80x128xf32, #tpu.memory_space<vmem>>) dst(%dma_wait3A_215 : memref<80x128xf32, #tpu.memory_space<hbm>>)
      %dma_wait3A_216 = arith.constant 0 : i32
      %dma_wait3A_217 = tpu.memref_slice %arg4[%add3A_183, %dma_wait3A_216] : memref<327680x128xf32, #tpu.memory_space<hbm>> -> memref<80x128xf32, #tpu.memory_space<hbm>>
      %dma_wait3A_218 = arith.constant 0 : i32
      %dma_wait3A_219 = tpu.memref_slice %arg4[%add3A_183, %dma_wait3A_218] : memref<327680x128xf32, #tpu.memory_space<hbm>> -> memref<80x128xf32, #tpu.memory_space<hbm>>
      tpu.wait_dma2 semaphore(%arg14 : memref<!tpu.dma_semaphore, #tpu.memory_space<semaphore_mem>>) src(%arg13 : memref<80x128xf32, #tpu.memory_space<vmem>>) dst(%dma_wait3A_219 : memref<80x128xf32, #tpu.memory_space<hbm>>)
    }
    %scan3A_7 = arith.constant 16 : i32
    return
  }
}

#map = affine_map<(d0, d1) -> (0, 0)>
module attributes {stable_mosaic.version = 14 : i64} {
  func.func @_sc_msg_body(%arg0: i32, %arg1: i32, %arg2: memref<10240x128xf32, #tpu.memory_space<hbm>>, %arg3: memref<327680x128xf32, #tpu.memory_space<hbm>>, %arg4: memref<4096x80xi32, #tpu.memory_space<hbm>>, %arg5: memref<4096x80xi32, #tpu.memory_space<hbm>>, %arg6: memref<327680x128xf32, #tpu.memory_space<hbm>>, %arg7: memref<128x80xi32, #tpu.memory_space<vmem>>, %arg8: memref<128x80xi32, #tpu.memory_space<vmem>>, %arg9: memref<80x128xf32, #tpu.memory_space<vmem>>, %arg10: memref<80x128xf32, #tpu.memory_space<vmem>>, %arg11: memref<80x128xf32, #tpu.memory_space<vmem>>, %arg12: memref<80x128xf32, #tpu.memory_space<vmem>>, %arg13: memref<80x128xf32, #tpu.memory_space<vmem>>, %arg14: memref<80x128xf32, #tpu.memory_space<vmem>>, %arg15: memref<80x128xf32, #tpu.memory_space<vmem>>, %arg16: memref<80x128xf32, #tpu.memory_space<vmem>>, %arg17: memref<!tpu.dma_semaphore, #tpu.memory_space<semaphore_mem>>) attributes {dimension_semantics = [#tpu.dimension_semantics<core_parallel>, #tpu.dimension_semantics<subcore_parallel>], iteration_bounds = array<i64: 2, 16>, scalar_prefetch = 0 : i64, scratch_operands = 11 : i64, tpu.core_type = #tpu.core_type<sc_vector_subcore>, window_params = [{transform_indices = #map}, {transform_indices = #map}, {transform_indices = #map}, {transform_indices = #map}, {transform_indices = #map}]} {
    %mul3A = arith.constant 2 : i32
    %mul3A_0 = arith.muli %arg1, %mul3A : i32
    %add3A = arith.addi %mul3A_0, %arg0 : i32
    %mul3A_1 = arith.constant 128 : i32
    %mul3A_2 = arith.muli %add3A, %mul3A_1 : i32
    "tpu.region"() ({
      %run_scoped3A = tpu.sem_alloc : memref<!tpu.dma_semaphore, #tpu.memory_space<semaphore_mem>>
      %dma_start3A = arith.constant 0 : i32
      %dma_start3A_8 = tpu.memref_slice %arg4[%mul3A_2, %dma_start3A] : memref<4096x80xi32, #tpu.memory_space<hbm>> -> memref<128x80xi32, #tpu.memory_space<hbm>>
      %dma_start3A_9 = arith.constant 0 : i32
      %dma_start3A_10 = tpu.memref_slice %arg4[%mul3A_2, %dma_start3A_9] : memref<4096x80xi32, #tpu.memory_space<hbm>> -> memref<128x80xi32, #tpu.memory_space<hbm>>
      tpu.enqueue_dma source(%dma_start3A_10 : memref<128x80xi32, #tpu.memory_space<hbm>>) target(%arg7 : memref<128x80xi32, #tpu.memory_space<vmem>>) target_semaphore(%run_scoped3A : memref<!tpu.dma_semaphore, #tpu.memory_space<semaphore_mem>>)
      %dma_wait3A = arith.constant 0 : i32
      %dma_wait3A_11 = tpu.memref_slice %arg4[%mul3A_2, %dma_wait3A] : memref<4096x80xi32, #tpu.memory_space<hbm>> -> memref<128x80xi32, #tpu.memory_space<hbm>>
      %dma_wait3A_12 = arith.constant 0 : i32
      %dma_wait3A_13 = tpu.memref_slice %arg4[%mul3A_2, %dma_wait3A_12] : memref<4096x80xi32, #tpu.memory_space<hbm>> -> memref<128x80xi32, #tpu.memory_space<hbm>>
      tpu.wait_dma2 semaphore(%run_scoped3A : memref<!tpu.dma_semaphore, #tpu.memory_space<semaphore_mem>>) src(%dma_wait3A_13 : memref<128x80xi32, #tpu.memory_space<hbm>>) dst(%arg7 : memref<128x80xi32, #tpu.memory_space<vmem>>)
      tpu.yield
    }) : () -> ()
    "tpu.region"() ({
      %run_scoped3A = tpu.sem_alloc : memref<!tpu.dma_semaphore, #tpu.memory_space<semaphore_mem>>
      %dma_start3A = arith.constant 0 : i32
      %dma_start3A_8 = tpu.memref_slice %arg5[%mul3A_2, %dma_start3A] : memref<4096x80xi32, #tpu.memory_space<hbm>> -> memref<128x80xi32, #tpu.memory_space<hbm>>
      %dma_start3A_9 = arith.constant 0 : i32
      %dma_start3A_10 = tpu.memref_slice %arg5[%mul3A_2, %dma_start3A_9] : memref<4096x80xi32, #tpu.memory_space<hbm>> -> memref<128x80xi32, #tpu.memory_space<hbm>>
      tpu.enqueue_dma source(%dma_start3A_10 : memref<128x80xi32, #tpu.memory_space<hbm>>) target(%arg8 : memref<128x80xi32, #tpu.memory_space<vmem>>) target_semaphore(%run_scoped3A : memref<!tpu.dma_semaphore, #tpu.memory_space<semaphore_mem>>)
      %dma_wait3A = arith.constant 0 : i32
      %dma_wait3A_11 = tpu.memref_slice %arg5[%mul3A_2, %dma_wait3A] : memref<4096x80xi32, #tpu.memory_space<hbm>> -> memref<128x80xi32, #tpu.memory_space<hbm>>
      %dma_wait3A_12 = arith.constant 0 : i32
      %dma_wait3A_13 = tpu.memref_slice %arg5[%mul3A_2, %dma_wait3A_12] : memref<4096x80xi32, #tpu.memory_space<hbm>> -> memref<128x80xi32, #tpu.memory_space<hbm>>
      tpu.wait_dma2 semaphore(%run_scoped3A : memref<!tpu.dma_semaphore, #tpu.memory_space<semaphore_mem>>) src(%dma_wait3A_13 : memref<128x80xi32, #tpu.memory_space<hbm>>) dst(%arg8 : memref<128x80xi32, #tpu.memory_space<vmem>>)
      tpu.yield
    }) : () -> ()
    %scan3A = arith.constant 0 : i32
    %scan3A_3 = arith.constant 0 : i32
    %scan3A_4 = arith.constant 16 : i32
    %scan3A_5 = arith.addi %scan3A_3, %scan3A_4 : i32
    %scan3A_6 = arith.constant 1 : i32
    scf.for %scan3A_8 = %scan3A_3 to %scan3A_5 step %scan3A_6  : i32 {
      %mul3A_9 = arith.constant 8 : i32
      %mul3A_10 = arith.muli %scan3A_8, %mul3A_9 : i32
      %add3A_11 = arith.constant 0 : i32
      %add3A_12 = arith.addi %mul3A_10, %add3A_11 : i32
      %dma_start3A = arith.constant 0 : i32
      %dma_start3A_13 = tpu.memref_slice %arg7[%add3A_12, %dma_start3A] : memref<128x80xi32, #tpu.memory_space<vmem>> -> memref<1x80xi32, #tpu.memory_space<vmem>>
      %dma_start3A_14 = tpu.memref_squeeze %dma_start3A_13 : memref<1x80xi32, #tpu.memory_space<vmem>> -> memref<80xi32, #tpu.memory_space<vmem>>
      %dma_start3A_15 = arith.constant 0 : i32
      %dma_start3A_16 = arith.constant 0 : i32
      %dma_start3A_17 = tpu.memref_slice %arg2[%dma_start3A_15, %dma_start3A_16] : memref<10240x128xf32, #tpu.memory_space<hbm>> -> memref<10240x128xf32, #tpu.memory_space<hbm>>
      tpu.enqueue_indirect_dma source(%dma_start3A_17 : memref<10240x128xf32, #tpu.memory_space<hbm>>) target(%arg9 : memref<80x128xf32, #tpu.memory_space<vmem>>) offsets(%dma_start3A_14 : memref<80xi32, #tpu.memory_space<vmem>>) semaphore(%arg17 : memref<!tpu.dma_semaphore, #tpu.memory_space<semaphore_mem>>)
      %mul3A_18 = arith.constant 8 : i32
      %mul3A_19 = arith.muli %scan3A_8, %mul3A_18 : i32
      %add3A_20 = arith.constant 1 : i32
      %add3A_21 = arith.addi %mul3A_19, %add3A_20 : i32
      %dma_start3A_22 = arith.constant 0 : i32
      %dma_start3A_23 = tpu.memref_slice %arg7[%add3A_21, %dma_start3A_22] : memref<128x80xi32, #tpu.memory_space<vmem>> -> memref<1x80xi32, #tpu.memory_space<vmem>>
      %dma_start3A_24 = tpu.memref_squeeze %dma_start3A_23 : memref<1x80xi32, #tpu.memory_space<vmem>> -> memref<80xi32, #tpu.memory_space<vmem>>
      %dma_start3A_25 = arith.constant 0 : i32
      %dma_start3A_26 = arith.constant 0 : i32
      %dma_start3A_27 = tpu.memref_slice %arg2[%dma_start3A_25, %dma_start3A_26] : memref<10240x128xf32, #tpu.memory_space<hbm>> -> memref<10240x128xf32, #tpu.memory_space<hbm>>
      tpu.enqueue_indirect_dma source(%dma_start3A_27 : memref<10240x128xf32, #tpu.memory_space<hbm>>) target(%arg10 : memref<80x128xf32, #tpu.memory_space<vmem>>) offsets(%dma_start3A_24 : memref<80xi32, #tpu.memory_space<vmem>>) semaphore(%arg17 : memref<!tpu.dma_semaphore, #tpu.memory_space<semaphore_mem>>)
      %mul3A_28 = arith.constant 8 : i32
      %mul3A_29 = arith.muli %scan3A_8, %mul3A_28 : i32
      %add3A_30 = arith.constant 2 : i32
      %add3A_31 = arith.addi %mul3A_29, %add3A_30 : i32
      %dma_start3A_32 = arith.constant 0 : i32
      %dma_start3A_33 = tpu.memref_slice %arg7[%add3A_31, %dma_start3A_32] : memref<128x80xi32, #tpu.memory_space<vmem>> -> memref<1x80xi32, #tpu.memory_space<vmem>>
      %dma_start3A_34 = tpu.memref_squeeze %dma_start3A_33 : memref<1x80xi32, #tpu.memory_space<vmem>> -> memref<80xi32, #tpu.memory_space<vmem>>
      %dma_start3A_35 = arith.constant 0 : i32
      %dma_start3A_36 = arith.constant 0 : i32
      %dma_start3A_37 = tpu.memref_slice %arg2[%dma_start3A_35, %dma_start3A_36] : memref<10240x128xf32, #tpu.memory_space<hbm>> -> memref<10240x128xf32, #tpu.memory_space<hbm>>
      tpu.enqueue_indirect_dma source(%dma_start3A_37 : memref<10240x128xf32, #tpu.memory_space<hbm>>) target(%arg11 : memref<80x128xf32, #tpu.memory_space<vmem>>) offsets(%dma_start3A_34 : memref<80xi32, #tpu.memory_space<vmem>>) semaphore(%arg17 : memref<!tpu.dma_semaphore, #tpu.memory_space<semaphore_mem>>)
      %mul3A_38 = arith.constant 8 : i32
      %mul3A_39 = arith.muli %scan3A_8, %mul3A_38 : i32
      %add3A_40 = arith.constant 3 : i32
      %add3A_41 = arith.addi %mul3A_39, %add3A_40 : i32
      %dma_start3A_42 = arith.constant 0 : i32
      %dma_start3A_43 = tpu.memref_slice %arg7[%add3A_41, %dma_start3A_42] : memref<128x80xi32, #tpu.memory_space<vmem>> -> memref<1x80xi32, #tpu.memory_space<vmem>>
      %dma_start3A_44 = tpu.memref_squeeze %dma_start3A_43 : memref<1x80xi32, #tpu.memory_space<vmem>> -> memref<80xi32, #tpu.memory_space<vmem>>
      %dma_start3A_45 = arith.constant 0 : i32
      %dma_start3A_46 = arith.constant 0 : i32
      %dma_start3A_47 = tpu.memref_slice %arg2[%dma_start3A_45, %dma_start3A_46] : memref<10240x128xf32, #tpu.memory_space<hbm>> -> memref<10240x128xf32, #tpu.memory_space<hbm>>
      tpu.enqueue_indirect_dma source(%dma_start3A_47 : memref<10240x128xf32, #tpu.memory_space<hbm>>) target(%arg12 : memref<80x128xf32, #tpu.memory_space<vmem>>) offsets(%dma_start3A_44 : memref<80xi32, #tpu.memory_space<vmem>>) semaphore(%arg17 : memref<!tpu.dma_semaphore, #tpu.memory_space<semaphore_mem>>)
      %mul3A_48 = arith.constant 8 : i32
      %mul3A_49 = arith.muli %scan3A_8, %mul3A_48 : i32
      %add3A_50 = arith.constant 4 : i32
      %add3A_51 = arith.addi %mul3A_49, %add3A_50 : i32
      %dma_start3A_52 = arith.constant 0 : i32
      %dma_start3A_53 = tpu.memref_slice %arg7[%add3A_51, %dma_start3A_52] : memref<128x80xi32, #tpu.memory_space<vmem>> -> memref<1x80xi32, #tpu.memory_space<vmem>>
      %dma_start3A_54 = tpu.memref_squeeze %dma_start3A_53 : memref<1x80xi32, #tpu.memory_space<vmem>> -> memref<80xi32, #tpu.memory_space<vmem>>
      %dma_start3A_55 = arith.constant 0 : i32
      %dma_start3A_56 = arith.constant 0 : i32
      %dma_start3A_57 = tpu.memref_slice %arg2[%dma_start3A_55, %dma_start3A_56] : memref<10240x128xf32, #tpu.memory_space<hbm>> -> memref<10240x128xf32, #tpu.memory_space<hbm>>
      tpu.enqueue_indirect_dma source(%dma_start3A_57 : memref<10240x128xf32, #tpu.memory_space<hbm>>) target(%arg13 : memref<80x128xf32, #tpu.memory_space<vmem>>) offsets(%dma_start3A_54 : memref<80xi32, #tpu.memory_space<vmem>>) semaphore(%arg17 : memref<!tpu.dma_semaphore, #tpu.memory_space<semaphore_mem>>)
      %mul3A_58 = arith.constant 8 : i32
      %mul3A_59 = arith.muli %scan3A_8, %mul3A_58 : i32
      %add3A_60 = arith.constant 5 : i32
      %add3A_61 = arith.addi %mul3A_59, %add3A_60 : i32
      %dma_start3A_62 = arith.constant 0 : i32
      %dma_start3A_63 = tpu.memref_slice %arg7[%add3A_61, %dma_start3A_62] : memref<128x80xi32, #tpu.memory_space<vmem>> -> memref<1x80xi32, #tpu.memory_space<vmem>>
      %dma_start3A_64 = tpu.memref_squeeze %dma_start3A_63 : memref<1x80xi32, #tpu.memory_space<vmem>> -> memref<80xi32, #tpu.memory_space<vmem>>
      %dma_start3A_65 = arith.constant 0 : i32
      %dma_start3A_66 = arith.constant 0 : i32
      %dma_start3A_67 = tpu.memref_slice %arg2[%dma_start3A_65, %dma_start3A_66] : memref<10240x128xf32, #tpu.memory_space<hbm>> -> memref<10240x128xf32, #tpu.memory_space<hbm>>
      tpu.enqueue_indirect_dma source(%dma_start3A_67 : memref<10240x128xf32, #tpu.memory_space<hbm>>) target(%arg14 : memref<80x128xf32, #tpu.memory_space<vmem>>) offsets(%dma_start3A_64 : memref<80xi32, #tpu.memory_space<vmem>>) semaphore(%arg17 : memref<!tpu.dma_semaphore, #tpu.memory_space<semaphore_mem>>)
      %mul3A_68 = arith.constant 8 : i32
      %mul3A_69 = arith.muli %scan3A_8, %mul3A_68 : i32
      %add3A_70 = arith.constant 6 : i32
      %add3A_71 = arith.addi %mul3A_69, %add3A_70 : i32
      %dma_start3A_72 = arith.constant 0 : i32
      %dma_start3A_73 = tpu.memref_slice %arg7[%add3A_71, %dma_start3A_72] : memref<128x80xi32, #tpu.memory_space<vmem>> -> memref<1x80xi32, #tpu.memory_space<vmem>>
      %dma_start3A_74 = tpu.memref_squeeze %dma_start3A_73 : memref<1x80xi32, #tpu.memory_space<vmem>> -> memref<80xi32, #tpu.memory_space<vmem>>
      %dma_start3A_75 = arith.constant 0 : i32
      %dma_start3A_76 = arith.constant 0 : i32
      %dma_start3A_77 = tpu.memref_slice %arg2[%dma_start3A_75, %dma_start3A_76] : memref<10240x128xf32, #tpu.memory_space<hbm>> -> memref<10240x128xf32, #tpu.memory_space<hbm>>
      tpu.enqueue_indirect_dma source(%dma_start3A_77 : memref<10240x128xf32, #tpu.memory_space<hbm>>) target(%arg15 : memref<80x128xf32, #tpu.memory_space<vmem>>) offsets(%dma_start3A_74 : memref<80xi32, #tpu.memory_space<vmem>>) semaphore(%arg17 : memref<!tpu.dma_semaphore, #tpu.memory_space<semaphore_mem>>)
      %mul3A_78 = arith.constant 8 : i32
      %mul3A_79 = arith.muli %scan3A_8, %mul3A_78 : i32
      %add3A_80 = arith.constant 7 : i32
      %add3A_81 = arith.addi %mul3A_79, %add3A_80 : i32
      %dma_start3A_82 = arith.constant 0 : i32
      %dma_start3A_83 = tpu.memref_slice %arg7[%add3A_81, %dma_start3A_82] : memref<128x80xi32, #tpu.memory_space<vmem>> -> memref<1x80xi32, #tpu.memory_space<vmem>>
      %dma_start3A_84 = tpu.memref_squeeze %dma_start3A_83 : memref<1x80xi32, #tpu.memory_space<vmem>> -> memref<80xi32, #tpu.memory_space<vmem>>
      %dma_start3A_85 = arith.constant 0 : i32
      %dma_start3A_86 = arith.constant 0 : i32
      %dma_start3A_87 = tpu.memref_slice %arg2[%dma_start3A_85, %dma_start3A_86] : memref<10240x128xf32, #tpu.memory_space<hbm>> -> memref<10240x128xf32, #tpu.memory_space<hbm>>
      tpu.enqueue_indirect_dma source(%dma_start3A_87 : memref<10240x128xf32, #tpu.memory_space<hbm>>) target(%arg16 : memref<80x128xf32, #tpu.memory_space<vmem>>) offsets(%dma_start3A_84 : memref<80xi32, #tpu.memory_space<vmem>>) semaphore(%arg17 : memref<!tpu.dma_semaphore, #tpu.memory_space<semaphore_mem>>)
      %dma_wait3A = arith.constant 0 : i32
      %dma_wait3A_88 = tpu.memref_slice %arg7[%add3A_12, %dma_wait3A] : memref<128x80xi32, #tpu.memory_space<vmem>> -> memref<1x80xi32, #tpu.memory_space<vmem>>
      %dma_wait3A_89 = tpu.memref_squeeze %dma_wait3A_88 : memref<1x80xi32, #tpu.memory_space<vmem>> -> memref<80xi32, #tpu.memory_space<vmem>>
      %dma_wait3A_90 = arith.constant 0 : i32
      %dma_wait3A_91 = arith.constant 0 : i32
      %dma_wait3A_92 = tpu.memref_slice %arg2[%dma_wait3A_90, %dma_wait3A_91] : memref<10240x128xf32, #tpu.memory_space<hbm>> -> memref<10240x128xf32, #tpu.memory_space<hbm>>
      tpu.wait_indirect_dma semaphore(%arg17 : memref<!tpu.dma_semaphore, #tpu.memory_space<semaphore_mem>>) src(%dma_wait3A_92 : memref<10240x128xf32, #tpu.memory_space<hbm>>) dst(%arg9 : memref<80x128xf32, #tpu.memory_space<vmem>>)
      %dma_wait3A_93 = arith.constant 0 : i32
      %dma_wait3A_94 = tpu.memref_slice %arg7[%add3A_21, %dma_wait3A_93] : memref<128x80xi32, #tpu.memory_space<vmem>> -> memref<1x80xi32, #tpu.memory_space<vmem>>
      %dma_wait3A_95 = tpu.memref_squeeze %dma_wait3A_94 : memref<1x80xi32, #tpu.memory_space<vmem>> -> memref<80xi32, #tpu.memory_space<vmem>>
      %dma_wait3A_96 = arith.constant 0 : i32
      %dma_wait3A_97 = arith.constant 0 : i32
      %dma_wait3A_98 = tpu.memref_slice %arg2[%dma_wait3A_96, %dma_wait3A_97] : memref<10240x128xf32, #tpu.memory_space<hbm>> -> memref<10240x128xf32, #tpu.memory_space<hbm>>
      tpu.wait_indirect_dma semaphore(%arg17 : memref<!tpu.dma_semaphore, #tpu.memory_space<semaphore_mem>>) src(%dma_wait3A_98 : memref<10240x128xf32, #tpu.memory_space<hbm>>) dst(%arg10 : memref<80x128xf32, #tpu.memory_space<vmem>>)
      %dma_wait3A_99 = arith.constant 0 : i32
      %dma_wait3A_100 = tpu.memref_slice %arg7[%add3A_31, %dma_wait3A_99] : memref<128x80xi32, #tpu.memory_space<vmem>> -> memref<1x80xi32, #tpu.memory_space<vmem>>
      %dma_wait3A_101 = tpu.memref_squeeze %dma_wait3A_100 : memref<1x80xi32, #tpu.memory_space<vmem>> -> memref<80xi32, #tpu.memory_space<vmem>>
      %dma_wait3A_102 = arith.constant 0 : i32
      %dma_wait3A_103 = arith.constant 0 : i32
      %dma_wait3A_104 = tpu.memref_slice %arg2[%dma_wait3A_102, %dma_wait3A_103] : memref<10240x128xf32, #tpu.memory_space<hbm>> -> memref<10240x128xf32, #tpu.memory_space<hbm>>
      tpu.wait_indirect_dma semaphore(%arg17 : memref<!tpu.dma_semaphore, #tpu.memory_space<semaphore_mem>>) src(%dma_wait3A_104 : memref<10240x128xf32, #tpu.memory_space<hbm>>) dst(%arg11 : memref<80x128xf32, #tpu.memory_space<vmem>>)
      %dma_wait3A_105 = arith.constant 0 : i32
      %dma_wait3A_106 = tpu.memref_slice %arg7[%add3A_41, %dma_wait3A_105] : memref<128x80xi32, #tpu.memory_space<vmem>> -> memref<1x80xi32, #tpu.memory_space<vmem>>
      %dma_wait3A_107 = tpu.memref_squeeze %dma_wait3A_106 : memref<1x80xi32, #tpu.memory_space<vmem>> -> memref<80xi32, #tpu.memory_space<vmem>>
      %dma_wait3A_108 = arith.constant 0 : i32
      %dma_wait3A_109 = arith.constant 0 : i32
      %dma_wait3A_110 = tpu.memref_slice %arg2[%dma_wait3A_108, %dma_wait3A_109] : memref<10240x128xf32, #tpu.memory_space<hbm>> -> memref<10240x128xf32, #tpu.memory_space<hbm>>
      tpu.wait_indirect_dma semaphore(%arg17 : memref<!tpu.dma_semaphore, #tpu.memory_space<semaphore_mem>>) src(%dma_wait3A_110 : memref<10240x128xf32, #tpu.memory_space<hbm>>) dst(%arg12 : memref<80x128xf32, #tpu.memory_space<vmem>>)
      %dma_wait3A_111 = arith.constant 0 : i32
      %dma_wait3A_112 = tpu.memref_slice %arg7[%add3A_51, %dma_wait3A_111] : memref<128x80xi32, #tpu.memory_space<vmem>> -> memref<1x80xi32, #tpu.memory_space<vmem>>
      %dma_wait3A_113 = tpu.memref_squeeze %dma_wait3A_112 : memref<1x80xi32, #tpu.memory_space<vmem>> -> memref<80xi32, #tpu.memory_space<vmem>>
      %dma_wait3A_114 = arith.constant 0 : i32
      %dma_wait3A_115 = arith.constant 0 : i32
      %dma_wait3A_116 = tpu.memref_slice %arg2[%dma_wait3A_114, %dma_wait3A_115] : memref<10240x128xf32, #tpu.memory_space<hbm>> -> memref<10240x128xf32, #tpu.memory_space<hbm>>
      tpu.wait_indirect_dma semaphore(%arg17 : memref<!tpu.dma_semaphore, #tpu.memory_space<semaphore_mem>>) src(%dma_wait3A_116 : memref<10240x128xf32, #tpu.memory_space<hbm>>) dst(%arg13 : memref<80x128xf32, #tpu.memory_space<vmem>>)
      %dma_wait3A_117 = arith.constant 0 : i32
      %dma_wait3A_118 = tpu.memref_slice %arg7[%add3A_61, %dma_wait3A_117] : memref<128x80xi32, #tpu.memory_space<vmem>> -> memref<1x80xi32, #tpu.memory_space<vmem>>
      %dma_wait3A_119 = tpu.memref_squeeze %dma_wait3A_118 : memref<1x80xi32, #tpu.memory_space<vmem>> -> memref<80xi32, #tpu.memory_space<vmem>>
      %dma_wait3A_120 = arith.constant 0 : i32
      %dma_wait3A_121 = arith.constant 0 : i32
      %dma_wait3A_122 = tpu.memref_slice %arg2[%dma_wait3A_120, %dma_wait3A_121] : memref<10240x128xf32, #tpu.memory_space<hbm>> -> memref<10240x128xf32, #tpu.memory_space<hbm>>
      tpu.wait_indirect_dma semaphore(%arg17 : memref<!tpu.dma_semaphore, #tpu.memory_space<semaphore_mem>>) src(%dma_wait3A_122 : memref<10240x128xf32, #tpu.memory_space<hbm>>) dst(%arg14 : memref<80x128xf32, #tpu.memory_space<vmem>>)
      %dma_wait3A_123 = arith.constant 0 : i32
      %dma_wait3A_124 = tpu.memref_slice %arg7[%add3A_71, %dma_wait3A_123] : memref<128x80xi32, #tpu.memory_space<vmem>> -> memref<1x80xi32, #tpu.memory_space<vmem>>
      %dma_wait3A_125 = tpu.memref_squeeze %dma_wait3A_124 : memref<1x80xi32, #tpu.memory_space<vmem>> -> memref<80xi32, #tpu.memory_space<vmem>>
      %dma_wait3A_126 = arith.constant 0 : i32
      %dma_wait3A_127 = arith.constant 0 : i32
      %dma_wait3A_128 = tpu.memref_slice %arg2[%dma_wait3A_126, %dma_wait3A_127] : memref<10240x128xf32, #tpu.memory_space<hbm>> -> memref<10240x128xf32, #tpu.memory_space<hbm>>
      tpu.wait_indirect_dma semaphore(%arg17 : memref<!tpu.dma_semaphore, #tpu.memory_space<semaphore_mem>>) src(%dma_wait3A_128 : memref<10240x128xf32, #tpu.memory_space<hbm>>) dst(%arg15 : memref<80x128xf32, #tpu.memory_space<vmem>>)
      %dma_wait3A_129 = arith.constant 0 : i32
      %dma_wait3A_130 = tpu.memref_slice %arg7[%add3A_81, %dma_wait3A_129] : memref<128x80xi32, #tpu.memory_space<vmem>> -> memref<1x80xi32, #tpu.memory_space<vmem>>
      %dma_wait3A_131 = tpu.memref_squeeze %dma_wait3A_130 : memref<1x80xi32, #tpu.memory_space<vmem>> -> memref<80xi32, #tpu.memory_space<vmem>>
      %dma_wait3A_132 = arith.constant 0 : i32
      %dma_wait3A_133 = arith.constant 0 : i32
      %dma_wait3A_134 = tpu.memref_slice %arg2[%dma_wait3A_132, %dma_wait3A_133] : memref<10240x128xf32, #tpu.memory_space<hbm>> -> memref<10240x128xf32, #tpu.memory_space<hbm>>
      tpu.wait_indirect_dma semaphore(%arg17 : memref<!tpu.dma_semaphore, #tpu.memory_space<semaphore_mem>>) src(%dma_wait3A_134 : memref<10240x128xf32, #tpu.memory_space<hbm>>) dst(%arg16 : memref<80x128xf32, #tpu.memory_space<vmem>>)
      %mul3A_135 = arith.constant 8 : i32
      %mul3A_136 = arith.muli %scan3A_8, %mul3A_135 : i32
      %add3A_137 = arith.constant 0 : i32
      %add3A_138 = arith.addi %mul3A_136, %add3A_137 : i32
      %dma_start3A_139 = arith.constant 0 : i32
      %dma_start3A_140 = tpu.memref_slice %arg8[%add3A_138, %dma_start3A_139] : memref<128x80xi32, #tpu.memory_space<vmem>> -> memref<1x80xi32, #tpu.memory_space<vmem>>
      %dma_start3A_141 = tpu.memref_squeeze %dma_start3A_140 : memref<1x80xi32, #tpu.memory_space<vmem>> -> memref<80xi32, #tpu.memory_space<vmem>>
      %dma_start3A_142 = arith.constant 0 : i32
      %dma_start3A_143 = arith.constant 0 : i32
      %dma_start3A_144 = tpu.memref_slice %arg3[%dma_start3A_142, %dma_start3A_143] : memref<327680x128xf32, #tpu.memory_space<hbm>> -> memref<327680x128xf32, #tpu.memory_space<hbm>>
      tpu.enqueue_indirect_dma source(%dma_start3A_144 : memref<327680x128xf32, #tpu.memory_space<hbm>>) target(%arg9 : memref<80x128xf32, #tpu.memory_space<vmem>>) offsets(%dma_start3A_141 : memref<80xi32, #tpu.memory_space<vmem>>) semaphore(%arg17 : memref<!tpu.dma_semaphore, #tpu.memory_space<semaphore_mem>>) {add = true}
      %mul3A_145 = arith.constant 8 : i32
      %mul3A_146 = arith.muli %scan3A_8, %mul3A_145 : i32
      %add3A_147 = arith.constant 1 : i32
      %add3A_148 = arith.addi %mul3A_146, %add3A_147 : i32
      %dma_start3A_149 = arith.constant 0 : i32
      %dma_start3A_150 = tpu.memref_slice %arg8[%add3A_148, %dma_start3A_149] : memref<128x80xi32, #tpu.memory_space<vmem>> -> memref<1x80xi32, #tpu.memory_space<vmem>>
      %dma_start3A_151 = tpu.memref_squeeze %dma_start3A_150 : memref<1x80xi32, #tpu.memory_space<vmem>> -> memref<80xi32, #tpu.memory_space<vmem>>
      %dma_start3A_152 = arith.constant 0 : i32
      %dma_start3A_153 = arith.constant 0 : i32
      %dma_start3A_154 = tpu.memref_slice %arg3[%dma_start3A_152, %dma_start3A_153] : memref<327680x128xf32, #tpu.memory_space<hbm>> -> memref<327680x128xf32, #tpu.memory_space<hbm>>
      tpu.enqueue_indirect_dma source(%dma_start3A_154 : memref<327680x128xf32, #tpu.memory_space<hbm>>) target(%arg10 : memref<80x128xf32, #tpu.memory_space<vmem>>) offsets(%dma_start3A_151 : memref<80xi32, #tpu.memory_space<vmem>>) semaphore(%arg17 : memref<!tpu.dma_semaphore, #tpu.memory_space<semaphore_mem>>) {add = true}
      %mul3A_155 = arith.constant 8 : i32
      %mul3A_156 = arith.muli %scan3A_8, %mul3A_155 : i32
      %add3A_157 = arith.constant 2 : i32
      %add3A_158 = arith.addi %mul3A_156, %add3A_157 : i32
      %dma_start3A_159 = arith.constant 0 : i32
      %dma_start3A_160 = tpu.memref_slice %arg8[%add3A_158, %dma_start3A_159] : memref<128x80xi32, #tpu.memory_space<vmem>> -> memref<1x80xi32, #tpu.memory_space<vmem>>
      %dma_start3A_161 = tpu.memref_squeeze %dma_start3A_160 : memref<1x80xi32, #tpu.memory_space<vmem>> -> memref<80xi32, #tpu.memory_space<vmem>>
      %dma_start3A_162 = arith.constant 0 : i32
      %dma_start3A_163 = arith.constant 0 : i32
      %dma_start3A_164 = tpu.memref_slice %arg3[%dma_start3A_162, %dma_start3A_163] : memref<327680x128xf32, #tpu.memory_space<hbm>> -> memref<327680x128xf32, #tpu.memory_space<hbm>>
      tpu.enqueue_indirect_dma source(%dma_start3A_164 : memref<327680x128xf32, #tpu.memory_space<hbm>>) target(%arg11 : memref<80x128xf32, #tpu.memory_space<vmem>>) offsets(%dma_start3A_161 : memref<80xi32, #tpu.memory_space<vmem>>) semaphore(%arg17 : memref<!tpu.dma_semaphore, #tpu.memory_space<semaphore_mem>>) {add = true}
      %mul3A_165 = arith.constant 8 : i32
      %mul3A_166 = arith.muli %scan3A_8, %mul3A_165 : i32
      %add3A_167 = arith.constant 3 : i32
      %add3A_168 = arith.addi %mul3A_166, %add3A_167 : i32
      %dma_start3A_169 = arith.constant 0 : i32
      %dma_start3A_170 = tpu.memref_slice %arg8[%add3A_168, %dma_start3A_169] : memref<128x80xi32, #tpu.memory_space<vmem>> -> memref<1x80xi32, #tpu.memory_space<vmem>>
      %dma_start3A_171 = tpu.memref_squeeze %dma_start3A_170 : memref<1x80xi32, #tpu.memory_space<vmem>> -> memref<80xi32, #tpu.memory_space<vmem>>
      %dma_start3A_172 = arith.constant 0 : i32
      %dma_start3A_173 = arith.constant 0 : i32
      %dma_start3A_174 = tpu.memref_slice %arg3[%dma_start3A_172, %dma_start3A_173] : memref<327680x128xf32, #tpu.memory_space<hbm>> -> memref<327680x128xf32, #tpu.memory_space<hbm>>
      tpu.enqueue_indirect_dma source(%dma_start3A_174 : memref<327680x128xf32, #tpu.memory_space<hbm>>) target(%arg12 : memref<80x128xf32, #tpu.memory_space<vmem>>) offsets(%dma_start3A_171 : memref<80xi32, #tpu.memory_space<vmem>>) semaphore(%arg17 : memref<!tpu.dma_semaphore, #tpu.memory_space<semaphore_mem>>) {add = true}
      %mul3A_175 = arith.constant 8 : i32
      %mul3A_176 = arith.muli %scan3A_8, %mul3A_175 : i32
      %add3A_177 = arith.constant 4 : i32
      %add3A_178 = arith.addi %mul3A_176, %add3A_177 : i32
      %dma_start3A_179 = arith.constant 0 : i32
      %dma_start3A_180 = tpu.memref_slice %arg8[%add3A_178, %dma_start3A_179] : memref<128x80xi32, #tpu.memory_space<vmem>> -> memref<1x80xi32, #tpu.memory_space<vmem>>
      %dma_start3A_181 = tpu.memref_squeeze %dma_start3A_180 : memref<1x80xi32, #tpu.memory_space<vmem>> -> memref<80xi32, #tpu.memory_space<vmem>>
      %dma_start3A_182 = arith.constant 0 : i32
      %dma_start3A_183 = arith.constant 0 : i32
      %dma_start3A_184 = tpu.memref_slice %arg3[%dma_start3A_182, %dma_start3A_183] : memref<327680x128xf32, #tpu.memory_space<hbm>> -> memref<327680x128xf32, #tpu.memory_space<hbm>>
      tpu.enqueue_indirect_dma source(%dma_start3A_184 : memref<327680x128xf32, #tpu.memory_space<hbm>>) target(%arg13 : memref<80x128xf32, #tpu.memory_space<vmem>>) offsets(%dma_start3A_181 : memref<80xi32, #tpu.memory_space<vmem>>) semaphore(%arg17 : memref<!tpu.dma_semaphore, #tpu.memory_space<semaphore_mem>>) {add = true}
      %mul3A_185 = arith.constant 8 : i32
      %mul3A_186 = arith.muli %scan3A_8, %mul3A_185 : i32
      %add3A_187 = arith.constant 5 : i32
      %add3A_188 = arith.addi %mul3A_186, %add3A_187 : i32
      %dma_start3A_189 = arith.constant 0 : i32
      %dma_start3A_190 = tpu.memref_slice %arg8[%add3A_188, %dma_start3A_189] : memref<128x80xi32, #tpu.memory_space<vmem>> -> memref<1x80xi32, #tpu.memory_space<vmem>>
      %dma_start3A_191 = tpu.memref_squeeze %dma_start3A_190 : memref<1x80xi32, #tpu.memory_space<vmem>> -> memref<80xi32, #tpu.memory_space<vmem>>
      %dma_start3A_192 = arith.constant 0 : i32
      %dma_start3A_193 = arith.constant 0 : i32
      %dma_start3A_194 = tpu.memref_slice %arg3[%dma_start3A_192, %dma_start3A_193] : memref<327680x128xf32, #tpu.memory_space<hbm>> -> memref<327680x128xf32, #tpu.memory_space<hbm>>
      tpu.enqueue_indirect_dma source(%dma_start3A_194 : memref<327680x128xf32, #tpu.memory_space<hbm>>) target(%arg14 : memref<80x128xf32, #tpu.memory_space<vmem>>) offsets(%dma_start3A_191 : memref<80xi32, #tpu.memory_space<vmem>>) semaphore(%arg17 : memref<!tpu.dma_semaphore, #tpu.memory_space<semaphore_mem>>) {add = true}
      %mul3A_195 = arith.constant 8 : i32
      %mul3A_196 = arith.muli %scan3A_8, %mul3A_195 : i32
      %add3A_197 = arith.constant 6 : i32
      %add3A_198 = arith.addi %mul3A_196, %add3A_197 : i32
      %dma_start3A_199 = arith.constant 0 : i32
      %dma_start3A_200 = tpu.memref_slice %arg8[%add3A_198, %dma_start3A_199] : memref<128x80xi32, #tpu.memory_space<vmem>> -> memref<1x80xi32, #tpu.memory_space<vmem>>
      %dma_start3A_201 = tpu.memref_squeeze %dma_start3A_200 : memref<1x80xi32, #tpu.memory_space<vmem>> -> memref<80xi32, #tpu.memory_space<vmem>>
      %dma_start3A_202 = arith.constant 0 : i32
      %dma_start3A_203 = arith.constant 0 : i32
      %dma_start3A_204 = tpu.memref_slice %arg3[%dma_start3A_202, %dma_start3A_203] : memref<327680x128xf32, #tpu.memory_space<hbm>> -> memref<327680x128xf32, #tpu.memory_space<hbm>>
      tpu.enqueue_indirect_dma source(%dma_start3A_204 : memref<327680x128xf32, #tpu.memory_space<hbm>>) target(%arg15 : memref<80x128xf32, #tpu.memory_space<vmem>>) offsets(%dma_start3A_201 : memref<80xi32, #tpu.memory_space<vmem>>) semaphore(%arg17 : memref<!tpu.dma_semaphore, #tpu.memory_space<semaphore_mem>>) {add = true}
      %mul3A_205 = arith.constant 8 : i32
      %mul3A_206 = arith.muli %scan3A_8, %mul3A_205 : i32
      %add3A_207 = arith.constant 7 : i32
      %add3A_208 = arith.addi %mul3A_206, %add3A_207 : i32
      %dma_start3A_209 = arith.constant 0 : i32
      %dma_start3A_210 = tpu.memref_slice %arg8[%add3A_208, %dma_start3A_209] : memref<128x80xi32, #tpu.memory_space<vmem>> -> memref<1x80xi32, #tpu.memory_space<vmem>>
      %dma_start3A_211 = tpu.memref_squeeze %dma_start3A_210 : memref<1x80xi32, #tpu.memory_space<vmem>> -> memref<80xi32, #tpu.memory_space<vmem>>
      %dma_start3A_212 = arith.constant 0 : i32
      %dma_start3A_213 = arith.constant 0 : i32
      %dma_start3A_214 = tpu.memref_slice %arg3[%dma_start3A_212, %dma_start3A_213] : memref<327680x128xf32, #tpu.memory_space<hbm>> -> memref<327680x128xf32, #tpu.memory_space<hbm>>
      tpu.enqueue_indirect_dma source(%dma_start3A_214 : memref<327680x128xf32, #tpu.memory_space<hbm>>) target(%arg16 : memref<80x128xf32, #tpu.memory_space<vmem>>) offsets(%dma_start3A_211 : memref<80xi32, #tpu.memory_space<vmem>>) semaphore(%arg17 : memref<!tpu.dma_semaphore, #tpu.memory_space<semaphore_mem>>) {add = true}
      %dma_wait3A_215 = arith.constant 0 : i32
      %dma_wait3A_216 = tpu.memref_slice %arg8[%add3A_138, %dma_wait3A_215] : memref<128x80xi32, #tpu.memory_space<vmem>> -> memref<1x80xi32, #tpu.memory_space<vmem>>
      %dma_wait3A_217 = tpu.memref_squeeze %dma_wait3A_216 : memref<1x80xi32, #tpu.memory_space<vmem>> -> memref<80xi32, #tpu.memory_space<vmem>>
      %dma_wait3A_218 = arith.constant 0 : i32
      %dma_wait3A_219 = arith.constant 0 : i32
      %dma_wait3A_220 = tpu.memref_slice %arg3[%dma_wait3A_218, %dma_wait3A_219] : memref<327680x128xf32, #tpu.memory_space<hbm>> -> memref<327680x128xf32, #tpu.memory_space<hbm>>
      tpu.wait_indirect_dma semaphore(%arg17 : memref<!tpu.dma_semaphore, #tpu.memory_space<semaphore_mem>>) src(%dma_wait3A_220 : memref<327680x128xf32, #tpu.memory_space<hbm>>) dst(%arg9 : memref<80x128xf32, #tpu.memory_space<vmem>>)
      %dma_wait3A_221 = arith.constant 0 : i32
      %dma_wait3A_222 = tpu.memref_slice %arg8[%add3A_148, %dma_wait3A_221] : memref<128x80xi32, #tpu.memory_space<vmem>> -> memref<1x80xi32, #tpu.memory_space<vmem>>
      %dma_wait3A_223 = tpu.memref_squeeze %dma_wait3A_222 : memref<1x80xi32, #tpu.memory_space<vmem>> -> memref<80xi32, #tpu.memory_space<vmem>>
      %dma_wait3A_224 = arith.constant 0 : i32
      %dma_wait3A_225 = arith.constant 0 : i32
      %dma_wait3A_226 = tpu.memref_slice %arg3[%dma_wait3A_224, %dma_wait3A_225] : memref<327680x128xf32, #tpu.memory_space<hbm>> -> memref<327680x128xf32, #tpu.memory_space<hbm>>
      tpu.wait_indirect_dma semaphore(%arg17 : memref<!tpu.dma_semaphore, #tpu.memory_space<semaphore_mem>>) src(%dma_wait3A_226 : memref<327680x128xf32, #tpu.memory_space<hbm>>) dst(%arg10 : memref<80x128xf32, #tpu.memory_space<vmem>>)
      %dma_wait3A_227 = arith.constant 0 : i32
      %dma_wait3A_228 = tpu.memref_slice %arg8[%add3A_158, %dma_wait3A_227] : memref<128x80xi32, #tpu.memory_space<vmem>> -> memref<1x80xi32, #tpu.memory_space<vmem>>
      %dma_wait3A_229 = tpu.memref_squeeze %dma_wait3A_228 : memref<1x80xi32, #tpu.memory_space<vmem>> -> memref<80xi32, #tpu.memory_space<vmem>>
      %dma_wait3A_230 = arith.constant 0 : i32
      %dma_wait3A_231 = arith.constant 0 : i32
      %dma_wait3A_232 = tpu.memref_slice %arg3[%dma_wait3A_230, %dma_wait3A_231] : memref<327680x128xf32, #tpu.memory_space<hbm>> -> memref<327680x128xf32, #tpu.memory_space<hbm>>
      tpu.wait_indirect_dma semaphore(%arg17 : memref<!tpu.dma_semaphore, #tpu.memory_space<semaphore_mem>>) src(%dma_wait3A_232 : memref<327680x128xf32, #tpu.memory_space<hbm>>) dst(%arg11 : memref<80x128xf32, #tpu.memory_space<vmem>>)
      %dma_wait3A_233 = arith.constant 0 : i32
      %dma_wait3A_234 = tpu.memref_slice %arg8[%add3A_168, %dma_wait3A_233] : memref<128x80xi32, #tpu.memory_space<vmem>> -> memref<1x80xi32, #tpu.memory_space<vmem>>
      %dma_wait3A_235 = tpu.memref_squeeze %dma_wait3A_234 : memref<1x80xi32, #tpu.memory_space<vmem>> -> memref<80xi32, #tpu.memory_space<vmem>>
      %dma_wait3A_236 = arith.constant 0 : i32
      %dma_wait3A_237 = arith.constant 0 : i32
      %dma_wait3A_238 = tpu.memref_slice %arg3[%dma_wait3A_236, %dma_wait3A_237] : memref<327680x128xf32, #tpu.memory_space<hbm>> -> memref<327680x128xf32, #tpu.memory_space<hbm>>
      tpu.wait_indirect_dma semaphore(%arg17 : memref<!tpu.dma_semaphore, #tpu.memory_space<semaphore_mem>>) src(%dma_wait3A_238 : memref<327680x128xf32, #tpu.memory_space<hbm>>) dst(%arg12 : memref<80x128xf32, #tpu.memory_space<vmem>>)
      %dma_wait3A_239 = arith.constant 0 : i32
      %dma_wait3A_240 = tpu.memref_slice %arg8[%add3A_178, %dma_wait3A_239] : memref<128x80xi32, #tpu.memory_space<vmem>> -> memref<1x80xi32, #tpu.memory_space<vmem>>
      %dma_wait3A_241 = tpu.memref_squeeze %dma_wait3A_240 : memref<1x80xi32, #tpu.memory_space<vmem>> -> memref<80xi32, #tpu.memory_space<vmem>>
      %dma_wait3A_242 = arith.constant 0 : i32
      %dma_wait3A_243 = arith.constant 0 : i32
      %dma_wait3A_244 = tpu.memref_slice %arg3[%dma_wait3A_242, %dma_wait3A_243] : memref<327680x128xf32, #tpu.memory_space<hbm>> -> memref<327680x128xf32, #tpu.memory_space<hbm>>
      tpu.wait_indirect_dma semaphore(%arg17 : memref<!tpu.dma_semaphore, #tpu.memory_space<semaphore_mem>>) src(%dma_wait3A_244 : memref<327680x128xf32, #tpu.memory_space<hbm>>) dst(%arg13 : memref<80x128xf32, #tpu.memory_space<vmem>>)
      %dma_wait3A_245 = arith.constant 0 : i32
      %dma_wait3A_246 = tpu.memref_slice %arg8[%add3A_188, %dma_wait3A_245] : memref<128x80xi32, #tpu.memory_space<vmem>> -> memref<1x80xi32, #tpu.memory_space<vmem>>
      %dma_wait3A_247 = tpu.memref_squeeze %dma_wait3A_246 : memref<1x80xi32, #tpu.memory_space<vmem>> -> memref<80xi32, #tpu.memory_space<vmem>>
      %dma_wait3A_248 = arith.constant 0 : i32
      %dma_wait3A_249 = arith.constant 0 : i32
      %dma_wait3A_250 = tpu.memref_slice %arg3[%dma_wait3A_248, %dma_wait3A_249] : memref<327680x128xf32, #tpu.memory_space<hbm>> -> memref<327680x128xf32, #tpu.memory_space<hbm>>
      tpu.wait_indirect_dma semaphore(%arg17 : memref<!tpu.dma_semaphore, #tpu.memory_space<semaphore_mem>>) src(%dma_wait3A_250 : memref<327680x128xf32, #tpu.memory_space<hbm>>) dst(%arg14 : memref<80x128xf32, #tpu.memory_space<vmem>>)
      %dma_wait3A_251 = arith.constant 0 : i32
      %dma_wait3A_252 = tpu.memref_slice %arg8[%add3A_198, %dma_wait3A_251] : memref<128x80xi32, #tpu.memory_space<vmem>> -> memref<1x80xi32, #tpu.memory_space<vmem>>
      %dma_wait3A_253 = tpu.memref_squeeze %dma_wait3A_252 : memref<1x80xi32, #tpu.memory_space<vmem>> -> memref<80xi32, #tpu.memory_space<vmem>>
      %dma_wait3A_254 = arith.constant 0 : i32
      %dma_wait3A_255 = arith.constant 0 : i32
      %dma_wait3A_256 = tpu.memref_slice %arg3[%dma_wait3A_254, %dma_wait3A_255] : memref<327680x128xf32, #tpu.memory_space<hbm>> -> memref<327680x128xf32, #tpu.memory_space<hbm>>
      tpu.wait_indirect_dma semaphore(%arg17 : memref<!tpu.dma_semaphore, #tpu.memory_space<semaphore_mem>>) src(%dma_wait3A_256 : memref<327680x128xf32, #tpu.memory_space<hbm>>) dst(%arg15 : memref<80x128xf32, #tpu.memory_space<vmem>>)
      %dma_wait3A_257 = arith.constant 0 : i32
      %dma_wait3A_258 = tpu.memref_slice %arg8[%add3A_208, %dma_wait3A_257] : memref<128x80xi32, #tpu.memory_space<vmem>> -> memref<1x80xi32, #tpu.memory_space<vmem>>
      %dma_wait3A_259 = tpu.memref_squeeze %dma_wait3A_258 : memref<1x80xi32, #tpu.memory_space<vmem>> -> memref<80xi32, #tpu.memory_space<vmem>>
      %dma_wait3A_260 = arith.constant 0 : i32
      %dma_wait3A_261 = arith.constant 0 : i32
      %dma_wait3A_262 = tpu.memref_slice %arg3[%dma_wait3A_260, %dma_wait3A_261] : memref<327680x128xf32, #tpu.memory_space<hbm>> -> memref<327680x128xf32, #tpu.memory_space<hbm>>
      tpu.wait_indirect_dma semaphore(%arg17 : memref<!tpu.dma_semaphore, #tpu.memory_space<semaphore_mem>>) src(%dma_wait3A_262 : memref<327680x128xf32, #tpu.memory_space<hbm>>) dst(%arg16 : memref<80x128xf32, #tpu.memory_space<vmem>>)
      %mul3A_263 = arith.constant 8 : i32
      %mul3A_264 = arith.muli %scan3A_8, %mul3A_263 : i32
      %add3A_265 = arith.addi %mul3A_2, %mul3A_264 : i32
      %mul3A_266 = arith.constant 80 : i32
      %mul3A_267 = arith.muli %add3A_265, %mul3A_266 : i32
      %add3A_268 = arith.constant 0 : i32
      %add3A_269 = arith.addi %mul3A_267, %add3A_268 : i32
      %dma_start3A_270 = arith.constant 0 : i32
      %dma_start3A_271 = tpu.memref_slice %arg6[%add3A_269, %dma_start3A_270] : memref<327680x128xf32, #tpu.memory_space<hbm>> -> memref<80x128xf32, #tpu.memory_space<hbm>>
      %dma_start3A_272 = arith.constant 0 : i32
      %dma_start3A_273 = tpu.memref_slice %arg6[%add3A_269, %dma_start3A_272] : memref<327680x128xf32, #tpu.memory_space<hbm>> -> memref<80x128xf32, #tpu.memory_space<hbm>>
      tpu.enqueue_dma source(%arg9 : memref<80x128xf32, #tpu.memory_space<vmem>>) target(%dma_start3A_273 : memref<80x128xf32, #tpu.memory_space<hbm>>) target_semaphore(%arg17 : memref<!tpu.dma_semaphore, #tpu.memory_space<semaphore_mem>>)
      %add3A_274 = arith.constant 80 : i32
      %add3A_275 = arith.addi %mul3A_267, %add3A_274 : i32
      %dma_start3A_276 = arith.constant 0 : i32
      %dma_start3A_277 = tpu.memref_slice %arg6[%add3A_275, %dma_start3A_276] : memref<327680x128xf32, #tpu.memory_space<hbm>> -> memref<80x128xf32, #tpu.memory_space<hbm>>
      %dma_start3A_278 = arith.constant 0 : i32
      %dma_start3A_279 = tpu.memref_slice %arg6[%add3A_275, %dma_start3A_278] : memref<327680x128xf32, #tpu.memory_space<hbm>> -> memref<80x128xf32, #tpu.memory_space<hbm>>
      tpu.enqueue_dma source(%arg10 : memref<80x128xf32, #tpu.memory_space<vmem>>) target(%dma_start3A_279 : memref<80x128xf32, #tpu.memory_space<hbm>>) target_semaphore(%arg17 : memref<!tpu.dma_semaphore, #tpu.memory_space<semaphore_mem>>)
      %add3A_280 = arith.constant 160 : i32
      %add3A_281 = arith.addi %mul3A_267, %add3A_280 : i32
      %dma_start3A_282 = arith.constant 0 : i32
      %dma_start3A_283 = tpu.memref_slice %arg6[%add3A_281, %dma_start3A_282] : memref<327680x128xf32, #tpu.memory_space<hbm>> -> memref<80x128xf32, #tpu.memory_space<hbm>>
      %dma_start3A_284 = arith.constant 0 : i32
      %dma_start3A_285 = tpu.memref_slice %arg6[%add3A_281, %dma_start3A_284] : memref<327680x128xf32, #tpu.memory_space<hbm>> -> memref<80x128xf32, #tpu.memory_space<hbm>>
      tpu.enqueue_dma source(%arg11 : memref<80x128xf32, #tpu.memory_space<vmem>>) target(%dma_start3A_285 : memref<80x128xf32, #tpu.memory_space<hbm>>) target_semaphore(%arg17 : memref<!tpu.dma_semaphore, #tpu.memory_space<semaphore_mem>>)
      %add3A_286 = arith.constant 240 : i32
      %add3A_287 = arith.addi %mul3A_267, %add3A_286 : i32
      %dma_start3A_288 = arith.constant 0 : i32
      %dma_start3A_289 = tpu.memref_slice %arg6[%add3A_287, %dma_start3A_288] : memref<327680x128xf32, #tpu.memory_space<hbm>> -> memref<80x128xf32, #tpu.memory_space<hbm>>
      %dma_start3A_290 = arith.constant 0 : i32
      %dma_start3A_291 = tpu.memref_slice %arg6[%add3A_287, %dma_start3A_290] : memref<327680x128xf32, #tpu.memory_space<hbm>> -> memref<80x128xf32, #tpu.memory_space<hbm>>
      tpu.enqueue_dma source(%arg12 : memref<80x128xf32, #tpu.memory_space<vmem>>) target(%dma_start3A_291 : memref<80x128xf32, #tpu.memory_space<hbm>>) target_semaphore(%arg17 : memref<!tpu.dma_semaphore, #tpu.memory_space<semaphore_mem>>)
      %add3A_292 = arith.constant 320 : i32
      %add3A_293 = arith.addi %mul3A_267, %add3A_292 : i32
      %dma_start3A_294 = arith.constant 0 : i32
      %dma_start3A_295 = tpu.memref_slice %arg6[%add3A_293, %dma_start3A_294] : memref<327680x128xf32, #tpu.memory_space<hbm>> -> memref<80x128xf32, #tpu.memory_space<hbm>>
      %dma_start3A_296 = arith.constant 0 : i32
      %dma_start3A_297 = tpu.memref_slice %arg6[%add3A_293, %dma_start3A_296] : memref<327680x128xf32, #tpu.memory_space<hbm>> -> memref<80x128xf32, #tpu.memory_space<hbm>>
      tpu.enqueue_dma source(%arg13 : memref<80x128xf32, #tpu.memory_space<vmem>>) target(%dma_start3A_297 : memref<80x128xf32, #tpu.memory_space<hbm>>) target_semaphore(%arg17 : memref<!tpu.dma_semaphore, #tpu.memory_space<semaphore_mem>>)
      %add3A_298 = arith.constant 400 : i32
      %add3A_299 = arith.addi %mul3A_267, %add3A_298 : i32
      %dma_start3A_300 = arith.constant 0 : i32
      %dma_start3A_301 = tpu.memref_slice %arg6[%add3A_299, %dma_start3A_300] : memref<327680x128xf32, #tpu.memory_space<hbm>> -> memref<80x128xf32, #tpu.memory_space<hbm>>
      %dma_start3A_302 = arith.constant 0 : i32
      %dma_start3A_303 = tpu.memref_slice %arg6[%add3A_299, %dma_start3A_302] : memref<327680x128xf32, #tpu.memory_space<hbm>> -> memref<80x128xf32, #tpu.memory_space<hbm>>
      tpu.enqueue_dma source(%arg14 : memref<80x128xf32, #tpu.memory_space<vmem>>) target(%dma_start3A_303 : memref<80x128xf32, #tpu.memory_space<hbm>>) target_semaphore(%arg17 : memref<!tpu.dma_semaphore, #tpu.memory_space<semaphore_mem>>)
      %add3A_304 = arith.constant 480 : i32
      %add3A_305 = arith.addi %mul3A_267, %add3A_304 : i32
      %dma_start3A_306 = arith.constant 0 : i32
      %dma_start3A_307 = tpu.memref_slice %arg6[%add3A_305, %dma_start3A_306] : memref<327680x128xf32, #tpu.memory_space<hbm>> -> memref<80x128xf32, #tpu.memory_space<hbm>>
      %dma_start3A_308 = arith.constant 0 : i32
      %dma_start3A_309 = tpu.memref_slice %arg6[%add3A_305, %dma_start3A_308] : memref<327680x128xf32, #tpu.memory_space<hbm>> -> memref<80x128xf32, #tpu.memory_space<hbm>>
      tpu.enqueue_dma source(%arg15 : memref<80x128xf32, #tpu.memory_space<vmem>>) target(%dma_start3A_309 : memref<80x128xf32, #tpu.memory_space<hbm>>) target_semaphore(%arg17 : memref<!tpu.dma_semaphore, #tpu.memory_space<semaphore_mem>>)
      %add3A_310 = arith.constant 560 : i32
      %add3A_311 = arith.addi %mul3A_267, %add3A_310 : i32
      %dma_start3A_312 = arith.constant 0 : i32
      %dma_start3A_313 = tpu.memref_slice %arg6[%add3A_311, %dma_start3A_312] : memref<327680x128xf32, #tpu.memory_space<hbm>> -> memref<80x128xf32, #tpu.memory_space<hbm>>
      %dma_start3A_314 = arith.constant 0 : i32
      %dma_start3A_315 = tpu.memref_slice %arg6[%add3A_311, %dma_start3A_314] : memref<327680x128xf32, #tpu.memory_space<hbm>> -> memref<80x128xf32, #tpu.memory_space<hbm>>
      tpu.enqueue_dma source(%arg16 : memref<80x128xf32, #tpu.memory_space<vmem>>) target(%dma_start3A_315 : memref<80x128xf32, #tpu.memory_space<hbm>>) target_semaphore(%arg17 : memref<!tpu.dma_semaphore, #tpu.memory_space<semaphore_mem>>)
      %dma_wait3A_316 = arith.constant 0 : i32
      %dma_wait3A_317 = tpu.memref_slice %arg6[%add3A_269, %dma_wait3A_316] : memref<327680x128xf32, #tpu.memory_space<hbm>> -> memref<80x128xf32, #tpu.memory_space<hbm>>
      %dma_wait3A_318 = arith.constant 0 : i32
      %dma_wait3A_319 = tpu.memref_slice %arg6[%add3A_269, %dma_wait3A_318] : memref<327680x128xf32, #tpu.memory_space<hbm>> -> memref<80x128xf32, #tpu.memory_space<hbm>>
      tpu.wait_dma2 semaphore(%arg17 : memref<!tpu.dma_semaphore, #tpu.memory_space<semaphore_mem>>) src(%arg9 : memref<80x128xf32, #tpu.memory_space<vmem>>) dst(%dma_wait3A_319 : memref<80x128xf32, #tpu.memory_space<hbm>>)
      %dma_wait3A_320 = arith.constant 0 : i32
      %dma_wait3A_321 = tpu.memref_slice %arg6[%add3A_275, %dma_wait3A_320] : memref<327680x128xf32, #tpu.memory_space<hbm>> -> memref<80x128xf32, #tpu.memory_space<hbm>>
      %dma_wait3A_322 = arith.constant 0 : i32
      %dma_wait3A_323 = tpu.memref_slice %arg6[%add3A_275, %dma_wait3A_322] : memref<327680x128xf32, #tpu.memory_space<hbm>> -> memref<80x128xf32, #tpu.memory_space<hbm>>
      tpu.wait_dma2 semaphore(%arg17 : memref<!tpu.dma_semaphore, #tpu.memory_space<semaphore_mem>>) src(%arg10 : memref<80x128xf32, #tpu.memory_space<vmem>>) dst(%dma_wait3A_323 : memref<80x128xf32, #tpu.memory_space<hbm>>)
      %dma_wait3A_324 = arith.constant 0 : i32
      %dma_wait3A_325 = tpu.memref_slice %arg6[%add3A_281, %dma_wait3A_324] : memref<327680x128xf32, #tpu.memory_space<hbm>> -> memref<80x128xf32, #tpu.memory_space<hbm>>
      %dma_wait3A_326 = arith.constant 0 : i32
      %dma_wait3A_327 = tpu.memref_slice %arg6[%add3A_281, %dma_wait3A_326] : memref<327680x128xf32, #tpu.memory_space<hbm>> -> memref<80x128xf32, #tpu.memory_space<hbm>>
      tpu.wait_dma2 semaphore(%arg17 : memref<!tpu.dma_semaphore, #tpu.memory_space<semaphore_mem>>) src(%arg11 : memref<80x128xf32, #tpu.memory_space<vmem>>) dst(%dma_wait3A_327 : memref<80x128xf32, #tpu.memory_space<hbm>>)
      %dma_wait3A_328 = arith.constant 0 : i32
      %dma_wait3A_329 = tpu.memref_slice %arg6[%add3A_287, %dma_wait3A_328] : memref<327680x128xf32, #tpu.memory_space<hbm>> -> memref<80x128xf32, #tpu.memory_space<hbm>>
      %dma_wait3A_330 = arith.constant 0 : i32
      %dma_wait3A_331 = tpu.memref_slice %arg6[%add3A_287, %dma_wait3A_330] : memref<327680x128xf32, #tpu.memory_space<hbm>> -> memref<80x128xf32, #tpu.memory_space<hbm>>
      tpu.wait_dma2 semaphore(%arg17 : memref<!tpu.dma_semaphore, #tpu.memory_space<semaphore_mem>>) src(%arg12 : memref<80x128xf32, #tpu.memory_space<vmem>>) dst(%dma_wait3A_331 : memref<80x128xf32, #tpu.memory_space<hbm>>)
      %dma_wait3A_332 = arith.constant 0 : i32
      %dma_wait3A_333 = tpu.memref_slice %arg6[%add3A_293, %dma_wait3A_332] : memref<327680x128xf32, #tpu.memory_space<hbm>> -> memref<80x128xf32, #tpu.memory_space<hbm>>
      %dma_wait3A_334 = arith.constant 0 : i32
      %dma_wait3A_335 = tpu.memref_slice %arg6[%add3A_293, %dma_wait3A_334] : memref<327680x128xf32, #tpu.memory_space<hbm>> -> memref<80x128xf32, #tpu.memory_space<hbm>>
      tpu.wait_dma2 semaphore(%arg17 : memref<!tpu.dma_semaphore, #tpu.memory_space<semaphore_mem>>) src(%arg13 : memref<80x128xf32, #tpu.memory_space<vmem>>) dst(%dma_wait3A_335 : memref<80x128xf32, #tpu.memory_space<hbm>>)
      %dma_wait3A_336 = arith.constant 0 : i32
      %dma_wait3A_337 = tpu.memref_slice %arg6[%add3A_299, %dma_wait3A_336] : memref<327680x128xf32, #tpu.memory_space<hbm>> -> memref<80x128xf32, #tpu.memory_space<hbm>>
      %dma_wait3A_338 = arith.constant 0 : i32
      %dma_wait3A_339 = tpu.memref_slice %arg6[%add3A_299, %dma_wait3A_338] : memref<327680x128xf32, #tpu.memory_space<hbm>> -> memref<80x128xf32, #tpu.memory_space<hbm>>
      tpu.wait_dma2 semaphore(%arg17 : memref<!tpu.dma_semaphore, #tpu.memory_space<semaphore_mem>>) src(%arg14 : memref<80x128xf32, #tpu.memory_space<vmem>>) dst(%dma_wait3A_339 : memref<80x128xf32, #tpu.memory_space<hbm>>)
      %dma_wait3A_340 = arith.constant 0 : i32
      %dma_wait3A_341 = tpu.memref_slice %arg6[%add3A_305, %dma_wait3A_340] : memref<327680x128xf32, #tpu.memory_space<hbm>> -> memref<80x128xf32, #tpu.memory_space<hbm>>
      %dma_wait3A_342 = arith.constant 0 : i32
      %dma_wait3A_343 = tpu.memref_slice %arg6[%add3A_305, %dma_wait3A_342] : memref<327680x128xf32, #tpu.memory_space<hbm>> -> memref<80x128xf32, #tpu.memory_space<hbm>>
      tpu.wait_dma2 semaphore(%arg17 : memref<!tpu.dma_semaphore, #tpu.memory_space<semaphore_mem>>) src(%arg15 : memref<80x128xf32, #tpu.memory_space<vmem>>) dst(%dma_wait3A_343 : memref<80x128xf32, #tpu.memory_space<hbm>>)
      %dma_wait3A_344 = arith.constant 0 : i32
      %dma_wait3A_345 = tpu.memref_slice %arg6[%add3A_311, %dma_wait3A_344] : memref<327680x128xf32, #tpu.memory_space<hbm>> -> memref<80x128xf32, #tpu.memory_space<hbm>>
      %dma_wait3A_346 = arith.constant 0 : i32
      %dma_wait3A_347 = tpu.memref_slice %arg6[%add3A_311, %dma_wait3A_346] : memref<327680x128xf32, #tpu.memory_space<hbm>> -> memref<80x128xf32, #tpu.memory_space<hbm>>
      tpu.wait_dma2 semaphore(%arg17 : memref<!tpu.dma_semaphore, #tpu.memory_space<semaphore_mem>>) src(%arg16 : memref<80x128xf32, #tpu.memory_space<vmem>>) dst(%dma_wait3A_347 : memref<80x128xf32, #tpu.memory_space<hbm>>)
    }
    %scan3A_7 = arith.constant 16 : i32
    return
  }
}

#map = affine_map<(d0, d1) -> (0, 0)>
#map1 = affine_map<(d0, d1) -> (0)>
#map2 = affine_map<(d0, d1) -> (0, 0, 0)>
module attributes {stable_mosaic.version = 14 : i64} {
  func.func @_sc_scatter_body(%arg0: i32, %arg1: i32, %arg2: memref<327680x128xf32, #tpu.memory_space<hbm>>, %arg3: memref<327680xi32, #tpu.memory_space<hbm>>, %arg4: memref<640x128xf32, #tpu.memory_space<hbm>>, %arg5: memref<2x10240x128xf32, #tpu.memory_space<hbm>>, %arg6: memref<80xi32, #tpu.memory_space<vmem>>, %arg7: memref<80xi32, #tpu.memory_space<vmem>>, %arg8: memref<80xi32, #tpu.memory_space<vmem>>, %arg9: memref<80xi32, #tpu.memory_space<vmem>>, %arg10: memref<80x128xf32, #tpu.memory_space<vmem>>, %arg11: memref<80x128xf32, #tpu.memory_space<vmem>>, %arg12: memref<80x128xf32, #tpu.memory_space<vmem>>, %arg13: memref<80x128xf32, #tpu.memory_space<vmem>>, %arg14: memref<10240x128xf32, #tpu.memory_space<vmem_shared>>, %arg15: memref<!tpu.dma_semaphore, #tpu.memory_space<semaphore_mem>>, %arg16: memref<!tpu.dma_semaphore, #tpu.memory_space<semaphore_mem>>) attributes {dimension_semantics = [#tpu.dimension_semantics<core_parallel>, #tpu.dimension_semantics<subcore_parallel>], iteration_bounds = array<i64: 2, 16>, scalar_prefetch = 0 : i64, scratch_operands = 11 : i64, tpu.core_type = #tpu.core_type<sc_vector_subcore>, window_params = [{transform_indices = #map}, {transform_indices = #map1}, {transform_indices = #map}, {transform_indices = #map2}]} {
    %mul3A = arith.constant 640 : i32
    %mul3A_0 = arith.muli %arg1, %mul3A : i32
    "tpu.region"() ({
      %run_scoped3A = tpu.sem_alloc : memref<!tpu.dma_semaphore, #tpu.memory_space<semaphore_mem>>
      %dma_start3A = arith.constant 0 : i32
      %dma_start3A_11 = tpu.memref_slice %arg14[%mul3A_0, %dma_start3A] : memref<10240x128xf32, #tpu.memory_space<vmem_shared>> -> memref<640x128xf32, #tpu.memory_space<vmem_shared>>
      %dma_start3A_12 = arith.constant 0 : i32
      %dma_start3A_13 = arith.constant 0 : i32
      %dma_start3A_14 = tpu.memref_slice %arg4[%dma_start3A_12, %dma_start3A_13] : memref<640x128xf32, #tpu.memory_space<hbm>> -> memref<640x128xf32, #tpu.memory_space<hbm>>
      tpu.enqueue_dma source(%dma_start3A_14 : memref<640x128xf32, #tpu.memory_space<hbm>>) target(%dma_start3A_11 : memref<640x128xf32, #tpu.memory_space<vmem_shared>>) target_semaphore(%run_scoped3A : memref<!tpu.dma_semaphore, #tpu.memory_space<semaphore_mem>>)
      %dma_wait3A = arith.constant 0 : i32
      %dma_wait3A_15 = tpu.memref_slice %arg14[%mul3A_0, %dma_wait3A] : memref<10240x128xf32, #tpu.memory_space<vmem_shared>> -> memref<640x128xf32, #tpu.memory_space<vmem_shared>>
      %dma_wait3A_16 = arith.constant 0 : i32
      %dma_wait3A_17 = arith.constant 0 : i32
      %dma_wait3A_18 = tpu.memref_slice %arg4[%dma_wait3A_16, %dma_wait3A_17] : memref<640x128xf32, #tpu.memory_space<hbm>> -> memref<640x128xf32, #tpu.memory_space<hbm>>
      tpu.wait_dma2 semaphore(%run_scoped3A : memref<!tpu.dma_semaphore, #tpu.memory_space<semaphore_mem>>) src(%dma_wait3A_18 : memref<640x128xf32, #tpu.memory_space<hbm>>) dst(%dma_wait3A_15 : memref<640x128xf32, #tpu.memory_space<vmem_shared>>)
      tpu.yield
    }) : () -> ()
    %barrier3A = arith.constant 0 : index
    tpu.barrier barrier_id(%barrier3A)
    %mul3A_1 = arith.constant 163840 : i32
    %mul3A_2 = arith.muli %arg0, %mul3A_1 : i32
    %mul3A_3 = arith.constant 10240 : i32
    %mul3A_4 = arith.muli %arg1, %mul3A_3 : i32
    %add3A = arith.addi %mul3A_2, %mul3A_4 : i32
    %scan3A = arith.constant 0 : i32
    %scan3A_5 = arith.constant 0 : i32
    %scan3A_6 = arith.constant 32 : i32
    %scan3A_7 = arith.addi %scan3A_5, %scan3A_6 : i32
    %scan3A_8 = arith.constant 1 : i32
    scf.for %scan3A_11 = %scan3A_5 to %scan3A_7 step %scan3A_8  : i32 {
      %mul3A_12 = arith.constant 4 : i32
      %mul3A_13 = arith.muli %scan3A_11, %mul3A_12 : i32
      %mul3A_14 = arith.constant 80 : i32
      %mul3A_15 = arith.muli %mul3A_13, %mul3A_14 : i32
      %add3A_16 = arith.addi %add3A, %mul3A_15 : i32
      %add3A_17 = arith.constant 0 : i32
      %add3A_18 = arith.addi %add3A_16, %add3A_17 : i32
      %dma_start3A = tpu.memref_slice %arg3[%add3A_18] : memref<327680xi32, #tpu.memory_space<hbm>> -> memref<80xi32, #tpu.memory_space<hbm>>
      %dma_start3A_19 = tpu.memref_slice %arg3[%add3A_18] : memref<327680xi32, #tpu.memory_space<hbm>> -> memref<80xi32, #tpu.memory_space<hbm>>
      tpu.enqueue_dma source(%dma_start3A_19 : memref<80xi32, #tpu.memory_space<hbm>>) target(%arg6 : memref<80xi32, #tpu.memory_space<vmem>>) target_semaphore(%arg16 : memref<!tpu.dma_semaphore, #tpu.memory_space<semaphore_mem>>)
      %add3A_20 = arith.constant 80 : i32
      %add3A_21 = arith.addi %add3A_16, %add3A_20 : i32
      %dma_start3A_22 = tpu.memref_slice %arg3[%add3A_21] : memref<327680xi32, #tpu.memory_space<hbm>> -> memref<80xi32, #tpu.memory_space<hbm>>
      %dma_start3A_23 = tpu.memref_slice %arg3[%add3A_21] : memref<327680xi32, #tpu.memory_space<hbm>> -> memref<80xi32, #tpu.memory_space<hbm>>
      tpu.enqueue_dma source(%dma_start3A_23 : memref<80xi32, #tpu.memory_space<hbm>>) target(%arg7 : memref<80xi32, #tpu.memory_space<vmem>>) target_semaphore(%arg16 : memref<!tpu.dma_semaphore, #tpu.memory_space<semaphore_mem>>)
      %add3A_24 = arith.constant 160 : i32
      %add3A_25 = arith.addi %add3A_16, %add3A_24 : i32
      %dma_start3A_26 = tpu.memref_slice %arg3[%add3A_25] : memref<327680xi32, #tpu.memory_space<hbm>> -> memref<80xi32, #tpu.memory_space<hbm>>
      %dma_start3A_27 = tpu.memref_slice %arg3[%add3A_25] : memref<327680xi32, #tpu.memory_space<hbm>> -> memref<80xi32, #tpu.memory_space<hbm>>
      tpu.enqueue_dma source(%dma_start3A_27 : memref<80xi32, #tpu.memory_space<hbm>>) target(%arg8 : memref<80xi32, #tpu.memory_space<vmem>>) target_semaphore(%arg16 : memref<!tpu.dma_semaphore, #tpu.memory_space<semaphore_mem>>)
      %add3A_28 = arith.constant 240 : i32
      %add3A_29 = arith.addi %add3A_16, %add3A_28 : i32
      %dma_start3A_30 = tpu.memref_slice %arg3[%add3A_29] : memref<327680xi32, #tpu.memory_space<hbm>> -> memref<80xi32, #tpu.memory_space<hbm>>
      %dma_start3A_31 = tpu.memref_slice %arg3[%add3A_29] : memref<327680xi32, #tpu.memory_space<hbm>> -> memref<80xi32, #tpu.memory_space<hbm>>
      tpu.enqueue_dma source(%dma_start3A_31 : memref<80xi32, #tpu.memory_space<hbm>>) target(%arg9 : memref<80xi32, #tpu.memory_space<vmem>>) target_semaphore(%arg16 : memref<!tpu.dma_semaphore, #tpu.memory_space<semaphore_mem>>)
      %add3A_32 = arith.constant 0 : i32
      %add3A_33 = arith.addi %add3A_16, %add3A_32 : i32
      %dma_start3A_34 = arith.constant 0 : i32
      %dma_start3A_35 = tpu.memref_slice %arg2[%add3A_33, %dma_start3A_34] : memref<327680x128xf32, #tpu.memory_space<hbm>> -> memref<80x128xf32, #tpu.memory_space<hbm>>
      %dma_start3A_36 = arith.constant 0 : i32
      %dma_start3A_37 = tpu.memref_slice %arg2[%add3A_33, %dma_start3A_36] : memref<327680x128xf32, #tpu.memory_space<hbm>> -> memref<80x128xf32, #tpu.memory_space<hbm>>
      tpu.enqueue_dma source(%dma_start3A_37 : memref<80x128xf32, #tpu.memory_space<hbm>>) target(%arg10 : memref<80x128xf32, #tpu.memory_space<vmem>>) target_semaphore(%arg15 : memref<!tpu.dma_semaphore, #tpu.memory_space<semaphore_mem>>)
      %add3A_38 = arith.constant 80 : i32
      %add3A_39 = arith.addi %add3A_16, %add3A_38 : i32
      %dma_start3A_40 = arith.constant 0 : i32
      %dma_start3A_41 = tpu.memref_slice %arg2[%add3A_39, %dma_start3A_40] : memref<327680x128xf32, #tpu.memory_space<hbm>> -> memref<80x128xf32, #tpu.memory_space<hbm>>
      %dma_start3A_42 = arith.constant 0 : i32
      %dma_start3A_43 = tpu.memref_slice %arg2[%add3A_39, %dma_start3A_42] : memref<327680x128xf32, #tpu.memory_space<hbm>> -> memref<80x128xf32, #tpu.memory_space<hbm>>
      tpu.enqueue_dma source(%dma_start3A_43 : memref<80x128xf32, #tpu.memory_space<hbm>>) target(%arg11 : memref<80x128xf32, #tpu.memory_space<vmem>>) target_semaphore(%arg15 : memref<!tpu.dma_semaphore, #tpu.memory_space<semaphore_mem>>)
      %add3A_44 = arith.constant 160 : i32
      %add3A_45 = arith.addi %add3A_16, %add3A_44 : i32
      %dma_start3A_46 = arith.constant 0 : i32
      %dma_start3A_47 = tpu.memref_slice %arg2[%add3A_45, %dma_start3A_46] : memref<327680x128xf32, #tpu.memory_space<hbm>> -> memref<80x128xf32, #tpu.memory_space<hbm>>
      %dma_start3A_48 = arith.constant 0 : i32
      %dma_start3A_49 = tpu.memref_slice %arg2[%add3A_45, %dma_start3A_48] : memref<327680x128xf32, #tpu.memory_space<hbm>> -> memref<80x128xf32, #tpu.memory_space<hbm>>
      tpu.enqueue_dma source(%dma_start3A_49 : memref<80x128xf32, #tpu.memory_space<hbm>>) target(%arg12 : memref<80x128xf32, #tpu.memory_space<vmem>>) target_semaphore(%arg15 : memref<!tpu.dma_semaphore, #tpu.memory_space<semaphore_mem>>)
      %add3A_50 = arith.constant 240 : i32
      %add3A_51 = arith.addi %add3A_16, %add3A_50 : i32
      %dma_start3A_52 = arith.constant 0 : i32
      %dma_start3A_53 = tpu.memref_slice %arg2[%add3A_51, %dma_start3A_52] : memref<327680x128xf32, #tpu.memory_space<hbm>> -> memref<80x128xf32, #tpu.memory_space<hbm>>
      %dma_start3A_54 = arith.constant 0 : i32
      %dma_start3A_55 = tpu.memref_slice %arg2[%add3A_51, %dma_start3A_54] : memref<327680x128xf32, #tpu.memory_space<hbm>> -> memref<80x128xf32, #tpu.memory_space<hbm>>
      tpu.enqueue_dma source(%dma_start3A_55 : memref<80x128xf32, #tpu.memory_space<hbm>>) target(%arg13 : memref<80x128xf32, #tpu.memory_space<vmem>>) target_semaphore(%arg15 : memref<!tpu.dma_semaphore, #tpu.memory_space<semaphore_mem>>)
      %dma_wait3A = tpu.memref_slice %arg3[%add3A_18] : memref<327680xi32, #tpu.memory_space<hbm>> -> memref<80xi32, #tpu.memory_space<hbm>>
      %dma_wait3A_56 = tpu.memref_slice %arg3[%add3A_18] : memref<327680xi32, #tpu.memory_space<hbm>> -> memref<80xi32, #tpu.memory_space<hbm>>
      tpu.wait_dma2 semaphore(%arg16 : memref<!tpu.dma_semaphore, #tpu.memory_space<semaphore_mem>>) src(%dma_wait3A_56 : memref<80xi32, #tpu.memory_space<hbm>>) dst(%arg6 : memref<80xi32, #tpu.memory_space<vmem>>)
      %dma_wait3A_57 = tpu.memref_slice %arg3[%add3A_21] : memref<327680xi32, #tpu.memory_space<hbm>> -> memref<80xi32, #tpu.memory_space<hbm>>
      %dma_wait3A_58 = tpu.memref_slice %arg3[%add3A_21] : memref<327680xi32, #tpu.memory_space<hbm>> -> memref<80xi32, #tpu.memory_space<hbm>>
      tpu.wait_dma2 semaphore(%arg16 : memref<!tpu.dma_semaphore, #tpu.memory_space<semaphore_mem>>) src(%dma_wait3A_58 : memref<80xi32, #tpu.memory_space<hbm>>) dst(%arg7 : memref<80xi32, #tpu.memory_space<vmem>>)
      %dma_wait3A_59 = tpu.memref_slice %arg3[%add3A_25] : memref<327680xi32, #tpu.memory_space<hbm>> -> memref<80xi32, #tpu.memory_space<hbm>>
      %dma_wait3A_60 = tpu.memref_slice %arg3[%add3A_25] : memref<327680xi32, #tpu.memory_space<hbm>> -> memref<80xi32, #tpu.memory_space<hbm>>
      tpu.wait_dma2 semaphore(%arg16 : memref<!tpu.dma_semaphore, #tpu.memory_space<semaphore_mem>>) src(%dma_wait3A_60 : memref<80xi32, #tpu.memory_space<hbm>>) dst(%arg8 : memref<80xi32, #tpu.memory_space<vmem>>)
      %dma_wait3A_61 = tpu.memref_slice %arg3[%add3A_29] : memref<327680xi32, #tpu.memory_space<hbm>> -> memref<80xi32, #tpu.memory_space<hbm>>
      %dma_wait3A_62 = tpu.memref_slice %arg3[%add3A_29] : memref<327680xi32, #tpu.memory_space<hbm>> -> memref<80xi32, #tpu.memory_space<hbm>>
      tpu.wait_dma2 semaphore(%arg16 : memref<!tpu.dma_semaphore, #tpu.memory_space<semaphore_mem>>) src(%dma_wait3A_62 : memref<80xi32, #tpu.memory_space<hbm>>) dst(%arg9 : memref<80xi32, #tpu.memory_space<vmem>>)
      %dma_wait3A_63 = arith.constant 0 : i32
      %dma_wait3A_64 = tpu.memref_slice %arg2[%add3A_33, %dma_wait3A_63] : memref<327680x128xf32, #tpu.memory_space<hbm>> -> memref<80x128xf32, #tpu.memory_space<hbm>>
      %dma_wait3A_65 = arith.constant 0 : i32
      %dma_wait3A_66 = tpu.memref_slice %arg2[%add3A_33, %dma_wait3A_65] : memref<327680x128xf32, #tpu.memory_space<hbm>> -> memref<80x128xf32, #tpu.memory_space<hbm>>
      tpu.wait_dma2 semaphore(%arg15 : memref<!tpu.dma_semaphore, #tpu.memory_space<semaphore_mem>>) src(%dma_wait3A_66 : memref<80x128xf32, #tpu.memory_space<hbm>>) dst(%arg10 : memref<80x128xf32, #tpu.memory_space<vmem>>)
      %dma_wait3A_67 = arith.constant 0 : i32
      %dma_wait3A_68 = tpu.memref_slice %arg2[%add3A_39, %dma_wait3A_67] : memref<327680x128xf32, #tpu.memory_space<hbm>> -> memref<80x128xf32, #tpu.memory_space<hbm>>
      %dma_wait3A_69 = arith.constant 0 : i32
      %dma_wait3A_70 = tpu.memref_slice %arg2[%add3A_39, %dma_wait3A_69] : memref<327680x128xf32, #tpu.memory_space<hbm>> -> memref<80x128xf32, #tpu.memory_space<hbm>>
      tpu.wait_dma2 semaphore(%arg15 : memref<!tpu.dma_semaphore, #tpu.memory_space<semaphore_mem>>) src(%dma_wait3A_70 : memref<80x128xf32, #tpu.memory_space<hbm>>) dst(%arg11 : memref<80x128xf32, #tpu.memory_space<vmem>>)
      %dma_wait3A_71 = arith.constant 0 : i32
      %dma_wait3A_72 = tpu.memref_slice %arg2[%add3A_45, %dma_wait3A_71] : memref<327680x128xf32, #tpu.memory_space<hbm>> -> memref<80x128xf32, #tpu.memory_space<hbm>>
      %dma_wait3A_73 = arith.constant 0 : i32
      %dma_wait3A_74 = tpu.memref_slice %arg2[%add3A_45, %dma_wait3A_73] : memref<327680x128xf32, #tpu.memory_space<hbm>> -> memref<80x128xf32, #tpu.memory_space<hbm>>
      tpu.wait_dma2 semaphore(%arg15 : memref<!tpu.dma_semaphore, #tpu.memory_space<semaphore_mem>>) src(%dma_wait3A_74 : memref<80x128xf32, #tpu.memory_space<hbm>>) dst(%arg12 : memref<80x128xf32, #tpu.memory_space<vmem>>)
      %dma_wait3A_75 = arith.constant 0 : i32
      %dma_wait3A_76 = tpu.memref_slice %arg2[%add3A_51, %dma_wait3A_75] : memref<327680x128xf32, #tpu.memory_space<hbm>> -> memref<80x128xf32, #tpu.memory_space<hbm>>
      %dma_wait3A_77 = arith.constant 0 : i32
      %dma_wait3A_78 = tpu.memref_slice %arg2[%add3A_51, %dma_wait3A_77] : memref<327680x128xf32, #tpu.memory_space<hbm>> -> memref<80x128xf32, #tpu.memory_space<hbm>>
      tpu.wait_dma2 semaphore(%arg15 : memref<!tpu.dma_semaphore, #tpu.memory_space<semaphore_mem>>) src(%dma_wait3A_78 : memref<80x128xf32, #tpu.memory_space<hbm>>) dst(%arg13 : memref<80x128xf32, #tpu.memory_space<vmem>>)
      %dma_start3A_79 = arith.constant 0 : i32
      %dma_start3A_80 = arith.constant 0 : i32
      %dma_start3A_81 = tpu.memref_slice %arg14[%dma_start3A_79, %dma_start3A_80] : memref<10240x128xf32, #tpu.memory_space<vmem_shared>> -> memref<10240x128xf32, #tpu.memory_space<vmem_shared>>
      tpu.enqueue_indirect_dma source(%arg10 : memref<80x128xf32, #tpu.memory_space<vmem>>) target(%dma_start3A_81 : memref<10240x128xf32, #tpu.memory_space<vmem_shared>>) offsets(%arg6 : memref<80xi32, #tpu.memory_space<vmem>>) semaphore(%arg15 : memref<!tpu.dma_semaphore, #tpu.memory_space<semaphore_mem>>) {add = true}
      %dma_start3A_82 = arith.constant 0 : i32
      %dma_start3A_83 = arith.constant 0 : i32
      %dma_start3A_84 = tpu.memref_slice %arg14[%dma_start3A_82, %dma_start3A_83] : memref<10240x128xf32, #tpu.memory_space<vmem_shared>> -> memref<10240x128xf32, #tpu.memory_space<vmem_shared>>
      tpu.enqueue_indirect_dma source(%arg11 : memref<80x128xf32, #tpu.memory_space<vmem>>) target(%dma_start3A_84 : memref<10240x128xf32, #tpu.memory_space<vmem_shared>>) offsets(%arg7 : memref<80xi32, #tpu.memory_space<vmem>>) semaphore(%arg15 : memref<!tpu.dma_semaphore, #tpu.memory_space<semaphore_mem>>) {add = true}
      %dma_start3A_85 = arith.constant 0 : i32
      %dma_start3A_86 = arith.constant 0 : i32
      %dma_start3A_87 = tpu.memref_slice %arg14[%dma_start3A_85, %dma_start3A_86] : memref<10240x128xf32, #tpu.memory_space<vmem_shared>> -> memref<10240x128xf32, #tpu.memory_space<vmem_shared>>
      tpu.enqueue_indirect_dma source(%arg12 : memref<80x128xf32, #tpu.memory_space<vmem>>) target(%dma_start3A_87 : memref<10240x128xf32, #tpu.memory_space<vmem_shared>>) offsets(%arg8 : memref<80xi32, #tpu.memory_space<vmem>>) semaphore(%arg15 : memref<!tpu.dma_semaphore, #tpu.memory_space<semaphore_mem>>) {add = true}
      %dma_start3A_88 = arith.constant 0 : i32
      %dma_start3A_89 = arith.constant 0 : i32
      %dma_start3A_90 = tpu.memref_slice %arg14[%dma_start3A_88, %dma_start3A_89] : memref<10240x128xf32, #tpu.memory_space<vmem_shared>> -> memref<10240x128xf32, #tpu.memory_space<vmem_shared>>
      tpu.enqueue_indirect_dma source(%arg13 : memref<80x128xf32, #tpu.memory_space<vmem>>) target(%dma_start3A_90 : memref<10240x128xf32, #tpu.memory_space<vmem_shared>>) offsets(%arg9 : memref<80xi32, #tpu.memory_space<vmem>>) semaphore(%arg15 : memref<!tpu.dma_semaphore, #tpu.memory_space<semaphore_mem>>) {add = true}
      %dma_wait3A_91 = arith.constant 0 : i32
      %dma_wait3A_92 = arith.constant 0 : i32
      %dma_wait3A_93 = tpu.memref_slice %arg14[%dma_wait3A_91, %dma_wait3A_92] : memref<10240x128xf32, #tpu.memory_space<vmem_shared>> -> memref<10240x128xf32, #tpu.memory_space<vmem_shared>>
      tpu.wait_indirect_dma semaphore(%arg15 : memref<!tpu.dma_semaphore, #tpu.memory_space<semaphore_mem>>) src(%arg10 : memref<80x128xf32, #tpu.memory_space<vmem>>) dst(%dma_wait3A_93 : memref<10240x128xf32, #tpu.memory_space<vmem_shared>>)
      %dma_wait3A_94 = arith.constant 0 : i32
      %dma_wait3A_95 = arith.constant 0 : i32
      %dma_wait3A_96 = tpu.memref_slice %arg14[%dma_wait3A_94, %dma_wait3A_95] : memref<10240x128xf32, #tpu.memory_space<vmem_shared>> -> memref<10240x128xf32, #tpu.memory_space<vmem_shared>>
      tpu.wait_indirect_dma semaphore(%arg15 : memref<!tpu.dma_semaphore, #tpu.memory_space<semaphore_mem>>) src(%arg11 : memref<80x128xf32, #tpu.memory_space<vmem>>) dst(%dma_wait3A_96 : memref<10240x128xf32, #tpu.memory_space<vmem_shared>>)
      %dma_wait3A_97 = arith.constant 0 : i32
      %dma_wait3A_98 = arith.constant 0 : i32
      %dma_wait3A_99 = tpu.memref_slice %arg14[%dma_wait3A_97, %dma_wait3A_98] : memref<10240x128xf32, #tpu.memory_space<vmem_shared>> -> memref<10240x128xf32, #tpu.memory_space<vmem_shared>>
      tpu.wait_indirect_dma semaphore(%arg15 : memref<!tpu.dma_semaphore, #tpu.memory_space<semaphore_mem>>) src(%arg12 : memref<80x128xf32, #tpu.memory_space<vmem>>) dst(%dma_wait3A_99 : memref<10240x128xf32, #tpu.memory_space<vmem_shared>>)
      %dma_wait3A_100 = arith.constant 0 : i32
      %dma_wait3A_101 = arith.constant 0 : i32
      %dma_wait3A_102 = tpu.memref_slice %arg14[%dma_wait3A_100, %dma_wait3A_101] : memref<10240x128xf32, #tpu.memory_space<vmem_shared>> -> memref<10240x128xf32, #tpu.memory_space<vmem_shared>>
      tpu.wait_indirect_dma semaphore(%arg15 : memref<!tpu.dma_semaphore, #tpu.memory_space<semaphore_mem>>) src(%arg13 : memref<80x128xf32, #tpu.memory_space<vmem>>) dst(%dma_wait3A_102 : memref<10240x128xf32, #tpu.memory_space<vmem_shared>>)
    }
    %scan3A_9 = arith.constant 32 : i32
    %barrier3A_10 = arith.constant 0 : index
    tpu.barrier barrier_id(%barrier3A_10)
    "tpu.region"() ({
      %run_scoped3A = tpu.sem_alloc : memref<!tpu.dma_semaphore, #tpu.memory_space<semaphore_mem>>
      %dma_start3A = arith.constant 0 : i32
      %dma_start3A_11 = tpu.memref_slice %arg5[%arg0, %mul3A_0, %dma_start3A] : memref<2x10240x128xf32, #tpu.memory_space<hbm>> -> memref<1x640x128xf32, #tpu.memory_space<hbm>>
      %dma_start3A_12 = tpu.memref_squeeze %dma_start3A_11 : memref<1x640x128xf32, #tpu.memory_space<hbm>> -> memref<640x128xf32, #tpu.memory_space<hbm>>
      %dma_start3A_13 = arith.constant 0 : i32
      %dma_start3A_14 = tpu.memref_slice %arg14[%mul3A_0, %dma_start3A_13] : memref<10240x128xf32, #tpu.memory_space<vmem_shared>> -> memref<640x128xf32, #tpu.memory_space<vmem_shared>>
      tpu.enqueue_dma source(%dma_start3A_14 : memref<640x128xf32, #tpu.memory_space<vmem_shared>>) target(%dma_start3A_12 : memref<640x128xf32, #tpu.memory_space<hbm>>) target_semaphore(%run_scoped3A : memref<!tpu.dma_semaphore, #tpu.memory_space<semaphore_mem>>)
      %dma_wait3A = arith.constant 0 : i32
      %dma_wait3A_15 = tpu.memref_slice %arg5[%arg0, %mul3A_0, %dma_wait3A] : memref<2x10240x128xf32, #tpu.memory_space<hbm>> -> memref<1x640x128xf32, #tpu.memory_space<hbm>>
      %dma_wait3A_16 = tpu.memref_squeeze %dma_wait3A_15 : memref<1x640x128xf32, #tpu.memory_space<hbm>> -> memref<640x128xf32, #tpu.memory_space<hbm>>
      %dma_wait3A_17 = arith.constant 0 : i32
      %dma_wait3A_18 = tpu.memref_slice %arg14[%mul3A_0, %dma_wait3A_17] : memref<10240x128xf32, #tpu.memory_space<vmem_shared>> -> memref<640x128xf32, #tpu.memory_space<vmem_shared>>
      tpu.wait_dma2 semaphore(%run_scoped3A : memref<!tpu.dma_semaphore, #tpu.memory_space<semaphore_mem>>) src(%dma_wait3A_18 : memref<640x128xf32, #tpu.memory_space<vmem_shared>>) dst(%dma_wait3A_16 : memref<640x128xf32, #tpu.memory_space<hbm>>)
      tpu.yield
    }) : () -> ()
    return
  }
}

#map = affine_map<(d0, d1) -> (0, 0)>
#map1 = affine_map<(d0, d1) -> (0)>
#map2 = affine_map<(d0, d1) -> (0, 0, 0)>
module attributes {stable_mosaic.version = 14 : i64} {
  func.func @_sc_fin_body(%arg0: i32, %arg1: i32, %arg2: memref<327680x128xf32, #tpu.memory_space<hbm>>, %arg3: memref<10240x128xf32, #tpu.memory_space<hbm>>, %arg4: memref<327680x128xf32, #tpu.memory_space<hbm>>, %arg5: memref<327680xi32, #tpu.memory_space<hbm>>, %arg6: memref<327680xi32, #tpu.memory_space<hbm>>, %arg7: memref<327680xi32, #tpu.memory_space<hbm>>, %arg8: memref<640x128xf32, #tpu.memory_space<hbm>>, %arg9: memref<2x10240x128xf32, #tpu.memory_space<hbm>>, %arg10: memref<80xi32, #tpu.memory_space<vmem>>, %arg11: memref<80xi32, #tpu.memory_space<vmem>>, %arg12: memref<80xi32, #tpu.memory_space<vmem>>, %arg13: memref<80xi32, #tpu.memory_space<vmem>>, %arg14: memref<80xi32, #tpu.memory_space<vmem>>, %arg15: memref<80xi32, #tpu.memory_space<vmem>>, %arg16: memref<80xi32, #tpu.memory_space<vmem>>, %arg17: memref<80xi32, #tpu.memory_space<vmem>>, %arg18: memref<80xi32, #tpu.memory_space<vmem>>, %arg19: memref<80xi32, #tpu.memory_space<vmem>>, %arg20: memref<80xi32, #tpu.memory_space<vmem>>, %arg21: memref<80xi32, #tpu.memory_space<vmem>>, %arg22: memref<80x128xf32, #tpu.memory_space<vmem>>, %arg23: memref<80x128xf32, #tpu.memory_space<vmem>>, %arg24: memref<80x128xf32, #tpu.memory_space<vmem>>, %arg25: memref<80x128xf32, #tpu.memory_space<vmem>>, %arg26: memref<10240x128xf32, #tpu.memory_space<vmem_shared>>, %arg27: memref<!tpu.dma_semaphore, #tpu.memory_space<semaphore_mem>>, %arg28: memref<!tpu.dma_semaphore, #tpu.memory_space<semaphore_mem>>) attributes {dimension_semantics = [#tpu.dimension_semantics<core_parallel>, #tpu.dimension_semantics<subcore_parallel>], iteration_bounds = array<i64: 2, 16>, scalar_prefetch = 0 : i64, scratch_operands = 19 : i64, tpu.core_type = #tpu.core_type<sc_vector_subcore>, window_params = [{transform_indices = #map}, {transform_indices = #map}, {transform_indices = #map}, {transform_indices = #map1}, {transform_indices = #map1}, {transform_indices = #map1}, {transform_indices = #map}, {transform_indices = #map2}]} {
    %mul3A = arith.constant 640 : i32
    %mul3A_0 = arith.muli %arg1, %mul3A : i32
    "tpu.region"() ({
      %run_scoped3A = tpu.sem_alloc : memref<!tpu.dma_semaphore, #tpu.memory_space<semaphore_mem>>
      %dma_start3A = arith.constant 0 : i32
      %dma_start3A_11 = tpu.memref_slice %arg26[%mul3A_0, %dma_start3A] : memref<10240x128xf32, #tpu.memory_space<vmem_shared>> -> memref<640x128xf32, #tpu.memory_space<vmem_shared>>
      %dma_start3A_12 = arith.constant 0 : i32
      %dma_start3A_13 = arith.constant 0 : i32
      %dma_start3A_14 = tpu.memref_slice %arg8[%dma_start3A_12, %dma_start3A_13] : memref<640x128xf32, #tpu.memory_space<hbm>> -> memref<640x128xf32, #tpu.memory_space<hbm>>
      tpu.enqueue_dma source(%dma_start3A_14 : memref<640x128xf32, #tpu.memory_space<hbm>>) target(%dma_start3A_11 : memref<640x128xf32, #tpu.memory_space<vmem_shared>>) target_semaphore(%run_scoped3A : memref<!tpu.dma_semaphore, #tpu.memory_space<semaphore_mem>>)
      %dma_wait3A = arith.constant 0 : i32
      %dma_wait3A_15 = tpu.memref_slice %arg26[%mul3A_0, %dma_wait3A] : memref<10240x128xf32, #tpu.memory_space<vmem_shared>> -> memref<640x128xf32, #tpu.memory_space<vmem_shared>>
      %dma_wait3A_16 = arith.constant 0 : i32
      %dma_wait3A_17 = arith.constant 0 : i32
      %dma_wait3A_18 = tpu.memref_slice %arg8[%dma_wait3A_16, %dma_wait3A_17] : memref<640x128xf32, #tpu.memory_space<hbm>> -> memref<640x128xf32, #tpu.memory_space<hbm>>
      tpu.wait_dma2 semaphore(%run_scoped3A : memref<!tpu.dma_semaphore, #tpu.memory_space<semaphore_mem>>) src(%dma_wait3A_18 : memref<640x128xf32, #tpu.memory_space<hbm>>) dst(%dma_wait3A_15 : memref<640x128xf32, #tpu.memory_space<vmem_shared>>)
      tpu.yield
    }) : () -> ()
    %barrier3A = arith.constant 0 : index
    tpu.barrier barrier_id(%barrier3A)
    %mul3A_1 = arith.constant 163840 : i32
    %mul3A_2 = arith.muli %arg0, %mul3A_1 : i32
    %mul3A_3 = arith.constant 10240 : i32
    %mul3A_4 = arith.muli %arg1, %mul3A_3 : i32
    %add3A = arith.addi %mul3A_2, %mul3A_4 : i32
    %scan3A = arith.constant 0 : i32
    %scan3A_5 = arith.constant 0 : i32
    %scan3A_6 = arith.constant 32 : i32
    %scan3A_7 = arith.addi %scan3A_5, %scan3A_6 : i32
    %scan3A_8 = arith.constant 1 : i32
    scf.for %scan3A_11 = %scan3A_5 to %scan3A_7 step %scan3A_8  : i32 {
      %mul3A_12 = arith.constant 4 : i32
      %mul3A_13 = arith.muli %scan3A_11, %mul3A_12 : i32
      %mul3A_14 = arith.constant 80 : i32
      %mul3A_15 = arith.muli %mul3A_13, %mul3A_14 : i32
      %add3A_16 = arith.addi %add3A, %mul3A_15 : i32
      %add3A_17 = arith.constant 0 : i32
      %add3A_18 = arith.addi %add3A_16, %add3A_17 : i32
      %dma_start3A = tpu.memref_slice %arg5[%add3A_18] : memref<327680xi32, #tpu.memory_space<hbm>> -> memref<80xi32, #tpu.memory_space<hbm>>
      %dma_start3A_19 = tpu.memref_slice %arg5[%add3A_18] : memref<327680xi32, #tpu.memory_space<hbm>> -> memref<80xi32, #tpu.memory_space<hbm>>
      tpu.enqueue_dma source(%dma_start3A_19 : memref<80xi32, #tpu.memory_space<hbm>>) target(%arg10 : memref<80xi32, #tpu.memory_space<vmem>>) target_semaphore(%arg28 : memref<!tpu.dma_semaphore, #tpu.memory_space<semaphore_mem>>)
      %dma_start3A_20 = tpu.memref_slice %arg6[%add3A_18] : memref<327680xi32, #tpu.memory_space<hbm>> -> memref<80xi32, #tpu.memory_space<hbm>>
      %dma_start3A_21 = tpu.memref_slice %arg6[%add3A_18] : memref<327680xi32, #tpu.memory_space<hbm>> -> memref<80xi32, #tpu.memory_space<hbm>>
      tpu.enqueue_dma source(%dma_start3A_21 : memref<80xi32, #tpu.memory_space<hbm>>) target(%arg14 : memref<80xi32, #tpu.memory_space<vmem>>) target_semaphore(%arg28 : memref<!tpu.dma_semaphore, #tpu.memory_space<semaphore_mem>>)
      %dma_start3A_22 = tpu.memref_slice %arg7[%add3A_18] : memref<327680xi32, #tpu.memory_space<hbm>> -> memref<80xi32, #tpu.memory_space<hbm>>
      %dma_start3A_23 = tpu.memref_slice %arg7[%add3A_18] : memref<327680xi32, #tpu.memory_space<hbm>> -> memref<80xi32, #tpu.memory_space<hbm>>
      tpu.enqueue_dma source(%dma_start3A_23 : memref<80xi32, #tpu.memory_space<hbm>>) target(%arg18 : memref<80xi32, #tpu.memory_space<vmem>>) target_semaphore(%arg28 : memref<!tpu.dma_semaphore, #tpu.memory_space<semaphore_mem>>)
      %add3A_24 = arith.constant 80 : i32
      %add3A_25 = arith.addi %add3A_16, %add3A_24 : i32
      %dma_start3A_26 = tpu.memref_slice %arg5[%add3A_25] : memref<327680xi32, #tpu.memory_space<hbm>> -> memref<80xi32, #tpu.memory_space<hbm>>
      %dma_start3A_27 = tpu.memref_slice %arg5[%add3A_25] : memref<327680xi32, #tpu.memory_space<hbm>> -> memref<80xi32, #tpu.memory_space<hbm>>
      tpu.enqueue_dma source(%dma_start3A_27 : memref<80xi32, #tpu.memory_space<hbm>>) target(%arg11 : memref<80xi32, #tpu.memory_space<vmem>>) target_semaphore(%arg28 : memref<!tpu.dma_semaphore, #tpu.memory_space<semaphore_mem>>)
      %dma_start3A_28 = tpu.memref_slice %arg6[%add3A_25] : memref<327680xi32, #tpu.memory_space<hbm>> -> memref<80xi32, #tpu.memory_space<hbm>>
      %dma_start3A_29 = tpu.memref_slice %arg6[%add3A_25] : memref<327680xi32, #tpu.memory_space<hbm>> -> memref<80xi32, #tpu.memory_space<hbm>>
      tpu.enqueue_dma source(%dma_start3A_29 : memref<80xi32, #tpu.memory_space<hbm>>) target(%arg15 : memref<80xi32, #tpu.memory_space<vmem>>) target_semaphore(%arg28 : memref<!tpu.dma_semaphore, #tpu.memory_space<semaphore_mem>>)
      %dma_start3A_30 = tpu.memref_slice %arg7[%add3A_25] : memref<327680xi32, #tpu.memory_space<hbm>> -> memref<80xi32, #tpu.memory_space<hbm>>
      %dma_start3A_31 = tpu.memref_slice %arg7[%add3A_25] : memref<327680xi32, #tpu.memory_space<hbm>> -> memref<80xi32, #tpu.memory_space<hbm>>
      tpu.enqueue_dma source(%dma_start3A_31 : memref<80xi32, #tpu.memory_space<hbm>>) target(%arg19 : memref<80xi32, #tpu.memory_space<vmem>>) target_semaphore(%arg28 : memref<!tpu.dma_semaphore, #tpu.memory_space<semaphore_mem>>)
      %add3A_32 = arith.constant 160 : i32
      %add3A_33 = arith.addi %add3A_16, %add3A_32 : i32
      %dma_start3A_34 = tpu.memref_slice %arg5[%add3A_33] : memref<327680xi32, #tpu.memory_space<hbm>> -> memref<80xi32, #tpu.memory_space<hbm>>
      %dma_start3A_35 = tpu.memref_slice %arg5[%add3A_33] : memref<327680xi32, #tpu.memory_space<hbm>> -> memref<80xi32, #tpu.memory_space<hbm>>
      tpu.enqueue_dma source(%dma_start3A_35 : memref<80xi32, #tpu.memory_space<hbm>>) target(%arg12 : memref<80xi32, #tpu.memory_space<vmem>>) target_semaphore(%arg28 : memref<!tpu.dma_semaphore, #tpu.memory_space<semaphore_mem>>)
      %dma_start3A_36 = tpu.memref_slice %arg6[%add3A_33] : memref<327680xi32, #tpu.memory_space<hbm>> -> memref<80xi32, #tpu.memory_space<hbm>>
      %dma_start3A_37 = tpu.memref_slice %arg6[%add3A_33] : memref<327680xi32, #tpu.memory_space<hbm>> -> memref<80xi32, #tpu.memory_space<hbm>>
      tpu.enqueue_dma source(%dma_start3A_37 : memref<80xi32, #tpu.memory_space<hbm>>) target(%arg16 : memref<80xi32, #tpu.memory_space<vmem>>) target_semaphore(%arg28 : memref<!tpu.dma_semaphore, #tpu.memory_space<semaphore_mem>>)
      %dma_start3A_38 = tpu.memref_slice %arg7[%add3A_33] : memref<327680xi32, #tpu.memory_space<hbm>> -> memref<80xi32, #tpu.memory_space<hbm>>
      %dma_start3A_39 = tpu.memref_slice %arg7[%add3A_33] : memref<327680xi32, #tpu.memory_space<hbm>> -> memref<80xi32, #tpu.memory_space<hbm>>
      tpu.enqueue_dma source(%dma_start3A_39 : memref<80xi32, #tpu.memory_space<hbm>>) target(%arg20 : memref<80xi32, #tpu.memory_space<vmem>>) target_semaphore(%arg28 : memref<!tpu.dma_semaphore, #tpu.memory_space<semaphore_mem>>)
      %add3A_40 = arith.constant 240 : i32
      %add3A_41 = arith.addi %add3A_16, %add3A_40 : i32
      %dma_start3A_42 = tpu.memref_slice %arg5[%add3A_41] : memref<327680xi32, #tpu.memory_space<hbm>> -> memref<80xi32, #tpu.memory_space<hbm>>
      %dma_start3A_43 = tpu.memref_slice %arg5[%add3A_41] : memref<327680xi32, #tpu.memory_space<hbm>> -> memref<80xi32, #tpu.memory_space<hbm>>
      tpu.enqueue_dma source(%dma_start3A_43 : memref<80xi32, #tpu.memory_space<hbm>>) target(%arg13 : memref<80xi32, #tpu.memory_space<vmem>>) target_semaphore(%arg28 : memref<!tpu.dma_semaphore, #tpu.memory_space<semaphore_mem>>)
      %dma_start3A_44 = tpu.memref_slice %arg6[%add3A_41] : memref<327680xi32, #tpu.memory_space<hbm>> -> memref<80xi32, #tpu.memory_space<hbm>>
      %dma_start3A_45 = tpu.memref_slice %arg6[%add3A_41] : memref<327680xi32, #tpu.memory_space<hbm>> -> memref<80xi32, #tpu.memory_space<hbm>>
      tpu.enqueue_dma source(%dma_start3A_45 : memref<80xi32, #tpu.memory_space<hbm>>) target(%arg17 : memref<80xi32, #tpu.memory_space<vmem>>) target_semaphore(%arg28 : memref<!tpu.dma_semaphore, #tpu.memory_space<semaphore_mem>>)
      %dma_start3A_46 = tpu.memref_slice %arg7[%add3A_41] : memref<327680xi32, #tpu.memory_space<hbm>> -> memref<80xi32, #tpu.memory_space<hbm>>
      %dma_start3A_47 = tpu.memref_slice %arg7[%add3A_41] : memref<327680xi32, #tpu.memory_space<hbm>> -> memref<80xi32, #tpu.memory_space<hbm>>
      tpu.enqueue_dma source(%dma_start3A_47 : memref<80xi32, #tpu.memory_space<hbm>>) target(%arg21 : memref<80xi32, #tpu.memory_space<vmem>>) target_semaphore(%arg28 : memref<!tpu.dma_semaphore, #tpu.memory_space<semaphore_mem>>)
      %add3A_48 = arith.constant 0 : i32
      %add3A_49 = arith.addi %add3A_16, %add3A_48 : i32
      %dma_start3A_50 = arith.constant 0 : i32
      %dma_start3A_51 = tpu.memref_slice %arg2[%add3A_49, %dma_start3A_50] : memref<327680x128xf32, #tpu.memory_space<hbm>> -> memref<80x128xf32, #tpu.memory_space<hbm>>
      %dma_start3A_52 = arith.constant 0 : i32
      %dma_start3A_53 = tpu.memref_slice %arg2[%add3A_49, %dma_start3A_52] : memref<327680x128xf32, #tpu.memory_space<hbm>> -> memref<80x128xf32, #tpu.memory_space<hbm>>
      tpu.enqueue_dma source(%dma_start3A_53 : memref<80x128xf32, #tpu.memory_space<hbm>>) target(%arg22 : memref<80x128xf32, #tpu.memory_space<vmem>>) target_semaphore(%arg27 : memref<!tpu.dma_semaphore, #tpu.memory_space<semaphore_mem>>)
      %add3A_54 = arith.constant 80 : i32
      %add3A_55 = arith.addi %add3A_16, %add3A_54 : i32
      %dma_start3A_56 = arith.constant 0 : i32
      %dma_start3A_57 = tpu.memref_slice %arg2[%add3A_55, %dma_start3A_56] : memref<327680x128xf32, #tpu.memory_space<hbm>> -> memref<80x128xf32, #tpu.memory_space<hbm>>
      %dma_start3A_58 = arith.constant 0 : i32
      %dma_start3A_59 = tpu.memref_slice %arg2[%add3A_55, %dma_start3A_58] : memref<327680x128xf32, #tpu.memory_space<hbm>> -> memref<80x128xf32, #tpu.memory_space<hbm>>
      tpu.enqueue_dma source(%dma_start3A_59 : memref<80x128xf32, #tpu.memory_space<hbm>>) target(%arg23 : memref<80x128xf32, #tpu.memory_space<vmem>>) target_semaphore(%arg27 : memref<!tpu.dma_semaphore, #tpu.memory_space<semaphore_mem>>)
      %add3A_60 = arith.constant 160 : i32
      %add3A_61 = arith.addi %add3A_16, %add3A_60 : i32
      %dma_start3A_62 = arith.constant 0 : i32
      %dma_start3A_63 = tpu.memref_slice %arg2[%add3A_61, %dma_start3A_62] : memref<327680x128xf32, #tpu.memory_space<hbm>> -> memref<80x128xf32, #tpu.memory_space<hbm>>
      %dma_start3A_64 = arith.constant 0 : i32
      %dma_start3A_65 = tpu.memref_slice %arg2[%add3A_61, %dma_start3A_64] : memref<327680x128xf32, #tpu.memory_space<hbm>> -> memref<80x128xf32, #tpu.memory_space<hbm>>
      tpu.enqueue_dma source(%dma_start3A_65 : memref<80x128xf32, #tpu.memory_space<hbm>>) target(%arg24 : memref<80x128xf32, #tpu.memory_space<vmem>>) target_semaphore(%arg27 : memref<!tpu.dma_semaphore, #tpu.memory_space<semaphore_mem>>)
      %add3A_66 = arith.constant 240 : i32
      %add3A_67 = arith.addi %add3A_16, %add3A_66 : i32
      %dma_start3A_68 = arith.constant 0 : i32
      %dma_start3A_69 = tpu.memref_slice %arg2[%add3A_67, %dma_start3A_68] : memref<327680x128xf32, #tpu.memory_space<hbm>> -> memref<80x128xf32, #tpu.memory_space<hbm>>
      %dma_start3A_70 = arith.constant 0 : i32
      %dma_start3A_71 = tpu.memref_slice %arg2[%add3A_67, %dma_start3A_70] : memref<327680x128xf32, #tpu.memory_space<hbm>> -> memref<80x128xf32, #tpu.memory_space<hbm>>
      tpu.enqueue_dma source(%dma_start3A_71 : memref<80x128xf32, #tpu.memory_space<hbm>>) target(%arg25 : memref<80x128xf32, #tpu.memory_space<vmem>>) target_semaphore(%arg27 : memref<!tpu.dma_semaphore, #tpu.memory_space<semaphore_mem>>)
      %dma_wait3A = tpu.memref_slice %arg5[%add3A_18] : memref<327680xi32, #tpu.memory_space<hbm>> -> memref<80xi32, #tpu.memory_space<hbm>>
      %dma_wait3A_72 = tpu.memref_slice %arg5[%add3A_18] : memref<327680xi32, #tpu.memory_space<hbm>> -> memref<80xi32, #tpu.memory_space<hbm>>
      tpu.wait_dma2 semaphore(%arg28 : memref<!tpu.dma_semaphore, #tpu.memory_space<semaphore_mem>>) src(%dma_wait3A_72 : memref<80xi32, #tpu.memory_space<hbm>>) dst(%arg10 : memref<80xi32, #tpu.memory_space<vmem>>)
      %dma_wait3A_73 = tpu.memref_slice %arg6[%add3A_18] : memref<327680xi32, #tpu.memory_space<hbm>> -> memref<80xi32, #tpu.memory_space<hbm>>
      %dma_wait3A_74 = tpu.memref_slice %arg6[%add3A_18] : memref<327680xi32, #tpu.memory_space<hbm>> -> memref<80xi32, #tpu.memory_space<hbm>>
      tpu.wait_dma2 semaphore(%arg28 : memref<!tpu.dma_semaphore, #tpu.memory_space<semaphore_mem>>) src(%dma_wait3A_74 : memref<80xi32, #tpu.memory_space<hbm>>) dst(%arg14 : memref<80xi32, #tpu.memory_space<vmem>>)
      %dma_wait3A_75 = tpu.memref_slice %arg7[%add3A_18] : memref<327680xi32, #tpu.memory_space<hbm>> -> memref<80xi32, #tpu.memory_space<hbm>>
      %dma_wait3A_76 = tpu.memref_slice %arg7[%add3A_18] : memref<327680xi32, #tpu.memory_space<hbm>> -> memref<80xi32, #tpu.memory_space<hbm>>
      tpu.wait_dma2 semaphore(%arg28 : memref<!tpu.dma_semaphore, #tpu.memory_space<semaphore_mem>>) src(%dma_wait3A_76 : memref<80xi32, #tpu.memory_space<hbm>>) dst(%arg18 : memref<80xi32, #tpu.memory_space<vmem>>)
      %dma_wait3A_77 = tpu.memref_slice %arg5[%add3A_25] : memref<327680xi32, #tpu.memory_space<hbm>> -> memref<80xi32, #tpu.memory_space<hbm>>
      %dma_wait3A_78 = tpu.memref_slice %arg5[%add3A_25] : memref<327680xi32, #tpu.memory_space<hbm>> -> memref<80xi32, #tpu.memory_space<hbm>>
      tpu.wait_dma2 semaphore(%arg28 : memref<!tpu.dma_semaphore, #tpu.memory_space<semaphore_mem>>) src(%dma_wait3A_78 : memref<80xi32, #tpu.memory_space<hbm>>) dst(%arg11 : memref<80xi32, #tpu.memory_space<vmem>>)
      %dma_wait3A_79 = tpu.memref_slice %arg6[%add3A_25] : memref<327680xi32, #tpu.memory_space<hbm>> -> memref<80xi32, #tpu.memory_space<hbm>>
      %dma_wait3A_80 = tpu.memref_slice %arg6[%add3A_25] : memref<327680xi32, #tpu.memory_space<hbm>> -> memref<80xi32, #tpu.memory_space<hbm>>
      tpu.wait_dma2 semaphore(%arg28 : memref<!tpu.dma_semaphore, #tpu.memory_space<semaphore_mem>>) src(%dma_wait3A_80 : memref<80xi32, #tpu.memory_space<hbm>>) dst(%arg15 : memref<80xi32, #tpu.memory_space<vmem>>)
      %dma_wait3A_81 = tpu.memref_slice %arg7[%add3A_25] : memref<327680xi32, #tpu.memory_space<hbm>> -> memref<80xi32, #tpu.memory_space<hbm>>
      %dma_wait3A_82 = tpu.memref_slice %arg7[%add3A_25] : memref<327680xi32, #tpu.memory_space<hbm>> -> memref<80xi32, #tpu.memory_space<hbm>>
      tpu.wait_dma2 semaphore(%arg28 : memref<!tpu.dma_semaphore, #tpu.memory_space<semaphore_mem>>) src(%dma_wait3A_82 : memref<80xi32, #tpu.memory_space<hbm>>) dst(%arg19 : memref<80xi32, #tpu.memory_space<vmem>>)
      %dma_wait3A_83 = tpu.memref_slice %arg5[%add3A_33] : memref<327680xi32, #tpu.memory_space<hbm>> -> memref<80xi32, #tpu.memory_space<hbm>>
      %dma_wait3A_84 = tpu.memref_slice %arg5[%add3A_33] : memref<327680xi32, #tpu.memory_space<hbm>> -> memref<80xi32, #tpu.memory_space<hbm>>
      tpu.wait_dma2 semaphore(%arg28 : memref<!tpu.dma_semaphore, #tpu.memory_space<semaphore_mem>>) src(%dma_wait3A_84 : memref<80xi32, #tpu.memory_space<hbm>>) dst(%arg12 : memref<80xi32, #tpu.memory_space<vmem>>)
      %dma_wait3A_85 = tpu.memref_slice %arg6[%add3A_33] : memref<327680xi32, #tpu.memory_space<hbm>> -> memref<80xi32, #tpu.memory_space<hbm>>
      %dma_wait3A_86 = tpu.memref_slice %arg6[%add3A_33] : memref<327680xi32, #tpu.memory_space<hbm>> -> memref<80xi32, #tpu.memory_space<hbm>>
      tpu.wait_dma2 semaphore(%arg28 : memref<!tpu.dma_semaphore, #tpu.memory_space<semaphore_mem>>) src(%dma_wait3A_86 : memref<80xi32, #tpu.memory_space<hbm>>) dst(%arg16 : memref<80xi32, #tpu.memory_space<vmem>>)
      %dma_wait3A_87 = tpu.memref_slice %arg7[%add3A_33] : memref<327680xi32, #tpu.memory_space<hbm>> -> memref<80xi32, #tpu.memory_space<hbm>>
      %dma_wait3A_88 = tpu.memref_slice %arg7[%add3A_33] : memref<327680xi32, #tpu.memory_space<hbm>> -> memref<80xi32, #tpu.memory_space<hbm>>
      tpu.wait_dma2 semaphore(%arg28 : memref<!tpu.dma_semaphore, #tpu.memory_space<semaphore_mem>>) src(%dma_wait3A_88 : memref<80xi32, #tpu.memory_space<hbm>>) dst(%arg20 : memref<80xi32, #tpu.memory_space<vmem>>)
      %dma_wait3A_89 = tpu.memref_slice %arg5[%add3A_41] : memref<327680xi32, #tpu.memory_space<hbm>> -> memref<80xi32, #tpu.memory_space<hbm>>
      %dma_wait3A_90 = tpu.memref_slice %arg5[%add3A_41] : memref<327680xi32, #tpu.memory_space<hbm>> -> memref<80xi32, #tpu.memory_space<hbm>>
      tpu.wait_dma2 semaphore(%arg28 : memref<!tpu.dma_semaphore, #tpu.memory_space<semaphore_mem>>) src(%dma_wait3A_90 : memref<80xi32, #tpu.memory_space<hbm>>) dst(%arg13 : memref<80xi32, #tpu.memory_space<vmem>>)
      %dma_wait3A_91 = tpu.memref_slice %arg6[%add3A_41] : memref<327680xi32, #tpu.memory_space<hbm>> -> memref<80xi32, #tpu.memory_space<hbm>>
      %dma_wait3A_92 = tpu.memref_slice %arg6[%add3A_41] : memref<327680xi32, #tpu.memory_space<hbm>> -> memref<80xi32, #tpu.memory_space<hbm>>
      tpu.wait_dma2 semaphore(%arg28 : memref<!tpu.dma_semaphore, #tpu.memory_space<semaphore_mem>>) src(%dma_wait3A_92 : memref<80xi32, #tpu.memory_space<hbm>>) dst(%arg17 : memref<80xi32, #tpu.memory_space<vmem>>)
      %dma_wait3A_93 = tpu.memref_slice %arg7[%add3A_41] : memref<327680xi32, #tpu.memory_space<hbm>> -> memref<80xi32, #tpu.memory_space<hbm>>
      %dma_wait3A_94 = tpu.memref_slice %arg7[%add3A_41] : memref<327680xi32, #tpu.memory_space<hbm>> -> memref<80xi32, #tpu.memory_space<hbm>>
      tpu.wait_dma2 semaphore(%arg28 : memref<!tpu.dma_semaphore, #tpu.memory_space<semaphore_mem>>) src(%dma_wait3A_94 : memref<80xi32, #tpu.memory_space<hbm>>) dst(%arg21 : memref<80xi32, #tpu.memory_space<vmem>>)
      %dma_wait3A_95 = arith.constant 0 : i32
      %dma_wait3A_96 = tpu.memref_slice %arg2[%add3A_49, %dma_wait3A_95] : memref<327680x128xf32, #tpu.memory_space<hbm>> -> memref<80x128xf32, #tpu.memory_space<hbm>>
      %dma_wait3A_97 = arith.constant 0 : i32
      %dma_wait3A_98 = tpu.memref_slice %arg2[%add3A_49, %dma_wait3A_97] : memref<327680x128xf32, #tpu.memory_space<hbm>> -> memref<80x128xf32, #tpu.memory_space<hbm>>
      tpu.wait_dma2 semaphore(%arg27 : memref<!tpu.dma_semaphore, #tpu.memory_space<semaphore_mem>>) src(%dma_wait3A_98 : memref<80x128xf32, #tpu.memory_space<hbm>>) dst(%arg22 : memref<80x128xf32, #tpu.memory_space<vmem>>)
      %dma_wait3A_99 = arith.constant 0 : i32
      %dma_wait3A_100 = tpu.memref_slice %arg2[%add3A_55, %dma_wait3A_99] : memref<327680x128xf32, #tpu.memory_space<hbm>> -> memref<80x128xf32, #tpu.memory_space<hbm>>
      %dma_wait3A_101 = arith.constant 0 : i32
      %dma_wait3A_102 = tpu.memref_slice %arg2[%add3A_55, %dma_wait3A_101] : memref<327680x128xf32, #tpu.memory_space<hbm>> -> memref<80x128xf32, #tpu.memory_space<hbm>>
      tpu.wait_dma2 semaphore(%arg27 : memref<!tpu.dma_semaphore, #tpu.memory_space<semaphore_mem>>) src(%dma_wait3A_102 : memref<80x128xf32, #tpu.memory_space<hbm>>) dst(%arg23 : memref<80x128xf32, #tpu.memory_space<vmem>>)
      %dma_wait3A_103 = arith.constant 0 : i32
      %dma_wait3A_104 = tpu.memref_slice %arg2[%add3A_61, %dma_wait3A_103] : memref<327680x128xf32, #tpu.memory_space<hbm>> -> memref<80x128xf32, #tpu.memory_space<hbm>>
      %dma_wait3A_105 = arith.constant 0 : i32
      %dma_wait3A_106 = tpu.memref_slice %arg2[%add3A_61, %dma_wait3A_105] : memref<327680x128xf32, #tpu.memory_space<hbm>> -> memref<80x128xf32, #tpu.memory_space<hbm>>
      tpu.wait_dma2 semaphore(%arg27 : memref<!tpu.dma_semaphore, #tpu.memory_space<semaphore_mem>>) src(%dma_wait3A_106 : memref<80x128xf32, #tpu.memory_space<hbm>>) dst(%arg24 : memref<80x128xf32, #tpu.memory_space<vmem>>)
      %dma_wait3A_107 = arith.constant 0 : i32
      %dma_wait3A_108 = tpu.memref_slice %arg2[%add3A_67, %dma_wait3A_107] : memref<327680x128xf32, #tpu.memory_space<hbm>> -> memref<80x128xf32, #tpu.memory_space<hbm>>
      %dma_wait3A_109 = arith.constant 0 : i32
      %dma_wait3A_110 = tpu.memref_slice %arg2[%add3A_67, %dma_wait3A_109] : memref<327680x128xf32, #tpu.memory_space<hbm>> -> memref<80x128xf32, #tpu.memory_space<hbm>>
      tpu.wait_dma2 semaphore(%arg27 : memref<!tpu.dma_semaphore, #tpu.memory_space<semaphore_mem>>) src(%dma_wait3A_110 : memref<80x128xf32, #tpu.memory_space<hbm>>) dst(%arg25 : memref<80x128xf32, #tpu.memory_space<vmem>>)
      %dma_start3A_111 = arith.constant 0 : i32
      %dma_start3A_112 = arith.constant 0 : i32
      %dma_start3A_113 = tpu.memref_slice %arg3[%dma_start3A_111, %dma_start3A_112] : memref<10240x128xf32, #tpu.memory_space<hbm>> -> memref<10240x128xf32, #tpu.memory_space<hbm>>
      tpu.enqueue_indirect_dma source(%dma_start3A_113 : memref<10240x128xf32, #tpu.memory_space<hbm>>) target(%arg22 : memref<80x128xf32, #tpu.memory_space<vmem>>) offsets(%arg10 : memref<80xi32, #tpu.memory_space<vmem>>) semaphore(%arg27 : memref<!tpu.dma_semaphore, #tpu.memory_space<semaphore_mem>>) {add = true}
      %dma_start3A_114 = arith.constant 0 : i32
      %dma_start3A_115 = arith.constant 0 : i32
      %dma_start3A_116 = tpu.memref_slice %arg3[%dma_start3A_114, %dma_start3A_115] : memref<10240x128xf32, #tpu.memory_space<hbm>> -> memref<10240x128xf32, #tpu.memory_space<hbm>>
      tpu.enqueue_indirect_dma source(%dma_start3A_116 : memref<10240x128xf32, #tpu.memory_space<hbm>>) target(%arg23 : memref<80x128xf32, #tpu.memory_space<vmem>>) offsets(%arg11 : memref<80xi32, #tpu.memory_space<vmem>>) semaphore(%arg27 : memref<!tpu.dma_semaphore, #tpu.memory_space<semaphore_mem>>) {add = true}
      %dma_start3A_117 = arith.constant 0 : i32
      %dma_start3A_118 = arith.constant 0 : i32
      %dma_start3A_119 = tpu.memref_slice %arg3[%dma_start3A_117, %dma_start3A_118] : memref<10240x128xf32, #tpu.memory_space<hbm>> -> memref<10240x128xf32, #tpu.memory_space<hbm>>
      tpu.enqueue_indirect_dma source(%dma_start3A_119 : memref<10240x128xf32, #tpu.memory_space<hbm>>) target(%arg24 : memref<80x128xf32, #tpu.memory_space<vmem>>) offsets(%arg12 : memref<80xi32, #tpu.memory_space<vmem>>) semaphore(%arg27 : memref<!tpu.dma_semaphore, #tpu.memory_space<semaphore_mem>>) {add = true}
      %dma_start3A_120 = arith.constant 0 : i32
      %dma_start3A_121 = arith.constant 0 : i32
      %dma_start3A_122 = tpu.memref_slice %arg3[%dma_start3A_120, %dma_start3A_121] : memref<10240x128xf32, #tpu.memory_space<hbm>> -> memref<10240x128xf32, #tpu.memory_space<hbm>>
      tpu.enqueue_indirect_dma source(%dma_start3A_122 : memref<10240x128xf32, #tpu.memory_space<hbm>>) target(%arg25 : memref<80x128xf32, #tpu.memory_space<vmem>>) offsets(%arg13 : memref<80xi32, #tpu.memory_space<vmem>>) semaphore(%arg27 : memref<!tpu.dma_semaphore, #tpu.memory_space<semaphore_mem>>) {add = true}
      %dma_wait3A_123 = arith.constant 0 : i32
      %dma_wait3A_124 = arith.constant 0 : i32
      %dma_wait3A_125 = tpu.memref_slice %arg3[%dma_wait3A_123, %dma_wait3A_124] : memref<10240x128xf32, #tpu.memory_space<hbm>> -> memref<10240x128xf32, #tpu.memory_space<hbm>>
      tpu.wait_indirect_dma semaphore(%arg27 : memref<!tpu.dma_semaphore, #tpu.memory_space<semaphore_mem>>) src(%dma_wait3A_125 : memref<10240x128xf32, #tpu.memory_space<hbm>>) dst(%arg22 : memref<80x128xf32, #tpu.memory_space<vmem>>)
      %dma_wait3A_126 = arith.constant 0 : i32
      %dma_wait3A_127 = arith.constant 0 : i32
      %dma_wait3A_128 = tpu.memref_slice %arg3[%dma_wait3A_126, %dma_wait3A_127] : memref<10240x128xf32, #tpu.memory_space<hbm>> -> memref<10240x128xf32, #tpu.memory_space<hbm>>
      tpu.wait_indirect_dma semaphore(%arg27 : memref<!tpu.dma_semaphore, #tpu.memory_space<semaphore_mem>>) src(%dma_wait3A_128 : memref<10240x128xf32, #tpu.memory_space<hbm>>) dst(%arg23 : memref<80x128xf32, #tpu.memory_space<vmem>>)
      %dma_wait3A_129 = arith.constant 0 : i32
      %dma_wait3A_130 = arith.constant 0 : i32
      %dma_wait3A_131 = tpu.memref_slice %arg3[%dma_wait3A_129, %dma_wait3A_130] : memref<10240x128xf32, #tpu.memory_space<hbm>> -> memref<10240x128xf32, #tpu.memory_space<hbm>>
      tpu.wait_indirect_dma semaphore(%arg27 : memref<!tpu.dma_semaphore, #tpu.memory_space<semaphore_mem>>) src(%dma_wait3A_131 : memref<10240x128xf32, #tpu.memory_space<hbm>>) dst(%arg24 : memref<80x128xf32, #tpu.memory_space<vmem>>)
      %dma_wait3A_132 = arith.constant 0 : i32
      %dma_wait3A_133 = arith.constant 0 : i32
      %dma_wait3A_134 = tpu.memref_slice %arg3[%dma_wait3A_132, %dma_wait3A_133] : memref<10240x128xf32, #tpu.memory_space<hbm>> -> memref<10240x128xf32, #tpu.memory_space<hbm>>
      tpu.wait_indirect_dma semaphore(%arg27 : memref<!tpu.dma_semaphore, #tpu.memory_space<semaphore_mem>>) src(%dma_wait3A_134 : memref<10240x128xf32, #tpu.memory_space<hbm>>) dst(%arg25 : memref<80x128xf32, #tpu.memory_space<vmem>>)
      %dma_start3A_135 = arith.constant 0 : i32
      %dma_start3A_136 = arith.constant 0 : i32
      %dma_start3A_137 = tpu.memref_slice %arg4[%dma_start3A_135, %dma_start3A_136] : memref<327680x128xf32, #tpu.memory_space<hbm>> -> memref<327680x128xf32, #tpu.memory_space<hbm>>
      tpu.enqueue_indirect_dma source(%dma_start3A_137 : memref<327680x128xf32, #tpu.memory_space<hbm>>) target(%arg22 : memref<80x128xf32, #tpu.memory_space<vmem>>) offsets(%arg14 : memref<80xi32, #tpu.memory_space<vmem>>) semaphore(%arg27 : memref<!tpu.dma_semaphore, #tpu.memory_space<semaphore_mem>>) {add = true}
      %dma_start3A_138 = arith.constant 0 : i32
      %dma_start3A_139 = arith.constant 0 : i32
      %dma_start3A_140 = tpu.memref_slice %arg4[%dma_start3A_138, %dma_start3A_139] : memref<327680x128xf32, #tpu.memory_space<hbm>> -> memref<327680x128xf32, #tpu.memory_space<hbm>>
      tpu.enqueue_indirect_dma source(%dma_start3A_140 : memref<327680x128xf32, #tpu.memory_space<hbm>>) target(%arg23 : memref<80x128xf32, #tpu.memory_space<vmem>>) offsets(%arg15 : memref<80xi32, #tpu.memory_space<vmem>>) semaphore(%arg27 : memref<!tpu.dma_semaphore, #tpu.memory_space<semaphore_mem>>) {add = true}
      %dma_start3A_141 = arith.constant 0 : i32
      %dma_start3A_142 = arith.constant 0 : i32
      %dma_start3A_143 = tpu.memref_slice %arg4[%dma_start3A_141, %dma_start3A_142] : memref<327680x128xf32, #tpu.memory_space<hbm>> -> memref<327680x128xf32, #tpu.memory_space<hbm>>
      tpu.enqueue_indirect_dma source(%dma_start3A_143 : memref<327680x128xf32, #tpu.memory_space<hbm>>) target(%arg24 : memref<80x128xf32, #tpu.memory_space<vmem>>) offsets(%arg16 : memref<80xi32, #tpu.memory_space<vmem>>) semaphore(%arg27 : memref<!tpu.dma_semaphore, #tpu.memory_space<semaphore_mem>>) {add = true}
      %dma_start3A_144 = arith.constant 0 : i32
      %dma_start3A_145 = arith.constant 0 : i32
      %dma_start3A_146 = tpu.memref_slice %arg4[%dma_start3A_144, %dma_start3A_145] : memref<327680x128xf32, #tpu.memory_space<hbm>> -> memref<327680x128xf32, #tpu.memory_space<hbm>>
      tpu.enqueue_indirect_dma source(%dma_start3A_146 : memref<327680x128xf32, #tpu.memory_space<hbm>>) target(%arg25 : memref<80x128xf32, #tpu.memory_space<vmem>>) offsets(%arg17 : memref<80xi32, #tpu.memory_space<vmem>>) semaphore(%arg27 : memref<!tpu.dma_semaphore, #tpu.memory_space<semaphore_mem>>) {add = true}
      %dma_wait3A_147 = arith.constant 0 : i32
      %dma_wait3A_148 = arith.constant 0 : i32
      %dma_wait3A_149 = tpu.memref_slice %arg4[%dma_wait3A_147, %dma_wait3A_148] : memref<327680x128xf32, #tpu.memory_space<hbm>> -> memref<327680x128xf32, #tpu.memory_space<hbm>>
      tpu.wait_indirect_dma semaphore(%arg27 : memref<!tpu.dma_semaphore, #tpu.memory_space<semaphore_mem>>) src(%dma_wait3A_149 : memref<327680x128xf32, #tpu.memory_space<hbm>>) dst(%arg22 : memref<80x128xf32, #tpu.memory_space<vmem>>)
      %dma_wait3A_150 = arith.constant 0 : i32
      %dma_wait3A_151 = arith.constant 0 : i32
      %dma_wait3A_152 = tpu.memref_slice %arg4[%dma_wait3A_150, %dma_wait3A_151] : memref<327680x128xf32, #tpu.memory_space<hbm>> -> memref<327680x128xf32, #tpu.memory_space<hbm>>
      tpu.wait_indirect_dma semaphore(%arg27 : memref<!tpu.dma_semaphore, #tpu.memory_space<semaphore_mem>>) src(%dma_wait3A_152 : memref<327680x128xf32, #tpu.memory_space<hbm>>) dst(%arg23 : memref<80x128xf32, #tpu.memory_space<vmem>>)
      %dma_wait3A_153 = arith.constant 0 : i32
      %dma_wait3A_154 = arith.constant 0 : i32
      %dma_wait3A_155 = tpu.memref_slice %arg4[%dma_wait3A_153, %dma_wait3A_154] : memref<327680x128xf32, #tpu.memory_space<hbm>> -> memref<327680x128xf32, #tpu.memory_space<hbm>>
      tpu.wait_indirect_dma semaphore(%arg27 : memref<!tpu.dma_semaphore, #tpu.memory_space<semaphore_mem>>) src(%dma_wait3A_155 : memref<327680x128xf32, #tpu.memory_space<hbm>>) dst(%arg24 : memref<80x128xf32, #tpu.memory_space<vmem>>)
      %dma_wait3A_156 = arith.constant 0 : i32
      %dma_wait3A_157 = arith.constant 0 : i32
      %dma_wait3A_158 = tpu.memref_slice %arg4[%dma_wait3A_156, %dma_wait3A_157] : memref<327680x128xf32, #tpu.memory_space<hbm>> -> memref<327680x128xf32, #tpu.memory_space<hbm>>
      tpu.wait_indirect_dma semaphore(%arg27 : memref<!tpu.dma_semaphore, #tpu.memory_space<semaphore_mem>>) src(%dma_wait3A_158 : memref<327680x128xf32, #tpu.memory_space<hbm>>) dst(%arg25 : memref<80x128xf32, #tpu.memory_space<vmem>>)
      %scan3A_159 = arith.constant 0 : i32
      %scan3A_160 = arith.constant 0 : i32
      %scan3A_161 = arith.constant 80 : i32
      %scan3A_162 = arith.addi %scan3A_160, %scan3A_161 : i32
      %scan3A_163 = arith.constant 1 : i32
      scf.for %scan3A_207 = %scan3A_160 to %scan3A_162 step %scan3A_163  : i32 {
        %get3A = arith.index_cast %scan3A_207 : i32 to index
        %get3A_208 = arith.constant 0 : index
        %get3A_209 = tpu.vector_load %arg22[%get3A, %get3A_208] {strides = array<i32>} : memref<80x128xf32, #tpu.memory_space<vmem>>, vector<1x16xf32>,
        %get3A_210 = vector.shape_cast %get3A_209 : vector<1x16xf32> to vector<16xf32>
        %max3A = arith.constant 0.000000e+00 : f32
        %max3A_211 = vector.broadcast %max3A : f32 to vector<16xf32>
        %max3A_212 = arith.maximumf %get3A_210, %max3A_211 : vector<16xf32>
        %swap3A = arith.index_cast %scan3A_207 : i32 to index
        %swap3A_213 = arith.constant 0 : index
        %swap3A_214 = tpu.vector_load %arg22[%swap3A, %swap3A_213] {strides = array<i32>} : memref<80x128xf32, #tpu.memory_space<vmem>>, vector<1x16xf32>,
        %swap3A_215 = vector.shape_cast %swap3A_214 : vector<1x16xf32> to vector<16xf32>
        %swap3A_216 = vector.shape_cast %max3A_212 : vector<16xf32> to vector<1x16xf32>
        tpu.vector_store %arg22[%swap3A, %swap3A_213], %swap3A_216 {strides = array<i32>} : memref<80x128xf32, #tpu.memory_space<vmem>>, vector<1x16xf32>,
        %get3A_217 = arith.index_cast %scan3A_207 : i32 to index
        %get3A_218 = arith.constant 16 : index
        %get3A_219 = tpu.vector_load %arg22[%get3A_217, %get3A_218] {strides = array<i32>} : memref<80x128xf32, #tpu.memory_space<vmem>>, vector<1x16xf32>,
        %get3A_220 = vector.shape_cast %get3A_219 : vector<1x16xf32> to vector<16xf32>
        %max3A_221 = arith.constant 0.000000e+00 : f32
        %max3A_222 = vector.broadcast %max3A_221 : f32 to vector<16xf32>
        %max3A_223 = arith.maximumf %get3A_220, %max3A_222 : vector<16xf32>
        %swap3A_224 = arith.index_cast %scan3A_207 : i32 to index
        %swap3A_225 = arith.constant 16 : index
        %swap3A_226 = tpu.vector_load %arg22[%swap3A_224, %swap3A_225] {strides = array<i32>} : memref<80x128xf32, #tpu.memory_space<vmem>>, vector<1x16xf32>,
        %swap3A_227 = vector.shape_cast %swap3A_226 : vector<1x16xf32> to vector<16xf32>
        %swap3A_228 = vector.shape_cast %max3A_223 : vector<16xf32> to vector<1x16xf32>
        tpu.vector_store %arg22[%swap3A_224, %swap3A_225], %swap3A_228 {strides = array<i32>} : memref<80x128xf32, #tpu.memory_space<vmem>>, vector<1x16xf32>,
        %get3A_229 = arith.index_cast %scan3A_207 : i32 to index
        %get3A_230 = arith.constant 32 : index
        %get3A_231 = tpu.vector_load %arg22[%get3A_229, %get3A_230] {strides = array<i32>} : memref<80x128xf32, #tpu.memory_space<vmem>>, vector<1x16xf32>,
        %get3A_232 = vector.shape_cast %get3A_231 : vector<1x16xf32> to vector<16xf32>
        %max3A_233 = arith.constant 0.000000e+00 : f32
        %max3A_234 = vector.broadcast %max3A_233 : f32 to vector<16xf32>
        %max3A_235 = arith.maximumf %get3A_232, %max3A_234 : vector<16xf32>
        %swap3A_236 = arith.index_cast %scan3A_207 : i32 to index
        %swap3A_237 = arith.constant 32 : index
        %swap3A_238 = tpu.vector_load %arg22[%swap3A_236, %swap3A_237] {strides = array<i32>} : memref<80x128xf32, #tpu.memory_space<vmem>>, vector<1x16xf32>,
        %swap3A_239 = vector.shape_cast %swap3A_238 : vector<1x16xf32> to vector<16xf32>
        %swap3A_240 = vector.shape_cast %max3A_235 : vector<16xf32> to vector<1x16xf32>
        tpu.vector_store %arg22[%swap3A_236, %swap3A_237], %swap3A_240 {strides = array<i32>} : memref<80x128xf32, #tpu.memory_space<vmem>>, vector<1x16xf32>,
        %get3A_241 = arith.index_cast %scan3A_207 : i32 to index
        %get3A_242 = arith.constant 48 : index
        %get3A_243 = tpu.vector_load %arg22[%get3A_241, %get3A_242] {strides = array<i32>} : memref<80x128xf32, #tpu.memory_space<vmem>>, vector<1x16xf32>,
        %get3A_244 = vector.shape_cast %get3A_243 : vector<1x16xf32> to vector<16xf32>
        %max3A_245 = arith.constant 0.000000e+00 : f32
        %max3A_246 = vector.broadcast %max3A_245 : f32 to vector<16xf32>
        %max3A_247 = arith.maximumf %get3A_244, %max3A_246 : vector<16xf32>
        %swap3A_248 = arith.index_cast %scan3A_207 : i32 to index
        %swap3A_249 = arith.constant 48 : index
        %swap3A_250 = tpu.vector_load %arg22[%swap3A_248, %swap3A_249] {strides = array<i32>} : memref<80x128xf32, #tpu.memory_space<vmem>>, vector<1x16xf32>,
        %swap3A_251 = vector.shape_cast %swap3A_250 : vector<1x16xf32> to vector<16xf32>
        %swap3A_252 = vector.shape_cast %max3A_247 : vector<16xf32> to vector<1x16xf32>
        tpu.vector_store %arg22[%swap3A_248, %swap3A_249], %swap3A_252 {strides = array<i32>} : memref<80x128xf32, #tpu.memory_space<vmem>>, vector<1x16xf32>,
        %get3A_253 = arith.index_cast %scan3A_207 : i32 to index
        %get3A_254 = arith.constant 64 : index
        %get3A_255 = tpu.vector_load %arg22[%get3A_253, %get3A_254] {strides = array<i32>} : memref<80x128xf32, #tpu.memory_space<vmem>>, vector<1x16xf32>,
        %get3A_256 = vector.shape_cast %get3A_255 : vector<1x16xf32> to vector<16xf32>
        %max3A_257 = arith.constant 0.000000e+00 : f32
        %max3A_258 = vector.broadcast %max3A_257 : f32 to vector<16xf32>
        %max3A_259 = arith.maximumf %get3A_256, %max3A_258 : vector<16xf32>
        %swap3A_260 = arith.index_cast %scan3A_207 : i32 to index
        %swap3A_261 = arith.constant 64 : index
        %swap3A_262 = tpu.vector_load %arg22[%swap3A_260, %swap3A_261] {strides = array<i32>} : memref<80x128xf32, #tpu.memory_space<vmem>>, vector<1x16xf32>,
        %swap3A_263 = vector.shape_cast %swap3A_262 : vector<1x16xf32> to vector<16xf32>
        %swap3A_264 = vector.shape_cast %max3A_259 : vector<16xf32> to vector<1x16xf32>
        tpu.vector_store %arg22[%swap3A_260, %swap3A_261], %swap3A_264 {strides = array<i32>} : memref<80x128xf32, #tpu.memory_space<vmem>>, vector<1x16xf32>,
        %get3A_265 = arith.index_cast %scan3A_207 : i32 to index
        %get3A_266 = arith.constant 80 : index
        %get3A_267 = tpu.vector_load %arg22[%get3A_265, %get3A_266] {strides = array<i32>} : memref<80x128xf32, #tpu.memory_space<vmem>>, vector<1x16xf32>,
        %get3A_268 = vector.shape_cast %get3A_267 : vector<1x16xf32> to vector<16xf32>
        %max3A_269 = arith.constant 0.000000e+00 : f32
        %max3A_270 = vector.broadcast %max3A_269 : f32 to vector<16xf32>
        %max3A_271 = arith.maximumf %get3A_268, %max3A_270 : vector<16xf32>
        %swap3A_272 = arith.index_cast %scan3A_207 : i32 to index
        %swap3A_273 = arith.constant 80 : index
        %swap3A_274 = tpu.vector_load %arg22[%swap3A_272, %swap3A_273] {strides = array<i32>} : memref<80x128xf32, #tpu.memory_space<vmem>>, vector<1x16xf32>,
        %swap3A_275 = vector.shape_cast %swap3A_274 : vector<1x16xf32> to vector<16xf32>
        %swap3A_276 = vector.shape_cast %max3A_271 : vector<16xf32> to vector<1x16xf32>
        tpu.vector_store %arg22[%swap3A_272, %swap3A_273], %swap3A_276 {strides = array<i32>} : memref<80x128xf32, #tpu.memory_space<vmem>>, vector<1x16xf32>,
        %get3A_277 = arith.index_cast %scan3A_207 : i32 to index
        %get3A_278 = arith.constant 96 : index
        %get3A_279 = tpu.vector_load %arg22[%get3A_277, %get3A_278] {strides = array<i32>} : memref<80x128xf32, #tpu.memory_space<vmem>>, vector<1x16xf32>,
        %get3A_280 = vector.shape_cast %get3A_279 : vector<1x16xf32> to vector<16xf32>
        %max3A_281 = arith.constant 0.000000e+00 : f32
        %max3A_282 = vector.broadcast %max3A_281 : f32 to vector<16xf32>
        %max3A_283 = arith.maximumf %get3A_280, %max3A_282 : vector<16xf32>
        %swap3A_284 = arith.index_cast %scan3A_207 : i32 to index
        %swap3A_285 = arith.constant 96 : index
        %swap3A_286 = tpu.vector_load %arg22[%swap3A_284, %swap3A_285] {strides = array<i32>} : memref<80x128xf32, #tpu.memory_space<vmem>>, vector<1x16xf32>,
        %swap3A_287 = vector.shape_cast %swap3A_286 : vector<1x16xf32> to vector<16xf32>
        %swap3A_288 = vector.shape_cast %max3A_283 : vector<16xf32> to vector<1x16xf32>
        tpu.vector_store %arg22[%swap3A_284, %swap3A_285], %swap3A_288 {strides = array<i32>} : memref<80x128xf32, #tpu.memory_space<vmem>>, vector<1x16xf32>,
        %get3A_289 = arith.index_cast %scan3A_207 : i32 to index
        %get3A_290 = arith.constant 112 : index
        %get3A_291 = tpu.vector_load %arg22[%get3A_289, %get3A_290] {strides = array<i32>} : memref<80x128xf32, #tpu.memory_space<vmem>>, vector<1x16xf32>,
        %get3A_292 = vector.shape_cast %get3A_291 : vector<1x16xf32> to vector<16xf32>
        %max3A_293 = arith.constant 0.000000e+00 : f32
        %max3A_294 = vector.broadcast %max3A_293 : f32 to vector<16xf32>
        %max3A_295 = arith.maximumf %get3A_292, %max3A_294 : vector<16xf32>
        %swap3A_296 = arith.index_cast %scan3A_207 : i32 to index
        %swap3A_297 = arith.constant 112 : index
        %swap3A_298 = tpu.vector_load %arg22[%swap3A_296, %swap3A_297] {strides = array<i32>} : memref<80x128xf32, #tpu.memory_space<vmem>>, vector<1x16xf32>,
        %swap3A_299 = vector.shape_cast %swap3A_298 : vector<1x16xf32> to vector<16xf32>
        %swap3A_300 = vector.shape_cast %max3A_295 : vector<16xf32> to vector<1x16xf32>
        tpu.vector_store %arg22[%swap3A_296, %swap3A_297], %swap3A_300 {strides = array<i32>} : memref<80x128xf32, #tpu.memory_space<vmem>>, vector<1x16xf32>,
      }
      %scan3A_164 = arith.constant 80 : i32
      %scan3A_165 = arith.constant 0 : i32
      %scan3A_166 = arith.constant 0 : i32
      %scan3A_167 = arith.constant 80 : i32
      %scan3A_168 = arith.addi %scan3A_166, %scan3A_167 : i32
      %scan3A_169 = arith.constant 1 : i32
      scf.for %scan3A_207 = %scan3A_166 to %scan3A_168 step %scan3A_169  : i32 {
        %get3A = arith.index_cast %scan3A_207 : i32 to index
        %get3A_208 = arith.constant 0 : index
        %get3A_209 = tpu.vector_load %arg23[%get3A, %get3A_208] {strides = array<i32>} : memref<80x128xf32, #tpu.memory_space<vmem>>, vector<1x16xf32>,
        %get3A_210 = vector.shape_cast %get3A_209 : vector<1x16xf32> to vector<16xf32>
        %max3A = arith.constant 0.000000e+00 : f32
        %max3A_211 = vector.broadcast %max3A : f32 to vector<16xf32>
        %max3A_212 = arith.maximumf %get3A_210, %max3A_211 : vector<16xf32>
        %swap3A = arith.index_cast %scan3A_207 : i32 to index
        %swap3A_213 = arith.constant 0 : index
        %swap3A_214 = tpu.vector_load %arg23[%swap3A, %swap3A_213] {strides = array<i32>} : memref<80x128xf32, #tpu.memory_space<vmem>>, vector<1x16xf32>,
        %swap3A_215 = vector.shape_cast %swap3A_214 : vector<1x16xf32> to vector<16xf32>
        %swap3A_216 = vector.shape_cast %max3A_212 : vector<16xf32> to vector<1x16xf32>
        tpu.vector_store %arg23[%swap3A, %swap3A_213], %swap3A_216 {strides = array<i32>} : memref<80x128xf32, #tpu.memory_space<vmem>>, vector<1x16xf32>,
        %get3A_217 = arith.index_cast %scan3A_207 : i32 to index
        %get3A_218 = arith.constant 16 : index
        %get3A_219 = tpu.vector_load %arg23[%get3A_217, %get3A_218] {strides = array<i32>} : memref<80x128xf32, #tpu.memory_space<vmem>>, vector<1x16xf32>,
        %get3A_220 = vector.shape_cast %get3A_219 : vector<1x16xf32> to vector<16xf32>
        %max3A_221 = arith.constant 0.000000e+00 : f32
        %max3A_222 = vector.broadcast %max3A_221 : f32 to vector<16xf32>
        %max3A_223 = arith.maximumf %get3A_220, %max3A_222 : vector<16xf32>
        %swap3A_224 = arith.index_cast %scan3A_207 : i32 to index
        %swap3A_225 = arith.constant 16 : index
        %swap3A_226 = tpu.vector_load %arg23[%swap3A_224, %swap3A_225] {strides = array<i32>} : memref<80x128xf32, #tpu.memory_space<vmem>>, vector<1x16xf32>,
        %swap3A_227 = vector.shape_cast %swap3A_226 : vector<1x16xf32> to vector<16xf32>
        %swap3A_228 = vector.shape_cast %max3A_223 : vector<16xf32> to vector<1x16xf32>
        tpu.vector_store %arg23[%swap3A_224, %swap3A_225], %swap3A_228 {strides = array<i32>} : memref<80x128xf32, #tpu.memory_space<vmem>>, vector<1x16xf32>,
        %get3A_229 = arith.index_cast %scan3A_207 : i32 to index
        %get3A_230 = arith.constant 32 : index
        %get3A_231 = tpu.vector_load %arg23[%get3A_229, %get3A_230] {strides = array<i32>} : memref<80x128xf32, #tpu.memory_space<vmem>>, vector<1x16xf32>,
        %get3A_232 = vector.shape_cast %get3A_231 : vector<1x16xf32> to vector<16xf32>
        %max3A_233 = arith.constant 0.000000e+00 : f32
        %max3A_234 = vector.broadcast %max3A_233 : f32 to vector<16xf32>
        %max3A_235 = arith.maximumf %get3A_232, %max3A_234 : vector<16xf32>
        %swap3A_236 = arith.index_cast %scan3A_207 : i32 to index
        %swap3A_237 = arith.constant 32 : index
        %swap3A_238 = tpu.vector_load %arg23[%swap3A_236, %swap3A_237] {strides = array<i32>} : memref<80x128xf32, #tpu.memory_space<vmem>>, vector<1x16xf32>,
        %swap3A_239 = vector.shape_cast %swap3A_238 : vector<1x16xf32> to vector<16xf32>
        %swap3A_240 = vector.shape_cast %max3A_235 : vector<16xf32> to vector<1x16xf32>
        tpu.vector_store %arg23[%swap3A_236, %swap3A_237], %swap3A_240 {strides = array<i32>} : memref<80x128xf32, #tpu.memory_space<vmem>>, vector<1x16xf32>,
        %get3A_241 = arith.index_cast %scan3A_207 : i32 to index
        %get3A_242 = arith.constant 48 : index
        %get3A_243 = tpu.vector_load %arg23[%get3A_241, %get3A_242] {strides = array<i32>} : memref<80x128xf32, #tpu.memory_space<vmem>>, vector<1x16xf32>,
        %get3A_244 = vector.shape_cast %get3A_243 : vector<1x16xf32> to vector<16xf32>
        %max3A_245 = arith.constant 0.000000e+00 : f32
        %max3A_246 = vector.broadcast %max3A_245 : f32 to vector<16xf32>
        %max3A_247 = arith.maximumf %get3A_244, %max3A_246 : vector<16xf32>
        %swap3A_248 = arith.index_cast %scan3A_207 : i32 to index
        %swap3A_249 = arith.constant 48 : index
        %swap3A_250 = tpu.vector_load %arg23[%swap3A_248, %swap3A_249] {strides = array<i32>} : memref<80x128xf32, #tpu.memory_space<vmem>>, vector<1x16xf32>,
        %swap3A_251 = vector.shape_cast %swap3A_250 : vector<1x16xf32> to vector<16xf32>
        %swap3A_252 = vector.shape_cast %max3A_247 : vector<16xf32> to vector<1x16xf32>
        tpu.vector_store %arg23[%swap3A_248, %swap3A_249], %swap3A_252 {strides = array<i32>} : memref<80x128xf32, #tpu.memory_space<vmem>>, vector<1x16xf32>,
        %get3A_253 = arith.index_cast %scan3A_207 : i32 to index
        %get3A_254 = arith.constant 64 : index
        %get3A_255 = tpu.vector_load %arg23[%get3A_253, %get3A_254] {strides = array<i32>} : memref<80x128xf32, #tpu.memory_space<vmem>>, vector<1x16xf32>,
        %get3A_256 = vector.shape_cast %get3A_255 : vector<1x16xf32> to vector<16xf32>
        %max3A_257 = arith.constant 0.000000e+00 : f32
        %max3A_258 = vector.broadcast %max3A_257 : f32 to vector<16xf32>
        %max3A_259 = arith.maximumf %get3A_256, %max3A_258 : vector<16xf32>
        %swap3A_260 = arith.index_cast %scan3A_207 : i32 to index
        %swap3A_261 = arith.constant 64 : index
        %swap3A_262 = tpu.vector_load %arg23[%swap3A_260, %swap3A_261] {strides = array<i32>} : memref<80x128xf32, #tpu.memory_space<vmem>>, vector<1x16xf32>,
        %swap3A_263 = vector.shape_cast %swap3A_262 : vector<1x16xf32> to vector<16xf32>
        %swap3A_264 = vector.shape_cast %max3A_259 : vector<16xf32> to vector<1x16xf32>
        tpu.vector_store %arg23[%swap3A_260, %swap3A_261], %swap3A_264 {strides = array<i32>} : memref<80x128xf32, #tpu.memory_space<vmem>>, vector<1x16xf32>,
        %get3A_265 = arith.index_cast %scan3A_207 : i32 to index
        %get3A_266 = arith.constant 80 : index
        %get3A_267 = tpu.vector_load %arg23[%get3A_265, %get3A_266] {strides = array<i32>} : memref<80x128xf32, #tpu.memory_space<vmem>>, vector<1x16xf32>,
        %get3A_268 = vector.shape_cast %get3A_267 : vector<1x16xf32> to vector<16xf32>
        %max3A_269 = arith.constant 0.000000e+00 : f32
        %max3A_270 = vector.broadcast %max3A_269 : f32 to vector<16xf32>
        %max3A_271 = arith.maximumf %get3A_268, %max3A_270 : vector<16xf32>
        %swap3A_272 = arith.index_cast %scan3A_207 : i32 to index
        %swap3A_273 = arith.constant 80 : index
        %swap3A_274 = tpu.vector_load %arg23[%swap3A_272, %swap3A_273] {strides = array<i32>} : memref<80x128xf32, #tpu.memory_space<vmem>>, vector<1x16xf32>,
        %swap3A_275 = vector.shape_cast %swap3A_274 : vector<1x16xf32> to vector<16xf32>
        %swap3A_276 = vector.shape_cast %max3A_271 : vector<16xf32> to vector<1x16xf32>
        tpu.vector_store %arg23[%swap3A_272, %swap3A_273], %swap3A_276 {strides = array<i32>} : memref<80x128xf32, #tpu.memory_space<vmem>>, vector<1x16xf32>,
        %get3A_277 = arith.index_cast %scan3A_207 : i32 to index
        %get3A_278 = arith.constant 96 : index
        %get3A_279 = tpu.vector_load %arg23[%get3A_277, %get3A_278] {strides = array<i32>} : memref<80x128xf32, #tpu.memory_space<vmem>>, vector<1x16xf32>,
        %get3A_280 = vector.shape_cast %get3A_279 : vector<1x16xf32> to vector<16xf32>
        %max3A_281 = arith.constant 0.000000e+00 : f32
        %max3A_282 = vector.broadcast %max3A_281 : f32 to vector<16xf32>
        %max3A_283 = arith.maximumf %get3A_280, %max3A_282 : vector<16xf32>
        %swap3A_284 = arith.index_cast %scan3A_207 : i32 to index
        %swap3A_285 = arith.constant 96 : index
        %swap3A_286 = tpu.vector_load %arg23[%swap3A_284, %swap3A_285] {strides = array<i32>} : memref<80x128xf32, #tpu.memory_space<vmem>>, vector<1x16xf32>,
        %swap3A_287 = vector.shape_cast %swap3A_286 : vector<1x16xf32> to vector<16xf32>
        %swap3A_288 = vector.shape_cast %max3A_283 : vector<16xf32> to vector<1x16xf32>
        tpu.vector_store %arg23[%swap3A_284, %swap3A_285], %swap3A_288 {strides = array<i32>} : memref<80x128xf32, #tpu.memory_space<vmem>>, vector<1x16xf32>,
        %get3A_289 = arith.index_cast %scan3A_207 : i32 to index
        %get3A_290 = arith.constant 112 : index
        %get3A_291 = tpu.vector_load %arg23[%get3A_289, %get3A_290] {strides = array<i32>} : memref<80x128xf32, #tpu.memory_space<vmem>>, vector<1x16xf32>,
        %get3A_292 = vector.shape_cast %get3A_291 : vector<1x16xf32> to vector<16xf32>
        %max3A_293 = arith.constant 0.000000e+00 : f32
        %max3A_294 = vector.broadcast %max3A_293 : f32 to vector<16xf32>
        %max3A_295 = arith.maximumf %get3A_292, %max3A_294 : vector<16xf32>
        %swap3A_296 = arith.index_cast %scan3A_207 : i32 to index
        %swap3A_297 = arith.constant 112 : index
        %swap3A_298 = tpu.vector_load %arg23[%swap3A_296, %swap3A_297] {strides = array<i32>} : memref<80x128xf32, #tpu.memory_space<vmem>>, vector<1x16xf32>,
        %swap3A_299 = vector.shape_cast %swap3A_298 : vector<1x16xf32> to vector<16xf32>
        %swap3A_300 = vector.shape_cast %max3A_295 : vector<16xf32> to vector<1x16xf32>
        tpu.vector_store %arg23[%swap3A_296, %swap3A_297], %swap3A_300 {strides = array<i32>} : memref<80x128xf32, #tpu.memory_space<vmem>>, vector<1x16xf32>,
      }
      %scan3A_170 = arith.constant 80 : i32
      %scan3A_171 = arith.constant 0 : i32
      %scan3A_172 = arith.constant 0 : i32
      %scan3A_173 = arith.constant 80 : i32
      %scan3A_174 = arith.addi %scan3A_172, %scan3A_173 : i32
      %scan3A_175 = arith.constant 1 : i32
      scf.for %scan3A_207 = %scan3A_172 to %scan3A_174 step %scan3A_175  : i32 {
        %get3A = arith.index_cast %scan3A_207 : i32 to index
        %get3A_208 = arith.constant 0 : index
        %get3A_209 = tpu.vector_load %arg24[%get3A, %get3A_208] {strides = array<i32>} : memref<80x128xf32, #tpu.memory_space<vmem>>, vector<1x16xf32>,
        %get3A_210 = vector.shape_cast %get3A_209 : vector<1x16xf32> to vector<16xf32>
        %max3A = arith.constant 0.000000e+00 : f32
        %max3A_211 = vector.broadcast %max3A : f32 to vector<16xf32>
        %max3A_212 = arith.maximumf %get3A_210, %max3A_211 : vector<16xf32>
        %swap3A = arith.index_cast %scan3A_207 : i32 to index
        %swap3A_213 = arith.constant 0 : index
        %swap3A_214 = tpu.vector_load %arg24[%swap3A, %swap3A_213] {strides = array<i32>} : memref<80x128xf32, #tpu.memory_space<vmem>>, vector<1x16xf32>,
        %swap3A_215 = vector.shape_cast %swap3A_214 : vector<1x16xf32> to vector<16xf32>
        %swap3A_216 = vector.shape_cast %max3A_212 : vector<16xf32> to vector<1x16xf32>
        tpu.vector_store %arg24[%swap3A, %swap3A_213], %swap3A_216 {strides = array<i32>} : memref<80x128xf32, #tpu.memory_space<vmem>>, vector<1x16xf32>,
        %get3A_217 = arith.index_cast %scan3A_207 : i32 to index
        %get3A_218 = arith.constant 16 : index
        %get3A_219 = tpu.vector_load %arg24[%get3A_217, %get3A_218] {strides = array<i32>} : memref<80x128xf32, #tpu.memory_space<vmem>>, vector<1x16xf32>,
        %get3A_220 = vector.shape_cast %get3A_219 : vector<1x16xf32> to vector<16xf32>
        %max3A_221 = arith.constant 0.000000e+00 : f32
        %max3A_222 = vector.broadcast %max3A_221 : f32 to vector<16xf32>
        %max3A_223 = arith.maximumf %get3A_220, %max3A_222 : vector<16xf32>
        %swap3A_224 = arith.index_cast %scan3A_207 : i32 to index
        %swap3A_225 = arith.constant 16 : index
        %swap3A_226 = tpu.vector_load %arg24[%swap3A_224, %swap3A_225] {strides = array<i32>} : memref<80x128xf32, #tpu.memory_space<vmem>>, vector<1x16xf32>,
        %swap3A_227 = vector.shape_cast %swap3A_226 : vector<1x16xf32> to vector<16xf32>
        %swap3A_228 = vector.shape_cast %max3A_223 : vector<16xf32> to vector<1x16xf32>
        tpu.vector_store %arg24[%swap3A_224, %swap3A_225], %swap3A_228 {strides = array<i32>} : memref<80x128xf32, #tpu.memory_space<vmem>>, vector<1x16xf32>,
        %get3A_229 = arith.index_cast %scan3A_207 : i32 to index
        %get3A_230 = arith.constant 32 : index
        %get3A_231 = tpu.vector_load %arg24[%get3A_229, %get3A_230] {strides = array<i32>} : memref<80x128xf32, #tpu.memory_space<vmem>>, vector<1x16xf32>,
        %get3A_232 = vector.shape_cast %get3A_231 : vector<1x16xf32> to vector<16xf32>
        %max3A_233 = arith.constant 0.000000e+00 : f32
        %max3A_234 = vector.broadcast %max3A_233 : f32 to vector<16xf32>
        %max3A_235 = arith.maximumf %get3A_232, %max3A_234 : vector<16xf32>
        %swap3A_236 = arith.index_cast %scan3A_207 : i32 to index
        %swap3A_237 = arith.constant 32 : index
        %swap3A_238 = tpu.vector_load %arg24[%swap3A_236, %swap3A_237] {strides = array<i32>} : memref<80x128xf32, #tpu.memory_space<vmem>>, vector<1x16xf32>,
        %swap3A_239 = vector.shape_cast %swap3A_238 : vector<1x16xf32> to vector<16xf32>
        %swap3A_240 = vector.shape_cast %max3A_235 : vector<16xf32> to vector<1x16xf32>
        tpu.vector_store %arg24[%swap3A_236, %swap3A_237], %swap3A_240 {strides = array<i32>} : memref<80x128xf32, #tpu.memory_space<vmem>>, vector<1x16xf32>,
        %get3A_241 = arith.index_cast %scan3A_207 : i32 to index
        %get3A_242 = arith.constant 48 : index
        %get3A_243 = tpu.vector_load %arg24[%get3A_241, %get3A_242] {strides = array<i32>} : memref<80x128xf32, #tpu.memory_space<vmem>>, vector<1x16xf32>,
        %get3A_244 = vector.shape_cast %get3A_243 : vector<1x16xf32> to vector<16xf32>
        %max3A_245 = arith.constant 0.000000e+00 : f32
        %max3A_246 = vector.broadcast %max3A_245 : f32 to vector<16xf32>
        %max3A_247 = arith.maximumf %get3A_244, %max3A_246 : vector<16xf32>
        %swap3A_248 = arith.index_cast %scan3A_207 : i32 to index
        %swap3A_249 = arith.constant 48 : index
        %swap3A_250 = tpu.vector_load %arg24[%swap3A_248, %swap3A_249] {strides = array<i32>} : memref<80x128xf32, #tpu.memory_space<vmem>>, vector<1x16xf32>,
        %swap3A_251 = vector.shape_cast %swap3A_250 : vector<1x16xf32> to vector<16xf32>
        %swap3A_252 = vector.shape_cast %max3A_247 : vector<16xf32> to vector<1x16xf32>
        tpu.vector_store %arg24[%swap3A_248, %swap3A_249], %swap3A_252 {strides = array<i32>} : memref<80x128xf32, #tpu.memory_space<vmem>>, vector<1x16xf32>,
        %get3A_253 = arith.index_cast %scan3A_207 : i32 to index
        %get3A_254 = arith.constant 64 : index
        %get3A_255 = tpu.vector_load %arg24[%get3A_253, %get3A_254] {strides = array<i32>} : memref<80x128xf32, #tpu.memory_space<vmem>>, vector<1x16xf32>,
        %get3A_256 = vector.shape_cast %get3A_255 : vector<1x16xf32> to vector<16xf32>
        %max3A_257 = arith.constant 0.000000e+00 : f32
        %max3A_258 = vector.broadcast %max3A_257 : f32 to vector<16xf32>
        %max3A_259 = arith.maximumf %get3A_256, %max3A_258 : vector<16xf32>
        %swap3A_260 = arith.index_cast %scan3A_207 : i32 to index
        %swap3A_261 = arith.constant 64 : index
        %swap3A_262 = tpu.vector_load %arg24[%swap3A_260, %swap3A_261] {strides = array<i32>} : memref<80x128xf32, #tpu.memory_space<vmem>>, vector<1x16xf32>,
        %swap3A_263 = vector.shape_cast %swap3A_262 : vector<1x16xf32> to vector<16xf32>
        %swap3A_264 = vector.shape_cast %max3A_259 : vector<16xf32> to vector<1x16xf32>
        tpu.vector_store %arg24[%swap3A_260, %swap3A_261], %swap3A_264 {strides = array<i32>} : memref<80x128xf32, #tpu.memory_space<vmem>>, vector<1x16xf32>,
        %get3A_265 = arith.index_cast %scan3A_207 : i32 to index
        %get3A_266 = arith.constant 80 : index
        %get3A_267 = tpu.vector_load %arg24[%get3A_265, %get3A_266] {strides = array<i32>} : memref<80x128xf32, #tpu.memory_space<vmem>>, vector<1x16xf32>,
        %get3A_268 = vector.shape_cast %get3A_267 : vector<1x16xf32> to vector<16xf32>
        %max3A_269 = arith.constant 0.000000e+00 : f32
        %max3A_270 = vector.broadcast %max3A_269 : f32 to vector<16xf32>
        %max3A_271 = arith.maximumf %get3A_268, %max3A_270 : vector<16xf32>
        %swap3A_272 = arith.index_cast %scan3A_207 : i32 to index
        %swap3A_273 = arith.constant 80 : index
        %swap3A_274 = tpu.vector_load %arg24[%swap3A_272, %swap3A_273] {strides = array<i32>} : memref<80x128xf32, #tpu.memory_space<vmem>>, vector<1x16xf32>,
        %swap3A_275 = vector.shape_cast %swap3A_274 : vector<1x16xf32> to vector<16xf32>
        %swap3A_276 = vector.shape_cast %max3A_271 : vector<16xf32> to vector<1x16xf32>
        tpu.vector_store %arg24[%swap3A_272, %swap3A_273], %swap3A_276 {strides = array<i32>} : memref<80x128xf32, #tpu.memory_space<vmem>>, vector<1x16xf32>,
        %get3A_277 = arith.index_cast %scan3A_207 : i32 to index
        %get3A_278 = arith.constant 96 : index
        %get3A_279 = tpu.vector_load %arg24[%get3A_277, %get3A_278] {strides = array<i32>} : memref<80x128xf32, #tpu.memory_space<vmem>>, vector<1x16xf32>,
        %get3A_280 = vector.shape_cast %get3A_279 : vector<1x16xf32> to vector<16xf32>
        %max3A_281 = arith.constant 0.000000e+00 : f32
        %max3A_282 = vector.broadcast %max3A_281 : f32 to vector<16xf32>
        %max3A_283 = arith.maximumf %get3A_280, %max3A_282 : vector<16xf32>
        %swap3A_284 = arith.index_cast %scan3A_207 : i32 to index
        %swap3A_285 = arith.constant 96 : index
        %swap3A_286 = tpu.vector_load %arg24[%swap3A_284, %swap3A_285] {strides = array<i32>} : memref<80x128xf32, #tpu.memory_space<vmem>>, vector<1x16xf32>,
        %swap3A_287 = vector.shape_cast %swap3A_286 : vector<1x16xf32> to vector<16xf32>
        %swap3A_288 = vector.shape_cast %max3A_283 : vector<16xf32> to vector<1x16xf32>
        tpu.vector_store %arg24[%swap3A_284, %swap3A_285], %swap3A_288 {strides = array<i32>} : memref<80x128xf32, #tpu.memory_space<vmem>>, vector<1x16xf32>,
        %get3A_289 = arith.index_cast %scan3A_207 : i32 to index
        %get3A_290 = arith.constant 112 : index
        %get3A_291 = tpu.vector_load %arg24[%get3A_289, %get3A_290] {strides = array<i32>} : memref<80x128xf32, #tpu.memory_space<vmem>>, vector<1x16xf32>,
        %get3A_292 = vector.shape_cast %get3A_291 : vector<1x16xf32> to vector<16xf32>
        %max3A_293 = arith.constant 0.000000e+00 : f32
        %max3A_294 = vector.broadcast %max3A_293 : f32 to vector<16xf32>
        %max3A_295 = arith.maximumf %get3A_292, %max3A_294 : vector<16xf32>
        %swap3A_296 = arith.index_cast %scan3A_207 : i32 to index
        %swap3A_297 = arith.constant 112 : index
        %swap3A_298 = tpu.vector_load %arg24[%swap3A_296, %swap3A_297] {strides = array<i32>} : memref<80x128xf32, #tpu.memory_space<vmem>>, vector<1x16xf32>,
        %swap3A_299 = vector.shape_cast %swap3A_298 : vector<1x16xf32> to vector<16xf32>
        %swap3A_300 = vector.shape_cast %max3A_295 : vector<16xf32> to vector<1x16xf32>
        tpu.vector_store %arg24[%swap3A_296, %swap3A_297], %swap3A_300 {strides = array<i32>} : memref<80x128xf32, #tpu.memory_space<vmem>>, vector<1x16xf32>,
      }
      %scan3A_176 = arith.constant 80 : i32
      %scan3A_177 = arith.constant 0 : i32
      %scan3A_178 = arith.constant 0 : i32
      %scan3A_179 = arith.constant 80 : i32
      %scan3A_180 = arith.addi %scan3A_178, %scan3A_179 : i32
      %scan3A_181 = arith.constant 1 : i32
      scf.for %scan3A_207 = %scan3A_178 to %scan3A_180 step %scan3A_181  : i32 {
        %get3A = arith.index_cast %scan3A_207 : i32 to index
        %get3A_208 = arith.constant 0 : index
        %get3A_209 = tpu.vector_load %arg25[%get3A, %get3A_208] {strides = array<i32>} : memref<80x128xf32, #tpu.memory_space<vmem>>, vector<1x16xf32>,
        %get3A_210 = vector.shape_cast %get3A_209 : vector<1x16xf32> to vector<16xf32>
        %max3A = arith.constant 0.000000e+00 : f32
        %max3A_211 = vector.broadcast %max3A : f32 to vector<16xf32>
        %max3A_212 = arith.maximumf %get3A_210, %max3A_211 : vector<16xf32>
        %swap3A = arith.index_cast %scan3A_207 : i32 to index
        %swap3A_213 = arith.constant 0 : index
        %swap3A_214 = tpu.vector_load %arg25[%swap3A, %swap3A_213] {strides = array<i32>} : memref<80x128xf32, #tpu.memory_space<vmem>>, vector<1x16xf32>,
        %swap3A_215 = vector.shape_cast %swap3A_214 : vector<1x16xf32> to vector<16xf32>
        %swap3A_216 = vector.shape_cast %max3A_212 : vector<16xf32> to vector<1x16xf32>
        tpu.vector_store %arg25[%swap3A, %swap3A_213], %swap3A_216 {strides = array<i32>} : memref<80x128xf32, #tpu.memory_space<vmem>>, vector<1x16xf32>,
        %get3A_217 = arith.index_cast %scan3A_207 : i32 to index
        %get3A_218 = arith.constant 16 : index
        %get3A_219 = tpu.vector_load %arg25[%get3A_217, %get3A_218] {strides = array<i32>} : memref<80x128xf32, #tpu.memory_space<vmem>>, vector<1x16xf32>,
        %get3A_220 = vector.shape_cast %get3A_219 : vector<1x16xf32> to vector<16xf32>
        %max3A_221 = arith.constant 0.000000e+00 : f32
        %max3A_222 = vector.broadcast %max3A_221 : f32 to vector<16xf32>
        %max3A_223 = arith.maximumf %get3A_220, %max3A_222 : vector<16xf32>
        %swap3A_224 = arith.index_cast %scan3A_207 : i32 to index
        %swap3A_225 = arith.constant 16 : index
        %swap3A_226 = tpu.vector_load %arg25[%swap3A_224, %swap3A_225] {strides = array<i32>} : memref<80x128xf32, #tpu.memory_space<vmem>>, vector<1x16xf32>,
        %swap3A_227 = vector.shape_cast %swap3A_226 : vector<1x16xf32> to vector<16xf32>
        %swap3A_228 = vector.shape_cast %max3A_223 : vector<16xf32> to vector<1x16xf32>
        tpu.vector_store %arg25[%swap3A_224, %swap3A_225], %swap3A_228 {strides = array<i32>} : memref<80x128xf32, #tpu.memory_space<vmem>>, vector<1x16xf32>,
        %get3A_229 = arith.index_cast %scan3A_207 : i32 to index
        %get3A_230 = arith.constant 32 : index
        %get3A_231 = tpu.vector_load %arg25[%get3A_229, %get3A_230] {strides = array<i32>} : memref<80x128xf32, #tpu.memory_space<vmem>>, vector<1x16xf32>,
        %get3A_232 = vector.shape_cast %get3A_231 : vector<1x16xf32> to vector<16xf32>
        %max3A_233 = arith.constant 0.000000e+00 : f32
        %max3A_234 = vector.broadcast %max3A_233 : f32 to vector<16xf32>
        %max3A_235 = arith.maximumf %get3A_232, %max3A_234 : vector<16xf32>
        %swap3A_236 = arith.index_cast %scan3A_207 : i32 to index
        %swap3A_237 = arith.constant 32 : index
        %swap3A_238 = tpu.vector_load %arg25[%swap3A_236, %swap3A_237] {strides = array<i32>} : memref<80x128xf32, #tpu.memory_space<vmem>>, vector<1x16xf32>,
        %swap3A_239 = vector.shape_cast %swap3A_238 : vector<1x16xf32> to vector<16xf32>
        %swap3A_240 = vector.shape_cast %max3A_235 : vector<16xf32> to vector<1x16xf32>
        tpu.vector_store %arg25[%swap3A_236, %swap3A_237], %swap3A_240 {strides = array<i32>} : memref<80x128xf32, #tpu.memory_space<vmem>>, vector<1x16xf32>,
        %get3A_241 = arith.index_cast %scan3A_207 : i32 to index
        %get3A_242 = arith.constant 48 : index
        %get3A_243 = tpu.vector_load %arg25[%get3A_241, %get3A_242] {strides = array<i32>} : memref<80x128xf32, #tpu.memory_space<vmem>>, vector<1x16xf32>,
        %get3A_244 = vector.shape_cast %get3A_243 : vector<1x16xf32> to vector<16xf32>
        %max3A_245 = arith.constant 0.000000e+00 : f32
        %max3A_246 = vector.broadcast %max3A_245 : f32 to vector<16xf32>
        %max3A_247 = arith.maximumf %get3A_244, %max3A_246 : vector<16xf32>
        %swap3A_248 = arith.index_cast %scan3A_207 : i32 to index
        %swap3A_249 = arith.constant 48 : index
        %swap3A_250 = tpu.vector_load %arg25[%swap3A_248, %swap3A_249] {strides = array<i32>} : memref<80x128xf32, #tpu.memory_space<vmem>>, vector<1x16xf32>,
        %swap3A_251 = vector.shape_cast %swap3A_250 : vector<1x16xf32> to vector<16xf32>
        %swap3A_252 = vector.shape_cast %max3A_247 : vector<16xf32> to vector<1x16xf32>
        tpu.vector_store %arg25[%swap3A_248, %swap3A_249], %swap3A_252 {strides = array<i32>} : memref<80x128xf32, #tpu.memory_space<vmem>>, vector<1x16xf32>,
        %get3A_253 = arith.index_cast %scan3A_207 : i32 to index
        %get3A_254 = arith.constant 64 : index
        %get3A_255 = tpu.vector_load %arg25[%get3A_253, %get3A_254] {strides = array<i32>} : memref<80x128xf32, #tpu.memory_space<vmem>>, vector<1x16xf32>,
        %get3A_256 = vector.shape_cast %get3A_255 : vector<1x16xf32> to vector<16xf32>
        %max3A_257 = arith.constant 0.000000e+00 : f32
        %max3A_258 = vector.broadcast %max3A_257 : f32 to vector<16xf32>
        %max3A_259 = arith.maximumf %get3A_256, %max3A_258 : vector<16xf32>
        %swap3A_260 = arith.index_cast %scan3A_207 : i32 to index
        %swap3A_261 = arith.constant 64 : index
        %swap3A_262 = tpu.vector_load %arg25[%swap3A_260, %swap3A_261] {strides = array<i32>} : memref<80x128xf32, #tpu.memory_space<vmem>>, vector<1x16xf32>,
        %swap3A_263 = vector.shape_cast %swap3A_262 : vector<1x16xf32> to vector<16xf32>
        %swap3A_264 = vector.shape_cast %max3A_259 : vector<16xf32> to vector<1x16xf32>
        tpu.vector_store %arg25[%swap3A_260, %swap3A_261], %swap3A_264 {strides = array<i32>} : memref<80x128xf32, #tpu.memory_space<vmem>>, vector<1x16xf32>,
        %get3A_265 = arith.index_cast %scan3A_207 : i32 to index
        %get3A_266 = arith.constant 80 : index
        %get3A_267 = tpu.vector_load %arg25[%get3A_265, %get3A_266] {strides = array<i32>} : memref<80x128xf32, #tpu.memory_space<vmem>>, vector<1x16xf32>,
        %get3A_268 = vector.shape_cast %get3A_267 : vector<1x16xf32> to vector<16xf32>
        %max3A_269 = arith.constant 0.000000e+00 : f32
        %max3A_270 = vector.broadcast %max3A_269 : f32 to vector<16xf32>
        %max3A_271 = arith.maximumf %get3A_268, %max3A_270 : vector<16xf32>
        %swap3A_272 = arith.index_cast %scan3A_207 : i32 to index
        %swap3A_273 = arith.constant 80 : index
        %swap3A_274 = tpu.vector_load %arg25[%swap3A_272, %swap3A_273] {strides = array<i32>} : memref<80x128xf32, #tpu.memory_space<vmem>>, vector<1x16xf32>,
        %swap3A_275 = vector.shape_cast %swap3A_274 : vector<1x16xf32> to vector<16xf32>
        %swap3A_276 = vector.shape_cast %max3A_271 : vector<16xf32> to vector<1x16xf32>
        tpu.vector_store %arg25[%swap3A_272, %swap3A_273], %swap3A_276 {strides = array<i32>} : memref<80x128xf32, #tpu.memory_space<vmem>>, vector<1x16xf32>,
        %get3A_277 = arith.index_cast %scan3A_207 : i32 to index
        %get3A_278 = arith.constant 96 : index
        %get3A_279 = tpu.vector_load %arg25[%get3A_277, %get3A_278] {strides = array<i32>} : memref<80x128xf32, #tpu.memory_space<vmem>>, vector<1x16xf32>,
        %get3A_280 = vector.shape_cast %get3A_279 : vector<1x16xf32> to vector<16xf32>
        %max3A_281 = arith.constant 0.000000e+00 : f32
        %max3A_282 = vector.broadcast %max3A_281 : f32 to vector<16xf32>
        %max3A_283 = arith.maximumf %get3A_280, %max3A_282 : vector<16xf32>
        %swap3A_284 = arith.index_cast %scan3A_207 : i32 to index
        %swap3A_285 = arith.constant 96 : index
        %swap3A_286 = tpu.vector_load %arg25[%swap3A_284, %swap3A_285] {strides = array<i32>} : memref<80x128xf32, #tpu.memory_space<vmem>>, vector<1x16xf32>,
        %swap3A_287 = vector.shape_cast %swap3A_286 : vector<1x16xf32> to vector<16xf32>
        %swap3A_288 = vector.shape_cast %max3A_283 : vector<16xf32> to vector<1x16xf32>
        tpu.vector_store %arg25[%swap3A_284, %swap3A_285], %swap3A_288 {strides = array<i32>} : memref<80x128xf32, #tpu.memory_space<vmem>>, vector<1x16xf32>,
        %get3A_289 = arith.index_cast %scan3A_207 : i32 to index
        %get3A_290 = arith.constant 112 : index
        %get3A_291 = tpu.vector_load %arg25[%get3A_289, %get3A_290] {strides = array<i32>} : memref<80x128xf32, #tpu.memory_space<vmem>>, vector<1x16xf32>,
        %get3A_292 = vector.shape_cast %get3A_291 : vector<1x16xf32> to vector<16xf32>
        %max3A_293 = arith.constant 0.000000e+00 : f32
        %max3A_294 = vector.broadcast %max3A_293 : f32 to vector<16xf32>
        %max3A_295 = arith.maximumf %get3A_292, %max3A_294 : vector<16xf32>
        %swap3A_296 = arith.index_cast %scan3A_207 : i32 to index
        %swap3A_297 = arith.constant 112 : index
        %swap3A_298 = tpu.vector_load %arg25[%swap3A_296, %swap3A_297] {strides = array<i32>} : memref<80x128xf32, #tpu.memory_space<vmem>>, vector<1x16xf32>,
        %swap3A_299 = vector.shape_cast %swap3A_298 : vector<1x16xf32> to vector<16xf32>
        %swap3A_300 = vector.shape_cast %max3A_295 : vector<16xf32> to vector<1x16xf32>
        tpu.vector_store %arg25[%swap3A_296, %swap3A_297], %swap3A_300 {strides = array<i32>} : memref<80x128xf32, #tpu.memory_space<vmem>>, vector<1x16xf32>,
      }
      %scan3A_182 = arith.constant 80 : i32
      %dma_start3A_183 = arith.constant 0 : i32
      %dma_start3A_184 = arith.constant 0 : i32
      %dma_start3A_185 = tpu.memref_slice %arg26[%dma_start3A_183, %dma_start3A_184] : memref<10240x128xf32, #tpu.memory_space<vmem_shared>> -> memref<10240x128xf32, #tpu.memory_space<vmem_shared>>
      tpu.enqueue_indirect_dma source(%arg22 : memref<80x128xf32, #tpu.memory_space<vmem>>) target(%dma_start3A_185 : memref<10240x128xf32, #tpu.memory_space<vmem_shared>>) offsets(%arg18 : memref<80xi32, #tpu.memory_space<vmem>>) semaphore(%arg27 : memref<!tpu.dma_semaphore, #tpu.memory_space<semaphore_mem>>) {add = true}
      %dma_start3A_186 = arith.constant 0 : i32
      %dma_start3A_187 = arith.constant 0 : i32
      %dma_start3A_188 = tpu.memref_slice %arg26[%dma_start3A_186, %dma_start3A_187] : memref<10240x128xf32, #tpu.memory_space<vmem_shared>> -> memref<10240x128xf32, #tpu.memory_space<vmem_shared>>
      tpu.enqueue_indirect_dma source(%arg23 : memref<80x128xf32, #tpu.memory_space<vmem>>) target(%dma_start3A_188 : memref<10240x128xf32, #tpu.memory_space<vmem_shared>>) offsets(%arg19 : memref<80xi32, #tpu.memory_space<vmem>>) semaphore(%arg27 : memref<!tpu.dma_semaphore, #tpu.memory_space<semaphore_mem>>) {add = true}
      %dma_start3A_189 = arith.constant 0 : i32
      %dma_start3A_190 = arith.constant 0 : i32
      %dma_start3A_191 = tpu.memref_slice %arg26[%dma_start3A_189, %dma_start3A_190] : memref<10240x128xf32, #tpu.memory_space<vmem_shared>> -> memref<10240x128xf32, #tpu.memory_space<vmem_shared>>
      tpu.enqueue_indirect_dma source(%arg24 : memref<80x128xf32, #tpu.memory_space<vmem>>) target(%dma_start3A_191 : memref<10240x128xf32, #tpu.memory_space<vmem_shared>>) offsets(%arg20 : memref<80xi32, #tpu.memory_space<vmem>>) semaphore(%arg27 : memref<!tpu.dma_semaphore, #tpu.memory_space<semaphore_mem>>) {add = true}
      %dma_start3A_192 = arith.constant 0 : i32
      %dma_start3A_193 = arith.constant 0 : i32
      %dma_start3A_194 = tpu.memref_slice %arg26[%dma_start3A_192, %dma_start3A_193] : memref<10240x128xf32, #tpu.memory_space<vmem_shared>> -> memref<10240x128xf32, #tpu.memory_space<vmem_shared>>
      tpu.enqueue_indirect_dma source(%arg25 : memref<80x128xf32, #tpu.memory_space<vmem>>) target(%dma_start3A_194 : memref<10240x128xf32, #tpu.memory_space<vmem_shared>>) offsets(%arg21 : memref<80xi32, #tpu.memory_space<vmem>>) semaphore(%arg27 : memref<!tpu.dma_semaphore, #tpu.memory_space<semaphore_mem>>) {add = true}
      %dma_wait3A_195 = arith.constant 0 : i32
      %dma_wait3A_196 = arith.constant 0 : i32
      %dma_wait3A_197 = tpu.memref_slice %arg26[%dma_wait3A_195, %dma_wait3A_196] : memref<10240x128xf32, #tpu.memory_space<vmem_shared>> -> memref<10240x128xf32, #tpu.memory_space<vmem_shared>>
      tpu.wait_indirect_dma semaphore(%arg27 : memref<!tpu.dma_semaphore, #tpu.memory_space<semaphore_mem>>) src(%arg22 : memref<80x128xf32, #tpu.memory_space<vmem>>) dst(%dma_wait3A_197 : memref<10240x128xf32, #tpu.memory_space<vmem_shared>>)
      %dma_wait3A_198 = arith.constant 0 : i32
      %dma_wait3A_199 = arith.constant 0 : i32
      %dma_wait3A_200 = tpu.memref_slice %arg26[%dma_wait3A_198, %dma_wait3A_199] : memref<10240x128xf32, #tpu.memory_space<vmem_shared>> -> memref<10240x128xf32, #tpu.memory_space<vmem_shared>>
      tpu.wait_indirect_dma semaphore(%arg27 : memref<!tpu.dma_semaphore, #tpu.memory_space<semaphore_mem>>) src(%arg23 : memref<80x128xf32, #tpu.memory_space<vmem>>) dst(%dma_wait3A_200 : memref<10240x128xf32, #tpu.memory_space<vmem_shared>>)
      %dma_wait3A_201 = arith.constant 0 : i32
      %dma_wait3A_202 = arith.constant 0 : i32
      %dma_wait3A_203 = tpu.memref_slice %arg26[%dma_wait3A_201, %dma_wait3A_202] : memref<10240x128xf32, #tpu.memory_space<vmem_shared>> -> memref<10240x128xf32, #tpu.memory_space<vmem_shared>>
      tpu.wait_indirect_dma semaphore(%arg27 : memref<!tpu.dma_semaphore, #tpu.memory_space<semaphore_mem>>) src(%arg24 : memref<80x128xf32, #tpu.memory_space<vmem>>) dst(%dma_wait3A_203 : memref<10240x128xf32, #tpu.memory_space<vmem_shared>>)
      %dma_wait3A_204 = arith.constant 0 : i32
      %dma_wait3A_205 = arith.constant 0 : i32
      %dma_wait3A_206 = tpu.memref_slice %arg26[%dma_wait3A_204, %dma_wait3A_205] : memref<10240x128xf32, #tpu.memory_space<vmem_shared>> -> memref<10240x128xf32, #tpu.memory_space<vmem_shared>>
      tpu.wait_indirect_dma semaphore(%arg27 : memref<!tpu.dma_semaphore, #tpu.memory_space<semaphore_mem>>) src(%arg25 : memref<80x128xf32, #tpu.memory_space<vmem>>) dst(%dma_wait3A_206 : memref<10240x128xf32, #tpu.memory_space<vmem_shared>>)
    }
    %scan3A_9 = arith.constant 32 : i32
    %barrier3A_10 = arith.constant 0 : index
    tpu.barrier barrier_id(%barrier3A_10)
    "tpu.region"() ({
      %run_scoped3A = tpu.sem_alloc : memref<!tpu.dma_semaphore, #tpu.memory_space<semaphore_mem>>
      %dma_start3A = arith.constant 0 : i32
      %dma_start3A_11 = tpu.memref_slice %arg9[%arg0, %mul3A_0, %dma_start3A] : memref<2x10240x128xf32, #tpu.memory_space<hbm>> -> memref<1x640x128xf32, #tpu.memory_space<hbm>>
      %dma_start3A_12 = tpu.memref_squeeze %dma_start3A_11 : memref<1x640x128xf32, #tpu.memory_space<hbm>> -> memref<640x128xf32, #tpu.memory_space<hbm>>
      %dma_start3A_13 = arith.constant 0 : i32
      %dma_start3A_14 = tpu.memref_slice %arg26[%mul3A_0, %dma_start3A_13] : memref<10240x128xf32, #tpu.memory_space<vmem_shared>> -> memref<640x128xf32, #tpu.memory_space<vmem_shared>>
      tpu.enqueue_dma source(%dma_start3A_14 : memref<640x128xf32, #tpu.memory_space<vmem_shared>>) target(%dma_start3A_12 : memref<640x128xf32, #tpu.memory_space<hbm>>) target_semaphore(%run_scoped3A : memref<!tpu.dma_semaphore, #tpu.memory_space<semaphore_mem>>)
      %dma_wait3A = arith.constant 0 : i32
      %dma_wait3A_15 = tpu.memref_slice %arg9[%arg0, %mul3A_0, %dma_wait3A] : memref<2x10240x128xf32, #tpu.memory_space<hbm>> -> memref<1x640x128xf32, #tpu.memory_space<hbm>>
      %dma_wait3A_16 = tpu.memref_squeeze %dma_wait3A_15 : memref<1x640x128xf32, #tpu.memory_space<hbm>> -> memref<640x128xf32, #tpu.memory_space<hbm>>
      %dma_wait3A_17 = arith.constant 0 : i32
      %dma_wait3A_18 = tpu.memref_slice %arg26[%mul3A_0, %dma_wait3A_17] : memref<10240x128xf32, #tpu.memory_space<vmem_shared>> -> memref<640x128xf32, #tpu.memory_space<vmem_shared>>
      tpu.wait_dma2 semaphore(%run_scoped3A : memref<!tpu.dma_semaphore, #tpu.memory_space<semaphore_mem>>) src(%dma_wait3A_18 : memref<640x128xf32, #tpu.memory_space<vmem_shared>>) dst(%dma_wait3A_16 : memref<640x128xf32, #tpu.memory_space<hbm>>)
      tpu.yield
    }) : () -> ()
    return
  }
}

module attributes {stable_mosaic.version = 14 : i64} {
  func.func @_node_mm_body(%arg0: memref<10000x128xf32, #tpu.memory_space<vmem>>, %arg1: memref<128x128xf32, #tpu.memory_space<vmem>>, %arg2: memref<10000x128xf32, #tpu.memory_space<vmem>>) attributes {dimension_semantics = [], scalar_prefetch = 0 : i64, scratch_operands = 0 : i64, tpu.core_type = #tpu.core_type<tc>} {
    %get3A = arith.constant 0 : index
    %get3A_0 = arith.constant 0 : index
    %get3A_1 = vector.load %arg0[%get3A, %get3A_0] : memref<10000x128xf32, #tpu.memory_space<vmem>>, vector<10000x128xf32>
    %get3A_2 = arith.constant 0 : index
    %get3A_3 = arith.constant 0 : index
    %get3A_4 = vector.load %arg1[%get3A_2, %get3A_3] : memref<128x128xf32, #tpu.memory_space<vmem>>, vector<128x128xf32>
    %dot_general3A = arith.constant dense<0.000000e+00> : vector<10000x128xf32>
    %dot_general3A_5 = tpu.matmul %get3A_1, %get3A_4, %dot_general3A {dimension_numbers = #tpu.dot_dimension_numbers<[1], [0], [0], [1], [0, 0, 1, 1], [], []>, transpose_lhs_hint = false} : vector<10000x128xf32>, vector<128x128xf32>, vector<10000x128xf32> -> vector<10000x128xf32>
    %swap3A = arith.constant 0 : index
    %swap3A_6 = arith.constant 0 : index
    %swap3A_7 = vector.load %arg2[%swap3A, %swap3A_6] : memref<10000x128xf32, #tpu.memory_space<vmem>>, vector<10000x128xf32>
    tpu.vector_store %arg2[%swap3A, %swap3A_6], %dot_general3A_5 {strides = array<i32>} : memref<10000x128xf32, #tpu.memory_space<vmem>>, vector<10000x128xf32>,
    return
  }
}

module attributes {stable_mosaic.version = 14 : i64} {
  func.func @_layer0_body(%arg0: i32, %arg1: memref<2560x128xf32, #tpu.memory_space<vmem>>, %arg2: memref<2560x16xf32, #tpu.memory_space<vmem>>, %arg3: memref<16x128xf32, #tpu.memory_space<vmem>>, %arg4: memref<1x128xf32, #tpu.memory_space<vmem>>, %arg5: memref<1x128xf32, #tpu.memory_space<vmem>>, %arg6: memref<128x128xf32, #tpu.memory_space<vmem>>, %arg7: memref<2560x128xf32, #tpu.memory_space<vmem>>, %arg8: memref<2560x128xf32, #tpu.memory_space<vmem>>) attributes {dimension_semantics = [#tpu.dimension_semantics<parallel>], iteration_bounds = array<i64: 125>, scalar_prefetch = 0 : i64, scratch_operands = 0 : i64, tpu.core_type = #tpu.core_type<tc>, window_params = [{transform_indices = @transform_0, window_bounds = array<i64: 2560, 128>}, {transform_indices = @transform_1, window_bounds = array<i64: 2560, 16>}, {pipeline_mode = #tpu.pipeline_mode<synchronous>, transform_indices = @transform_2, window_bounds = array<i64: 16, 128>}, {pipeline_mode = #tpu.pipeline_mode<synchronous>, transform_indices = @transform_3, window_bounds = array<i64: 1, 128>}, {pipeline_mode = #tpu.pipeline_mode<synchronous>, transform_indices = @transform_4, window_bounds = array<i64: 1, 128>}, {pipeline_mode = #tpu.pipeline_mode<synchronous>, transform_indices = @transform_5, window_bounds = array<i64: 128, 128>}, {transform_indices = @transform_6, window_bounds = array<i64: 2560, 128>}, {transform_indices = @transform_7, window_bounds = array<i64: 2560, 128>}]} {
    %get3A = arith.constant 0 : index
    %get3A_0 = arith.constant 0 : index
    %get3A_1 = vector.load %arg1[%get3A, %get3A_0] : memref<2560x128xf32, #tpu.memory_space<vmem>>, vector<2560x128xf32>
    %get3A_2 = arith.constant 0 : index
    %get3A_3 = arith.constant 0 : index
    %get3A_4 = vector.load %arg2[%get3A_2, %get3A_3] : memref<2560x16xf32, #tpu.memory_space<vmem>>, vector<2560x16xf32>
    %get3A_5 = arith.constant 0 : index
    %get3A_6 = arith.constant 0 : index
    %get3A_7 = vector.load %arg3[%get3A_5, %get3A_6] : memref<16x128xf32, #tpu.memory_space<vmem>>, vector<16x128xf32>
    %dot_general3A = arith.constant dense<0.000000e+00> : vector<2560x128xf32>
    %dot_general3A_8 = tpu.matmul %get3A_4, %get3A_7, %dot_general3A {dimension_numbers = #tpu.dot_dimension_numbers<[1], [0], [0], [1], [0, 0, 1, 1], [], []>, transpose_lhs_hint = false} : vector<2560x16xf32>, vector<16x128xf32>, vector<2560x128xf32> -> vector<2560x128xf32>
    %add3A = arith.addf %get3A_1, %dot_general3A_8 : vector<2560x128xf32>
    %get3A_9 = arith.constant 0 : index
    %get3A_10 = arith.constant 0 : index
    %get3A_11 = vector.load %arg4[%get3A_9, %get3A_10] : memref<1x128xf32, #tpu.memory_space<vmem>>, vector<1x128xf32>
    %add3A_12 = vector.broadcast %get3A_11 : vector<1x128xf32> to vector<2560x128xf32>
    %add3A_13 = arith.addf %add3A, %add3A_12 : vector<2560x128xf32>
    %get3A_14 = arith.constant 0 : index
    %get3A_15 = arith.constant 0 : index
    %get3A_16 = vector.load %arg5[%get3A_14, %get3A_15] : memref<1x128xf32, #tpu.memory_space<vmem>>, vector<1x128xf32>
    %add3A_17 = vector.broadcast %get3A_16 : vector<1x128xf32> to vector<2560x128xf32>
    %add3A_18 = arith.addf %add3A_13, %add3A_17 : vector<2560x128xf32>
    %swap3A = arith.constant 0 : index
    %swap3A_19 = arith.constant 0 : index
    %swap3A_20 = vector.load %arg7[%swap3A, %swap3A_19] : memref<2560x128xf32, #tpu.memory_space<vmem>>, vector<2560x128xf32>
    tpu.vector_store %arg7[%swap3A, %swap3A_19], %add3A_18 {strides = array<i32>} : memref<2560x128xf32, #tpu.memory_space<vmem>>, vector<2560x128xf32>,
    %max3A = arith.constant 0.000000e+00 : f32
    %max3A_21 = vector.broadcast %max3A : f32 to vector<2560x128xf32>
    %max3A_22 = arith.maximumf %add3A_13, %max3A_21 : vector<2560x128xf32>
    %get3A_23 = arith.constant 0 : index
    %get3A_24 = arith.constant 0 : index
    %get3A_25 = vector.load %arg6[%get3A_23, %get3A_24] : memref<128x128xf32, #tpu.memory_space<vmem>>, vector<128x128xf32>
    %dot_general3A_26 = arith.constant dense<0.000000e+00> : vector<2560x128xf32>
    %dot_general3A_27 = tpu.matmul %max3A_22, %get3A_25, %dot_general3A_26 {dimension_numbers = #tpu.dot_dimension_numbers<[1], [0], [0], [1], [0, 0, 1, 1], [], []>, transpose_lhs_hint = false} : vector<2560x128xf32>, vector<128x128xf32>, vector<2560x128xf32> -> vector<2560x128xf32>
    %swap3A_28 = arith.constant 0 : index
    %swap3A_29 = arith.constant 0 : index
    %swap3A_30 = vector.load %arg8[%swap3A_28, %swap3A_29] : memref<2560x128xf32, #tpu.memory_space<vmem>>, vector<2560x128xf32>
    tpu.vector_store %arg8[%swap3A_28, %swap3A_29], %dot_general3A_27 {strides = array<i32>} : memref<2560x128xf32, #tpu.memory_space<vmem>>, vector<2560x128xf32>,
    return
  }
  func.func @transform_0(%arg0: i32) -> (i32, i32) {
    %c0_i32 = arith.constant 0 : i32
    %c0_i32_0 = arith.constant 0 : i32
    return %arg0, %c0_i32 : i32, i32
  }
  func.func @transform_1(%arg0: i32) -> (i32, i32) {
    %c0_i32 = arith.constant 0 : i32
    %c0_i32_0 = arith.constant 0 : i32
    return %arg0, %c0_i32 : i32, i32
  }
  func.func @transform_2(%arg0: i32) -> (i32, i32) {
    %c0_i32 = arith.constant 0 : i32
    %c0_i32_0 = arith.constant 0 : i32
    %c0_i32_1 = arith.constant 0 : i32
    return %c0_i32, %c0_i32_0 : i32, i32
  }
  func.func @transform_3(%arg0: i32) -> (i32, i32) {
    %c0_i32 = arith.constant 0 : i32
    %c0_i32_0 = arith.constant 0 : i32
    %c0_i32_1 = arith.constant 0 : i32
    return %c0_i32, %c0_i32_0 : i32, i32
  }
  func.func @transform_4(%arg0: i32) -> (i32, i32) {
    %c0_i32 = arith.constant 0 : i32
    %c0_i32_0 = arith.constant 0 : i32
    %c0_i32_1 = arith.constant 0 : i32
    return %c0_i32, %c0_i32_0 : i32, i32
  }
  func.func @transform_5(%arg0: i32) -> (i32, i32) {
    %c0_i32 = arith.constant 0 : i32
    %c0_i32_0 = arith.constant 0 : i32
    %c0_i32_1 = arith.constant 0 : i32
    return %c0_i32, %c0_i32_0 : i32, i32
  }
  func.func @transform_6(%arg0: i32) -> (i32, i32) {
    %c0_i32 = arith.constant 0 : i32
    %c0_i32_0 = arith.constant 0 : i32
    return %arg0, %c0_i32 : i32, i32
  }
  func.func @transform_7(%arg0: i32) -> (i32, i32) {
    %c0_i32 = arith.constant 0 : i32
    %c0_i32_0 = arith.constant 0 : i32
    return %arg0, %c0_i32 : i32, i32
  }
}

module attributes {stable_mosaic.version = 14 : i64} {
  func.func @_combine_neg_body(%arg0: memref<2x10240x128xf32, #tpu.memory_space<vmem>>, %arg1: memref<10240x128xf32, #tpu.memory_space<vmem>>) attributes {dimension_semantics = [], scalar_prefetch = 0 : i64, scratch_operands = 0 : i64, tpu.core_type = #tpu.core_type<tc>} {
    %get3A = arith.constant 0 : index
    %get3A_0 = arith.constant 0 : index
    %get3A_1 = arith.constant 0 : index
    %get3A_2 = vector.load %arg0[%get3A, %get3A_0, %get3A_1] : memref<2x10240x128xf32, #tpu.memory_space<vmem>>, vector<1x10240x128xf32>
    %get3A_3 = vector.shape_cast %get3A_2 : vector<1x10240x128xf32> to vector<10240x128xf32>
    %get3A_4 = arith.constant 1 : index
    %get3A_5 = arith.constant 0 : index
    %get3A_6 = arith.constant 0 : index
    %get3A_7 = vector.load %arg0[%get3A_4, %get3A_5, %get3A_6] : memref<2x10240x128xf32, #tpu.memory_space<vmem>>, vector<1x10240x128xf32>
    %get3A_8 = vector.shape_cast %get3A_7 : vector<1x10240x128xf32> to vector<10240x128xf32>
    %add3A = arith.addf %get3A_3, %get3A_8 : vector<10240x128xf32>
    %neg3A = arith.constant 0.000000e+00 : f32
    %neg3A_9 = vector.broadcast %neg3A : f32 to vector<10240x128xf32>
    %neg3A_10 = arith.subf %neg3A_9, %add3A : vector<10240x128xf32>
    %swap3A = arith.constant 0 : index
    %swap3A_11 = arith.constant 0 : index
    %swap3A_12 = vector.load %arg1[%swap3A, %swap3A_11] : memref<10240x128xf32, #tpu.memory_space<vmem>>, vector<10240x128xf32>
    tpu.vector_store %arg1[%swap3A, %swap3A_11], %neg3A_10 {strides = array<i32>} : memref<10240x128xf32, #tpu.memory_space<vmem>>, vector<10240x128xf32>,
    return
  }
}

module attributes {stable_mosaic.version = 14 : i64} {
  func.func @_layer_mid_body(%arg0: i32, %arg1: memref<2560x128xf32, #tpu.memory_space<vmem>>, %arg2: memref<2560x128xf32, #tpu.memory_space<vmem>>, %arg3: memref<128x128xf32, #tpu.memory_space<vmem>>, %arg4: memref<2560x128xf32, #tpu.memory_space<vmem>>) attributes {dimension_semantics = [#tpu.dimension_semantics<parallel>], iteration_bounds = array<i64: 125>, scalar_prefetch = 0 : i64, scratch_operands = 0 : i64, tpu.core_type = #tpu.core_type<tc>, window_params = [{transform_indices = @transform_0, window_bounds = array<i64: 2560, 128>}, {transform_indices = @transform_1, window_bounds = array<i64: 2560, 128>}, {pipeline_mode = #tpu.pipeline_mode<synchronous>, transform_indices = @transform_2, window_bounds = array<i64: 128, 128>}, {transform_indices = @transform_3, window_bounds = array<i64: 2560, 128>}]} {
    %get3A = arith.constant 0 : index
    %get3A_0 = arith.constant 0 : index
    %get3A_1 = vector.load %arg1[%get3A, %get3A_0] : memref<2560x128xf32, #tpu.memory_space<vmem>>, vector<2560x128xf32>
    %get3A_2 = arith.constant 0 : index
    %get3A_3 = arith.constant 0 : index
    %get3A_4 = vector.load %arg2[%get3A_2, %get3A_3] : memref<2560x128xf32, #tpu.memory_space<vmem>>, vector<2560x128xf32>
    %add3A = arith.addf %get3A_1, %get3A_4 : vector<2560x128xf32>
    %max3A = arith.constant 0.000000e+00 : f32
    %max3A_5 = vector.broadcast %max3A : f32 to vector<2560x128xf32>
    %max3A_6 = arith.maximumf %add3A, %max3A_5 : vector<2560x128xf32>
    %get3A_7 = arith.constant 0 : index
    %get3A_8 = arith.constant 0 : index
    %get3A_9 = vector.load %arg3[%get3A_7, %get3A_8] : memref<128x128xf32, #tpu.memory_space<vmem>>, vector<128x128xf32>
    %dot_general3A = arith.constant dense<0.000000e+00> : vector<2560x128xf32>
    %dot_general3A_10 = tpu.matmul %max3A_6, %get3A_9, %dot_general3A {dimension_numbers = #tpu.dot_dimension_numbers<[1], [0], [0], [1], [0, 0, 1, 1], [], []>, transpose_lhs_hint = false} : vector<2560x128xf32>, vector<128x128xf32>, vector<2560x128xf32> -> vector<2560x128xf32>
    %swap3A = arith.constant 0 : index
    %swap3A_11 = arith.constant 0 : index
    %swap3A_12 = vector.load %arg4[%swap3A, %swap3A_11] : memref<2560x128xf32, #tpu.memory_space<vmem>>, vector<2560x128xf32>
    tpu.vector_store %arg4[%swap3A, %swap3A_11], %dot_general3A_10 {strides = array<i32>} : memref<2560x128xf32, #tpu.memory_space<vmem>>, vector<2560x128xf32>,
    return
  }
  func.func @transform_0(%arg0: i32) -> (i32, i32) {
    %c0_i32 = arith.constant 0 : i32
    %c0_i32_0 = arith.constant 0 : i32
    return %arg0, %c0_i32 : i32, i32
  }
  func.func @transform_1(%arg0: i32) -> (i32, i32) {
    %c0_i32 = arith.constant 0 : i32
    %c0_i32_0 = arith.constant 0 : i32
    return %arg0, %c0_i32 : i32, i32
  }
  func.func @transform_2(%arg0: i32) -> (i32, i32) {
    %c0_i32 = arith.constant 0 : i32
    %c0_i32_0 = arith.constant 0 : i32
    %c0_i32_1 = arith.constant 0 : i32
    return %c0_i32, %c0_i32_0 : i32, i32
  }
  func.func @transform_3(%arg0: i32) -> (i32, i32) {
    %c0_i32 = arith.constant 0 : i32
    %c0_i32_0 = arith.constant 0 : i32
    return %arg0, %c0_i32 : i32, i32
  }
}

module attributes {stable_mosaic.version = 14 : i64} {
  func.func @_final_body(%arg0: memref<10000x128xf32, #tpu.memory_space<vmem>>, %arg1: memref<2x10240x128xf32, #tpu.memory_space<vmem>>, %arg2: memref<128x128xf32, #tpu.memory_space<vmem>>, %arg3: memref<128x128xf32, #tpu.memory_space<vmem>>, %arg4: memref<1x128xf32, #tpu.memory_space<vmem>>, %arg5: memref<10000x128xf32, #tpu.memory_space<vmem>>) attributes {dimension_semantics = [], scalar_prefetch = 0 : i64, scratch_operands = 0 : i64, tpu.core_type = #tpu.core_type<tc>} {
    %get3A = arith.constant 0 : index
    %get3A_0 = arith.constant 0 : index
    %get3A_1 = arith.constant 0 : index
    %get3A_2 = vector.load %arg1[%get3A, %get3A_0, %get3A_1] : memref<2x10240x128xf32, #tpu.memory_space<vmem>>, vector<1x10000x128xf32>
    %get3A_3 = vector.shape_cast %get3A_2 : vector<1x10000x128xf32> to vector<10000x128xf32>
    %get3A_4 = arith.constant 1 : index
    %get3A_5 = arith.constant 0 : index
    %get3A_6 = arith.constant 0 : index
    %get3A_7 = vector.load %arg1[%get3A_4, %get3A_5, %get3A_6] : memref<2x10240x128xf32, #tpu.memory_space<vmem>>, vector<1x10000x128xf32>
    %get3A_8 = vector.shape_cast %get3A_7 : vector<1x10000x128xf32> to vector<10000x128xf32>
    %add3A = arith.addf %get3A_3, %get3A_8 : vector<10000x128xf32>
    %reduce_sum3A = arith.constant dense<0.000000e+00> : vector<10000xf32>
    %reduce_sum3A_9 = vector.multi_reduction <add>, %add3A, %reduce_sum3A [1] : vector<10000x128xf32> to vector<10000xf32>
    %broadcast_in_dim3A = vector.shape_cast %reduce_sum3A_9 : vector<10000xf32> to vector<10000x1xf32>
    %eq3A = arith.constant 0.000000e+00 : f32
    %eq3A_10 = vector.broadcast %eq3A : f32 to vector<10000x1xf32>
    %eq3A_11 = arith.cmpf oeq, %broadcast_in_dim3A, %eq3A_10 : vector<10000x1xf32>
    %get3A_12 = arith.constant 0 : index
    %get3A_13 = arith.constant 0 : index
    %get3A_14 = vector.load %arg0[%get3A_12, %get3A_13] : memref<10000x128xf32, #tpu.memory_space<vmem>>, vector<10000x128xf32>
    %broadcast_in_dim3A_15 = vector.shape_cast %eq3A_11 : vector<10000x1xi1> to vector<10000x1xi1>
    %broadcast_in_dim3A_16 = vector.broadcast %broadcast_in_dim3A_15 : vector<10000x1xi1> to vector<10000x128xi1>
    %select_n3A = arith.select %broadcast_in_dim3A_16, %get3A_14, %add3A : vector<10000x128xi1>, vector<10000x128xf32>
    %get3A_17 = arith.constant 0 : index
    %get3A_18 = arith.constant 0 : index
    %get3A_19 = vector.load %arg0[%get3A_17, %get3A_18] : memref<10000x128xf32, #tpu.memory_space<vmem>>, vector<10000x128xf32>
    %get3A_20 = arith.constant 0 : index
    %get3A_21 = arith.constant 0 : index
    %get3A_22 = vector.load %arg2[%get3A_20, %get3A_21] : memref<128x128xf32, #tpu.memory_space<vmem>>, vector<128x128xf32>
    %dot_general3A = arith.constant dense<0.000000e+00> : vector<10000x128xf32>
    %dot_general3A_23 = tpu.matmul %get3A_19, %get3A_22, %dot_general3A {dimension_numbers = #tpu.dot_dimension_numbers<[1], [0], [0], [1], [0, 0, 1, 1], [], []>, transpose_lhs_hint = false} : vector<10000x128xf32>, vector<128x128xf32>, vector<10000x128xf32> -> vector<10000x128xf32>
    %get3A_24 = arith.constant 0 : index
    %get3A_25 = arith.constant 0 : index
    %get3A_26 = vector.load %arg3[%get3A_24, %get3A_25] : memref<128x128xf32, #tpu.memory_space<vmem>>, vector<128x128xf32>
    %dot_general3A_27 = arith.constant dense<0.000000e+00> : vector<10000x128xf32>
    %dot_general3A_28 = tpu.matmul %select_n3A, %get3A_26, %dot_general3A_27 {dimension_numbers = #tpu.dot_dimension_numbers<[1], [0], [0], [1], [0, 0, 1, 1], [], []>, transpose_lhs_hint = false} : vector<10000x128xf32>, vector<128x128xf32>, vector<10000x128xf32> -> vector<10000x128xf32>
    %add3A_29 = arith.addf %dot_general3A_23, %dot_general3A_28 : vector<10000x128xf32>
    %get3A_30 = arith.constant 0 : index
    %get3A_31 = arith.constant 0 : index
    %get3A_32 = vector.load %arg4[%get3A_30, %get3A_31] : memref<1x128xf32, #tpu.memory_space<vmem>>, vector<1x128xf32>
    %add3A_33 = vector.broadcast %get3A_32 : vector<1x128xf32> to vector<10000x128xf32>
    %add3A_34 = arith.addf %add3A_29, %add3A_33 : vector<10000x128xf32>
    %max3A = arith.constant 0.000000e+00 : f32
    %max3A_35 = vector.broadcast %max3A : f32 to vector<10000x128xf32>
    %max3A_36 = arith.maximumf %add3A_34, %max3A_35 : vector<10000x128xf32>
    %swap3A = arith.constant 0 : index
    %swap3A_37 = arith.constant 0 : index
    %swap3A_38 = vector.load %arg5[%swap3A, %swap3A_37] : memref<10000x128xf32, #tpu.memory_space<vmem>>, vector<10000x128xf32>
    tpu.vector_store %arg5[%swap3A, %swap3A_37], %max3A_36 {strides = array<i32>} : memref<10000x128xf32, #tpu.memory_space<vmem>>, vector<10000x128xf32>,
    return
  }
}

</mosaic_0001>

<sc_bundles>
// kernel: kernel.13.cloned.1.call-start
scs
__scs_entry_jumppad:
0x0: {  	(pc) =	sbr.rel $0x88, $3  }
0x1: {  	(tag) =	ssettag $0x0;
	lr =	simm.s32 $0x1  }
0x2: {  	[smem:$0x3F97] =	sst lr;
	_ =	strace $0xD0000000  }
0x3: {  	_ = 	snop  }
0x4: {  	_ = 	snop  }
0x5: {  	_ = 	snop  }
0x6: {  	_ = 	snop  }
0x7: {  	_ = 	snop  }
__scs_overlays_trampoline_lowered:
0x8: {  	[smem:$0x3FA6] =	sst s0  }
0x9: {  	[smem:$0x3FA7] =	sst s1  }
0xa: {  	[smem:$0x3FA8] =	sst s2  }
0xb: {  	[smem:$0x3FA9] =	sst s3  }
0xc: {  	[smem:$0x3FAA] =	sst s4  }
0xd: {  	[smem:$0x3FAB] =	sst s5  }
0xe: {  	[smem:$0x3FAC] =	sst s6  }
0xf: {  	[smem:$0x3FAD] =	sst s7  }
0x10: {  	[smem:$0x3FAE] =	sst s8  }
0x11: {  	[smem:$0x3FAF] =	sst s9;
	s0 =	simm.s32 @!p0 $0x0  }
0x12: {  	s1 =	sld [smem:$0x3F95];
	s0 =	simm.s32 @p0 $0x1  }
0x13: {  	[smem:$0x3FB0] =	sst s0;
	s0 =	simm.s32 @!p1 $0x0  }
0x14: {  	s2 =	sld [smem:$0x3F94];
	s0 =	simm.s32 @p1 $0x1  }
0x15: {  	[smem:$0x3FB1] =	sst s0;
	s0 =	simm.s32 @!p2 $0x0  }
0x16: {  	s3 =	sld [smem:$0x3FDB];
	s0 =	simm.s32 @p2 $0x1  }
0x17: {  	s4 =	simm.s32 $0x1BF5;
	[smem:$0x3FB3] =	sst s0  }
0x18: {  	s0 =	sld [smem:$0x3F96];
	_ =	swait.ge [sflag:s4], $0x0  }
0x19: {  	s7 =	sld [smem:$0x3F97]  }
0x1a: {  	s8 =	sadd.s32 $0xFFFFE003, lr  }
0x1b: {  	s9 =	sadd.s32 $0xFFFFFEF7, lr;
	s5 =	simm.s32 $0xFFFFFFFF;
	p2 =	slt.u32 s8, $0xFFFFF086  }
0x1c: {  	p1 =	slt.u32 s9, $0xF7A;
	s5 =	simm.s32 @!p2 $0x0  }
0x1d: {  	s5 =	simm.s32 @p1 $0x1;
	p0 =	seq.s32 s7, s2  }
0x1e: {  	s7 =	smul.u32 @!p0 $0xF7A, s2;
	p2 =	seq.s32 @!p0 s5, $0x0  }
0x1f: {  	s9 =	smul.u32 $0xF7A, s1;
	s8 =	simm.s32 @!p0 $0x1BF5;
	p2 =	por !p2, p0  }
0x20: {  	[sflag:s8] =	ssyncset.s32 @!p0 $0xFFFFF086;
	s6 =	sadd.s32 @!p0 s3, s7;
	s7 =	simm.s32 @!p0 $0x108  }
0x21: {  	s3 =	sadd.s32 s3, s9;
	s6 =	sadd.s32 @!p0 $0x88, s6;
	s7 =	simm.s32 @p2 $0x1082  }
0x22: {  	[simem:s7], [sflag:s8] =	dma.local @!p0 [hbm:s6], $0xF7A  }
0x23: {  	s9 =	sor.u32 $0xD0000000, s2;
	s6 =	simm.s32 $0x108;
	_ =	swait.ge @!p0 [sflag:s8], $0x0  }
0x24: {  	s3 =	sadd.s32 $0x88, s3;
	s6 =	simm.s32 @!p1 $0x1082;
	[sflag:s4] =	ssyncset.s32 $0xFFFFF086  }
0x25: {  	[simem:s6], [sflag:s4] =	dma.local [hbm:s3], $0xF7A  }
0x26: {  	[smem:$0x3F97] =	sst s1;
	(tag) =	ssettag s2;
	_ =	strace s9  }
0x27: {  	s1 =	sld [smem:$0x3FA7]  }
0x28: {  	s2 =	sld [smem:$0x3FA8]  }
0x29: {  	s4 =	sld [smem:$0x3FAA]  }
0x2a: {  	p0 =	seq.s32 s5, $0x0;
	s5 =	sld [smem:$0x3FAB]  }
0x2b: {  	s6 =	sld [smem:$0x3FAC]  }
0x2c: {  	s7 =	sld [smem:$0x3FAD]  }
0x2d: {  	s3 =	simm.s32 $0x108;
	s8 =	sld [smem:$0x3FAE]  }
0x2e: {  	s3 =	simm.s32 @!p0 $0x1082;
	s9 =	sld [smem:$0x3FAF]  }
0x2f: {  	lr =	sadd.s32 s0, s3;
	s0 =	sld [smem:$0x3FA6]  }
0x30: {  	s3 =	sld [smem:$0x3FA9]  }
0x31: {  	[smem:$0x3FB2] =	sst s10  }
0x32: {  	s10 =	sld [smem:$0x3FB0];
	_ =	sdelay $0x3  }
0x33: {  	p0 =	seq.s32 s10, $0x1;
	s10 =	sld [smem:$0x3FB2];
	_ =	sdelay $0x3  }
0x34: {  	[smem:$0x3FB2] =	sst s10  }
0x35: {  	s10 =	sld [smem:$0x3FB1];
	_ =	sdelay $0x3  }
0x36: {  	p1 =	seq.s32 s10, $0x1;
	s10 =	sld [smem:$0x3FB2];
	_ =	sdelay $0x3  }
0x37: {  	[smem:$0x3FB2] =	sst s10  }
0x38: {  	s10 =	sld [smem:$0x3FB3]  }
0x39: {  	_ = 	snop;
	(pc) =	sbr.ind lr, $3  }
0x3a: {  	_ = 	snop  }
0x3b: {  	_ = 	snop  }
0x3c: {  	p2 =	seq.s32 s10, $0x1;
	s10 =	sld [smem:$0x3FB2]  }
0x3d: {  	_ =	shalt  }
0x3e: {  	_ =	shalt  }
0x3f: {  	_ =	shalt  }
0x40: {  	_ =	shalt  }
0x41: {  	_ =	shalt  }
0x42: {  	_ =	shalt  }
0x43: {  	_ =	shalt  }
0x44: {  	_ =	shalt  }
0x45: {  	_ =	shalt  }
0x46: {  	_ =	shalt  }
0x47: {  	_ =	shalt  }
0x48: {  	_ =	shalt  }
0x49: {  	_ =	shalt  }
0x4a: {  	_ =	shalt  }
0x4b: {  	_ =	shalt  }
0x4c: {  	_ =	shalt  }
0x4d: {  	_ =	shalt  }
0x4e: {  	_ =	shalt  }
0x4f: {  	_ =	shalt  }
0x50: {  	_ =	shalt  }
0x51: {  	_ =	shalt  }
0x52: {  	_ =	shalt  }
0x53: {  	_ =	shalt  }
0x54: {  	_ =	shalt  }
0x55: {  	_ =	shalt  }
0x56: {  	_ =	shalt  }
0x57: {  	_ =	shalt  }
0x58: {  	_ =	shalt  }
0x59: {  	_ =	shalt  }
0x5a: {  	_ =	shalt  }
0x5b: {  	_ =	shalt  }
0x5c: {  	_ =	shalt  }
0x5d: {  	_ =	shalt  }
0x5e: {  	_ =	shalt  }
0x5f: {  	_ =	shalt  }
0x60: {  	_ =	shalt  }
0x61: {  	_ =	shalt  }
0x62: {  	_ =	shalt  }
0x63: {  	_ =	shalt  }
0x64: {  	_ =	shalt  }
0x65: {  	_ =	shalt  }
0x66: {  	_ =	shalt  }
0x67: {  	_ =	shalt  }
0x68: {  	_ =	shalt  }
0x69: {  	_ =	shalt  }
0x6a: {  	_ =	shalt  }
0x6b: {  	_ =	shalt  }
0x6c: {  	_ =	shalt  }
0x6d: {  	_ =	shalt  }
0x6e: {  	_ =	shalt  }
0x6f: {  	_ =	shalt  }
0x70: {  	_ =	shalt  }
0x71: {  	_ =	shalt  }
0x72: {  	_ =	shalt  }
0x73: {  	_ =	shalt  }
0x74: {  	_ =	shalt  }
0x75: {  	_ =	shalt  }
0x76: {  	_ =	shalt  }
0x77: {  	_ =	shalt  }
0x78: {  	_ =	shalt  }
0x79: {  	_ =	shalt  }
0x7a: {  	_ =	shalt  }
0x7b: {  	_ =	shalt  }
0x7c: {  	_ =	shalt  }
0x7d: {  	_ =	shalt  }
0x7e: {  	_ =	shalt  }
0x7f: {  	_ =	shalt  }
0x80: {  	_ =	shalt  }
0x81: {  	_ =	shalt  }
0x82: {  	_ =	shalt  }
0x83: {  	_ =	shalt  }
0x84: {  	_ =	shalt  }
0x85: {  	_ =	shalt  }
0x86: {  	_ =	shalt  }
0x87: {  	_ =	shalt  }
.Lfunc_end0:
.L_simem_size_0:
called_computation_lowered:
.L_overlay_start_0:
0x88: {  	s2 =	sld [smem:$0x3FD9]  }
0x89: {  	s3 =	sld [smem:$0x3FFE];
	_ =	sdelay $0x1  }
0x8a: {  	s1 =	srdreg.scid  }
0x8b: {  	s0 =	sand.u32 $0x1, s1  }
0x8c: {  	s17 =	sshll.u32 s0, $0xA;
	s2 =	sadd.s32 s3, s2  }
0x8d: {  	s2 =	sadd.s32 s2, s17  }
0x8e: {  	[smem:$0x3FBE] =	sst s2  }
0x8f: {  	_ = 	snop  }
0x90: {  	s2 =	sld [smem:$0x3FD0];
	(tm) =	ssettm $0x1  }
0x91: {  	s18 =	sld [smem:$0x3FFB];
	_ =	sdelay $0x3  }
0x92: {  	_ =	strace s18  }
0x93: {  	s3 =	sld [smem:$0x3FFC];
	_ =	sdelay $0x3  }
0x94: {  	_ =	strace s3  }
0x95: {  	s3 =	sld [smem:$0x3FFD];
	_ =	sdelay $0x3  }
0x96: {  	_ =	strace s3  }
0x97: {  	_ =	strace $0x8FFFFFFF  }
0x98: {  	s19 =	sld [smem:$0x3FDB];
	_ =	sdelay $0x1  }
0x99: {  	s4 =	simm.s32 $_scs_section_size  }
0x9a: {  	s5 =	simm.s32 $_size__tile_overlayer_lowered;
	s6 =	simm.s32 $_tile_overlayer_lowered  }
0x9b: {  	s22 =	simm.s32 $0x1BFF;
	s21 =	sshll.u32 s6, $0x1;
	s3 =	sadd.s32 s4, s19  }
0x9c: {  	s7 =	simm.s32 $0x0;
	s20 =	sshll.u32 s5, $0x1;
	s5 =	sadd.s32 s21, s3  }
0x9d: {  	[timem:s7], [sflag:s22] =	dma.local [hbm:s5], s20  }
0x9e: {  	_ =	swait.ge [sflag:s22], s20  }
0x9f: {  	s4 =	ssub.s32 $0x0, s20;
	[sflag:s22] =	ssyncset.done $0x0  }
0xa0: {  	[sflag:s22] =	ssyncadd.s32 s4;
	_ =	sdelay $0x1  }
0xa1: {  	s23 =	simm.s32 $0x1B8B  }
0xa2: {  	_ =	swait.ge [sflag:s23], $0x1  }
0xa3: {  	[sflag:s23] =	ssyncset.done $0x0  }
0xa4: {  	s25 =	simm.s32 $0x1B8E;
	s24 =	sld [smem:$0x3FFE];
	[sflag:s23] =	ssyncadd.s32 $0xFFFFFFFF  }
0xa5: {  	s26 =	simm.s32 $execute0_lowered;
	[smem:$0x3FD2] =	sst s25  }
0xa6: {  	s5 =	sshll.u32 s26, $0x1;
	_ =	strace $0x80000046;
	[dreg:$0x1] =	wrdreg $0xFFFFFFFF  }
0xa7: {  	s28 =	simm.s32 $_size_execute0_lowered;
	s3 =	sadd.s32 s3, s5;
	[dreg:$0x0] =	wrdreg $0x0  }
0xa8: {  	s5 =	sshll.u32 s28, $0x1;
	[dreg:$0x2] =	wrdreg s3  }
0xa9: {  	[dreg:$0x3] =	wrdreg s5  }
0xaa: {  	[dreg:$0x4] =	wrdreg $0xC0  }
0xab: {  	_ =	task [dreg:s7], $0x5FFFF  }
0xac: {  	[dreg:$0x1] =	wrdreg $0xFFFFFFFF  }
0xad: {  	[dreg:$0x0] =	wrdreg $0x60  }
0xae: {  	[dreg:$0x2] =	wrdreg s2  }
0xaf: {  	[dreg:$0x3] =	wrdreg s24  }
0xb0: {  	[dreg:$0x4] =	wrdreg $0x9  }
0xb1: {  	_ =	task.clear_ibuf [dreg:s7], $0x5FFFF;
	_ =	strace $0x90000046  }
0xb2: {  	s29 =	simm.s32 $0x9;
	_ =	strace $0x80000048  }
0xb3: {  	_ =	swait.ge [sflag:s29], $0x1  }
0xb4: {  	[sflag:s29] =	ssyncadd.s32 $0xFFFFFFFF  }
0xb5: {  	_ =	strace $0x90000048  }
0xb6: {  	_ =	sfence  }
0xb7: {  	s30 =	sld [smem:$0x0];
	_ =	sdelay $0x2  }
0xb8: {  	s31 =	sshll.u32 s1, $0xD;
	s1 =	sshrl.u32 s1, $0x2  }
0xb9: {  	s3 =	sand.u32 $0x4000, s31;
	s1 =	sadd.s32 s1, s30  }
0xba: {  	s0 =	sor.u32 s3, s0;
	s1 =	sshll.u32 s1, $0x11  }
0xbb: {  	s0 =	sor.u32 s1, s0  }
0xbc: {  	s0 =	sadd.s32 $0x8F2B, s0  }
0xbd: {  	[sflag:s0] =	ssyncadd.remote.s32 $0x1  }
0xbe: {  	_ =	sfence.sel $0xFFFF  }
0xbf: {  	[dreg:$0x0] =	wrdreg $0xFFFFFFFF;
	(pc) =	sbr.abs _section_cstart, $3  }
0xc0: {  	[dreg:$0x1] =	wrdreg $0xFFFFFFFF  }
0xc1: {  	_ =	task.clear_ibuf [dreg:s7], $0x2FFFF;
	_ =	strace $0x9FFFFFFF  }
0xc2: {  	(tm) =	ssettm $0x7FFFFFFF  }
0xc3: {  	_ =	shalt  }
tec
execute0_lowered:
.L_overlay_start_1:
0x0: {  	(tag) =	ssettag $0x1  }
0x1: {  	s1 =	rddreg [dreg:$0x0]  }
0x2: {  	s4 =	rddreg [dreg:$0x1]  }
0x3: {  	s0 =	rddreg [dreg:$0x2]  }
0x4: {  	s3 =	simm.s32 $0x0;
	s5 =	srdreg.scid;
	s2 =	stileid.u32  }
0x5: {  	s13 =	simm.s32 $0x9000;
	s14 =	simm.s32 $0xB800;
	s15 =	simm.s32 $0xE000  }
0x6: {  	s16 =	simm.s32 $0x10800;
	s17 =	simm.s32 $0x13000;
	s18 =	simm.s32 $0x15800  }
0x7: {  	s19 =	simm.s32 $0x1;
	[smem:$0x7FF] =	sst s3;
	s20 =	smul.u32 $0x280000, s2  }
0x8: {  	s7 =	sand.u32 $0x1, s5;
	s6 =	sshll.u32 s2, $0xC;
	s28 =	smul.u32 $0x50000, s2  }
0x9: {  	s8 =	sshll.u32 s7, $0xB;
	s9 =	smul.u32 $0x140000, s7;
	_ =	strace $0x80000047  }
0xa: {  	s21 =	ssub.s32 $0x2, s7;
	s12 =	smul.u32 $0x28000, s7;
	s6 =	sor.u32 s8, s6  }
0xb: {  	s10 =	sshrl.u32 s21, $0x1;
	s6 =	sadd.s32 s6, s4;
	s9 =	sadd.s32 s9, s20  }
0xc: {  	s4 =	sadd.s32 $0x31C00, s4;
	s8 =	ssub.s32 s21, s10;
	s20 =	simm.s32 $0x0  }
0xd: {  	s22 =	sor.u32 $0x11800, s9;
	s5 =	sadd.s32 $0x21C00, s6;
	s24 =	sor.u32 $0xF000, s9  }
0xe: {  	s11 =	sor.u32 $0xC800, s9;
	s6 =	smax.u32 s8, $0x1;
	s23 =	sshrl.u32 s22, $0x3  }
0xf: {  	s26 =	sor.u32 $0xA000, s9;
	s10 =	sshrl.u32 s24, $0x3;
	[dreg:$0x3] =	wrdreg s23  }
0x10: {  	s29 =	sor.u32 $0x7800, s9;
	s25 =	sshrl.u32 s11, $0x3;
	[dreg:$0x4] =	wrdreg s10  }
0x11: {  	s31 =	sor.u32 $0x5000, s9;
	s8 =	sshrl.u32 s26, $0x3;
	[dreg:$0x5] =	wrdreg s25  }
0x12: {  	s9 =	simm.s32 $0x2;
	s30 =	sshrl.u32 s29, $0x3;
	[dreg:$0x6] =	wrdreg s8  }
0x13: {  	s7 =	sshrl.u32 s31, $0x3;
	s11 =	simm.s32 $0x4000;
	[dreg:$0x7] =	wrdreg s30  }
0x14: {  	s8 =	sadd.s32 s12, s28;
	s10 =	simm.s32 $0x50;
	s12 =	simm.s32 $0x6800  }
.LBB2_1:
0x15: {  	[tilespmem:s3], [sflag:$0x2] =	stream.linear.gather [hbm4b:s5+s3], $0x4000, $0x38;
	[tilespmem:$0x18000] =	vst v63  }
0x16: {  	_ =	swait.ge [sflag:s9], $0x4000  }
0x17: {  	[sflag:s9] =	ssyncset.done $0x0  }
0x18: {  	s21 =	simm.s32 $0x0;
	[sflag:s9] =	ssyncadd.s32 $0xFFFFC000  }
0x19: {  	[tilespmem:s11], [sflag:$0x1] =	stream.indirect.gather [hbm4b:s1+s10], $0x80, s21, s10, $0xb8;
	[tilespmem:$0x18000] =	vst v63  }
0x1a: {  	s22 =	simm.s32 $0x80  }
0x1b: {  	[tilespmem:s12], [sflag:$0x1] =	stream.indirect.gather [hbm4b:s1+s10], $0x80, s22, s10, $0xb8;
	[tilespmem:$0x18000] =	vst v63  }
0x1c: {  	s23 =	simm.s32 $0x100  }
0x1d: {  	[tilespmem:s13], [sflag:$0x1] =	stream.indirect.gather [hbm4b:s1+s10], $0x80, s23, s10, $0xb8;
	[tilespmem:$0x18000] =	vst v63  }
0x1e: {  	s24 =	simm.s32 $0x180  }
0x1f: {  	[tilespmem:s14], [sflag:$0x1] =	stream.indirect.gather [hbm4b:s1+s10], $0x80, s24, s10, $0xb8;
	[tilespmem:$0x18000] =	vst v63  }
0x20: {  	s25 =	simm.s32 $0x200  }
0x21: {  	[tilespmem:s15], [sflag:$0x1] =	stream.indirect.gather [hbm4b:s1+s10], $0x80, s25, s10, $0xb8;
	[tilespmem:$0x18000] =	vst v63  }
0x22: {  	s26 =	simm.s32 $0x280  }
0x23: {  	[tilespmem:s16], [sflag:$0x1] =	stream.indirect.gather [hbm4b:s1+s10], $0x80, s26, s10, $0xb8;
	[tilespmem:$0x18000] =	vst v63  }
0x24: {  	s28 =	simm.s32 $0x300  }
0x25: {  	[tilespmem:s17], [sflag:$0x1] =	stream.indirect.gather [hbm4b:s1+s10], $0x80, s28, s10, $0xb8;
	[tilespmem:$0x18000] =	vst v63  }
0x26: {  	s29 =	simm.s32 $0x380  }
0x27: {  	[tilespmem:s18], [sflag:$0x1] =	stream.indirect.gather [hbm4b:s1+s10], $0x80, s29, s10, $0xb8;
	[tilespmem:$0x18000] =	vst v63  }
0x28: {  	_ =	swait.ge [sflag:s19], $0x2800  }
0x29: {  	[sflag:s19] =	ssyncset.done $0x0  }
0x2a: {  	[sflag:s19] =	ssyncadd.s32 $0xFFFFD800  }
0x2b: {  	_ =	swait.ge [sflag:s19], $0x2800  }
0x2c: {  	[sflag:s19] =	ssyncset.done $0x0  }
0x2d: {  	[sflag:s19] =	ssyncadd.s32 $0xFFFFD800  }
0x2e: {  	_ =	swait.ge [sflag:s19], $0x2800  }
0x2f: {  	[sflag:s19] =	ssyncset.done $0x0  }
0x30: {  	[sflag:s19] =	ssyncadd.s32 $0xFFFFD800  }
0x31: {  	_ =	swait.ge [sflag:s19], $0x2800  }
0x32: {  	[sflag:s19] =	ssyncset.done $0x0  }
0x33: {  	[sflag:s19] =	ssyncadd.s32 $0xFFFFD800  }
0x34: {  	_ =	swait.ge [sflag:s19], $0x2800  }
0x35: {  	[sflag:s19] =	ssyncset.done $0x0  }
0x36: {  	[sflag:s19] =	ssyncadd.s32 $0xFFFFD800  }
0x37: {  	_ =	swait.ge [sflag:s19], $0x2800  }
0x38: {  	[sflag:s19] =	ssyncset.done $0x0  }
0x39: {  	[sflag:s19] =	ssyncadd.s32 $0xFFFFD800  }
0x3a: {  	_ =	swait.ge [sflag:s19], $0x2800  }
0x3b: {  	[sflag:s19] =	ssyncset.done $0x0  }
0x3c: {  	[sflag:s19] =	ssyncadd.s32 $0xFFFFD800  }
0x3d: {  	_ =	swait.ge [sflag:s19], $0x2800  }
0x3e: {  	[sflag:s19] =	ssyncset.done $0x0  }
0x3f: {  	s30 =	sadd.s32 s4, s8;
	[sflag:s19] =	ssyncadd.s32 $0xFFFFD800  }
0x40: {  	[hbm4b:s30+s3] =	stream.linear.scatter [tilespmem:s11], [sflag:$0x1], $0x2800, $0x38;
	[tilespmem:$0x18000] =	vst v63  }
0x41: {  	s21 =	sadd.s32 $0x500, s30  }
0x42: {  	[hbm4b:s21+s3] =	stream.linear.scatter [tilespmem:s12], [sflag:$0x1], $0x2800, $0x38;
	[tilespmem:$0x18000] =	vst v63  }
0x43: {  	s31 =	sadd.s32 s4, s7;
	s22 =	rddreg [dreg:$0x7]  }
0x44: {  	[hbm4b:s31+s3] =	stream.linear.scatter [tilespmem:s13], [sflag:$0x1], $0x2800, $0x38;
	[tilespmem:$0x18000] =	vst v63  }
0x45: {  	s23 =	rddreg [dreg:$0x6];
	s22 =	sadd.s32 s4, s22  }
0x46: {  	[hbm4b:s22+s3] =	stream.linear.scatter [tilespmem:s14], [sflag:$0x1], $0x2800, $0x38;
	[tilespmem:$0x18000] =	vst v63  }
0x47: {  	s24 =	rddreg [dreg:$0x5];
	s25 =	sadd.s32 s4, s23  }
0x48: {  	[hbm4b:s25+s3] =	stream.linear.scatter [tilespmem:s15], [sflag:$0x1], $0x2800, $0x38;
	[tilespmem:$0x18000] =	vst v63  }
0x49: {  	s26 =	rddreg [dreg:$0x4];
	s28 =	sadd.s32 s4, s24  }
0x4a: {  	[hbm4b:s28+s3] =	stream.linear.scatter [tilespmem:s16], [sflag:$0x1], $0x2800, $0x38;
	[tilespmem:$0x18000] =	vst v63  }
0x4b: {  	s29 =	rddreg [dreg:$0x3];
	s30 =	sadd.s32 s4, s26  }
0x4c: {  	[hbm4b:s30+s3] =	stream.linear.scatter [tilespmem:s17], [sflag:$0x1], $0x2800, $0x38;
	[tilespmem:$0x18000] =	vst v63  }
0x4d: {  	s31 =	sadd.s32 s4, s29  }
0x4e: {  	[hbm4b:s31+s3] =	stream.linear.scatter [tilespmem:s18], [sflag:$0x1], $0x2800, $0x38;
	[tilespmem:$0x18000] =	vst v63  }
0x4f: {  	_ =	swait.ge [sflag:s19], $0x2800  }
0x50: {  	[sflag:s19] =	ssyncset.done $0x0  }
0x51: {  	[sflag:s19] =	ssyncadd.s32 $0xFFFFD800  }
0x52: {  	_ =	swait.ge [sflag:s19], $0x2800  }
0x53: {  	[sflag:s19] =	ssyncset.done $0x0  }
0x54: {  	[sflag:s19] =	ssyncadd.s32 $0xFFFFD800  }
0x55: {  	_ =	swait.ge [sflag:s19], $0x2800  }
0x56: {  	[sflag:s19] =	ssyncset.done $0x0  }
0x57: {  	[sflag:s19] =	ssyncadd.s32 $0xFFFFD800  }
0x58: {  	_ =	swait.ge [sflag:s19], $0x2800  }
0x59: {  	[sflag:s19] =	ssyncset.done $0x0  }
0x5a: {  	[sflag:s19] =	ssyncadd.s32 $0xFFFFD800  }
0x5b: {  	_ =	swait.ge [sflag:s19], $0x2800  }
0x5c: {  	[sflag:s19] =	ssyncset.done $0x0  }
0x5d: {  	[sflag:s19] =	ssyncadd.s32 $0xFFFFD800  }
0x5e: {  	_ =	swait.ge [sflag:s19], $0x2800  }
0x5f: {  	[sflag:s19] =	ssyncset.done $0x0  }
0x60: {  	[sflag:s19] =	ssyncadd.s32 $0xFFFFD800  }
0x61: {  	_ =	swait.ge [sflag:s19], $0x2800  }
0x62: {  	[sflag:s19] =	ssyncset.done $0x0  }
0x63: {  	[sflag:s19] =	ssyncadd.s32 $0xFFFFD800  }
0x64: {  	s24 =	simm.s32 $0x2000;
	_ =	swait.ge [sflag:s19], $0x2800  }
0x65: {  	s21 =	sadd.s32 $0x2800, s4;
	s22 =	simm.s32 $0x1000;
	[sflag:s19] =	ssyncset.done $0x0  }
.LBB2_2:
0x66: {  	s25 =	sshra.s32 s22, $0x2;
	[sflag:s19] =	ssyncadd.s32 $0xFFFFD800  }
0x67: {  	[tilespmem:s11], [sflag:$0x1] =	stream.indirect.gather [hbm4b:s1+s10], $0x80, s25, s10, $0xb8;
	[tilespmem:$0x18000] =	vst v63  }
0x68: {  	s26 =	sadd.s32 $0x80, s25  }
0x69: {  	[tilespmem:s12], [sflag:$0x1] =	stream.indirect.gather [hbm4b:s1+s10], $0x80, s26, s10, $0xb8;
	[tilespmem:$0x18000] =	vst v63  }
0x6a: {  	s28 =	sadd.s32 $0x100, s25  }
0x6b: {  	[tilespmem:s13], [sflag:$0x1] =	stream.indirect.gather [hbm4b:s1+s10], $0x80, s28, s10, $0xb8;
	[tilespmem:$0x18000] =	vst v63  }
0x6c: {  	s29 =	sadd.s32 $0x180, s25  }
0x6d: {  	[tilespmem:s14], [sflag:$0x1] =	stream.indirect.gather [hbm4b:s1+s10], $0x80, s29, s10, $0xb8;
	[tilespmem:$0x18000] =	vst v63  }
0x6e: {  	s30 =	sadd.s32 $0x200, s25  }
0x6f: {  	[tilespmem:s15], [sflag:$0x1] =	stream.indirect.gather [hbm4b:s1+s10], $0x80, s30, s10, $0xb8;
	[tilespmem:$0x18000] =	vst v63  }
0x70: {  	s31 =	sadd.s32 $0x280, s25  }
0x71: {  	[tilespmem:s16], [sflag:$0x1] =	stream.indirect.gather [hbm4b:s1+s10], $0x80, s31, s10, $0xb8;
	[tilespmem:$0x18000] =	vst v63  }
0x72: {  	s26 =	sadd.s32 $0x300, s25  }
0x73: {  	[tilespmem:s17], [sflag:$0x1] =	stream.indirect.gather [hbm4b:s1+s10], $0x80, s26, s10, $0xb8;
	[tilespmem:$0x18000] =	vst v63  }
0x74: {  	s28 =	sadd.s32 $0x380, s25  }
0x75: {  	[tilespmem:s18], [sflag:$0x1] =	stream.indirect.gather [hbm4b:s1+s10], $0x80, s28, s10, $0xb8;
	[tilespmem:$0x18000] =	vst v63  }
0x76: {  	_ =	swait.ge [sflag:s19], $0x2800  }
0x77: {  	[sflag:s19] =	ssyncset.done $0x0  }
0x78: {  	[sflag:s19] =	ssyncadd.s32 $0xFFFFD800  }
0x79: {  	_ =	swait.ge [sflag:s19], $0x2800  }
0x7a: {  	[sflag:s19] =	ssyncset.done $0x0  }
0x7b: {  	[sflag:s19] =	ssyncadd.s32 $0xFFFFD800  }
0x7c: {  	_ =	swait.ge [sflag:s19], $0x2800  }
0x7d: {  	[sflag:s19] =	ssyncset.done $0x0  }
0x7e: {  	[sflag:s19] =	ssyncadd.s32 $0xFFFFD800  }
0x7f: {  	_ =	swait.ge [sflag:s19], $0x2800  }
0x80: {  	[sflag:s19] =	ssyncset.done $0x0  }
0x81: {  	[sflag:s19] =	ssyncadd.s32 $0xFFFFD800  }
0x82: {  	_ =	swait.ge [sflag:s19], $0x2800  }
0x83: {  	[sflag:s19] =	ssyncset.done $0x0  }
0x84: {  	[sflag:s19] =	ssyncadd.s32 $0xFFFFD800  }
0x85: {  	_ =	swait.ge [sflag:s19], $0x2800  }
0x86: {  	[sflag:s19] =	ssyncset.done $0x0  }
0x87: {  	[sflag:s19] =	ssyncadd.s32 $0xFFFFD800  }
0x88: {  	_ =	swait.ge [sflag:s19], $0x2800  }
0x89: {  	[sflag:s19] =	ssyncset.done $0x0  }
0x8a: {  	[sflag:s19] =	ssyncadd.s32 $0xFFFFD800  }
0x8b: {  	_ =	swait.ge [sflag:s19], $0x2800  }
0x8c: {  	[sflag:s19] =	ssyncset.done $0x0  }
0x8d: {  	s22 =	smov.u32 s24;
	s29 =	sadd.s32 s21, s8;
	[sflag:s19] =	ssyncadd.s32 $0xFFFFD800  }
0x8e: {  	[hbm4b:s29+s3] =	stream.linear.scatter [tilespmem:s11], [sflag:$0x1], $0x2800, $0x38;
	[tilespmem:$0x18000] =	vst v63  }
0x8f: {  	s23 =	sadd.s32 $0x1000, s24;
	p0 =	sne.s32 s24, $0xF000;
	s24 =	sadd.s32 $0x500, s29  }
0x90: {  	[hbm4b:s24+s3] =	stream.linear.scatter [tilespmem:s12], [sflag:$0x1], $0x2800, $0x38;
	[tilespmem:$0x18000] =	vst v63  }
0x91: {  	s31 =	sadd.s32 s21, s7;
	s30 =	rddreg [dreg:$0x7]  }
0x92: {  	[hbm4b:s31+s3] =	stream.linear.scatter [tilespmem:s13], [sflag:$0x1], $0x2800, $0x38;
	[tilespmem:$0x18000] =	vst v63  }
0x93: {  	s26 =	rddreg [dreg:$0x6];
	s28 =	sadd.s32 s21, s30  }
0x94: {  	[hbm4b:s28+s3] =	stream.linear.scatter [tilespmem:s14], [sflag:$0x1], $0x2800, $0x38;
	[tilespmem:$0x18000] =	vst v63  }
0x95: {  	s30 =	sadd.s32 s21, s26;
	s29 =	rddreg [dreg:$0x5]  }
0x96: {  	[hbm4b:s30+s3] =	stream.linear.scatter [tilespmem:s15], [sflag:$0x1], $0x2800, $0x38;
	[tilespmem:$0x18000] =	vst v63  }
0x97: {  	s31 =	rddreg [dreg:$0x4];
	s28 =	sadd.s32 s21, s29  }
0x98: {  	[hbm4b:s28+s3] =	stream.linear.scatter [tilespmem:s16], [sflag:$0x1], $0x2800, $0x38;
	[tilespmem:$0x18000] =	vst v63  }
0x99: {  	s29 =	rddreg [dreg:$0x3];
	s30 =	sadd.s32 s21, s31  }
0x9a: {  	[hbm4b:s30+s3] =	stream.linear.scatter [tilespmem:s17], [sflag:$0x1], $0x2800, $0x38;
	[tilespmem:$0x18000] =	vst v63  }
0x9b: {  	s31 =	sadd.s32 s21, s29  }
0x9c: {  	[hbm4b:s31+s3] =	stream.linear.scatter [tilespmem:s18], [sflag:$0x1], $0x2800, $0x38;
	[tilespmem:$0x18000] =	vst v63  }
0x9d: {  	_ =	swait.ge [sflag:s19], $0x2800  }
0x9e: {  	[sflag:s19] =	ssyncset.done $0x0  }
0x9f: {  	[sflag:s19] =	ssyncadd.s32 $0xFFFFD800  }
0xa0: {  	_ =	swait.ge [sflag:s19], $0x2800  }
0xa1: {  	[sflag:s19] =	ssyncset.done $0x0  }
0xa2: {  	[sflag:s19] =	ssyncadd.s32 $0xFFFFD800  }
0xa3: {  	_ =	swait.ge [sflag:s19], $0x2800  }
0xa4: {  	[sflag:s19] =	ssyncset.done $0x0  }
0xa5: {  	[sflag:s19] =	ssyncadd.s32 $0xFFFFD800  }
0xa6: {  	_ =	swait.ge [sflag:s19], $0x2800  }
0xa7: {  	[sflag:s19] =	ssyncset.done $0x0  }
0xa8: {  	[sflag:s19] =	ssyncadd.s32 $0xFFFFD800  }
0xa9: {  	_ =	swait.ge [sflag:s19], $0x2800  }
0xaa: {  	[sflag:s19] =	ssyncset.done $0x0  }
0xab: {  	[sflag:s19] =	ssyncadd.s32 $0xFFFFD800  }
0xac: {  	_ =	swait.ge [sflag:s19], $0x2800  }
0xad: {  	[sflag:s19] =	ssyncset.done $0x0  }
0xae: {  	[sflag:s19] =	ssyncadd.s32 $0xFFFFD800  }
.Ltmp0:
0xaf: {  	_ =	swait.ge [sflag:s19], $0x2800;
	(pc) =	sbr.rel @p0 .LBB2_2-.Ltmp0, $4  }
0xb0: {  	[sflag:s19] =	ssyncset.done $0x0  }
0xb1: {  	[sflag:s19] =	ssyncadd.s32 $0xFFFFD800  }
0xb2: {  	_ =	swait.ge [sflag:s19], $0x2800  }
0xb3: {  	s24 =	smov.u32 s23;
	s21 =	sadd.s32 $0x2800, s21;
	[sflag:s19] =	ssyncset.done $0x0  }
0xb4: {  	s22 =	sshra.s32 s22, $0x2;
	[sflag:s19] =	ssyncadd.s32 $0xFFFFD800  }
0xb5: {  	[tilespmem:s11], [sflag:$0x1] =	stream.indirect.gather [hbm4b:s1+s10], $0x80, s22, s10, $0xb8;
	[tilespmem:$0x18000] =	vst v63  }
0xb6: {  	s23 =	sadd.s32 $0x80, s22  }
0xb7: {  	[tilespmem:s12], [sflag:$0x1] =	stream.indirect.gather [hbm4b:s1+s10], $0x80, s23, s10, $0xb8;
	[tilespmem:$0x18000] =	vst v63  }
0xb8: {  	s29 =	sadd.s32 $0x100, s22  }
0xb9: {  	[tilespmem:s13], [sflag:$0x1] =	stream.indirect.gather [hbm4b:s1+s10], $0x80, s29, s10, $0xb8;
	[tilespmem:$0x18000] =	vst v63  }
0xba: {  	s30 =	sadd.s32 $0x180, s22  }
0xbb: {  	[tilespmem:s14], [sflag:$0x1] =	stream.indirect.gather [hbm4b:s1+s10], $0x80, s30, s10, $0xb8;
	[tilespmem:$0x18000] =	vst v63  }
0xbc: {  	s31 =	sadd.s32 $0x200, s22  }
0xbd: {  	[tilespmem:s15], [sflag:$0x1] =	stream.indirect.gather [hbm4b:s1+s10], $0x80, s31, s10, $0xb8;
	[tilespmem:$0x18000] =	vst v63  }
0xbe: {  	s24 =	sadd.s32 $0x280, s22  }
0xbf: {  	[tilespmem:s16], [sflag:$0x1] =	stream.indirect.gather [hbm4b:s1+s10], $0x80, s24, s10, $0xb8;
	[tilespmem:$0x18000] =	vst v63  }
0xc0: {  	s25 =	sadd.s32 $0x300, s22  }
0xc1: {  	[tilespmem:s17], [sflag:$0x1] =	stream.indirect.gather [hbm4b:s1+s10], $0x80, s25, s10, $0xb8;
	[tilespmem:$0x18000] =	vst v63  }
0xc2: {  	s22 =	sadd.s32 $0x380, s22  }
0xc3: {  	[tilespmem:s18], [sflag:$0x1] =	stream.indirect.gather [hbm4b:s1+s10], $0x80, s22, s10, $0xb8;
	[tilespmem:$0x18000] =	vst v63  }
0xc4: {  	_ =	swait.ge [sflag:s19], $0x2800  }
0xc5: {  	[sflag:s19] =	ssyncset.done $0x0  }
0xc6: {  	[sflag:s19] =	ssyncadd.s32 $0xFFFFD800  }
0xc7: {  	_ =	swait.ge [sflag:s19], $0x2800  }
0xc8: {  	[sflag:s19] =	ssyncset.done $0x0  }
0xc9: {  	[sflag:s19] =	ssyncadd.s32 $0xFFFFD800  }
0xca: {  	_ =	swait.ge [sflag:s19], $0x2800  }
0xcb: {  	[sflag:s19] =	ssyncset.done $0x0  }
0xcc: {  	[sflag:s19] =	ssyncadd.s32 $0xFFFFD800  }
0xcd: {  	_ =	swait.ge [sflag:s19], $0x2800  }
0xce: {  	[sflag:s19] =	ssyncset.done $0x0  }
0xcf: {  	[sflag:s19] =	ssyncadd.s32 $0xFFFFD800  }
0xd0: {  	_ =	swait.ge [sflag:s19], $0x2800  }
0xd1: {  	[sflag:s19] =	ssyncset.done $0x0  }
0xd2: {  	[sflag:s19] =	ssyncadd.s32 $0xFFFFD800  }
0xd3: {  	_ =	swait.ge [sflag:s19], $0x2800  }
0xd4: {  	[sflag:s19] =	ssyncset.done $0x0  }
0xd5: {  	[sflag:s19] =	ssyncadd.s32 $0xFFFFD800  }
0xd6: {  	_ =	swait.ge [sflag:s19], $0x2800  }
0xd7: {  	[sflag:s19] =	ssyncset.done $0x0  }
0xd8: {  	[sflag:s19] =	ssyncadd.s32 $0xFFFFD800  }
0xd9: {  	_ =	swait.ge [sflag:s19], $0x2800  }
0xda: {  	[sflag:s19] =	ssyncset.done $0x0  }
0xdb: {  	s26 =	sadd.s32 s21, s8;
	[sflag:s19] =	ssyncadd.s32 $0xFFFFD800  }
0xdc: {  	[hbm4b:s26+s3] =	stream.linear.scatter [tilespmem:s11], [sflag:$0x1], $0x2800, $0x38;
	[tilespmem:$0x18000] =	vst v63  }
0xdd: {  	s22 =	sadd.s32 $0x500, s26  }
0xde: {  	[hbm4b:s22+s3] =	stream.linear.scatter [tilespmem:s12], [sflag:$0x1], $0x2800, $0x38;
	[tilespmem:$0x18000] =	vst v63  }
0xdf: {  	s29 =	sadd.s32 s21, s7;
	s28 =	rddreg [dreg:$0x7]  }
0xe0: {  	[hbm4b:s29+s3] =	stream.linear.scatter [tilespmem:s13], [sflag:$0x1], $0x2800, $0x38;
	[tilespmem:$0x18000] =	vst v63  }
0xe1: {  	s24 =	rddreg [dreg:$0x6];
	s30 =	sadd.s32 s21, s28  }
0xe2: {  	[hbm4b:s30+s3] =	stream.linear.scatter [tilespmem:s14], [sflag:$0x1], $0x2800, $0x38;
	[tilespmem:$0x18000] =	vst v63  }
0xe3: {  	s31 =	rddreg [dreg:$0x5];
	s25 =	sadd.s32 s21, s24  }
0xe4: {  	[hbm4b:s25+s3] =	stream.linear.scatter [tilespmem:s15], [sflag:$0x1], $0x2800, $0x38;
	[tilespmem:$0x18000] =	vst v63  }
0xe5: {  	s28 =	sadd.s32 s21, s31;
	s26 =	rddreg [dreg:$0x4]  }
0xe6: {  	[hbm4b:s28+s3] =	stream.linear.scatter [tilespmem:s16], [sflag:$0x1], $0x2800, $0x38;
	[tilespmem:$0x18000] =	vst v63  }
0xe7: {  	s29 =	rddreg [dreg:$0x3];
	s30 =	sadd.s32 s21, s26  }
0xe8: {  	[hbm4b:s30+s3] =	stream.linear.scatter [tilespmem:s17], [sflag:$0x1], $0x2800, $0x38;
	[tilespmem:$0x18000] =	vst v63  }
0xe9: {  	s31 =	sadd.s32 s21, s29  }
0xea: {  	[hbm4b:s31+s3] =	stream.linear.scatter [tilespmem:s18], [sflag:$0x1], $0x2800, $0x38;
	[tilespmem:$0x18000] =	vst v63  }
0xeb: {  	_ =	swait.ge [sflag:s19], $0x2800  }
0xec: {  	[sflag:s19] =	ssyncset.done $0x0  }
0xed: {  	[sflag:s19] =	ssyncadd.s32 $0xFFFFD800  }
0xee: {  	_ =	swait.ge [sflag:s19], $0x2800  }
0xef: {  	[sflag:s19] =	ssyncset.done $0x0  }
0xf0: {  	[sflag:s19] =	ssyncadd.s32 $0xFFFFD800  }
0xf1: {  	_ =	swait.ge [sflag:s19], $0x2800  }
0xf2: {  	[sflag:s19] =	ssyncset.done $0x0  }
0xf3: {  	[sflag:s19] =	ssyncadd.s32 $0xFFFFD800  }
0xf4: {  	_ =	swait.ge [sflag:s19], $0x2800  }
0xf5: {  	[sflag:s19] =	ssyncset.done $0x0  }
0xf6: {  	[sflag:s19] =	ssyncadd.s32 $0xFFFFD800  }
0xf7: {  	_ =	swait.ge [sflag:s19], $0x2800  }
0xf8: {  	[sflag:s19] =	ssyncset.done $0x0  }
0xf9: {  	[sflag:s19] =	ssyncadd.s32 $0xFFFFD800  }
0xfa: {  	_ =	swait.ge [sflag:s19], $0x2800  }
0xfb: {  	[sflag:s19] =	ssyncset.done $0x0  }
0xfc: {  	s20 =	sadd.s32 $0x1, s20;
	[sflag:s19] =	ssyncadd.s32 $0xFFFFD800  }
0xfd: {  	p0 =	sne.s32 s20, s6;
	_ =	swait.ge [sflag:s19], $0x2800  }
.Ltmp1:
0xfe: {  	[sflag:s19] =	ssyncset.done $0x0;
	(pc) =	sbr.rel @p0 .LBB2_1-.Ltmp1, $4  }
0xff: {  	[sflag:s19] =	ssyncadd.s32 $0xFFFFD800  }
0x100: {  	_ =	swait.ge [sflag:s19], $0x2800  }
0x101: {  	[sflag:s19] =	ssyncset.done $0x0  }
0x102: {  	[sflag:s19] =	ssyncadd.s32 $0xFFFFD800  }
0x103: {  	_ =	sfence.sel $0x180000  }
0x104: {  	[bflag:$0x0] =	sbarrier.arrive $0xFFFF  }
0x105: {  	p0 =	sne.s32 s2, $0x0;
	_ =	strace $0x90000047  }
0x106: {  	s0 =	sadd.s32 @!p0 $0x100000, s0;
	[bflag:$0x2] =	sbarrier.arrive $0xFFFF  }
0x107: {  	[sflag:s0] =	ssyncadd.tile.s32 @!p0 $0x1;
	_ =	shalt  }
.Lfunc_end2:
_tile_overlayer_lowered:
.L_overlay_start_2:
0x108: {  	(tag) =	ssettag $0x2  }
0x109: {  	s0 =	rddreg [dreg:$0x0];
	s2 =	stileid.u32  }
0x10a: {  	s1 =	rddreg [dreg:$0x1];
	p0 =	sne.s32 s2, $0x0  }
0x10b: {  	s3 =	rddreg [dreg:$0x2];
	[bflag:$0x3] =	sbarrier.arrive $0xFFFF;
	s2 =	simm.s32 @!p0 $0x1C02  }
0x10c: {  	[timem:s3], [sflag:s2] =	dma.local @!p0 [hbm:s0], s1  }
0x10d: {  	s0 =	simm.s32 @!p0 $0x2  }
0x10e: {  	_ =	swait.ge @!p0 [sflag:s0], s1  }
0x10f: {  	s1 =	ssub.s32 @!p0 $0x0, s1;
	[sflag:s0] =	ssyncset.done @!p0 $0x0  }
0x110: {  	[sflag:s0] =	ssyncadd.s32 @!p0 s1  }
0x111: {  	[bflag:$0x3] =	sbarrier.arrive $0xFFFF  }
0x112: {  	_ =	shalt  }

// kernel: kernel.16.cloned.1.call-start
scs
__scs_entry_jumppad:
0x0: {  	(pc) =	sbr.rel $0x88, $3  }
0x1: {  	(tag) =	ssettag $0x0;
	lr =	simm.s32 $0x1  }
0x2: {  	[smem:$0x3F97] =	sst lr;
	_ =	strace $0xD0000000  }
0x3: {  	_ = 	snop  }
0x4: {  	_ = 	snop  }
0x5: {  	_ = 	snop  }
0x6: {  	_ = 	snop  }
0x7: {  	_ = 	snop  }
__scs_overlays_trampoline_lowered:
0x8: {  	[smem:$0x3FA6] =	sst s0  }
0x9: {  	[smem:$0x3FA7] =	sst s1  }
0xa: {  	[smem:$0x3FA8] =	sst s2  }
0xb: {  	[smem:$0x3FA9] =	sst s3  }
0xc: {  	[smem:$0x3FAA] =	sst s4  }
0xd: {  	[smem:$0x3FAB] =	sst s5  }
0xe: {  	[smem:$0x3FAC] =	sst s6  }
0xf: {  	[smem:$0x3FAD] =	sst s7  }
0x10: {  	[smem:$0x3FAE] =	sst s8  }
0x11: {  	[smem:$0x3FAF] =	sst s9;
	s0 =	simm.s32 @!p0 $0x0  }
0x12: {  	s1 =	sld [smem:$0x3F95];
	s0 =	simm.s32 @p0 $0x1  }
0x13: {  	[smem:$0x3FB0] =	sst s0;
	s0 =	simm.s32 @!p1 $0x0  }
0x14: {  	s2 =	sld [smem:$0x3F94];
	s0 =	simm.s32 @p1 $0x1  }
0x15: {  	[smem:$0x3FB1] =	sst s0;
	s0 =	simm.s32 @!p2 $0x0  }
0x16: {  	s3 =	sld [smem:$0x3FDB];
	s0 =	simm.s32 @p2 $0x1  }
0x17: {  	s4 =	simm.s32 $0x1BF5;
	[smem:$0x3FB3] =	sst s0  }
0x18: {  	s0 =	sld [smem:$0x3F96];
	_ =	swait.ge [sflag:s4], $0x0  }
0x19: {  	s7 =	sld [smem:$0x3F97]  }
0x1a: {  	s8 =	sadd.s32 $0xFFFFE003, lr  }
0x1b: {  	s9 =	sadd.s32 $0xFFFFFEF7, lr;
	s5 =	simm.s32 $0xFFFFFFFF;
	p2 =	slt.u32 s8, $0xFFFFF086  }
0x1c: {  	p1 =	slt.u32 s9, $0xF7A;
	s5 =	simm.s32 @!p2 $0x0  }
0x1d: {  	s5 =	simm.s32 @p1 $0x1;
	p0 =	seq.s32 s7, s2  }
0x1e: {  	s7 =	smul.u32 @!p0 $0xF7A, s2;
	p2 =	seq.s32 @!p0 s5, $0x0  }
0x1f: {  	s9 =	smul.u32 $0xF7A, s1;
	s8 =	simm.s32 @!p0 $0x1BF5;
	p2 =	por !p2, p0  }
0x20: {  	[sflag:s8] =	ssyncset.s32 @!p0 $0xFFFFF086;
	s6 =	sadd.s32 @!p0 s3, s7;
	s7 =	simm.s32 @!p0 $0x108  }
0x21: {  	s3 =	sadd.s32 s3, s9;
	s6 =	sadd.s32 @!p0 $0x88, s6;
	s7 =	simm.s32 @p2 $0x1082  }
0x22: {  	[simem:s7], [sflag:s8] =	dma.local @!p0 [hbm:s6], $0xF7A  }
0x23: {  	s9 =	sor.u32 $0xD0000000, s2;
	s6 =	simm.s32 $0x108;
	_ =	swait.ge @!p0 [sflag:s8], $0x0  }
0x24: {  	s3 =	sadd.s32 $0x88, s3;
	s6 =	simm.s32 @!p1 $0x1082;
	[sflag:s4] =	ssyncset.s32 $0xFFFFF086  }
0x25: {  	[simem:s6], [sflag:s4] =	dma.local [hbm:s3], $0xF7A  }
0x26: {  	[smem:$0x3F97] =	sst s1;
	(tag) =	ssettag s2;
	_ =	strace s9  }
0x27: {  	s1 =	sld [smem:$0x3FA7]  }
0x28: {  	s2 =	sld [smem:$0x3FA8]  }
0x29: {  	s4 =	sld [smem:$0x3FAA]  }
0x2a: {  	p0 =	seq.s32 s5, $0x0;
	s5 =	sld [smem:$0x3FAB]  }
0x2b: {  	s6 =	sld [smem:$0x3FAC]  }
0x2c: {  	s7 =	sld [smem:$0x3FAD]  }
0x2d: {  	s3 =	simm.s32 $0x108;
	s8 =	sld [smem:$0x3FAE]  }
0x2e: {  	s3 =	simm.s32 @!p0 $0x1082;
	s9 =	sld [smem:$0x3FAF]  }
0x2f: {  	lr =	sadd.s32 s0, s3;
	s0 =	sld [smem:$0x3FA6]  }
0x30: {  	s3 =	sld [smem:$0x3FA9]  }
0x31: {  	[smem:$0x3FB2] =	sst s10  }
0x32: {  	s10 =	sld [smem:$0x3FB0];
	_ =	sdelay $0x3  }
0x33: {  	p0 =	seq.s32 s10, $0x1;
	s10 =	sld [smem:$0x3FB2];
	_ =	sdelay $0x3  }
0x34: {  	[smem:$0x3FB2] =	sst s10  }
0x35: {  	s10 =	sld [smem:$0x3FB1];
	_ =	sdelay $0x3  }
0x36: {  	p1 =	seq.s32 s10, $0x1;
	s10 =	sld [smem:$0x3FB2];
	_ =	sdelay $0x3  }
0x37: {  	[smem:$0x3FB2] =	sst s10  }
0x38: {  	s10 =	sld [smem:$0x3FB3]  }
0x39: {  	_ = 	snop;
	(pc) =	sbr.ind lr, $3  }
0x3a: {  	_ = 	snop  }
0x3b: {  	_ = 	snop  }
0x3c: {  	p2 =	seq.s32 s10, $0x1;
	s10 =	sld [smem:$0x3FB2]  }
0x3d: {  	_ =	shalt  }
0x3e: {  	_ =	shalt  }
0x3f: {  	_ =	shalt  }
0x40: {  	_ =	shalt  }
0x41: {  	_ =	shalt  }
0x42: {  	_ =	shalt  }
0x43: {  	_ =	shalt  }
0x44: {  	_ =	shalt  }
0x45: {  	_ =	shalt  }
0x46: {  	_ =	shalt  }
0x47: {  	_ =	shalt  }
0x48: {  	_ =	shalt  }
0x49: {  	_ =	shalt  }
0x4a: {  	_ =	shalt  }
0x4b: {  	_ =	shalt  }
0x4c: {  	_ =	shalt  }
0x4d: {  	_ =	shalt  }
0x4e: {  	_ =	shalt  }
0x4f: {  	_ =	shalt  }
0x50: {  	_ =	shalt  }
0x51: {  	_ =	shalt  }
0x52: {  	_ =	shalt  }
0x53: {  	_ =	shalt  }
0x54: {  	_ =	shalt  }
0x55: {  	_ =	shalt  }
0x56: {  	_ =	shalt  }
0x57: {  	_ =	shalt  }
0x58: {  	_ =	shalt  }
0x59: {  	_ =	shalt  }
0x5a: {  	_ =	shalt  }
0x5b: {  	_ =	shalt  }
0x5c: {  	_ =	shalt  }
0x5d: {  	_ =	shalt  }
0x5e: {  	_ =	shalt  }
0x5f: {  	_ =	shalt  }
0x60: {  	_ =	shalt  }
0x61: {  	_ =	shalt  }
0x62: {  	_ =	shalt  }
0x63: {  	_ =	shalt  }
0x64: {  	_ =	shalt  }
0x65: {  	_ =	shalt  }
0x66: {  	_ =	shalt  }
0x67: {  	_ =	shalt  }
0x68: {  	_ =	shalt  }
0x69: {  	_ =	shalt  }
0x6a: {  	_ =	shalt  }
0x6b: {  	_ =	shalt  }
0x6c: {  	_ =	shalt  }
0x6d: {  	_ =	shalt  }
0x6e: {  	_ =	shalt  }
0x6f: {  	_ =	shalt  }
0x70: {  	_ =	shalt  }
0x71: {  	_ =	shalt  }
0x72: {  	_ =	shalt  }
0x73: {  	_ =	shalt  }
0x74: {  	_ =	shalt  }
0x75: {  	_ =	shalt  }
0x76: {  	_ =	shalt  }
0x77: {  	_ =	shalt  }
0x78: {  	_ =	shalt  }
0x79: {  	_ =	shalt  }
0x7a: {  	_ =	shalt  }
0x7b: {  	_ =	shalt  }
0x7c: {  	_ =	shalt  }
0x7d: {  	_ =	shalt  }
0x7e: {  	_ =	shalt  }
0x7f: {  	_ =	shalt  }
0x80: {  	_ =	shalt  }
0x81: {  	_ =	shalt  }
0x82: {  	_ =	shalt  }
0x83: {  	_ =	shalt  }
0x84: {  	_ =	shalt  }
0x85: {  	_ =	shalt  }
0x86: {  	_ =	shalt  }
0x87: {  	_ =	shalt  }
.Lfunc_end0:
.L_simem_size_0:
called_computation.1_lowered:
.L_overlay_start_0:
0x88: {  	s2 =	sld [smem:$0x3FD9]  }
0x89: {  	s3 =	sld [smem:$0x3FFE];
	_ =	sdelay $0x1  }
0x8a: {  	s1 =	srdreg.scid  }
0x8b: {  	s0 =	sand.u32 $0x1, s1  }
0x8c: {  	s16 =	sshll.u32 s0, $0xA;
	s2 =	sadd.s32 s3, s2  }
0x8d: {  	s2 =	sadd.s32 s2, s16  }
0x8e: {  	[smem:$0x3FBE] =	sst s2  }
0x8f: {  	_ = 	snop  }
0x90: {  	(tm) =	ssettm $0x1  }
0x91: {  	s17 =	sld [smem:$0x3FFB];
	_ =	sdelay $0x3  }
0x92: {  	_ =	strace s17  }
0x93: {  	s2 =	sld [smem:$0x3FFC];
	_ =	sdelay $0x3  }
0x94: {  	_ =	strace s2  }
0x95: {  	s2 =	sld [smem:$0x3FFD];
	_ =	sdelay $0x3  }
0x96: {  	_ =	strace s2  }
0x97: {  	_ =	strace $0x8FFFFFFF  }
0x98: {  	s18 =	sld [smem:$0x3FDB];
	_ =	sdelay $0x1  }
0x99: {  	s19 =	simm.s32 $_scs_section_size  }
0x9a: {  	s4 =	simm.s32 $_size__tile_overlayer_lowered;
	s5 =	simm.s32 $_tile_overlayer_lowered  }
0x9b: {  	s22 =	simm.s32 $0x1BFF;
	s21 =	sshll.u32 s5, $0x1;
	s2 =	sadd.s32 s19, s18  }
0x9c: {  	s6 =	simm.s32 $0x0;
	s20 =	sshll.u32 s4, $0x1;
	s4 =	sadd.s32 s21, s2  }
0x9d: {  	[timem:s6], [sflag:s22] =	dma.local [hbm:s4], s20  }
0x9e: {  	_ =	swait.ge [sflag:s22], s20  }
0x9f: {  	s3 =	ssub.s32 $0x0, s20;
	[sflag:s22] =	ssyncset.done $0x0  }
0xa0: {  	[sflag:s22] =	ssyncadd.s32 s3;
	_ =	sdelay $0x1  }
0xa1: {  	s23 =	simm.s32 $0x1B8B  }
0xa2: {  	_ =	swait.ge [sflag:s23], $0x1  }
0xa3: {  	[sflag:s23] =	ssyncset.done $0x0  }
0xa4: {  	s25 =	simm.s32 $0x1B8E;
	s24 =	sld [smem:$0x3FFE];
	[sflag:s23] =	ssyncadd.s32 $0xFFFFFFFF  }
0xa5: {  	s26 =	simm.s32 $execute0_lowered;
	[smem:$0x3FD2] =	sst s25  }
0xa6: {  	s4 =	sshll.u32 s26, $0x1;
	_ =	strace $0x80000049;
	[dreg:$0x1] =	wrdreg $0xFFFFFFFF  }
0xa7: {  	s28 =	simm.s32 $_size_execute0_lowered;
	s2 =	sadd.s32 s2, s4;
	[dreg:$0x0] =	wrdreg $0x0  }
0xa8: {  	s4 =	sshll.u32 s28, $0x1;
	[dreg:$0x2] =	wrdreg s2  }
0xa9: {  	[dreg:$0x3] =	wrdreg s4  }
0xaa: {  	[dreg:$0x4] =	wrdreg $0xC0  }
0xab: {  	_ =	task [dreg:s6], $0x5FFFF  }
0xac: {  	[dreg:$0x1] =	wrdreg $0xFFFFFFFF  }
0xad: {  	[dreg:$0x0] =	wrdreg $0x60  }
0xae: {  	[dreg:$0x2] =	wrdreg s24  }
0xaf: {  	[dreg:$0x3] =	wrdreg $0xA2000  }
0xb0: {  	[dreg:$0x4] =	wrdreg $0x9  }
0xb1: {  	_ =	task.clear_ibuf [dreg:s6], $0x5FFFF;
	_ =	strace $0x90000049  }
0xb2: {  	s29 =	simm.s32 $0x9;
	_ =	strace $0x8000004B  }
0xb3: {  	_ =	swait.ge [sflag:s29], $0x1  }
0xb4: {  	[sflag:s29] =	ssyncadd.s32 $0xFFFFFFFF  }
0xb5: {  	_ =	strace $0x9000004B  }
0xb6: {  	_ =	sfence  }
0xb7: {  	s30 =	sld [smem:$0x0];
	_ =	sdelay $0x2  }
0xb8: {  	s31 =	sshll.u32 s1, $0xD;
	s1 =	sshrl.u32 s1, $0x2  }
0xb9: {  	s3 =	sand.u32 $0x4000, s31;
	s1 =	sadd.s32 s1, s30  }
0xba: {  	s0 =	sor.u32 s3, s0;
	s1 =	sshll.u32 s1, $0x11  }
0xbb: {  	s0 =	sor.u32 s1, s0  }
0xbc: {  	s0 =	sadd.s32 $0x8F2B, s0  }
0xbd: {  	[sflag:s0] =	ssyncadd.remote.s32 $0x1  }
0xbe: {  	_ =	sfence.sel $0xFFFF  }
0xbf: {  	[dreg:$0x0] =	wrdreg $0xFFFFFFFF;
	(pc) =	sbr.abs _section_cstart, $3  }
0xc0: {  	[dreg:$0x1] =	wrdreg $0xFFFFFFFF  }
0xc1: {  	_ =	task.clear_ibuf [dreg:s6], $0x2FFFF;
	_ =	strace $0x9FFFFFFF  }
0xc2: {  	(tm) =	ssettm $0x7FFFFFFF  }
0xc3: {  	_ =	shalt  }
tec
execute0_lowered:
.L_overlay_start_1:
0x0: {  	(tag) =	ssettag $0x1  }
0x1: {  	s5 =	rddreg [dreg:$0x0]  }
0x2: {  	s0 =	srdreg.scid;
	s20 =	stileid.u32  }
0x3: {  	s1 =	rddreg [dreg:$0x1];
	s3 =	simm.s32 $0x0;
	s8 =	smul.u32 $0x14000, s20  }
0x4: {  	s16 =	simm.s32 $0x100;
	s17 =	simm.s32 $0x180;
	s10 =	smul.u32 $0x50000, s20  }
0x5: {  	s18 =	simm.s32 $0x200;
	s19 =	simm.s32 $0x2A00;
	s24 =	smul.u32 $0x2800, s20  }
0x6: {  	s6 =	sand.u32 $0x1, s0;
	[smem:$0x7FF] =	sst s3;
	s14 =	smul.u32 $0x28000, s20  }
0x7: {  	s12 =	sadd.s32 $0xDC00, s5;
	s25 =	sshll.u32 s20, $0x6;
	s4 =	smul.u32 $0x280000, s6  }
0x8: {  	s20 =	simm.s32 $0x5200;
	s7 =	smul.u32 $0x140000, s6;
	s21 =	ssub.s32 $0x2, s6  }
0x9: {  	_ =	strace $0x8000004A;
	s11 =	smul.u32 $0x28000, s6;
	s22 =	sshrl.u32 s21, $0x1  }
0xa: {  	s23 =	sshrl.u32 s10, $0x2;
	s9 =	sadd.s32 s4, s5;
	s4 =	sadd.s32 $0x532400, s5  }
0xb: {  	s7 =	sadd.s32 s8, s7;
	s8 =	ssub.s32 s21, s22;
	s13 =	sadd.s32 s23, s1  }
0xc: {  	s10 =	sadd.s32 s24, s11;
	s21 =	simm.s32 $0x7A00;
	s22 =	simm.s32 $0x2  }
0xd: {  	s23 =	simm.s32 $0x1;
	s24 =	simm.s32 $0x50;
	s7 =	sshrl.u32 s7, $0x3  }
0xe: {  	s26 =	sadd.s32 s14, s9;
	s28 =	sshrl.u32 s10, $0x3;
	s11 =	sor.u32 $0xF0, s10  }
0xf: {  	s29 =	sor.u32 $0xA0, s10;
	s15 =	sor.u32 $0x50, s10;
	s13 =	sshrl.u32 s13, $0x3  }
0x10: {  	s14 =	simm.s32 $0x3;
	s7 =	sadd.s32 s7, s5;
	s5 =	sor.u32 $0x1C03, s25  }
0x11: {  	s9 =	sadd.s32 s28, s12;
	s11 =	sshrl.u32 s11, $0x3;
	s30 =	sshrl.u32 s29, $0x3  }
0x12: {  	s31 =	sshrl.u32 s15, $0x3;
	s15 =	simm.s32 $0x80;
	s25 =	simm.s32 $0x0  }
0x13: {  	s6 =	sadd.s32 $0x534C00, s7;
	s7 =	smax.u32 s8, $0x1;
	s8 =	sadd.s32 $0xA14400, s26  }
0x14: {  	s10 =	sadd.s32 s11, s12;
	s11 =	sadd.s32 s30, s12;
	s12 =	sadd.s32 s31, s12  }
.LBB2_1:
0x15: {  	[spmem:s13], [sflag:s5] =	dma.local [hbm:s4], $0x2800  }
0x16: {  	_ =	swait.ge [sflag:s14], $0x2800  }
0x17: {  	[sflag:s14] =	ssyncset.done $0x0  }
0x18: {  	[sflag:s14] =	ssyncadd.s32 $0xFFFFD800  }
0x19: {  	[bflag:$0x0] =	sbarrier.arrive $0xFFFF  }
0x1a: {  	[tilespmem:s3], [sflag:$0x2] =	stream.linear.gather [hbm4b:s9+s3], $0x50, $0x38;
	[tilespmem:$0x1E200] =	vst v63  }
0x1b: {  	_ = 	snop  }
0x1c: {  	[tilespmem:s15], [sflag:$0x2] =	stream.linear.gather [hbm4b:s12+s3], $0x50, $0x38;
	[tilespmem:$0x1E200] =	vst v63  }
0x1d: {  	_ = 	snop  }
0x1e: {  	[tilespmem:s16], [sflag:$0x2] =	stream.linear.gather [hbm4b:s11+s3], $0x50, $0x38;
	[tilespmem:$0x1E200] =	vst v63  }
0x1f: {  	_ = 	snop  }
0x20: {  	[tilespmem:s17], [sflag:$0x2] =	stream.linear.gather [hbm4b:s10+s3], $0x50, $0x38;
	[tilespmem:$0x1E200] =	vst v63  }
0x21: {  	s26 =	sadd.s32 $0x0, s8  }
0x22: {  	[tilespmem:s18], [sflag:$0x1] =	stream.linear.gather [hbm4b:s26+s3], $0x2800, $0x38;
	[tilespmem:$0x1E200] =	vst v63  }
0x23: {  	s28 =	sadd.s32 $0x500, s26  }
0x24: {  	[tilespmem:s19], [sflag:$0x1] =	stream.linear.gather [hbm4b:s28+s3], $0x2800, $0x38;
	[tilespmem:$0x1E200] =	vst v63  }
0x25: {  	s28 =	sadd.s32 $0xA00, s26  }
0x26: {  	[tilespmem:s20], [sflag:$0x1] =	stream.linear.gather [hbm4b:s28+s3], $0x2800, $0x38;
	[tilespmem:$0x1E200] =	vst v63  }
0x27: {  	s26 =	sadd.s32 $0xF00, s26  }
0x28: {  	[tilespmem:s21], [sflag:$0x1] =	stream.linear.gather [hbm4b:s26+s3], $0x2800, $0x38;
	[tilespmem:$0x1E200] =	vst v63  }
0x29: {  	_ =	swait.ge [sflag:s22], $0x50  }
0x2a: {  	[sflag:s22] =	ssyncset.done $0x0  }
0x2b: {  	[sflag:s22] =	ssyncadd.s32 $0xFFFFFFB0  }
0x2c: {  	_ =	swait.ge [sflag:s22], $0x50  }
0x2d: {  	[sflag:s22] =	ssyncset.done $0x0  }
0x2e: {  	[sflag:s22] =	ssyncadd.s32 $0xFFFFFFB0  }
0x2f: {  	_ =	swait.ge [sflag:s22], $0x50  }
0x30: {  	[sflag:s22] =	ssyncset.done $0x0  }
0x31: {  	[sflag:s22] =	ssyncadd.s32 $0xFFFFFFB0  }
0x32: {  	_ =	swait.ge [sflag:s22], $0x50  }
0x33: {  	[sflag:s22] =	ssyncset.done $0x0  }
0x34: {  	[sflag:s22] =	ssyncadd.s32 $0xFFFFFFB0  }
0x35: {  	_ =	swait.ge [sflag:s23], $0x2800  }
0x36: {  	[sflag:s23] =	ssyncset.done $0x0  }
0x37: {  	[sflag:s23] =	ssyncadd.s32 $0xFFFFD800  }
0x38: {  	_ =	swait.ge [sflag:s23], $0x2800  }
0x39: {  	[sflag:s23] =	ssyncset.done $0x0  }
0x3a: {  	[sflag:s23] =	ssyncadd.s32 $0xFFFFD800  }
0x3b: {  	_ =	swait.ge [sflag:s23], $0x2800  }
0x3c: {  	[sflag:s23] =	ssyncset.done $0x0  }
0x3d: {  	[sflag:s23] =	ssyncadd.s32 $0xFFFFD800  }
0x3e: {  	_ =	swait.ge [sflag:s23], $0x2800  }
0x3f: {  	[sflag:s23] =	ssyncset.done $0x0  }
0x40: {  	[sflag:s23] =	ssyncadd.s32 $0xFFFFD800  }
0x41: {  	[spmem:s1] =	stream.indirect.scatter.add.f32 [tilespmem:s18], [sflag:$0x1], $0x80, s3, s24, $0xb8;
	[tilespmem:$0x1E200] =	vst v63  }
0x42: {  	_ = 	snop  }
0x43: {  	[spmem:s1] =	stream.indirect.scatter.add.f32 [tilespmem:s19], [sflag:$0x1], $0x80, s15, s24, $0xb8;
	[tilespmem:$0x1E200] =	vst v63  }
0x44: {  	_ = 	snop  }
0x45: {  	[spmem:s1] =	stream.indirect.scatter.add.f32 [tilespmem:s20], [sflag:$0x1], $0x80, s16, s24, $0xb8;
	[tilespmem:$0x1E200] =	vst v63  }
0x46: {  	_ = 	snop  }
0x47: {  	[spmem:s1] =	stream.indirect.scatter.add.f32 [tilespmem:s21], [sflag:$0x1], $0x80, s17, s24, $0xb8;
	[tilespmem:$0x1E200] =	vst v63  }
0x48: {  	_ =	swait.ge [sflag:s23], $0x2800  }
0x49: {  	[sflag:s23] =	ssyncset.done $0x0  }
0x4a: {  	[sflag:s23] =	ssyncadd.s32 $0xFFFFD800  }
0x4b: {  	_ =	swait.ge [sflag:s23], $0x2800  }
0x4c: {  	[sflag:s23] =	ssyncset.done $0x0  }
0x4d: {  	[sflag:s23] =	ssyncadd.s32 $0xFFFFD800  }
0x4e: {  	_ =	swait.ge [sflag:s23], $0x2800  }
0x4f: {  	[sflag:s23] =	ssyncset.done $0x0  }
0x50: {  	s29 =	sadd.s32 $0x28, s12;
	[sflag:s23] =	ssyncadd.s32 $0xFFFFD800  }
0x51: {  	s30 =	smov.u32 s9;
	s31 =	smov.u32 s10;
	_ =	swait.ge [sflag:s23], $0x2800  }
0x52: {  	s28 =	sadd.s32 $0x28, s11;
	s26 =	simm.s32 $0x1400;
	[sflag:s23] =	ssyncset.done $0x0  }
.LBB2_2:
0x53: {  	[sflag:s23] =	ssyncadd.s32 $0xFFFFD800;
	s30 =	sadd.s32 $0x28, s30;
	s31 =	sadd.s32 $0x28, s31  }
0x54: {  	[tilespmem:s3], [sflag:$0x2] =	stream.linear.gather [hbm4b:s30+s3], $0x50, $0x38;
	[tilespmem:$0x1E200] =	vst v63  }
0x55: {  	p0 =	sne.s32 s26, $0x26C00;
	s0 =	smov.u32 s26;
	s26 =	sadd.s32 $0x1400, s26  }
0x56: {  	[tilespmem:s15], [sflag:$0x2] =	stream.linear.gather [hbm4b:s29+s3], $0x50, $0x38;
	[tilespmem:$0x1E200] =	vst v63  }
0x57: {  	_ = 	snop  }
0x58: {  	[tilespmem:s16], [sflag:$0x2] =	stream.linear.gather [hbm4b:s28+s3], $0x50, $0x38;
	[tilespmem:$0x1E200] =	vst v63  }
0x59: {  	_ = 	snop  }
0x5a: {  	[tilespmem:s17], [sflag:$0x2] =	stream.linear.gather [hbm4b:s31+s3], $0x50, $0x38;
	[tilespmem:$0x1E200] =	vst v63  }
0x5b: {  	s0 =	sadd.s32 s0, s8  }
0x5c: {  	[tilespmem:s18], [sflag:$0x1] =	stream.linear.gather [hbm4b:s0+s3], $0x2800, $0x38;
	[tilespmem:$0x1E200] =	vst v63  }
0x5d: {  	s2 =	sadd.s32 $0x500, s0  }
0x5e: {  	[tilespmem:s19], [sflag:$0x1] =	stream.linear.gather [hbm4b:s2+s3], $0x2800, $0x38;
	[tilespmem:$0x1E200] =	vst v63  }
0x5f: {  	s2 =	sadd.s32 $0xA00, s0  }
0x60: {  	[tilespmem:s20], [sflag:$0x1] =	stream.linear.gather [hbm4b:s2+s3], $0x2800, $0x38;
	[tilespmem:$0x1E200] =	vst v63  }
0x61: {  	s0 =	sadd.s32 $0xF00, s0  }
0x62: {  	[tilespmem:s21], [sflag:$0x1] =	stream.linear.gather [hbm4b:s0+s3], $0x2800, $0x38;
	[tilespmem:$0x1E200] =	vst v63  }
0x63: {  	_ =	swait.ge [sflag:s22], $0x50  }
0x64: {  	[sflag:s22] =	ssyncset.done $0x0  }
0x65: {  	[sflag:s22] =	ssyncadd.s32 $0xFFFFFFB0  }
0x66: {  	_ =	swait.ge [sflag:s22], $0x50  }
0x67: {  	[sflag:s22] =	ssyncset.done $0x0  }
0x68: {  	[sflag:s22] =	ssyncadd.s32 $0xFFFFFFB0  }
0x69: {  	_ =	swait.ge [sflag:s22], $0x50  }
0x6a: {  	[sflag:s22] =	ssyncset.done $0x0  }
0x6b: {  	[sflag:s22] =	ssyncadd.s32 $0xFFFFFFB0  }
0x6c: {  	_ =	swait.ge [sflag:s22], $0x50  }
0x6d: {  	[sflag:s22] =	ssyncset.done $0x0  }
0x6e: {  	[sflag:s22] =	ssyncadd.s32 $0xFFFFFFB0  }
0x6f: {  	_ =	swait.ge [sflag:s23], $0x2800  }
0x70: {  	[sflag:s23] =	ssyncset.done $0x0  }
0x71: {  	[sflag:s23] =	ssyncadd.s32 $0xFFFFD800  }
0x72: {  	_ =	swait.ge [sflag:s23], $0x2800  }
0x73: {  	[sflag:s23] =	ssyncset.done $0x0  }
0x74: {  	[sflag:s23] =	ssyncadd.s32 $0xFFFFD800  }
0x75: {  	_ =	swait.ge [sflag:s23], $0x2800  }
0x76: {  	[sflag:s23] =	ssyncset.done $0x0  }
0x77: {  	[sflag:s23] =	ssyncadd.s32 $0xFFFFD800  }
0x78: {  	_ =	swait.ge [sflag:s23], $0x2800  }
0x79: {  	[sflag:s23] =	ssyncset.done $0x0  }
0x7a: {  	[sflag:s23] =	ssyncadd.s32 $0xFFFFD800  }
0x7b: {  	[spmem:s1] =	stream.indirect.scatter.add.f32 [tilespmem:s18], [sflag:$0x1], $0x80, s3, s24, $0xb8;
	[tilespmem:$0x1E200] =	vst v63  }
0x7c: {  	_ = 	snop  }
0x7d: {  	[spmem:s1] =	stream.indirect.scatter.add.f32 [tilespmem:s19], [sflag:$0x1], $0x80, s15, s24, $0xb8;
	[tilespmem:$0x1E200] =	vst v63  }
0x7e: {  	_ = 	snop  }
0x7f: {  	[spmem:s1] =	stream.indirect.scatter.add.f32 [tilespmem:s20], [sflag:$0x1], $0x80, s16, s24, $0xb8;
	[tilespmem:$0x1E200] =	vst v63  }
0x80: {  	_ = 	snop  }
0x81: {  	[spmem:s1] =	stream.indirect.scatter.add.f32 [tilespmem:s21], [sflag:$0x1], $0x80, s17, s24, $0xb8;
	[tilespmem:$0x1E200] =	vst v63  }
0x82: {  	_ =	swait.ge [sflag:s23], $0x2800  }
0x83: {  	[sflag:s23] =	ssyncset.done $0x0  }
0x84: {  	[sflag:s23] =	ssyncadd.s32 $0xFFFFD800  }
0x85: {  	_ =	swait.ge [sflag:s23], $0x2800  }
0x86: {  	[sflag:s23] =	ssyncset.done $0x0  }
0x87: {  	[sflag:s23] =	ssyncadd.s32 $0xFFFFD800  }
.Ltmp0:
0x88: {  	_ =	swait.ge [sflag:s23], $0x2800;
	(pc) =	sbr.rel @p0 .LBB2_2-.Ltmp0, $4  }
0x89: {  	[sflag:s23] =	ssyncset.done $0x0  }
0x8a: {  	[sflag:s23] =	ssyncadd.s32 $0xFFFFD800  }
0x8b: {  	_ =	swait.ge [sflag:s23], $0x2800  }
0x8c: {  	s29 =	sadd.s32 $0x28, s29;
	s28 =	sadd.s32 $0x28, s28;
	[sflag:s23] =	ssyncset.done $0x0  }
0x8d: {  	s25 =	sadd.s32 $0x1, s25  }
0x8e: {  	[sflag:s23] =	ssyncadd.s32 $0xFFFFD800;
	p0 =	sne.s32 s25, s7  }
.Ltmp1:
0x8f: {  	[bflag:$0x0] =	sbarrier.arrive $0xFFFF;
	(pc) =	sbr.rel @p0 .LBB2_1-.Ltmp1, $4  }
0x90: {  	[hbm:s6], [sflag:s5] =	dma.local [spmem:s13], $0x2800  }
0x91: {  	_ =	swait.ge [sflag:s14], $0x2800  }
0x92: {  	[sflag:s14] =	ssyncset.done $0x0  }
0x93: {  	[sflag:s14] =	ssyncadd.s32 $0xFFFFD800  }
0x94: {  	_ =	sfence.sel $0x180000  }
0x95: {  	[bflag:$0x0] =	sbarrier.arrive $0xFFFF  }
0x96: {  	_ =	strace $0x9000004A  }
0x97: {  	s0 =	stileid.u32;
	[bflag:$0x2] =	sbarrier.arrive $0xFFFF  }
0x98: {  	p0 =	sne.s32 s0, $0x0;
	s0 =	rddreg [dreg:$0x2]  }
0x99: {  	s0 =	sadd.s32 @!p0 $0x100000, s0  }
0x9a: {  	[sflag:s0] =	ssyncadd.tile.s32 @!p0 $0x1;
	_ =	shalt  }
.Lfunc_end2:
_tile_overlayer_lowered:
.L_overlay_start_2:
0x9b: {  	(tag) =	ssettag $0x2  }
0x9c: {  	s0 =	rddreg [dreg:$0x0];
	s2 =	stileid.u32  }
0x9d: {  	s1 =	rddreg [dreg:$0x1];
	p0 =	sne.s32 s2, $0x0  }
0x9e: {  	s3 =	rddreg [dreg:$0x2];
	[bflag:$0x3] =	sbarrier.arrive $0xFFFF;
	s2 =	simm.s32 @!p0 $0x1C03  }
0x9f: {  	[timem:s3], [sflag:s2] =	dma.local @!p0 [hbm:s0], s1  }
0xa0: {  	s0 =	simm.s32 @!p0 $0x3  }
0xa1: {  	_ =	swait.ge @!p0 [sflag:s0], s1  }
0xa2: {  	s1 =	ssub.s32 @!p0 $0x0, s1;
	[sflag:s0] =	ssyncset.done @!p0 $0x0  }
0xa3: {  	[sflag:s0] =	ssyncadd.s32 @!p0 s1  }
0xa4: {  	[bflag:$0x3] =	sbarrier.arrive $0xFFFF  }
0xa5: {  	_ =	shalt  }

// kernel: kernel.19.cloned.1.call-start
scs
__scs_entry_jumppad:
0x0: {  	(pc) =	sbr.rel $0x88, $3  }
0x1: {  	(tag) =	ssettag $0x0;
	lr =	simm.s32 $0x1  }
0x2: {  	[smem:$0x3F97] =	sst lr;
	_ =	strace $0xD0000000  }
0x3: {  	_ = 	snop  }
0x4: {  	_ = 	snop  }
0x5: {  	_ = 	snop  }
0x6: {  	_ = 	snop  }
0x7: {  	_ = 	snop  }
__scs_overlays_trampoline_lowered:
0x8: {  	[smem:$0x3FA6] =	sst s0  }
0x9: {  	[smem:$0x3FA7] =	sst s1  }
0xa: {  	[smem:$0x3FA8] =	sst s2  }
0xb: {  	[smem:$0x3FA9] =	sst s3  }
0xc: {  	[smem:$0x3FAA] =	sst s4  }
0xd: {  	[smem:$0x3FAB] =	sst s5  }
0xe: {  	[smem:$0x3FAC] =	sst s6  }
0xf: {  	[smem:$0x3FAD] =	sst s7  }
0x10: {  	[smem:$0x3FAE] =	sst s8  }
0x11: {  	[smem:$0x3FAF] =	sst s9;
	s0 =	simm.s32 @!p0 $0x0  }
0x12: {  	s1 =	sld [smem:$0x3F95];
	s0 =	simm.s32 @p0 $0x1  }
0x13: {  	[smem:$0x3FB0] =	sst s0;
	s0 =	simm.s32 @!p1 $0x0  }
0x14: {  	s2 =	sld [smem:$0x3F94];
	s0 =	simm.s32 @p1 $0x1  }
0x15: {  	[smem:$0x3FB1] =	sst s0;
	s0 =	simm.s32 @!p2 $0x0  }
0x16: {  	s3 =	sld [smem:$0x3FDB];
	s0 =	simm.s32 @p2 $0x1  }
0x17: {  	s4 =	simm.s32 $0x1BF5;
	[smem:$0x3FB3] =	sst s0  }
0x18: {  	s0 =	sld [smem:$0x3F96];
	_ =	swait.ge [sflag:s4], $0x0  }
0x19: {  	s7 =	sld [smem:$0x3F97]  }
0x1a: {  	s8 =	sadd.s32 $0xFFFFE003, lr  }
0x1b: {  	s9 =	sadd.s32 $0xFFFFFEF7, lr;
	s5 =	simm.s32 $0xFFFFFFFF;
	p2 =	slt.u32 s8, $0xFFFFF086  }
0x1c: {  	p1 =	slt.u32 s9, $0xF7A;
	s5 =	simm.s32 @!p2 $0x0  }
0x1d: {  	s5 =	simm.s32 @p1 $0x1;
	p0 =	seq.s32 s7, s2  }
0x1e: {  	s7 =	smul.u32 @!p0 $0xF7A, s2;
	p2 =	seq.s32 @!p0 s5, $0x0  }
0x1f: {  	s9 =	smul.u32 $0xF7A, s1;
	s8 =	simm.s32 @!p0 $0x1BF5;
	p2 =	por !p2, p0  }
0x20: {  	[sflag:s8] =	ssyncset.s32 @!p0 $0xFFFFF086;
	s6 =	sadd.s32 @!p0 s3, s7;
	s7 =	simm.s32 @!p0 $0x108  }
0x21: {  	s3 =	sadd.s32 s3, s9;
	s6 =	sadd.s32 @!p0 $0x88, s6;
	s7 =	simm.s32 @p2 $0x1082  }
0x22: {  	[simem:s7], [sflag:s8] =	dma.local @!p0 [hbm:s6], $0xF7A  }
0x23: {  	s9 =	sor.u32 $0xD0000000, s2;
	s6 =	simm.s32 $0x108;
	_ =	swait.ge @!p0 [sflag:s8], $0x0  }
0x24: {  	s3 =	sadd.s32 $0x88, s3;
	s6 =	simm.s32 @!p1 $0x1082;
	[sflag:s4] =	ssyncset.s32 $0xFFFFF086  }
0x25: {  	[simem:s6], [sflag:s4] =	dma.local [hbm:s3], $0xF7A  }
0x26: {  	[smem:$0x3F97] =	sst s1;
	(tag) =	ssettag s2;
	_ =	strace s9  }
0x27: {  	s1 =	sld [smem:$0x3FA7]  }
0x28: {  	s2 =	sld [smem:$0x3FA8]  }
0x29: {  	s4 =	sld [smem:$0x3FAA]  }
0x2a: {  	p0 =	seq.s32 s5, $0x0;
	s5 =	sld [smem:$0x3FAB]  }
0x2b: {  	s6 =	sld [smem:$0x3FAC]  }
0x2c: {  	s7 =	sld [smem:$0x3FAD]  }
0x2d: {  	s3 =	simm.s32 $0x108;
	s8 =	sld [smem:$0x3FAE]  }
0x2e: {  	s3 =	simm.s32 @!p0 $0x1082;
	s9 =	sld [smem:$0x3FAF]  }
0x2f: {  	lr =	sadd.s32 s0, s3;
	s0 =	sld [smem:$0x3FA6]  }
0x30: {  	s3 =	sld [smem:$0x3FA9]  }
0x31: {  	[smem:$0x3FB2] =	sst s10  }
0x32: {  	s10 =	sld [smem:$0x3FB0];
	_ =	sdelay $0x3  }
0x33: {  	p0 =	seq.s32 s10, $0x1;
	s10 =	sld [smem:$0x3FB2];
	_ =	sdelay $0x3  }
0x34: {  	[smem:$0x3FB2] =	sst s10  }
0x35: {  	s10 =	sld [smem:$0x3FB1];
	_ =	sdelay $0x3  }
0x36: {  	p1 =	seq.s32 s10, $0x1;
	s10 =	sld [smem:$0x3FB2];
	_ =	sdelay $0x3  }
0x37: {  	[smem:$0x3FB2] =	sst s10  }
0x38: {  	s10 =	sld [smem:$0x3FB3]  }
0x39: {  	_ = 	snop;
	(pc) =	sbr.ind lr, $3  }
0x3a: {  	_ = 	snop  }
0x3b: {  	_ = 	snop  }
0x3c: {  	p2 =	seq.s32 s10, $0x1;
	s10 =	sld [smem:$0x3FB2]  }
0x3d: {  	_ =	shalt  }
0x3e: {  	_ =	shalt  }
0x3f: {  	_ =	shalt  }
0x40: {  	_ =	shalt  }
0x41: {  	_ =	shalt  }
0x42: {  	_ =	shalt  }
0x43: {  	_ =	shalt  }
0x44: {  	_ =	shalt  }
0x45: {  	_ =	shalt  }
0x46: {  	_ =	shalt  }
0x47: {  	_ =	shalt  }
0x48: {  	_ =	shalt  }
0x49: {  	_ =	shalt  }
0x4a: {  	_ =	shalt  }
0x4b: {  	_ =	shalt  }
0x4c: {  	_ =	shalt  }
0x4d: {  	_ =	shalt  }
0x4e: {  	_ =	shalt  }
0x4f: {  	_ =	shalt  }
0x50: {  	_ =	shalt  }
0x51: {  	_ =	shalt  }
0x52: {  	_ =	shalt  }
0x53: {  	_ =	shalt  }
0x54: {  	_ =	shalt  }
0x55: {  	_ =	shalt  }
0x56: {  	_ =	shalt  }
0x57: {  	_ =	shalt  }
0x58: {  	_ =	shalt  }
0x59: {  	_ =	shalt  }
0x5a: {  	_ =	shalt  }
0x5b: {  	_ =	shalt  }
0x5c: {  	_ =	shalt  }
0x5d: {  	_ =	shalt  }
0x5e: {  	_ =	shalt  }
0x5f: {  	_ =	shalt  }
0x60: {  	_ =	shalt  }
0x61: {  	_ =	shalt  }
0x62: {  	_ =	shalt  }
0x63: {  	_ =	shalt  }
0x64: {  	_ =	shalt  }
0x65: {  	_ =	shalt  }
0x66: {  	_ =	shalt  }
0x67: {  	_ =	shalt  }
0x68: {  	_ =	shalt  }
0x69: {  	_ =	shalt  }
0x6a: {  	_ =	shalt  }
0x6b: {  	_ =	shalt  }
0x6c: {  	_ =	shalt  }
0x6d: {  	_ =	shalt  }
0x6e: {  	_ =	shalt  }
0x6f: {  	_ =	shalt  }
0x70: {  	_ =	shalt  }
0x71: {  	_ =	shalt  }
0x72: {  	_ =	shalt  }
0x73: {  	_ =	shalt  }
0x74: {  	_ =	shalt  }
0x75: {  	_ =	shalt  }
0x76: {  	_ =	shalt  }
0x77: {  	_ =	shalt  }
0x78: {  	_ =	shalt  }
0x79: {  	_ =	shalt  }
0x7a: {  	_ =	shalt  }
0x7b: {  	_ =	shalt  }
0x7c: {  	_ =	shalt  }
0x7d: {  	_ =	shalt  }
0x7e: {  	_ =	shalt  }
0x7f: {  	_ =	shalt  }
0x80: {  	_ =	shalt  }
0x81: {  	_ =	shalt  }
0x82: {  	_ =	shalt  }
0x83: {  	_ =	shalt  }
0x84: {  	_ =	shalt  }
0x85: {  	_ =	shalt  }
0x86: {  	_ =	shalt  }
0x87: {  	_ =	shalt  }
.Lfunc_end0:
.L_simem_size_0:
called_computation.2_lowered:
.L_overlay_start_0:
0x88: {  	s2 =	sld [smem:$0x3FD9]  }
0x89: {  	s3 =	sld [smem:$0x3FFE];
	_ =	sdelay $0x1  }
0x8a: {  	s1 =	srdreg.scid  }
0x8b: {  	s0 =	sand.u32 $0x1, s1  }
0x8c: {  	s17 =	sshll.u32 s0, $0xA;
	s2 =	sadd.s32 s3, s2  }
0x8d: {  	s2 =	sadd.s32 s2, s17  }
0x8e: {  	[smem:$0x3FBE] =	sst s2  }
0x8f: {  	_ = 	snop  }
0x90: {  	s2 =	sld [smem:$0x3FD0];
	(tm) =	ssettm $0x1  }
0x91: {  	s18 =	sld [smem:$0x3FFB];
	_ =	sdelay $0x3  }
0x92: {  	_ =	strace s18  }
0x93: {  	s3 =	sld [smem:$0x3FFC];
	_ =	sdelay $0x3  }
0x94: {  	_ =	strace s3  }
0x95: {  	s3 =	sld [smem:$0x3FFD];
	_ =	sdelay $0x3  }
0x96: {  	_ =	strace s3  }
0x97: {  	_ =	strace $0x8FFFFFFF  }
0x98: {  	s19 =	sld [smem:$0x3FDB];
	_ =	sdelay $0x1  }
0x99: {  	s4 =	simm.s32 $_scs_section_size  }
0x9a: {  	s5 =	simm.s32 $_size__tile_overlayer_lowered;
	s6 =	simm.s32 $_tile_overlayer_lowered  }
0x9b: {  	s22 =	simm.s32 $0x1BFF;
	s21 =	sshll.u32 s6, $0x1;
	s3 =	sadd.s32 s4, s19  }
0x9c: {  	s7 =	simm.s32 $0x0;
	s20 =	sshll.u32 s5, $0x1;
	s5 =	sadd.s32 s21, s3  }
0x9d: {  	[timem:s7], [sflag:s22] =	dma.local [hbm:s5], s20  }
0x9e: {  	_ =	swait.ge [sflag:s22], s20  }
0x9f: {  	s4 =	ssub.s32 $0x0, s20;
	[sflag:s22] =	ssyncset.done $0x0  }
0xa0: {  	[sflag:s22] =	ssyncadd.s32 s4;
	_ =	sdelay $0x1  }
0xa1: {  	s23 =	simm.s32 $0x1B8B  }
0xa2: {  	_ =	swait.ge [sflag:s23], $0x1  }
0xa3: {  	[sflag:s23] =	ssyncset.done $0x0  }
0xa4: {  	s25 =	simm.s32 $0x1B8E;
	s24 =	sld [smem:$0x3FFE];
	[sflag:s23] =	ssyncadd.s32 $0xFFFFFFFF  }
0xa5: {  	s26 =	simm.s32 $execute0_lowered;
	[smem:$0x3FD2] =	sst s25  }
0xa6: {  	s5 =	sshll.u32 s26, $0x1;
	_ =	strace $0x8000004C;
	[dreg:$0x1] =	wrdreg $0xFFFFFFFF  }
0xa7: {  	s28 =	simm.s32 $_size_execute0_lowered;
	s3 =	sadd.s32 s3, s5;
	[dreg:$0x0] =	wrdreg $0x0  }
0xa8: {  	s5 =	sshll.u32 s28, $0x1;
	[dreg:$0x2] =	wrdreg s3  }
0xa9: {  	[dreg:$0x3] =	wrdreg s5  }
0xaa: {  	[dreg:$0x4] =	wrdreg $0xC0  }
0xab: {  	_ =	task [dreg:s7], $0x5FFFF  }
0xac: {  	[dreg:$0x1] =	wrdreg $0xFFFFFFFF  }
0xad: {  	[dreg:$0x0] =	wrdreg $0x60  }
0xae: {  	[dreg:$0x2] =	wrdreg s24  }
0xaf: {  	[dreg:$0x3] =	wrdreg s2  }
0xb0: {  	[dreg:$0x4] =	wrdreg $0x9  }
0xb1: {  	_ =	task.clear_ibuf [dreg:s7], $0x5FFFF;
	_ =	strace $0x9000004C  }
0xb2: {  	s29 =	simm.s32 $0x9;
	_ =	strace $0x8000004E  }
0xb3: {  	_ =	swait.ge [sflag:s29], $0x1  }
0xb4: {  	[sflag:s29] =	ssyncadd.s32 $0xFFFFFFFF  }
0xb5: {  	_ =	strace $0x9000004E  }
0xb6: {  	_ =	sfence  }
0xb7: {  	s30 =	sld [smem:$0x0];
	_ =	sdelay $0x2  }
0xb8: {  	s31 =	sshll.u32 s1, $0xD;
	s1 =	sshrl.u32 s1, $0x2  }
0xb9: {  	s3 =	sand.u32 $0x4000, s31;
	s1 =	sadd.s32 s1, s30  }
0xba: {  	s0 =	sor.u32 s3, s0;
	s1 =	sshll.u32 s1, $0x11  }
0xbb: {  	s0 =	sor.u32 s1, s0  }
0xbc: {  	s0 =	sadd.s32 $0x8F2B, s0  }
0xbd: {  	[sflag:s0] =	ssyncadd.remote.s32 $0x1  }
0xbe: {  	_ =	sfence.sel $0xFFFF  }
0xbf: {  	[dreg:$0x0] =	wrdreg $0xFFFFFFFF;
	(pc) =	sbr.abs _section_cstart, $3  }
0xc0: {  	[dreg:$0x1] =	wrdreg $0xFFFFFFFF  }
0xc1: {  	_ =	task.clear_ibuf [dreg:s7], $0x2FFFF;
	_ =	strace $0x9FFFFFFF  }
0xc2: {  	(tm) =	ssettm $0x7FFFFFFF  }
0xc3: {  	_ =	shalt  }
tec
execute0_lowered:
.L_overlay_start_1:
0x0: {  	(tag) =	ssettag $0x1  }
0x1: {  	s5 =	rddreg [dreg:$0x0]  }
0x2: {  	s7 =	rddreg [dreg:$0x1]  }
0x3: {  	s0 =	rddreg [dreg:$0x2]  }
0x4: {  	s2 =	simm.s32 $0x0;
	s3 =	srdreg.scid;
	s1 =	stileid.u32  }
0x5: {  	s15 =	simm.s32 $0xF800;
	s16 =	simm.s32 $0x12000;
	s17 =	simm.s32 $0x14800  }
0x6: {  	s18 =	simm.s32 $0x17000;
	s19 =	simm.s32 $0x19800;
	s20 =	simm.s32 $0x1  }
0x7: {  	[smem:$0x7FF] =	sst s2;
	s6 =	sand.u32 $0x1, s3;
	s8 =	smul.u32 $0x280000, s1  }
0x8: {  	s4 =	sshll.u32 s1, $0xC;
	s3 =	sadd.s32 $0x534C00, s5;
	s29 =	smul.u32 $0x50000, s1  }
0x9: {  	s9 =	sshll.u32 s6, $0xB;
	s10 =	smul.u32 $0x140000, s6;
	_ =	strace $0x8000004D  }
0xa: {  	s21 =	ssub.s32 $0x2, s6;
	s30 =	smul.u32 $0x28000, s6;
	s9 =	sor.u32 s9, s4  }
0xb: {  	s4 =	sadd.s32 $0xA14400, s5;
	s13 =	sshrl.u32 s21, $0x1;
	s11 =	sadd.s32 s9, s5  }
0xc: {  	s8 =	sadd.s32 s10, s8;
	s5 =	sadd.s32 $0x31C00, s5;
	s10 =	ssub.s32 s21, s13  }
0xd: {  	s7 =	sadd.s32 s7, s9;
	s31 =	sadd.s32 s30, s29;
	s9 =	simm.s32 $0x2  }
0xe: {  	s13 =	simm.s32 $0xA800;
	s21 =	simm.s32 $0x0;
	s12 =	sor.u32 $0x11800, s8  }
0xf: {  	s14 =	sor.u32 $0xF000, s8;
	s23 =	sor.u32 $0xC800, s8;
	s25 =	sor.u32 $0xA000, s8  }
0x10: {  	s28 =	sor.u32 $0x7800, s8;
	[dreg:$0x9] =	wrdreg s31;
	s12 =	sshrl.u32 s12, $0x3  }
0x11: {  	s8 =	sor.u32 $0x5000, s8;
	s22 =	sshrl.u32 s14, $0x3;
	[dreg:$0x3] =	wrdreg s12  }
0x12: {  	s6 =	sadd.s32 $0x21C00, s11;
	s24 =	sshrl.u32 s23, $0x3;
	[dreg:$0x4] =	wrdreg s22  }
0x13: {  	s11 =	simm.s32 $0x50;
	s26 =	sshrl.u32 s25, $0x3;
	[dreg:$0x5] =	wrdreg s24  }
0x14: {  	s8 =	sshrl.u32 s8, $0x3;
	s14 =	simm.s32 $0xD000;
	[dreg:$0x6] =	wrdreg s26  }
0x15: {  	s12 =	sshrl.u32 s28, $0x3;
	[dreg:$0x8] =	wrdreg s8;
	s8 =	smax.u32 s10, $0x1  }
0x16: {  	s10 =	simm.s32 $0x4000;
	[dreg:$0x7] =	wrdreg s12;
	s12 =	simm.s32 $0x8000  }
.LBB2_1:
0x17: {  	[tilespmem:s2], [sflag:$0x2] =	stream.linear.gather [hbm4b:s6+s2], $0x4000, $0x38;
	[tilespmem:$0x1C000] =	vst v63  }
0x18: {  	_ =	swait.ge [sflag:s9], $0x4000  }
0x19: {  	[sflag:s9] =	ssyncset.done $0x0  }
0x1a: {  	[sflag:s9] =	ssyncadd.s32 $0xFFFFC000  }
0x1b: {  	[tilespmem:s10], [sflag:$0x2] =	stream.linear.gather [hbm4b:s7+s2], $0x4000, $0x38;
	[tilespmem:$0x1C000] =	vst v63  }
0x1c: {  	_ =	swait.ge [sflag:s9], $0x4000  }
0x1d: {  	[sflag:s9] =	ssyncset.done $0x0  }
0x1e: {  	s22 =	simm.s32 $0x0;
	[sflag:s9] =	ssyncadd.s32 $0xFFFFC000  }
0x1f: {  	[tilespmem:s12], [sflag:$0x1] =	stream.indirect.gather [hbm4b:s3+s11], $0x80, s22, s11, $0xb8;
	[tilespmem:$0x1C000] =	vst v63  }
0x20: {  	s28 =	simm.s32 $0x80  }
0x21: {  	[tilespmem:s13], [sflag:$0x1] =	stream.indirect.gather [hbm4b:s3+s11], $0x80, s28, s11, $0xb8;
	[tilespmem:$0x1C000] =	vst v63  }
0x22: {  	s29 =	simm.s32 $0x100  }
0x23: {  	[tilespmem:s14], [sflag:$0x1] =	stream.indirect.gather [hbm4b:s3+s11], $0x80, s29, s11, $0xb8;
	[tilespmem:$0x1C000] =	vst v63  }
0x24: {  	s30 =	simm.s32 $0x180  }
0x25: {  	[tilespmem:s15], [sflag:$0x1] =	stream.indirect.gather [hbm4b:s3+s11], $0x80, s30, s11, $0xb8;
	[tilespmem:$0x1C000] =	vst v63  }
0x26: {  	s31 =	simm.s32 $0x200  }
0x27: {  	[tilespmem:s16], [sflag:$0x1] =	stream.indirect.gather [hbm4b:s3+s11], $0x80, s31, s11, $0xb8;
	[tilespmem:$0x1C000] =	vst v63  }
0x28: {  	s23 =	simm.s32 $0x280  }
0x29: {  	[tilespmem:s17], [sflag:$0x1] =	stream.indirect.gather [hbm4b:s3+s11], $0x80, s23, s11, $0xb8;
	[tilespmem:$0x1C000] =	vst v63  }
0x2a: {  	s24 =	simm.s32 $0x300  }
0x2b: {  	[tilespmem:s18], [sflag:$0x1] =	stream.indirect.gather [hbm4b:s3+s11], $0x80, s24, s11, $0xb8;
	[tilespmem:$0x1C000] =	vst v63  }
0x2c: {  	s25 =	simm.s32 $0x380  }
0x2d: {  	[tilespmem:s19], [sflag:$0x1] =	stream.indirect.gather [hbm4b:s3+s11], $0x80, s25, s11, $0xb8;
	[tilespmem:$0x1C000] =	vst v63  }
0x2e: {  	_ =	swait.ge [sflag:s20], $0x2800  }
0x2f: {  	[sflag:s20] =	ssyncset.done $0x0  }
0x30: {  	[sflag:s20] =	ssyncadd.s32 $0xFFFFD800  }
0x31: {  	_ =	swait.ge [sflag:s20], $0x2800  }
0x32: {  	[sflag:s20] =	ssyncset.done $0x0  }
0x33: {  	[sflag:s20] =	ssyncadd.s32 $0xFFFFD800  }
0x34: {  	_ =	swait.ge [sflag:s20], $0x2800  }
0x35: {  	[sflag:s20] =	ssyncset.done $0x0  }
0x36: {  	[sflag:s20] =	ssyncadd.s32 $0xFFFFD800  }
0x37: {  	_ =	swait.ge [sflag:s20], $0x2800  }
0x38: {  	[sflag:s20] =	ssyncset.done $0x0  }
0x39: {  	[sflag:s20] =	ssyncadd.s32 $0xFFFFD800  }
0x3a: {  	_ =	swait.ge [sflag:s20], $0x2800  }
0x3b: {  	[sflag:s20] =	ssyncset.done $0x0  }
0x3c: {  	[sflag:s20] =	ssyncadd.s32 $0xFFFFD800  }
0x3d: {  	_ =	swait.ge [sflag:s20], $0x2800  }
0x3e: {  	[sflag:s20] =	ssyncset.done $0x0  }
0x3f: {  	[sflag:s20] =	ssyncadd.s32 $0xFFFFD800  }
0x40: {  	_ =	swait.ge [sflag:s20], $0x2800  }
0x41: {  	[sflag:s20] =	ssyncset.done $0x0  }
0x42: {  	[sflag:s20] =	ssyncadd.s32 $0xFFFFD800  }
0x43: {  	_ =	swait.ge [sflag:s20], $0x2800  }
0x44: {  	[sflag:s20] =	ssyncset.done $0x0  }
0x45: {  	s26 =	simm.s32 $0x4000;
	[sflag:s20] =	ssyncadd.s32 $0xFFFFD800  }
0x46: {  	[tilespmem:s12], [sflag:$0x1] =	stream.indirect.gather.add.f32 [hbm:s4], $0x80, s26, s11, $0xb8;
	[tilespmem:$0x1C000] =	vst v63  }
0x47: {  	s28 =	simm.s32 $0x4080  }
0x48: {  	[tilespmem:s13], [sflag:$0x1] =	stream.indirect.gather.add.f32 [hbm:s4], $0x80, s28, s11, $0xb8;
	[tilespmem:$0x1C000] =	vst v63  }
0x49: {  	s29 =	simm.s32 $0x4100  }
0x4a: {  	[tilespmem:s14], [sflag:$0x1] =	stream.indirect.gather.add.f32 [hbm:s4], $0x80, s29, s11, $0xb8;
	[tilespmem:$0x1C000] =	vst v63  }
0x4b: {  	s30 =	simm.s32 $0x4180  }
0x4c: {  	[tilespmem:s15], [sflag:$0x1] =	stream.indirect.gather.add.f32 [hbm:s4], $0x80, s30, s11, $0xb8;
	[tilespmem:$0x1C000] =	vst v63  }
0x4d: {  	s31 =	simm.s32 $0x4200  }
0x4e: {  	[tilespmem:s16], [sflag:$0x1] =	stream.indirect.gather.add.f32 [hbm:s4], $0x80, s31, s11, $0xb8;
	[tilespmem:$0x1C000] =	vst v63  }
0x4f: {  	s23 =	simm.s32 $0x4280  }
0x50: {  	[tilespmem:s17], [sflag:$0x1] =	stream.indirect.gather.add.f32 [hbm:s4], $0x80, s23, s11, $0xb8;
	[tilespmem:$0x1C000] =	vst v63  }
0x51: {  	s24 =	simm.s32 $0x4300  }
0x52: {  	[tilespmem:s18], [sflag:$0x1] =	stream.indirect.gather.add.f32 [hbm:s4], $0x80, s24, s11, $0xb8;
	[tilespmem:$0x1C000] =	vst v63  }
0x53: {  	s25 =	simm.s32 $0x4380  }
0x54: {  	[tilespmem:s19], [sflag:$0x1] =	stream.indirect.gather.add.f32 [hbm:s4], $0x80, s25, s11, $0xb8;
	[tilespmem:$0x1C000] =	vst v63  }
0x55: {  	_ =	swait.ge [sflag:s20], $0x2800  }
0x56: {  	[sflag:s20] =	ssyncset.done $0x0  }
0x57: {  	[sflag:s20] =	ssyncadd.s32 $0xFFFFD800  }
0x58: {  	_ =	swait.ge [sflag:s20], $0x2800  }
0x59: {  	[sflag:s20] =	ssyncset.done $0x0  }
0x5a: {  	[sflag:s20] =	ssyncadd.s32 $0xFFFFD800  }
0x5b: {  	_ =	swait.ge [sflag:s20], $0x2800  }
0x5c: {  	[sflag:s20] =	ssyncset.done $0x0  }
0x5d: {  	[sflag:s20] =	ssyncadd.s32 $0xFFFFD800  }
0x5e: {  	_ =	swait.ge [sflag:s20], $0x2800  }
0x5f: {  	[sflag:s20] =	ssyncset.done $0x0  }
0x60: {  	[sflag:s20] =	ssyncadd.s32 $0xFFFFD800  }
0x61: {  	_ =	swait.ge [sflag:s20], $0x2800  }
0x62: {  	[sflag:s20] =	ssyncset.done $0x0  }
0x63: {  	[sflag:s20] =	ssyncadd.s32 $0xFFFFD800  }
0x64: {  	_ =	swait.ge [sflag:s20], $0x2800  }
0x65: {  	[sflag:s20] =	ssyncset.done $0x0  }
0x66: {  	[sflag:s20] =	ssyncadd.s32 $0xFFFFD800  }
0x67: {  	_ =	swait.ge [sflag:s20], $0x2800  }
0x68: {  	[sflag:s20] =	ssyncset.done $0x0  }
0x69: {  	[sflag:s20] =	ssyncadd.s32 $0xFFFFD800  }
0x6a: {  	_ =	swait.ge [sflag:s20], $0x2800  }
0x6b: {  	s26 =	rddreg [dreg:$0x9];
	[sflag:s20] =	ssyncset.done $0x0  }
0x6c: {  	[sflag:s20] =	ssyncadd.s32 $0xFFFFD800;
	s22 =	sadd.s32 s5, s26  }
0x6d: {  	[hbm4b:s22+s2] =	stream.linear.scatter [tilespmem:s12], [sflag:$0x1], $0x2800, $0x38;
	[tilespmem:$0x1C000] =	vst v63  }
0x6e: {  	s23 =	rddreg [dreg:$0x8];
	s22 =	sadd.s32 $0x500, s22  }
0x6f: {  	[hbm4b:s22+s2] =	stream.linear.scatter [tilespmem:s13], [sflag:$0x1], $0x2800, $0x38;
	[tilespmem:$0x1C000] =	vst v63  }
0x70: {  	s24 =	rddreg [dreg:$0x7];
	s28 =	sadd.s32 s5, s23  }
0x71: {  	[hbm4b:s28+s2] =	stream.linear.scatter [tilespmem:s14], [sflag:$0x1], $0x2800, $0x38;
	[tilespmem:$0x1C000] =	vst v63  }
0x72: {  	s29 =	rddreg [dreg:$0x6];
	s30 =	sadd.s32 s5, s24  }
0x73: {  	[hbm4b:s30+s2] =	stream.linear.scatter [tilespmem:s15], [sflag:$0x1], $0x2800, $0x38;
	[tilespmem:$0x1C000] =	vst v63  }
0x74: {  	s31 =	rddreg [dreg:$0x5];
	s25 =	sadd.s32 s5, s29  }
0x75: {  	[hbm4b:s25+s2] =	stream.linear.scatter [tilespmem:s16], [sflag:$0x1], $0x2800, $0x38;
	[tilespmem:$0x1C000] =	vst v63  }
0x76: {  	s26 =	rddreg [dreg:$0x4];
	s28 =	sadd.s32 s5, s31  }
0x77: {  	[hbm4b:s28+s2] =	stream.linear.scatter [tilespmem:s17], [sflag:$0x1], $0x2800, $0x38;
	[tilespmem:$0x1C000] =	vst v63  }
0x78: {  	s29 =	rddreg [dreg:$0x3];
	s30 =	sadd.s32 s5, s26  }
0x79: {  	[hbm4b:s30+s2] =	stream.linear.scatter [tilespmem:s18], [sflag:$0x1], $0x2800, $0x38;
	[tilespmem:$0x1C000] =	vst v63  }
0x7a: {  	s31 =	sadd.s32 s5, s29  }
0x7b: {  	[hbm4b:s31+s2] =	stream.linear.scatter [tilespmem:s19], [sflag:$0x1], $0x2800, $0x38;
	[tilespmem:$0x1C000] =	vst v63  }
0x7c: {  	_ =	swait.ge [sflag:s20], $0x2800  }
0x7d: {  	[sflag:s20] =	ssyncset.done $0x0  }
0x7e: {  	[sflag:s20] =	ssyncadd.s32 $0xFFFFD800  }
0x7f: {  	_ =	swait.ge [sflag:s20], $0x2800  }
0x80: {  	[sflag:s20] =	ssyncset.done $0x0  }
0x81: {  	[sflag:s20] =	ssyncadd.s32 $0xFFFFD800  }
0x82: {  	_ =	swait.ge [sflag:s20], $0x2800  }
0x83: {  	[sflag:s20] =	ssyncset.done $0x0  }
0x84: {  	[sflag:s20] =	ssyncadd.s32 $0xFFFFD800  }
0x85: {  	_ =	swait.ge [sflag:s20], $0x2800  }
0x86: {  	[sflag:s20] =	ssyncset.done $0x0  }
0x87: {  	[sflag:s20] =	ssyncadd.s32 $0xFFFFD800  }
0x88: {  	_ =	swait.ge [sflag:s20], $0x2800  }
0x89: {  	[sflag:s20] =	ssyncset.done $0x0  }
0x8a: {  	[sflag:s20] =	ssyncadd.s32 $0xFFFFD800  }
0x8b: {  	_ =	swait.ge [sflag:s20], $0x2800  }
0x8c: {  	[sflag:s20] =	ssyncset.done $0x0  }
0x8d: {  	[sflag:s20] =	ssyncadd.s32 $0xFFFFD800  }
0x8e: {  	_ =	swait.ge [sflag:s20], $0x2800  }
0x8f: {  	[sflag:s20] =	ssyncset.done $0x0  }
0x90: {  	[sflag:s20] =	ssyncadd.s32 $0xFFFFD800  }
0x91: {  	s23 =	simm.s32 $0x1000;
	_ =	swait.ge [sflag:s20], $0x2800  }
0x92: {  	s22 =	sadd.s32 $0x2800, s5;
	s26 =	simm.s32 $0x2000;
	[sflag:s20] =	ssyncset.done $0x0  }
.LBB2_2:
0x93: {  	s25 =	sshra.s32 s23, $0x2;
	[sflag:s20] =	ssyncadd.s32 $0xFFFFD800  }
0x94: {  	[tilespmem:s12], [sflag:$0x1] =	stream.indirect.gather [hbm4b:s3+s11], $0x80, s25, s11, $0xb8;
	[tilespmem:$0x1C000] =	vst v63  }
0x95: {  	s28 =	sadd.s32 $0x80, s25  }
0x96: {  	[tilespmem:s13], [sflag:$0x1] =	stream.indirect.gather [hbm4b:s3+s11], $0x80, s28, s11, $0xb8;
	[tilespmem:$0x1C000] =	vst v63  }
0x97: {  	s29 =	sadd.s32 $0x100, s25  }
0x98: {  	[tilespmem:s14], [sflag:$0x1] =	stream.indirect.gather [hbm4b:s3+s11], $0x80, s29, s11, $0xb8;
	[tilespmem:$0x1C000] =	vst v63  }
0x99: {  	s30 =	sadd.s32 $0x180, s25  }
0x9a: {  	[tilespmem:s15], [sflag:$0x1] =	stream.indirect.gather [hbm4b:s3+s11], $0x80, s30, s11, $0xb8;
	[tilespmem:$0x1C000] =	vst v63  }
0x9b: {  	s31 =	sadd.s32 $0x200, s25  }
0x9c: {  	[tilespmem:s16], [sflag:$0x1] =	stream.indirect.gather [hbm4b:s3+s11], $0x80, s31, s11, $0xb8;
	[tilespmem:$0x1C000] =	vst v63  }
0x9d: {  	s28 =	sadd.s32 $0x280, s25  }
0x9e: {  	[tilespmem:s17], [sflag:$0x1] =	stream.indirect.gather [hbm4b:s3+s11], $0x80, s28, s11, $0xb8;
	[tilespmem:$0x1C000] =	vst v63  }
0x9f: {  	s29 =	sadd.s32 $0x300, s25  }
0xa0: {  	[tilespmem:s18], [sflag:$0x1] =	stream.indirect.gather [hbm4b:s3+s11], $0x80, s29, s11, $0xb8;
	[tilespmem:$0x1C000] =	vst v63  }
0xa1: {  	s30 =	sadd.s32 $0x380, s25  }
0xa2: {  	[tilespmem:s19], [sflag:$0x1] =	stream.indirect.gather [hbm4b:s3+s11], $0x80, s30, s11, $0xb8;
	[tilespmem:$0x1C000] =	vst v63  }
0xa3: {  	_ =	swait.ge [sflag:s20], $0x2800  }
0xa4: {  	[sflag:s20] =	ssyncset.done $0x0  }
0xa5: {  	[sflag:s20] =	ssyncadd.s32 $0xFFFFD800  }
0xa6: {  	_ =	swait.ge [sflag:s20], $0x2800  }
0xa7: {  	[sflag:s20] =	ssyncset.done $0x0  }
0xa8: {  	[sflag:s20] =	ssyncadd.s32 $0xFFFFD800  }
0xa9: {  	_ =	swait.ge [sflag:s20], $0x2800  }
0xaa: {  	[sflag:s20] =	ssyncset.done $0x0  }
0xab: {  	[sflag:s20] =	ssyncadd.s32 $0xFFFFD800  }
0xac: {  	_ =	swait.ge [sflag:s20], $0x2800  }
0xad: {  	[sflag:s20] =	ssyncset.done $0x0  }
0xae: {  	[sflag:s20] =	ssyncadd.s32 $0xFFFFD800  }
0xaf: {  	_ =	swait.ge [sflag:s20], $0x2800  }
0xb0: {  	[sflag:s20] =	ssyncset.done $0x0  }
0xb1: {  	[sflag:s20] =	ssyncadd.s32 $0xFFFFD800  }
0xb2: {  	_ =	swait.ge [sflag:s20], $0x2800  }
0xb3: {  	[sflag:s20] =	ssyncset.done $0x0  }
0xb4: {  	[sflag:s20] =	ssyncadd.s32 $0xFFFFD800  }
0xb5: {  	_ =	swait.ge [sflag:s20], $0x2800  }
0xb6: {  	[sflag:s20] =	ssyncset.done $0x0  }
0xb7: {  	[sflag:s20] =	ssyncadd.s32 $0xFFFFD800  }
0xb8: {  	_ =	swait.ge [sflag:s20], $0x2800  }
0xb9: {  	[sflag:s20] =	ssyncset.done $0x0  }
0xba: {  	s31 =	sadd.s32 $0x4000, s25;
	[sflag:s20] =	ssyncadd.s32 $0xFFFFD800  }
0xbb: {  	[tilespmem:s12], [sflag:$0x1] =	stream.indirect.gather.add.f32 [hbm:s4], $0x80, s31, s11, $0xb8;
	[tilespmem:$0x1C000] =	vst v63  }
0xbc: {  	s28 =	sadd.s32 $0x4080, s25  }
0xbd: {  	[tilespmem:s13], [sflag:$0x1] =	stream.indirect.gather.add.f32 [hbm:s4], $0x80, s28, s11, $0xb8;
	[tilespmem:$0x1C000] =	vst v63  }
0xbe: {  	s29 =	sadd.s32 $0x4100, s25  }
0xbf: {  	[tilespmem:s14], [sflag:$0x1] =	stream.indirect.gather.add.f32 [hbm:s4], $0x80, s29, s11, $0xb8;
	[tilespmem:$0x1C000] =	vst v63  }
0xc0: {  	s30 =	sadd.s32 $0x4180, s25  }
0xc1: {  	[tilespmem:s15], [sflag:$0x1] =	stream.indirect.gather.add.f32 [hbm:s4], $0x80, s30, s11, $0xb8;
	[tilespmem:$0x1C000] =	vst v63  }
0xc2: {  	s31 =	sadd.s32 $0x4200, s25  }
0xc3: {  	[tilespmem:s16], [sflag:$0x1] =	stream.indirect.gather.add.f32 [hbm:s4], $0x80, s31, s11, $0xb8;
	[tilespmem:$0x1C000] =	vst v63  }
0xc4: {  	s28 =	sadd.s32 $0x4280, s25  }
0xc5: {  	[tilespmem:s17], [sflag:$0x1] =	stream.indirect.gather.add.f32 [hbm:s4], $0x80, s28, s11, $0xb8;
	[tilespmem:$0x1C000] =	vst v63  }
0xc6: {  	s29 =	sadd.s32 $0x4300, s25  }
0xc7: {  	[tilespmem:s18], [sflag:$0x1] =	stream.indirect.gather.add.f32 [hbm:s4], $0x80, s29, s11, $0xb8;
	[tilespmem:$0x1C000] =	vst v63  }
0xc8: {  	s25 =	sadd.s32 $0x4380, s25  }
0xc9: {  	[tilespmem:s19], [sflag:$0x1] =	stream.indirect.gather.add.f32 [hbm:s4], $0x80, s25, s11, $0xb8;
	[tilespmem:$0x1C000] =	vst v63  }
0xca: {  	_ =	swait.ge [sflag:s20], $0x2800  }
0xcb: {  	[sflag:s20] =	ssyncset.done $0x0  }
0xcc: {  	[sflag:s20] =	ssyncadd.s32 $0xFFFFD800  }
0xcd: {  	_ =	swait.ge [sflag:s20], $0x2800  }
0xce: {  	[sflag:s20] =	ssyncset.done $0x0  }
0xcf: {  	[sflag:s20] =	ssyncadd.s32 $0xFFFFD800  }
0xd0: {  	_ =	swait.ge [sflag:s20], $0x2800  }
0xd1: {  	[sflag:s20] =	ssyncset.done $0x0  }
0xd2: {  	[sflag:s20] =	ssyncadd.s32 $0xFFFFD800  }
0xd3: {  	_ =	swait.ge [sflag:s20], $0x2800  }
0xd4: {  	[sflag:s20] =	ssyncset.done $0x0  }
0xd5: {  	[sflag:s20] =	ssyncadd.s32 $0xFFFFD800  }
0xd6: {  	_ =	swait.ge [sflag:s20], $0x2800  }
0xd7: {  	[sflag:s20] =	ssyncset.done $0x0  }
0xd8: {  	[sflag:s20] =	ssyncadd.s32 $0xFFFFD800  }
0xd9: {  	_ =	swait.ge [sflag:s20], $0x2800  }
0xda: {  	[sflag:s20] =	ssyncset.done $0x0  }
0xdb: {  	[sflag:s20] =	ssyncadd.s32 $0xFFFFD800  }
0xdc: {  	_ =	swait.ge [sflag:s20], $0x2800  }
0xdd: {  	[sflag:s20] =	ssyncset.done $0x0  }
0xde: {  	[sflag:s20] =	ssyncadd.s32 $0xFFFFD800  }
0xdf: {  	_ =	swait.ge [sflag:s20], $0x2800  }
0xe0: {  	s30 =	rddreg [dreg:$0x9];
	[sflag:s20] =	ssyncset.done $0x0  }
0xe1: {  	s23 =	smov.u32 s26;
	[sflag:s20] =	ssyncadd.s32 $0xFFFFD800;
	s25 =	sadd.s32 s22, s30  }
0xe2: {  	[hbm4b:s25+s2] =	stream.linear.scatter [tilespmem:s12], [sflag:$0x1], $0x2800, $0x38;
	[tilespmem:$0x1C000] =	vst v63  }
0xe3: {  	s24 =	sadd.s32 $0x1000, s26;
	s31 =	rddreg [dreg:$0x8];
	s25 =	sadd.s32 $0x500, s25  }
0xe4: {  	[hbm4b:s25+s2] =	stream.linear.scatter [tilespmem:s13], [sflag:$0x1], $0x2800, $0x38;
	[tilespmem:$0x1C000] =	vst v63  }
0xe5: {  	p0 =	sne.s32 s26, $0xF000;
	s28 =	rddreg [dreg:$0x7];
	s26 =	sadd.s32 s22, s31  }
0xe6: {  	[hbm4b:s26+s2] =	stream.linear.scatter [tilespmem:s14], [sflag:$0x1], $0x2800, $0x38;
	[tilespmem:$0x1C000] =	vst v63  }
0xe7: {  	s29 =	rddreg [dreg:$0x6];
	s30 =	sadd.s32 s22, s28  }
0xe8: {  	[hbm4b:s30+s2] =	stream.linear.scatter [tilespmem:s15], [sflag:$0x1], $0x2800, $0x38;
	[tilespmem:$0x1C000] =	vst v63  }
0xe9: {  	s31 =	rddreg [dreg:$0x5];
	s29 =	sadd.s32 s22, s29  }
0xea: {  	[hbm4b:s29+s2] =	stream.linear.scatter [tilespmem:s16], [sflag:$0x1], $0x2800, $0x38;
	[tilespmem:$0x1C000] =	vst v63  }
0xeb: {  	s31 =	sadd.s32 s22, s31;
	s30 =	rddreg [dreg:$0x4]  }
0xec: {  	[hbm4b:s31+s2] =	stream.linear.scatter [tilespmem:s17], [sflag:$0x1], $0x2800, $0x38;
	[tilespmem:$0x1C000] =	vst v63  }
0xed: {  	s30 =	sadd.s32 s22, s30;
	s29 =	rddreg [dreg:$0x3]  }
0xee: {  	[hbm4b:s30+s2] =	stream.linear.scatter [tilespmem:s18], [sflag:$0x1], $0x2800, $0x38;
	[tilespmem:$0x1C000] =	vst v63  }
0xef: {  	s31 =	sadd.s32 s22, s29  }
0xf0: {  	[hbm4b:s31+s2] =	stream.linear.scatter [tilespmem:s19], [sflag:$0x1], $0x2800, $0x38;
	[tilespmem:$0x1C000] =	vst v63  }
0xf1: {  	_ =	swait.ge [sflag:s20], $0x2800  }
0xf2: {  	[sflag:s20] =	ssyncset.done $0x0  }
0xf3: {  	[sflag:s20] =	ssyncadd.s32 $0xFFFFD800  }
0xf4: {  	_ =	swait.ge [sflag:s20], $0x2800  }
0xf5: {  	[sflag:s20] =	ssyncset.done $0x0  }
0xf6: {  	[sflag:s20] =	ssyncadd.s32 $0xFFFFD800  }
0xf7: {  	_ =	swait.ge [sflag:s20], $0x2800  }
0xf8: {  	[sflag:s20] =	ssyncset.done $0x0  }
0xf9: {  	[sflag:s20] =	ssyncadd.s32 $0xFFFFD800  }
0xfa: {  	_ =	swait.ge [sflag:s20], $0x2800  }
0xfb: {  	[sflag:s20] =	ssyncset.done $0x0  }
0xfc: {  	[sflag:s20] =	ssyncadd.s32 $0xFFFFD800  }
0xfd: {  	_ =	swait.ge [sflag:s20], $0x2800  }
0xfe: {  	[sflag:s20] =	ssyncset.done $0x0  }
0xff: {  	[sflag:s20] =	ssyncadd.s32 $0xFFFFD800  }
0x100: {  	_ =	swait.ge [sflag:s20], $0x2800  }
0x101: {  	[sflag:s20] =	ssyncset.done $0x0  }
0x102: {  	[sflag:s20] =	ssyncadd.s32 $0xFFFFD800  }
.Ltmp0:
0x103: {  	_ =	swait.ge [sflag:s20], $0x2800;
	(pc) =	sbr.rel @p0 .LBB2_2-.Ltmp0, $4  }
0x104: {  	[sflag:s20] =	ssyncset.done $0x0  }
0x105: {  	[sflag:s20] =	ssyncadd.s32 $0xFFFFD800  }
0x106: {  	_ =	swait.ge [sflag:s20], $0x2800  }
0x107: {  	s26 =	smov.u32 s24;
	s22 =	sadd.s32 $0x2800, s22;
	[sflag:s20] =	ssyncset.done $0x0  }
0x108: {  	s23 =	sshra.s32 s23, $0x2;
	[sflag:s20] =	ssyncadd.s32 $0xFFFFD800  }
0x109: {  	[tilespmem:s12], [sflag:$0x1] =	stream.indirect.gather [hbm4b:s3+s11], $0x80, s23, s11, $0xb8;
	[tilespmem:$0x1C000] =	vst v63  }
0x10a: {  	s24 =	sadd.s32 $0x80, s23  }
0x10b: {  	[tilespmem:s13], [sflag:$0x1] =	stream.indirect.gather [hbm4b:s3+s11], $0x80, s24, s11, $0xb8;
	[tilespmem:$0x1C000] =	vst v63  }
0x10c: {  	s31 =	sadd.s32 $0x100, s23  }
0x10d: {  	[tilespmem:s14], [sflag:$0x1] =	stream.indirect.gather [hbm4b:s3+s11], $0x80, s31, s11, $0xb8;
	[tilespmem:$0x1C000] =	vst v63  }
0x10e: {  	s25 =	sadd.s32 $0x180, s23  }
0x10f: {  	[tilespmem:s15], [sflag:$0x1] =	stream.indirect.gather [hbm4b:s3+s11], $0x80, s25, s11, $0xb8;
	[tilespmem:$0x1C000] =	vst v63  }
0x110: {  	s26 =	sadd.s32 $0x200, s23  }
0x111: {  	[tilespmem:s16], [sflag:$0x1] =	stream.indirect.gather [hbm4b:s3+s11], $0x80, s26, s11, $0xb8;
	[tilespmem:$0x1C000] =	vst v63  }
0x112: {  	s28 =	sadd.s32 $0x280, s23  }
0x113: {  	[tilespmem:s17], [sflag:$0x1] =	stream.indirect.gather [hbm4b:s3+s11], $0x80, s28, s11, $0xb8;
	[tilespmem:$0x1C000] =	vst v63  }
0x114: {  	s29 =	sadd.s32 $0x300, s23  }
0x115: {  	[tilespmem:s18], [sflag:$0x1] =	stream.indirect.gather [hbm4b:s3+s11], $0x80, s29, s11, $0xb8;
	[tilespmem:$0x1C000] =	vst v63  }
0x116: {  	s30 =	sadd.s32 $0x380, s23  }
0x117: {  	[tilespmem:s19], [sflag:$0x1] =	stream.indirect.gather [hbm4b:s3+s11], $0x80, s30, s11, $0xb8;
	[tilespmem:$0x1C000] =	vst v63  }
0x118: {  	_ =	swait.ge [sflag:s20], $0x2800  }
0x119: {  	[sflag:s20] =	ssyncset.done $0x0  }
0x11a: {  	[sflag:s20] =	ssyncadd.s32 $0xFFFFD800  }
0x11b: {  	_ =	swait.ge [sflag:s20], $0x2800  }
0x11c: {  	[sflag:s20] =	ssyncset.done $0x0  }
0x11d: {  	[sflag:s20] =	ssyncadd.s32 $0xFFFFD800  }
0x11e: {  	_ =	swait.ge [sflag:s20], $0x2800  }
0x11f: {  	[sflag:s20] =	ssyncset.done $0x0  }
0x120: {  	[sflag:s20] =	ssyncadd.s32 $0xFFFFD800  }
0x121: {  	_ =	swait.ge [sflag:s20], $0x2800  }
0x122: {  	[sflag:s20] =	ssyncset.done $0x0  }
0x123: {  	[sflag:s20] =	ssyncadd.s32 $0xFFFFD800  }
0x124: {  	_ =	swait.ge [sflag:s20], $0x2800  }
0x125: {  	[sflag:s20] =	ssyncset.done $0x0  }
0x126: {  	[sflag:s20] =	ssyncadd.s32 $0xFFFFD800  }
0x127: {  	_ =	swait.ge [sflag:s20], $0x2800  }
0x128: {  	[sflag:s20] =	ssyncset.done $0x0  }
0x129: {  	[sflag:s20] =	ssyncadd.s32 $0xFFFFD800  }
0x12a: {  	_ =	swait.ge [sflag:s20], $0x2800  }
0x12b: {  	[sflag:s20] =	ssyncset.done $0x0  }
0x12c: {  	[sflag:s20] =	ssyncadd.s32 $0xFFFFD800  }
0x12d: {  	_ =	swait.ge [sflag:s20], $0x2800  }
0x12e: {  	[sflag:s20] =	ssyncset.done $0x0  }
0x12f: {  	s31 =	sadd.s32 $0x4000, s23;
	[sflag:s20] =	ssyncadd.s32 $0xFFFFD800  }
0x130: {  	[tilespmem:s12], [sflag:$0x1] =	stream.indirect.gather.add.f32 [hbm:s4], $0x80, s31, s11, $0xb8;
	[tilespmem:$0x1C000] =	vst v63  }
0x131: {  	s25 =	sadd.s32 $0x4080, s23  }
0x132: {  	[tilespmem:s13], [sflag:$0x1] =	stream.indirect.gather.add.f32 [hbm:s4], $0x80, s25, s11, $0xb8;
	[tilespmem:$0x1C000] =	vst v63  }
0x133: {  	s26 =	sadd.s32 $0x4100, s23  }
0x134: {  	[tilespmem:s14], [sflag:$0x1] =	stream.indirect.gather.add.f32 [hbm:s4], $0x80, s26, s11, $0xb8;
	[tilespmem:$0x1C000] =	vst v63  }
0x135: {  	s28 =	sadd.s32 $0x4180, s23  }
0x136: {  	[tilespmem:s15], [sflag:$0x1] =	stream.indirect.gather.add.f32 [hbm:s4], $0x80, s28, s11, $0xb8;
	[tilespmem:$0x1C000] =	vst v63  }
0x137: {  	s29 =	sadd.s32 $0x4200, s23  }
0x138: {  	[tilespmem:s16], [sflag:$0x1] =	stream.indirect.gather.add.f32 [hbm:s4], $0x80, s29, s11, $0xb8;
	[tilespmem:$0x1C000] =	vst v63  }
0x139: {  	s30 =	sadd.s32 $0x4280, s23  }
0x13a: {  	[tilespmem:s17], [sflag:$0x1] =	stream.indirect.gather.add.f32 [hbm:s4], $0x80, s30, s11, $0xb8;
	[tilespmem:$0x1C000] =	vst v63  }
0x13b: {  	s31 =	sadd.s32 $0x4300, s23  }
0x13c: {  	[tilespmem:s18], [sflag:$0x1] =	stream.indirect.gather.add.f32 [hbm:s4], $0x80, s31, s11, $0xb8;
	[tilespmem:$0x1C000] =	vst v63  }
0x13d: {  	s23 =	sadd.s32 $0x4380, s23  }
0x13e: {  	[tilespmem:s19], [sflag:$0x1] =	stream.indirect.gather.add.f32 [hbm:s4], $0x80, s23, s11, $0xb8;
	[tilespmem:$0x1C000] =	vst v63  }
0x13f: {  	_ =	swait.ge [sflag:s20], $0x2800  }
0x140: {  	[sflag:s20] =	ssyncset.done $0x0  }
0x141: {  	[sflag:s20] =	ssyncadd.s32 $0xFFFFD800  }
0x142: {  	_ =	swait.ge [sflag:s20], $0x2800  }
0x143: {  	[sflag:s20] =	ssyncset.done $0x0  }
0x144: {  	[sflag:s20] =	ssyncadd.s32 $0xFFFFD800  }
0x145: {  	_ =	swait.ge [sflag:s20], $0x2800  }
0x146: {  	[sflag:s20] =	ssyncset.done $0x0  }
0x147: {  	[sflag:s20] =	ssyncadd.s32 $0xFFFFD800  }
0x148: {  	_ =	swait.ge [sflag:s20], $0x2800  }
0x149: {  	[sflag:s20] =	ssyncset.done $0x0  }
0x14a: {  	[sflag:s20] =	ssyncadd.s32 $0xFFFFD800  }
0x14b: {  	_ =	swait.ge [sflag:s20], $0x2800  }
0x14c: {  	[sflag:s20] =	ssyncset.done $0x0  }
0x14d: {  	[sflag:s20] =	ssyncadd.s32 $0xFFFFD800  }
0x14e: {  	_ =	swait.ge [sflag:s20], $0x2800  }
0x14f: {  	[sflag:s20] =	ssyncset.done $0x0  }
0x150: {  	[sflag:s20] =	ssyncadd.s32 $0xFFFFD800  }
0x151: {  	_ =	swait.ge [sflag:s20], $0x2800  }
0x152: {  	[sflag:s20] =	ssyncset.done $0x0  }
0x153: {  	[sflag:s20] =	ssyncadd.s32 $0xFFFFD800  }
0x154: {  	_ =	swait.ge [sflag:s20], $0x2800  }
0x155: {  	s25 =	rddreg [dreg:$0x9];
	[sflag:s20] =	ssyncset.done $0x0  }
0x156: {  	[sflag:s20] =	ssyncadd.s32 $0xFFFFD800;
	s23 =	sadd.s32 s22, s25  }
0x157: {  	[hbm4b:s23+s2] =	stream.linear.scatter [tilespmem:s12], [sflag:$0x1], $0x2800, $0x38;
	[tilespmem:$0x1C000] =	vst v63  }
0x158: {  	s26 =	rddreg [dreg:$0x8];
	s23 =	sadd.s32 $0x500, s23  }
0x159: {  	[hbm4b:s23+s2] =	stream.linear.scatter [tilespmem:s13], [sflag:$0x1], $0x2800, $0x38;
	[tilespmem:$0x1C000] =	vst v63  }
0x15a: {  	s25 =	rddreg [dreg:$0x7];
	s28 =	sadd.s32 s22, s26  }
0x15b: {  	[hbm4b:s28+s2] =	stream.linear.scatter [tilespmem:s14], [sflag:$0x1], $0x2800, $0x38;
	[tilespmem:$0x1C000] =	vst v63  }
0x15c: {  	s29 =	rddreg [dreg:$0x6];
	s30 =	sadd.s32 s22, s25  }
0x15d: {  	[hbm4b:s30+s2] =	stream.linear.scatter [tilespmem:s15], [sflag:$0x1], $0x2800, $0x38;
	[tilespmem:$0x1C000] =	vst v63  }
0x15e: {  	s31 =	rddreg [dreg:$0x5];
	s24 =	sadd.s32 s22, s29  }
0x15f: {  	[hbm4b:s24+s2] =	stream.linear.scatter [tilespmem:s16], [sflag:$0x1], $0x2800, $0x38;
	[tilespmem:$0x1C000] =	vst v63  }
0x160: {  	s26 =	rddreg [dreg:$0x4];
	s28 =	sadd.s32 s22, s31  }
0x161: {  	[hbm4b:s28+s2] =	stream.linear.scatter [tilespmem:s17], [sflag:$0x1], $0x2800, $0x38;
	[tilespmem:$0x1C000] =	vst v63  }
0x162: {  	s29 =	rddreg [dreg:$0x3];
	s30 =	sadd.s32 s22, s26  }
0x163: {  	[hbm4b:s30+s2] =	stream.linear.scatter [tilespmem:s18], [sflag:$0x1], $0x2800, $0x38;
	[tilespmem:$0x1C000] =	vst v63  }
0x164: {  	s31 =	sadd.s32 s22, s29  }
0x165: {  	[hbm4b:s31+s2] =	stream.linear.scatter [tilespmem:s19], [sflag:$0x1], $0x2800, $0x38;
	[tilespmem:$0x1C000] =	vst v63  }
0x166: {  	_ =	swait.ge [sflag:s20], $0x2800  }
0x167: {  	[sflag:s20] =	ssyncset.done $0x0  }
0x168: {  	[sflag:s20] =	ssyncadd.s32 $0xFFFFD800  }
0x169: {  	_ =	swait.ge [sflag:s20], $0x2800  }
0x16a: {  	[sflag:s20] =	ssyncset.done $0x0  }
0x16b: {  	[sflag:s20] =	ssyncadd.s32 $0xFFFFD800  }
0x16c: {  	_ =	swait.ge [sflag:s20], $0x2800  }
0x16d: {  	[sflag:s20] =	ssyncset.done $0x0  }
0x16e: {  	[sflag:s20] =	ssyncadd.s32 $0xFFFFD800  }
0x16f: {  	_ =	swait.ge [sflag:s20], $0x2800  }
0x170: {  	[sflag:s20] =	ssyncset.done $0x0  }
0x171: {  	[sflag:s20] =	ssyncadd.s32 $0xFFFFD800  }
0x172: {  	_ =	swait.ge [sflag:s20], $0x2800  }
0x173: {  	[sflag:s20] =	ssyncset.done $0x0  }
0x174: {  	[sflag:s20] =	ssyncadd.s32 $0xFFFFD800  }
0x175: {  	_ =	swait.ge [sflag:s20], $0x2800  }
0x176: {  	[sflag:s20] =	ssyncset.done $0x0  }
0x177: {  	s21 =	sadd.s32 $0x1, s21;
	[sflag:s20] =	ssyncadd.s32 $0xFFFFD800  }
0x178: {  	p0 =	sne.s32 s21, s8;
	_ =	swait.ge [sflag:s20], $0x2800  }
.Ltmp1:
0x179: {  	[sflag:s20] =	ssyncset.done $0x0;
	(pc) =	sbr.rel @p0 .LBB2_1-.Ltmp1, $4  }
0x17a: {  	[sflag:s20] =	ssyncadd.s32 $0xFFFFD800  }
0x17b: {  	_ =	swait.ge [sflag:s20], $0x2800  }
0x17c: {  	[sflag:s20] =	ssyncset.done $0x0  }
0x17d: {  	[sflag:s20] =	ssyncadd.s32 $0xFFFFD800  }
0x17e: {  	_ =	sfence.sel $0x180000  }
0x17f: {  	[bflag:$0x0] =	sbarrier.arrive $0xFFFF  }
0x180: {  	p0 =	sne.s32 s1, $0x0;
	_ =	strace $0x9000004D  }
0x181: {  	s0 =	sadd.s32 @!p0 $0x100000, s0;
	[bflag:$0x2] =	sbarrier.arrive $0xFFFF  }
0x182: {  	[sflag:s0] =	ssyncadd.tile.s32 @!p0 $0x1;
	_ =	shalt  }
.Lfunc_end2:
_tile_overlayer_lowered:
.L_overlay_start_2:
0x183: {  	(tag) =	ssettag $0x2  }
0x184: {  	s0 =	rddreg [dreg:$0x0];
	s2 =	stileid.u32  }
0x185: {  	s1 =	rddreg [dreg:$0x1];
	p0 =	sne.s32 s2, $0x0  }
0x186: {  	s3 =	rddreg [dreg:$0x2];
	[bflag:$0x3] =	sbarrier.arrive $0xFFFF;
	s2 =	simm.s32 @!p0 $0x1C02  }
0x187: {  	[timem:s3], [sflag:s2] =	dma.local @!p0 [hbm:s0], s1  }
0x188: {  	s0 =	simm.s32 @!p0 $0x2  }
0x189: {  	_ =	swait.ge @!p0 [sflag:s0], s1  }
0x18a: {  	s1 =	ssub.s32 @!p0 $0x0, s1;
	[sflag:s0] =	ssyncset.done @!p0 $0x0  }
0x18b: {  	[sflag:s0] =	ssyncadd.s32 @!p0 s1  }
0x18c: {  	[bflag:$0x3] =	sbarrier.arrive $0xFFFF  }
0x18d: {  	_ =	shalt  }

// kernel: kernel.22.cloned.1.call-start
scs
__scs_entry_jumppad:
0x0: {  	(pc) =	sbr.rel $0x88, $3  }
0x1: {  	(tag) =	ssettag $0x0;
	lr =	simm.s32 $0x1  }
0x2: {  	[smem:$0x3F97] =	sst lr;
	_ =	strace $0xD0000000  }
0x3: {  	_ = 	snop  }
0x4: {  	_ = 	snop  }
0x5: {  	_ = 	snop  }
0x6: {  	_ = 	snop  }
0x7: {  	_ = 	snop  }
__scs_overlays_trampoline_lowered:
0x8: {  	[smem:$0x3FA6] =	sst s0  }
0x9: {  	[smem:$0x3FA7] =	sst s1  }
0xa: {  	[smem:$0x3FA8] =	sst s2  }
0xb: {  	[smem:$0x3FA9] =	sst s3  }
0xc: {  	[smem:$0x3FAA] =	sst s4  }
0xd: {  	[smem:$0x3FAB] =	sst s5  }
0xe: {  	[smem:$0x3FAC] =	sst s6  }
0xf: {  	[smem:$0x3FAD] =	sst s7  }
0x10: {  	[smem:$0x3FAE] =	sst s8  }
0x11: {  	[smem:$0x3FAF] =	sst s9;
	s0 =	simm.s32 @!p0 $0x0  }
0x12: {  	s1 =	sld [smem:$0x3F95];
	s0 =	simm.s32 @p0 $0x1  }
0x13: {  	[smem:$0x3FB0] =	sst s0;
	s0 =	simm.s32 @!p1 $0x0  }
0x14: {  	s2 =	sld [smem:$0x3F94];
	s0 =	simm.s32 @p1 $0x1  }
0x15: {  	[smem:$0x3FB1] =	sst s0;
	s0 =	simm.s32 @!p2 $0x0  }
0x16: {  	s3 =	sld [smem:$0x3FDB];
	s0 =	simm.s32 @p2 $0x1  }
0x17: {  	s4 =	simm.s32 $0x1BF5;
	[smem:$0x3FB3] =	sst s0  }
0x18: {  	s0 =	sld [smem:$0x3F96];
	_ =	swait.ge [sflag:s4], $0x0  }
0x19: {  	s7 =	sld [smem:$0x3F97]  }
0x1a: {  	s8 =	sadd.s32 $0xFFFFE003, lr  }
0x1b: {  	s9 =	sadd.s32 $0xFFFFFEF7, lr;
	s5 =	simm.s32 $0xFFFFFFFF;
	p2 =	slt.u32 s8, $0xFFFFF086  }
0x1c: {  	p1 =	slt.u32 s9, $0xF7A;
	s5 =	simm.s32 @!p2 $0x0  }
0x1d: {  	s5 =	simm.s32 @p1 $0x1;
	p0 =	seq.s32 s7, s2  }
0x1e: {  	s7 =	smul.u32 @!p0 $0xF7A, s2;
	p2 =	seq.s32 @!p0 s5, $0x0  }
0x1f: {  	s9 =	smul.u32 $0xF7A, s1;
	s8 =	simm.s32 @!p0 $0x1BF5;
	p2 =	por !p2, p0  }
0x20: {  	[sflag:s8] =	ssyncset.s32 @!p0 $0xFFFFF086;
	s6 =	sadd.s32 @!p0 s3, s7;
	s7 =	simm.s32 @!p0 $0x108  }
0x21: {  	s3 =	sadd.s32 s3, s9;
	s6 =	sadd.s32 @!p0 $0x88, s6;
	s7 =	simm.s32 @p2 $0x1082  }
0x22: {  	[simem:s7], [sflag:s8] =	dma.local @!p0 [hbm:s6], $0xF7A  }
0x23: {  	s9 =	sor.u32 $0xD0000000, s2;
	s6 =	simm.s32 $0x108;
	_ =	swait.ge @!p0 [sflag:s8], $0x0  }
0x24: {  	s3 =	sadd.s32 $0x88, s3;
	s6 =	simm.s32 @!p1 $0x1082;
	[sflag:s4] =	ssyncset.s32 $0xFFFFF086  }
0x25: {  	[simem:s6], [sflag:s4] =	dma.local [hbm:s3], $0xF7A  }
0x26: {  	[smem:$0x3F97] =	sst s1;
	(tag) =	ssettag s2;
	_ =	strace s9  }
0x27: {  	s1 =	sld [smem:$0x3FA7]  }
0x28: {  	s2 =	sld [smem:$0x3FA8]  }
0x29: {  	s4 =	sld [smem:$0x3FAA]  }
0x2a: {  	p0 =	seq.s32 s5, $0x0;
	s5 =	sld [smem:$0x3FAB]  }
0x2b: {  	s6 =	sld [smem:$0x3FAC]  }
0x2c: {  	s7 =	sld [smem:$0x3FAD]  }
0x2d: {  	s3 =	simm.s32 $0x108;
	s8 =	sld [smem:$0x3FAE]  }
0x2e: {  	s3 =	simm.s32 @!p0 $0x1082;
	s9 =	sld [smem:$0x3FAF]  }
0x2f: {  	lr =	sadd.s32 s0, s3;
	s0 =	sld [smem:$0x3FA6]  }
0x30: {  	s3 =	sld [smem:$0x3FA9]  }
0x31: {  	[smem:$0x3FB2] =	sst s10  }
0x32: {  	s10 =	sld [smem:$0x3FB0];
	_ =	sdelay $0x3  }
0x33: {  	p0 =	seq.s32 s10, $0x1;
	s10 =	sld [smem:$0x3FB2];
	_ =	sdelay $0x3  }
0x34: {  	[smem:$0x3FB2] =	sst s10  }
0x35: {  	s10 =	sld [smem:$0x3FB1];
	_ =	sdelay $0x3  }
0x36: {  	p1 =	seq.s32 s10, $0x1;
	s10 =	sld [smem:$0x3FB2];
	_ =	sdelay $0x3  }
0x37: {  	[smem:$0x3FB2] =	sst s10  }
0x38: {  	s10 =	sld [smem:$0x3FB3]  }
0x39: {  	_ = 	snop;
	(pc) =	sbr.ind lr, $3  }
0x3a: {  	_ = 	snop  }
0x3b: {  	_ = 	snop  }
0x3c: {  	p2 =	seq.s32 s10, $0x1;
	s10 =	sld [smem:$0x3FB2]  }
0x3d: {  	_ =	shalt  }
0x3e: {  	_ =	shalt  }
0x3f: {  	_ =	shalt  }
0x40: {  	_ =	shalt  }
0x41: {  	_ =	shalt  }
0x42: {  	_ =	shalt  }
0x43: {  	_ =	shalt  }
0x44: {  	_ =	shalt  }
0x45: {  	_ =	shalt  }
0x46: {  	_ =	shalt  }
0x47: {  	_ =	shalt  }
0x48: {  	_ =	shalt  }
0x49: {  	_ =	shalt  }
0x4a: {  	_ =	shalt  }
0x4b: {  	_ =	shalt  }
0x4c: {  	_ =	shalt  }
0x4d: {  	_ =	shalt  }
0x4e: {  	_ =	shalt  }
0x4f: {  	_ =	shalt  }
0x50: {  	_ =	shalt  }
0x51: {  	_ =	shalt  }
0x52: {  	_ =	shalt  }
0x53: {  	_ =	shalt  }
0x54: {  	_ =	shalt  }
0x55: {  	_ =	shalt  }
0x56: {  	_ =	shalt  }
0x57: {  	_ =	shalt  }
0x58: {  	_ =	shalt  }
0x59: {  	_ =	shalt  }
0x5a: {  	_ =	shalt  }
0x5b: {  	_ =	shalt  }
0x5c: {  	_ =	shalt  }
0x5d: {  	_ =	shalt  }
0x5e: {  	_ =	shalt  }
0x5f: {  	_ =	shalt  }
0x60: {  	_ =	shalt  }
0x61: {  	_ =	shalt  }
0x62: {  	_ =	shalt  }
0x63: {  	_ =	shalt  }
0x64: {  	_ =	shalt  }
0x65: {  	_ =	shalt  }
0x66: {  	_ =	shalt  }
0x67: {  	_ =	shalt  }
0x68: {  	_ =	shalt  }
0x69: {  	_ =	shalt  }
0x6a: {  	_ =	shalt  }
0x6b: {  	_ =	shalt  }
0x6c: {  	_ =	shalt  }
0x6d: {  	_ =	shalt  }
0x6e: {  	_ =	shalt  }
0x6f: {  	_ =	shalt  }
0x70: {  	_ =	shalt  }
0x71: {  	_ =	shalt  }
0x72: {  	_ =	shalt  }
0x73: {  	_ =	shalt  }
0x74: {  	_ =	shalt  }
0x75: {  	_ =	shalt  }
0x76: {  	_ =	shalt  }
0x77: {  	_ =	shalt  }
0x78: {  	_ =	shalt  }
0x79: {  	_ =	shalt  }
0x7a: {  	_ =	shalt  }
0x7b: {  	_ =	shalt  }
0x7c: {  	_ =	shalt  }
0x7d: {  	_ =	shalt  }
0x7e: {  	_ =	shalt  }
0x7f: {  	_ =	shalt  }
0x80: {  	_ =	shalt  }
0x81: {  	_ =	shalt  }
0x82: {  	_ =	shalt  }
0x83: {  	_ =	shalt  }
0x84: {  	_ =	shalt  }
0x85: {  	_ =	shalt  }
0x86: {  	_ =	shalt  }
0x87: {  	_ =	shalt  }
.Lfunc_end0:
.L_simem_size_0:
called_computation.3_lowered:
.L_overlay_start_0:
0x88: {  	s2 =	sld [smem:$0x3FD9]  }
0x89: {  	s3 =	sld [smem:$0x3FFE];
	_ =	sdelay $0x1  }
0x8a: {  	s1 =	srdreg.scid  }
0x8b: {  	s0 =	sand.u32 $0x1, s1  }
0x8c: {  	s16 =	sshll.u32 s0, $0xA;
	s2 =	sadd.s32 s3, s2  }
0x8d: {  	s2 =	sadd.s32 s2, s16  }
0x8e: {  	[smem:$0x3FBE] =	sst s2  }
0x8f: {  	_ = 	snop  }
0x90: {  	(tm) =	ssettm $0x1  }
0x91: {  	s17 =	sld [smem:$0x3FFB];
	_ =	sdelay $0x3  }
0x92: {  	_ =	strace s17  }
0x93: {  	s2 =	sld [smem:$0x3FFC];
	_ =	sdelay $0x3  }
0x94: {  	_ =	strace s2  }
0x95: {  	s2 =	sld [smem:$0x3FFD];
	_ =	sdelay $0x3  }
0x96: {  	_ =	strace s2  }
0x97: {  	_ =	strace $0x8FFFFFFF  }
0x98: {  	s18 =	sld [smem:$0x3FDB];
	_ =	sdelay $0x1  }
0x99: {  	s19 =	simm.s32 $_scs_section_size  }
0x9a: {  	s4 =	simm.s32 $_size__tile_overlayer_lowered;
	s5 =	simm.s32 $_tile_overlayer_lowered  }
0x9b: {  	s22 =	simm.s32 $0x1BFF;
	s21 =	sshll.u32 s5, $0x1;
	s2 =	sadd.s32 s19, s18  }
0x9c: {  	s6 =	simm.s32 $0x0;
	s20 =	sshll.u32 s4, $0x1;
	s4 =	sadd.s32 s21, s2  }
0x9d: {  	[timem:s6], [sflag:s22] =	dma.local [hbm:s4], s20  }
0x9e: {  	_ =	swait.ge [sflag:s22], s20  }
0x9f: {  	s3 =	ssub.s32 $0x0, s20;
	[sflag:s22] =	ssyncset.done $0x0  }
0xa0: {  	[sflag:s22] =	ssyncadd.s32 s3;
	_ =	sdelay $0x1  }
0xa1: {  	s23 =	simm.s32 $0x1B8B  }
0xa2: {  	_ =	swait.ge [sflag:s23], $0x1  }
0xa3: {  	[sflag:s23] =	ssyncset.done $0x0  }
0xa4: {  	s25 =	simm.s32 $0x1B8E;
	s24 =	sld [smem:$0x3FFE];
	[sflag:s23] =	ssyncadd.s32 $0xFFFFFFFF  }
0xa5: {  	s26 =	simm.s32 $execute0_lowered;
	[smem:$0x3FD2] =	sst s25  }
0xa6: {  	s4 =	sshll.u32 s26, $0x1;
	_ =	strace $0x8000004F;
	[dreg:$0x1] =	wrdreg $0xFFFFFFFF  }
0xa7: {  	s28 =	simm.s32 $_size_execute0_lowered;
	s2 =	sadd.s32 s2, s4;
	[dreg:$0x0] =	wrdreg $0x0  }
0xa8: {  	s4 =	sshll.u32 s28, $0x1;
	[dreg:$0x2] =	wrdreg s2  }
0xa9: {  	[dreg:$0x3] =	wrdreg s4  }
0xaa: {  	[dreg:$0x4] =	wrdreg $0xC0  }
0xab: {  	_ =	task [dreg:s6], $0x5FFFF  }
0xac: {  	[dreg:$0x1] =	wrdreg $0xFFFFFFFF  }
0xad: {  	[dreg:$0x0] =	wrdreg $0x60  }
0xae: {  	[dreg:$0x2] =	wrdreg s24  }
0xaf: {  	[dreg:$0x3] =	wrdreg $0xA2000  }
0xb0: {  	[dreg:$0x4] =	wrdreg $0x9  }
0xb1: {  	_ =	task.clear_ibuf [dreg:s6], $0x5FFFF;
	_ =	strace $0x9000004F  }
0xb2: {  	s29 =	simm.s32 $0x9;
	_ =	strace $0x80000051  }
0xb3: {  	_ =	swait.ge [sflag:s29], $0x1  }
0xb4: {  	[sflag:s29] =	ssyncadd.s32 $0xFFFFFFFF  }
0xb5: {  	_ =	strace $0x90000051  }
0xb6: {  	_ =	sfence  }
0xb7: {  	s30 =	sld [smem:$0x0];
	_ =	sdelay $0x2  }
0xb8: {  	s31 =	sshll.u32 s1, $0xD;
	s1 =	sshrl.u32 s1, $0x2  }
0xb9: {  	s3 =	sand.u32 $0x4000, s31;
	s1 =	sadd.s32 s1, s30  }
0xba: {  	s0 =	sor.u32 s3, s0;
	s1 =	sshll.u32 s1, $0x11  }
0xbb: {  	s0 =	sor.u32 s1, s0  }
0xbc: {  	s0 =	sadd.s32 $0x8F2B, s0  }
0xbd: {  	[sflag:s0] =	ssyncadd.remote.s32 $0x1  }
0xbe: {  	_ =	sfence.sel $0xFFFF  }
0xbf: {  	[dreg:$0x0] =	wrdreg $0xFFFFFFFF;
	(pc) =	sbr.abs _section_cstart, $3  }
0xc0: {  	[dreg:$0x1] =	wrdreg $0xFFFFFFFF  }
0xc1: {  	_ =	task.clear_ibuf [dreg:s6], $0x2FFFF;
	_ =	strace $0x9FFFFFFF  }
0xc2: {  	(tm) =	ssettm $0x7FFFFFFF  }
0xc3: {  	_ =	shalt  }
tec
execute0_lowered:
.L_overlay_start_1:
0x0: {  	(tag) =	ssettag $0x1  }
0x1: {  	s5 =	rddreg [dreg:$0x0]  }
0x2: {  	s0 =	srdreg.scid;
	s20 =	stileid.u32  }
0x3: {  	s1 =	rddreg [dreg:$0x1];
	s3 =	simm.s32 $0x0;
	s8 =	smul.u32 $0x14000, s20  }
0x4: {  	s16 =	simm.s32 $0x100;
	s17 =	simm.s32 $0x180;
	s10 =	smul.u32 $0x50000, s20  }
0x5: {  	s18 =	simm.s32 $0x200;
	s19 =	simm.s32 $0x2A00;
	s24 =	smul.u32 $0x2800, s20  }
0x6: {  	s6 =	sand.u32 $0x1, s0;
	[smem:$0x7FF] =	sst s3;
	s14 =	smul.u32 $0x28000, s20  }
0x7: {  	s12 =	sadd.s32 $0xDC00, s5;
	s25 =	sshll.u32 s20, $0x6;
	s4 =	smul.u32 $0x280000, s6  }
0x8: {  	s20 =	simm.s32 $0x5200;
	s7 =	smul.u32 $0x140000, s6;
	s21 =	ssub.s32 $0x2, s6  }
0x9: {  	_ =	strace $0x80000050;
	s11 =	smul.u32 $0x28000, s6;
	s22 =	sshrl.u32 s21, $0x1  }
0xa: {  	s23 =	sshrl.u32 s10, $0x2;
	s9 =	sadd.s32 s4, s5;
	s4 =	sadd.s32 $0x532400, s5  }
0xb: {  	s7 =	sadd.s32 s8, s7;
	s8 =	ssub.s32 s21, s22;
	s13 =	sadd.s32 s23, s1  }
0xc: {  	s10 =	sadd.s32 s24, s11;
	s21 =	simm.s32 $0x7A00;
	s22 =	simm.s32 $0x2  }
0xd: {  	s23 =	simm.s32 $0x1;
	s24 =	simm.s32 $0x50;
	s7 =	sshrl.u32 s7, $0x3  }
0xe: {  	s26 =	sadd.s32 s14, s9;
	s28 =	sshrl.u32 s10, $0x3;
	s11 =	sor.u32 $0xF0, s10  }
0xf: {  	s29 =	sor.u32 $0xA0, s10;
	s15 =	sor.u32 $0x50, s10;
	s13 =	sshrl.u32 s13, $0x3  }
0x10: {  	s14 =	simm.s32 $0x3;
	s7 =	sadd.s32 s7, s5;
	s5 =	sor.u32 $0x1C03, s25  }
0x11: {  	s9 =	sadd.s32 s28, s12;
	s11 =	sshrl.u32 s11, $0x3;
	s30 =	sshrl.u32 s29, $0x3  }
0x12: {  	s31 =	sshrl.u32 s15, $0x3;
	s15 =	simm.s32 $0x80;
	s25 =	simm.s32 $0x0  }
0x13: {  	s6 =	sadd.s32 $0xA34C00, s7;
	s7 =	smax.u32 s8, $0x1;
	s8 =	sadd.s32 $0x534C00, s26  }
0x14: {  	s10 =	sadd.s32 s11, s12;
	s11 =	sadd.s32 s30, s12;
	s12 =	sadd.s32 s31, s12  }
.LBB2_1:
0x15: {  	[spmem:s13], [sflag:s5] =	dma.local [hbm:s4], $0x2800  }
0x16: {  	_ =	swait.ge [sflag:s14], $0x2800  }
0x17: {  	[sflag:s14] =	ssyncset.done $0x0  }
0x18: {  	[sflag:s14] =	ssyncadd.s32 $0xFFFFD800  }
0x19: {  	[bflag:$0x0] =	sbarrier.arrive $0xFFFF  }
0x1a: {  	[tilespmem:s3], [sflag:$0x2] =	stream.linear.gather [hbm4b:s9+s3], $0x50, $0x38;
	[tilespmem:$0x1E200] =	vst v63  }
0x1b: {  	_ = 	snop  }
0x1c: {  	[tilespmem:s15], [sflag:$0x2] =	stream.linear.gather [hbm4b:s12+s3], $0x50, $0x38;
	[tilespmem:$0x1E200] =	vst v63  }
0x1d: {  	_ = 	snop  }
0x1e: {  	[tilespmem:s16], [sflag:$0x2] =	stream.linear.gather [hbm4b:s11+s3], $0x50, $0x38;
	[tilespmem:$0x1E200] =	vst v63  }
0x1f: {  	_ = 	snop  }
0x20: {  	[tilespmem:s17], [sflag:$0x2] =	stream.linear.gather [hbm4b:s10+s3], $0x50, $0x38;
	[tilespmem:$0x1E200] =	vst v63  }
0x21: {  	s26 =	sadd.s32 $0x0, s8  }
0x22: {  	[tilespmem:s18], [sflag:$0x1] =	stream.linear.gather [hbm4b:s26+s3], $0x2800, $0x38;
	[tilespmem:$0x1E200] =	vst v63  }
0x23: {  	s28 =	sadd.s32 $0x500, s26  }
0x24: {  	[tilespmem:s19], [sflag:$0x1] =	stream.linear.gather [hbm4b:s28+s3], $0x2800, $0x38;
	[tilespmem:$0x1E200] =	vst v63  }
0x25: {  	s28 =	sadd.s32 $0xA00, s26  }
0x26: {  	[tilespmem:s20], [sflag:$0x1] =	stream.linear.gather [hbm4b:s28+s3], $0x2800, $0x38;
	[tilespmem:$0x1E200] =	vst v63  }
0x27: {  	s26 =	sadd.s32 $0xF00, s26  }
0x28: {  	[tilespmem:s21], [sflag:$0x1] =	stream.linear.gather [hbm4b:s26+s3], $0x2800, $0x38;
	[tilespmem:$0x1E200] =	vst v63  }
0x29: {  	_ =	swait.ge [sflag:s22], $0x50  }
0x2a: {  	[sflag:s22] =	ssyncset.done $0x0  }
0x2b: {  	[sflag:s22] =	ssyncadd.s32 $0xFFFFFFB0  }
0x2c: {  	_ =	swait.ge [sflag:s22], $0x50  }
0x2d: {  	[sflag:s22] =	ssyncset.done $0x0  }
0x2e: {  	[sflag:s22] =	ssyncadd.s32 $0xFFFFFFB0  }
0x2f: {  	_ =	swait.ge [sflag:s22], $0x50  }
0x30: {  	[sflag:s22] =	ssyncset.done $0x0  }
0x31: {  	[sflag:s22] =	ssyncadd.s32 $0xFFFFFFB0  }
0x32: {  	_ =	swait.ge [sflag:s22], $0x50  }
0x33: {  	[sflag:s22] =	ssyncset.done $0x0  }
0x34: {  	[sflag:s22] =	ssyncadd.s32 $0xFFFFFFB0  }
0x35: {  	_ =	swait.ge [sflag:s23], $0x2800  }
0x36: {  	[sflag:s23] =	ssyncset.done $0x0  }
0x37: {  	[sflag:s23] =	ssyncadd.s32 $0xFFFFD800  }
0x38: {  	_ =	swait.ge [sflag:s23], $0x2800  }
0x39: {  	[sflag:s23] =	ssyncset.done $0x0  }
0x3a: {  	[sflag:s23] =	ssyncadd.s32 $0xFFFFD800  }
0x3b: {  	_ =	swait.ge [sflag:s23], $0x2800  }
0x3c: {  	[sflag:s23] =	ssyncset.done $0x0  }
0x3d: {  	[sflag:s23] =	ssyncadd.s32 $0xFFFFD800  }
0x3e: {  	_ =	swait.ge [sflag:s23], $0x2800  }
0x3f: {  	[sflag:s23] =	ssyncset.done $0x0  }
0x40: {  	[sflag:s23] =	ssyncadd.s32 $0xFFFFD800  }
0x41: {  	[spmem:s1] =	stream.indirect.scatter.add.f32 [tilespmem:s18], [sflag:$0x1], $0x80, s3, s24, $0xb8;
	[tilespmem:$0x1E200] =	vst v63  }
0x42: {  	_ = 	snop  }
0x43: {  	[spmem:s1] =	stream.indirect.scatter.add.f32 [tilespmem:s19], [sflag:$0x1], $0x80, s15, s24, $0xb8;
	[tilespmem:$0x1E200] =	vst v63  }
0x44: {  	_ = 	snop  }
0x45: {  	[spmem:s1] =	stream.indirect.scatter.add.f32 [tilespmem:s20], [sflag:$0x1], $0x80, s16, s24, $0xb8;
	[tilespmem:$0x1E200] =	vst v63  }
0x46: {  	_ = 	snop  }
0x47: {  	[spmem:s1] =	stream.indirect.scatter.add.f32 [tilespmem:s21], [sflag:$0x1], $0x80, s17, s24, $0xb8;
	[tilespmem:$0x1E200] =	vst v63  }
0x48: {  	_ =	swait.ge [sflag:s23], $0x2800  }
0x49: {  	[sflag:s23] =	ssyncset.done $0x0  }
0x4a: {  	[sflag:s23] =	ssyncadd.s32 $0xFFFFD800  }
0x4b: {  	_ =	swait.ge [sflag:s23], $0x2800  }
0x4c: {  	[sflag:s23] =	ssyncset.done $0x0  }
0x4d: {  	[sflag:s23] =	ssyncadd.s32 $0xFFFFD800  }
0x4e: {  	_ =	swait.ge [sflag:s23], $0x2800  }
0x4f: {  	[sflag:s23] =	ssyncset.done $0x0  }
0x50: {  	s29 =	sadd.s32 $0x28, s12;
	[sflag:s23] =	ssyncadd.s32 $0xFFFFD800  }
0x51: {  	s30 =	smov.u32 s9;
	s31 =	smov.u32 s10;
	_ =	swait.ge [sflag:s23], $0x2800  }
0x52: {  	s28 =	sadd.s32 $0x28, s11;
	s26 =	simm.s32 $0x1400;
	[sflag:s23] =	ssyncset.done $0x0  }
.LBB2_2:
0x53: {  	[sflag:s23] =	ssyncadd.s32 $0xFFFFD800;
	s30 =	sadd.s32 $0x28, s30;
	s31 =	sadd.s32 $0x28, s31  }
0x54: {  	[tilespmem:s3], [sflag:$0x2] =	stream.linear.gather [hbm4b:s30+s3], $0x50, $0x38;
	[tilespmem:$0x1E200] =	vst v63  }
0x55: {  	p0 =	sne.s32 s26, $0x26C00;
	s0 =	smov.u32 s26;
	s26 =	sadd.s32 $0x1400, s26  }
0x56: {  	[tilespmem:s15], [sflag:$0x2] =	stream.linear.gather [hbm4b:s29+s3], $0x50, $0x38;
	[tilespmem:$0x1E200] =	vst v63  }
0x57: {  	_ = 	snop  }
0x58: {  	[tilespmem:s16], [sflag:$0x2] =	stream.linear.gather [hbm4b:s28+s3], $0x50, $0x38;
	[tilespmem:$0x1E200] =	vst v63  }
0x59: {  	_ = 	snop  }
0x5a: {  	[tilespmem:s17], [sflag:$0x2] =	stream.linear.gather [hbm4b:s31+s3], $0x50, $0x38;
	[tilespmem:$0x1E200] =	vst v63  }
0x5b: {  	s0 =	sadd.s32 s0, s8  }
0x5c: {  	[tilespmem:s18], [sflag:$0x1] =	stream.linear.gather [hbm4b:s0+s3], $0x2800, $0x38;
	[tilespmem:$0x1E200] =	vst v63  }
0x5d: {  	s2 =	sadd.s32 $0x500, s0  }
0x5e: {  	[tilespmem:s19], [sflag:$0x1] =	stream.linear.gather [hbm4b:s2+s3], $0x2800, $0x38;
	[tilespmem:$0x1E200] =	vst v63  }
0x5f: {  	s2 =	sadd.s32 $0xA00, s0  }
0x60: {  	[tilespmem:s20], [sflag:$0x1] =	stream.linear.gather [hbm4b:s2+s3], $0x2800, $0x38;
	[tilespmem:$0x1E200] =	vst v63  }
0x61: {  	s0 =	sadd.s32 $0xF00, s0  }
0x62: {  	[tilespmem:s21], [sflag:$0x1] =	stream.linear.gather [hbm4b:s0+s3], $0x2800, $0x38;
	[tilespmem:$0x1E200] =	vst v63  }
0x63: {  	_ =	swait.ge [sflag:s22], $0x50  }
0x64: {  	[sflag:s22] =	ssyncset.done $0x0  }
0x65: {  	[sflag:s22] =	ssyncadd.s32 $0xFFFFFFB0  }
0x66: {  	_ =	swait.ge [sflag:s22], $0x50  }
0x67: {  	[sflag:s22] =	ssyncset.done $0x0  }
0x68: {  	[sflag:s22] =	ssyncadd.s32 $0xFFFFFFB0  }
0x69: {  	_ =	swait.ge [sflag:s22], $0x50  }
0x6a: {  	[sflag:s22] =	ssyncset.done $0x0  }
0x6b: {  	[sflag:s22] =	ssyncadd.s32 $0xFFFFFFB0  }
0x6c: {  	_ =	swait.ge [sflag:s22], $0x50  }
0x6d: {  	[sflag:s22] =	ssyncset.done $0x0  }
0x6e: {  	[sflag:s22] =	ssyncadd.s32 $0xFFFFFFB0  }
0x6f: {  	_ =	swait.ge [sflag:s23], $0x2800  }
0x70: {  	[sflag:s23] =	ssyncset.done $0x0  }
0x71: {  	[sflag:s23] =	ssyncadd.s32 $0xFFFFD800  }
0x72: {  	_ =	swait.ge [sflag:s23], $0x2800  }
0x73: {  	[sflag:s23] =	ssyncset.done $0x0  }
0x74: {  	[sflag:s23] =	ssyncadd.s32 $0xFFFFD800  }
0x75: {  	_ =	swait.ge [sflag:s23], $0x2800  }
0x76: {  	[sflag:s23] =	ssyncset.done $0x0  }
0x77: {  	[sflag:s23] =	ssyncadd.s32 $0xFFFFD800  }
0x78: {  	_ =	swait.ge [sflag:s23], $0x2800  }
0x79: {  	[sflag:s23] =	ssyncset.done $0x0  }
0x7a: {  	[sflag:s23] =	ssyncadd.s32 $0xFFFFD800  }
0x7b: {  	[spmem:s1] =	stream.indirect.scatter.add.f32 [tilespmem:s18], [sflag:$0x1], $0x80, s3, s24, $0xb8;
	[tilespmem:$0x1E200] =	vst v63  }
0x7c: {  	_ = 	snop  }
0x7d: {  	[spmem:s1] =	stream.indirect.scatter.add.f32 [tilespmem:s19], [sflag:$0x1], $0x80, s15, s24, $0xb8;
	[tilespmem:$0x1E200] =	vst v63  }
0x7e: {  	_ = 	snop  }
0x7f: {  	[spmem:s1] =	stream.indirect.scatter.add.f32 [tilespmem:s20], [sflag:$0x1], $0x80, s16, s24, $0xb8;
	[tilespmem:$0x1E200] =	vst v63  }
0x80: {  	_ = 	snop  }
0x81: {  	[spmem:s1] =	stream.indirect.scatter.add.f32 [tilespmem:s21], [sflag:$0x1], $0x80, s17, s24, $0xb8;
	[tilespmem:$0x1E200] =	vst v63  }
0x82: {  	_ =	swait.ge [sflag:s23], $0x2800  }
0x83: {  	[sflag:s23] =	ssyncset.done $0x0  }
0x84: {  	[sflag:s23] =	ssyncadd.s32 $0xFFFFD800  }
0x85: {  	_ =	swait.ge [sflag:s23], $0x2800  }
0x86: {  	[sflag:s23] =	ssyncset.done $0x0  }
0x87: {  	[sflag:s23] =	ssyncadd.s32 $0xFFFFD800  }
.Ltmp0:
0x88: {  	_ =	swait.ge [sflag:s23], $0x2800;
	(pc) =	sbr.rel @p0 .LBB2_2-.Ltmp0, $4  }
0x89: {  	[sflag:s23] =	ssyncset.done $0x0  }
0x8a: {  	[sflag:s23] =	ssyncadd.s32 $0xFFFFD800  }
0x8b: {  	_ =	swait.ge [sflag:s23], $0x2800  }
0x8c: {  	s29 =	sadd.s32 $0x28, s29;
	s28 =	sadd.s32 $0x28, s28;
	[sflag:s23] =	ssyncset.done $0x0  }
0x8d: {  	s25 =	sadd.s32 $0x1, s25  }
0x8e: {  	[sflag:s23] =	ssyncadd.s32 $0xFFFFD800;
	p0 =	sne.s32 s25, s7  }
.Ltmp1:
0x8f: {  	[bflag:$0x0] =	sbarrier.arrive $0xFFFF;
	(pc) =	sbr.rel @p0 .LBB2_1-.Ltmp1, $4  }
0x90: {  	[hbm:s6], [sflag:s5] =	dma.local [spmem:s13], $0x2800  }
0x91: {  	_ =	swait.ge [sflag:s14], $0x2800  }
0x92: {  	[sflag:s14] =	ssyncset.done $0x0  }
0x93: {  	[sflag:s14] =	ssyncadd.s32 $0xFFFFD800  }
0x94: {  	_ =	sfence.sel $0x180000  }
0x95: {  	[bflag:$0x0] =	sbarrier.arrive $0xFFFF  }
0x96: {  	_ =	strace $0x90000050  }
0x97: {  	s0 =	stileid.u32;
	[bflag:$0x2] =	sbarrier.arrive $0xFFFF  }
0x98: {  	p0 =	sne.s32 s0, $0x0;
	s0 =	rddreg [dreg:$0x2]  }
0x99: {  	s0 =	sadd.s32 @!p0 $0x100000, s0  }
0x9a: {  	[sflag:s0] =	ssyncadd.tile.s32 @!p0 $0x1;
	_ =	shalt  }
.Lfunc_end2:
_tile_overlayer_lowered:
.L_overlay_start_2:
0x9b: {  	(tag) =	ssettag $0x2  }
0x9c: {  	s0 =	rddreg [dreg:$0x0];
	s2 =	stileid.u32  }
0x9d: {  	s1 =	rddreg [dreg:$0x1];
	p0 =	sne.s32 s2, $0x0  }
0x9e: {  	s3 =	rddreg [dreg:$0x2];
	[bflag:$0x3] =	sbarrier.arrive $0xFFFF;
	s2 =	simm.s32 @!p0 $0x1C03  }
0x9f: {  	[timem:s3], [sflag:s2] =	dma.local @!p0 [hbm:s0], s1  }
0xa0: {  	s0 =	simm.s32 @!p0 $0x3  }
0xa1: {  	_ =	swait.ge @!p0 [sflag:s0], s1  }
0xa2: {  	s1 =	ssub.s32 @!p0 $0x0, s1;
	[sflag:s0] =	ssyncset.done @!p0 $0x0  }
0xa3: {  	[sflag:s0] =	ssyncadd.s32 @!p0 s1  }
0xa4: {  	[bflag:$0x3] =	sbarrier.arrive $0xFFFF  }
0xa5: {  	_ =	shalt  }

// kernel: kernel.25.cloned.1.call-start
scs
__scs_entry_jumppad:
0x0: {  	(pc) =	sbr.rel $0x88, $3  }
0x1: {  	(tag) =	ssettag $0x0;
	lr =	simm.s32 $0x1  }
0x2: {  	[smem:$0x3F97] =	sst lr;
	_ =	strace $0xD0000000  }
0x3: {  	_ = 	snop  }
0x4: {  	_ = 	snop  }
0x5: {  	_ = 	snop  }
0x6: {  	_ = 	snop  }
0x7: {  	_ = 	snop  }
__scs_overlays_trampoline_lowered:
0x8: {  	[smem:$0x3FA6] =	sst s0  }
0x9: {  	[smem:$0x3FA7] =	sst s1  }
0xa: {  	[smem:$0x3FA8] =	sst s2  }
0xb: {  	[smem:$0x3FA9] =	sst s3  }
0xc: {  	[smem:$0x3FAA] =	sst s4  }
0xd: {  	[smem:$0x3FAB] =	sst s5  }
0xe: {  	[smem:$0x3FAC] =	sst s6  }
0xf: {  	[smem:$0x3FAD] =	sst s7  }
0x10: {  	[smem:$0x3FAE] =	sst s8  }
0x11: {  	[smem:$0x3FAF] =	sst s9;
	s0 =	simm.s32 @!p0 $0x0  }
0x12: {  	s1 =	sld [smem:$0x3F95];
	s0 =	simm.s32 @p0 $0x1  }
0x13: {  	[smem:$0x3FB0] =	sst s0;
	s0 =	simm.s32 @!p1 $0x0  }
0x14: {  	s2 =	sld [smem:$0x3F94];
	s0 =	simm.s32 @p1 $0x1  }
0x15: {  	[smem:$0x3FB1] =	sst s0;
	s0 =	simm.s32 @!p2 $0x0  }
0x16: {  	s3 =	sld [smem:$0x3FDB];
	s0 =	simm.s32 @p2 $0x1  }
0x17: {  	s4 =	simm.s32 $0x1BF5;
	[smem:$0x3FB3] =	sst s0  }
0x18: {  	s0 =	sld [smem:$0x3F96];
	_ =	swait.ge [sflag:s4], $0x0  }
0x19: {  	s7 =	sld [smem:$0x3F97]  }
0x1a: {  	s8 =	sadd.s32 $0xFFFFE003, lr  }
0x1b: {  	s9 =	sadd.s32 $0xFFFFFEF7, lr;
	s5 =	simm.s32 $0xFFFFFFFF;
	p2 =	slt.u32 s8, $0xFFFFF086  }
0x1c: {  	p1 =	slt.u32 s9, $0xF7A;
	s5 =	simm.s32 @!p2 $0x0  }
0x1d: {  	s5 =	simm.s32 @p1 $0x1;
	p0 =	seq.s32 s7, s2  }
0x1e: {  	s7 =	smul.u32 @!p0 $0xF7A, s2;
	p2 =	seq.s32 @!p0 s5, $0x0  }
0x1f: {  	s9 =	smul.u32 $0xF7A, s1;
	s8 =	simm.s32 @!p0 $0x1BF5;
	p2 =	por !p2, p0  }
0x20: {  	[sflag:s8] =	ssyncset.s32 @!p0 $0xFFFFF086;
	s6 =	sadd.s32 @!p0 s3, s7;
	s7 =	simm.s32 @!p0 $0x108  }
0x21: {  	s3 =	sadd.s32 s3, s9;
	s6 =	sadd.s32 @!p0 $0x88, s6;
	s7 =	simm.s32 @p2 $0x1082  }
0x22: {  	[simem:s7], [sflag:s8] =	dma.local @!p0 [hbm:s6], $0xF7A  }
0x23: {  	s9 =	sor.u32 $0xD0000000, s2;
	s6 =	simm.s32 $0x108;
	_ =	swait.ge @!p0 [sflag:s8], $0x0  }
0x24: {  	s3 =	sadd.s32 $0x88, s3;
	s6 =	simm.s32 @!p1 $0x1082;
	[sflag:s4] =	ssyncset.s32 $0xFFFFF086  }
0x25: {  	[simem:s6], [sflag:s4] =	dma.local [hbm:s3], $0xF7A  }
0x26: {  	[smem:$0x3F97] =	sst s1;
	(tag) =	ssettag s2;
	_ =	strace s9  }
0x27: {  	s1 =	sld [smem:$0x3FA7]  }
0x28: {  	s2 =	sld [smem:$0x3FA8]  }
0x29: {  	s4 =	sld [smem:$0x3FAA]  }
0x2a: {  	p0 =	seq.s32 s5, $0x0;
	s5 =	sld [smem:$0x3FAB]  }
0x2b: {  	s6 =	sld [smem:$0x3FAC]  }
0x2c: {  	s7 =	sld [smem:$0x3FAD]  }
0x2d: {  	s3 =	simm.s32 $0x108;
	s8 =	sld [smem:$0x3FAE]  }
0x2e: {  	s3 =	simm.s32 @!p0 $0x1082;
	s9 =	sld [smem:$0x3FAF]  }
0x2f: {  	lr =	sadd.s32 s0, s3;
	s0 =	sld [smem:$0x3FA6]  }
0x30: {  	s3 =	sld [smem:$0x3FA9]  }
0x31: {  	[smem:$0x3FB2] =	sst s10  }
0x32: {  	s10 =	sld [smem:$0x3FB0];
	_ =	sdelay $0x3  }
0x33: {  	p0 =	seq.s32 s10, $0x1;
	s10 =	sld [smem:$0x3FB2];
	_ =	sdelay $0x3  }
0x34: {  	[smem:$0x3FB2] =	sst s10  }
0x35: {  	s10 =	sld [smem:$0x3FB1];
	_ =	sdelay $0x3  }
0x36: {  	p1 =	seq.s32 s10, $0x1;
	s10 =	sld [smem:$0x3FB2];
	_ =	sdelay $0x3  }
0x37: {  	[smem:$0x3FB2] =	sst s10  }
0x38: {  	s10 =	sld [smem:$0x3FB3]  }
0x39: {  	_ = 	snop;
	(pc) =	sbr.ind lr, $3  }
0x3a: {  	_ = 	snop  }
0x3b: {  	_ = 	snop  }
0x3c: {  	p2 =	seq.s32 s10, $0x1;
	s10 =	sld [smem:$0x3FB2]  }
0x3d: {  	_ =	shalt  }
0x3e: {  	_ =	shalt  }
0x3f: {  	_ =	shalt  }
0x40: {  	_ =	shalt  }
0x41: {  	_ =	shalt  }
0x42: {  	_ =	shalt  }
0x43: {  	_ =	shalt  }
0x44: {  	_ =	shalt  }
0x45: {  	_ =	shalt  }
0x46: {  	_ =	shalt  }
0x47: {  	_ =	shalt  }
0x48: {  	_ =	shalt  }
0x49: {  	_ =	shalt  }
0x4a: {  	_ =	shalt  }
0x4b: {  	_ =	shalt  }
0x4c: {  	_ =	shalt  }
0x4d: {  	_ =	shalt  }
0x4e: {  	_ =	shalt  }
0x4f: {  	_ =	shalt  }
0x50: {  	_ =	shalt  }
0x51: {  	_ =	shalt  }
0x52: {  	_ =	shalt  }
0x53: {  	_ =	shalt  }
0x54: {  	_ =	shalt  }
0x55: {  	_ =	shalt  }
0x56: {  	_ =	shalt  }
0x57: {  	_ =	shalt  }
0x58: {  	_ =	shalt  }
0x59: {  	_ =	shalt  }
0x5a: {  	_ =	shalt  }
0x5b: {  	_ =	shalt  }
0x5c: {  	_ =	shalt  }
0x5d: {  	_ =	shalt  }
0x5e: {  	_ =	shalt  }
0x5f: {  	_ =	shalt  }
0x60: {  	_ =	shalt  }
0x61: {  	_ =	shalt  }
0x62: {  	_ =	shalt  }
0x63: {  	_ =	shalt  }
0x64: {  	_ =	shalt  }
0x65: {  	_ =	shalt  }
0x66: {  	_ =	shalt  }
0x67: {  	_ =	shalt  }
0x68: {  	_ =	shalt  }
0x69: {  	_ =	shalt  }
0x6a: {  	_ =	shalt  }
0x6b: {  	_ =	shalt  }
0x6c: {  	_ =	shalt  }
0x6d: {  	_ =	shalt  }
0x6e: {  	_ =	shalt  }
0x6f: {  	_ =	shalt  }
0x70: {  	_ =	shalt  }
0x71: {  	_ =	shalt  }
0x72: {  	_ =	shalt  }
0x73: {  	_ =	shalt  }
0x74: {  	_ =	shalt  }
0x75: {  	_ =	shalt  }
0x76: {  	_ =	shalt  }
0x77: {  	_ =	shalt  }
0x78: {  	_ =	shalt  }
0x79: {  	_ =	shalt  }
0x7a: {  	_ =	shalt  }
0x7b: {  	_ =	shalt  }
0x7c: {  	_ =	shalt  }
0x7d: {  	_ =	shalt  }
0x7e: {  	_ =	shalt  }
0x7f: {  	_ =	shalt  }
0x80: {  	_ =	shalt  }
0x81: {  	_ =	shalt  }
0x82: {  	_ =	shalt  }
0x83: {  	_ =	shalt  }
0x84: {  	_ =	shalt  }
0x85: {  	_ =	shalt  }
0x86: {  	_ =	shalt  }
0x87: {  	_ =	shalt  }
.Lfunc_end0:
.L_simem_size_0:
called_computation.4_lowered:
.L_overlay_start_0:
0x88: {  	s2 =	sld [smem:$0x3FD9]  }
0x89: {  	s3 =	sld [smem:$0x3FFE];
	_ =	sdelay $0x1  }
0x8a: {  	s1 =	srdreg.scid  }
0x8b: {  	s0 =	sand.u32 $0x1, s1  }
0x8c: {  	s16 =	sshll.u32 s0, $0xA;
	s2 =	sadd.s32 s3, s2  }
0x8d: {  	s2 =	sadd.s32 s2, s16  }
0x8e: {  	[smem:$0x3FBE] =	sst s2  }
0x8f: {  	_ = 	snop  }
0x90: {  	(tm) =	ssettm $0x1  }
0x91: {  	s17 =	sld [smem:$0x3FFB];
	_ =	sdelay $0x3  }
0x92: {  	_ =	strace s17  }
0x93: {  	s2 =	sld [smem:$0x3FFC];
	_ =	sdelay $0x3  }
0x94: {  	_ =	strace s2  }
0x95: {  	s2 =	sld [smem:$0x3FFD];
	_ =	sdelay $0x3  }
0x96: {  	_ =	strace s2  }
0x97: {  	_ =	strace $0x8FFFFFFF  }
0x98: {  	s18 =	sld [smem:$0x3FDB];
	_ =	sdelay $0x1  }
0x99: {  	s19 =	simm.s32 $_scs_section_size  }
0x9a: {  	s4 =	simm.s32 $_size__tile_overlayer_lowered;
	s5 =	simm.s32 $_tile_overlayer_lowered  }
0x9b: {  	s22 =	simm.s32 $0x1BFF;
	s21 =	sshll.u32 s5, $0x1;
	s2 =	sadd.s32 s19, s18  }
0x9c: {  	s6 =	simm.s32 $0x0;
	s20 =	sshll.u32 s4, $0x1;
	s4 =	sadd.s32 s21, s2  }
0x9d: {  	[timem:s6], [sflag:s22] =	dma.local [hbm:s4], s20  }
0x9e: {  	_ =	swait.ge [sflag:s22], s20  }
0x9f: {  	s3 =	ssub.s32 $0x0, s20;
	[sflag:s22] =	ssyncset.done $0x0  }
0xa0: {  	[sflag:s22] =	ssyncadd.s32 s3;
	_ =	sdelay $0x1  }
0xa1: {  	s23 =	simm.s32 $0x1B8B  }
0xa2: {  	_ =	swait.ge [sflag:s23], $0x1  }
0xa3: {  	[sflag:s23] =	ssyncset.done $0x0  }
0xa4: {  	s25 =	simm.s32 $0x1B8E;
	s24 =	sld [smem:$0x3FFE];
	[sflag:s23] =	ssyncadd.s32 $0xFFFFFFFF  }
0xa5: {  	s26 =	simm.s32 $execute0_lowered;
	[smem:$0x3FD2] =	sst s25  }
0xa6: {  	s4 =	sshll.u32 s26, $0x1;
	_ =	strace $0x80000052;
	[dreg:$0x1] =	wrdreg $0xFFFFFFFF  }
0xa7: {  	s28 =	simm.s32 $_size_execute0_lowered;
	s2 =	sadd.s32 s2, s4;
	[dreg:$0x0] =	wrdreg $0x0  }
0xa8: {  	s4 =	sshll.u32 s28, $0x1;
	[dreg:$0x2] =	wrdreg s2  }
0xa9: {  	[dreg:$0x3] =	wrdreg s4  }
0xaa: {  	[dreg:$0x4] =	wrdreg $0xC0  }
0xab: {  	_ =	task [dreg:s6], $0x5FFFF  }
0xac: {  	[dreg:$0x1] =	wrdreg $0xFFFFFFFF  }
0xad: {  	[dreg:$0x0] =	wrdreg $0x60  }
0xae: {  	[dreg:$0x2] =	wrdreg s24  }
0xaf: {  	[dreg:$0x3] =	wrdreg $0xA6000  }
0xb0: {  	[dreg:$0x4] =	wrdreg $0x9  }
0xb1: {  	_ =	task.clear_ibuf [dreg:s6], $0x5FFFF;
	_ =	strace $0x90000052  }
0xb2: {  	s29 =	simm.s32 $0x9;
	_ =	strace $0x80000054  }
0xb3: {  	_ =	swait.ge [sflag:s29], $0x1  }
0xb4: {  	[sflag:s29] =	ssyncadd.s32 $0xFFFFFFFF  }
0xb5: {  	_ =	strace $0x90000054  }
0xb6: {  	_ =	sfence  }
0xb7: {  	s30 =	sld [smem:$0x0];
	_ =	sdelay $0x2  }
0xb8: {  	s31 =	sshll.u32 s1, $0xD;
	s1 =	sshrl.u32 s1, $0x2  }
0xb9: {  	s3 =	sand.u32 $0x4000, s31;
	s1 =	sadd.s32 s1, s30  }
0xba: {  	s0 =	sor.u32 s3, s0;
	s1 =	sshll.u32 s1, $0x11  }
0xbb: {  	s0 =	sor.u32 s1, s0  }
0xbc: {  	s0 =	sadd.s32 $0x8F2B, s0  }
0xbd: {  	[sflag:s0] =	ssyncadd.remote.s32 $0x1  }
0xbe: {  	_ =	sfence.sel $0xFFFF  }
0xbf: {  	[dreg:$0x0] =	wrdreg $0xFFFFFFFF;
	(pc) =	sbr.abs _section_cstart, $3  }
0xc0: {  	[dreg:$0x1] =	wrdreg $0xFFFFFFFF  }
0xc1: {  	_ =	task.clear_ibuf [dreg:s6], $0x2FFFF;
	_ =	strace $0x9FFFFFFF  }
0xc2: {  	(tm) =	ssettm $0x7FFFFFFF  }
0xc3: {  	_ =	shalt  }
tec
execute0_lowered:
.L_overlay_start_1:
0x0: {  	(tag) =	ssettag $0x1  }
0x1: {  	s0 =	rddreg [dreg:$0x0]  }
0x2: {  	s1 =	rddreg [dreg:$0x1]  }
0x3: {  	s2 =	simm.s32 $0x0;
	s3 =	srdreg.scid;
	s14 =	stileid.u32  }
0x4: {  	s15 =	simm.s32 $0x3;
	s17 =	simm.s32 $0x400;
	s18 =	simm.s32 $0x480  }
0x5: {  	s28 =	simm.s32 $0x580;
	s29 =	simm.s32 $0x600;
	s30 =	simm.s32 $0x2E00  }
0x6: {  	s31 =	simm.s32 $0x5600;
	s19 =	simm.s32 $0x200;
	s20 =	simm.s32 $0x80  }
0x7: {  	s21 =	simm.s32 $0x280;
	[smem:$0x7FF] =	sst s2;
	s4 =	sadd.s32 $0xF14400, s0  }
0x8: {  	s3 =	sand.u32 $0x1, s3;
	s5 =	sadd.s32 $0xA34C00, s0;
	s11 =	smul.u32 $0x14000, s14  }
0x9: {  	s6 =	sadd.s32 $0x534C00, s0;
	s7 =	sadd.s32 $0x17C00, s0;
	s23 =	smul.u32 $0x50000, s14  }
0xa: {  	s8 =	sadd.s32 $0x3C00, s0;
	s9 =	sadd.s32 $0xDC00, s0;
	s13 =	smul.u32 $0x2800, s14  }
0xb: {  	s22 =	sadd.s32 $0x532400, s0;
	s25 =	sshll.u32 s14, $0x6;
	s10 =	smul.u32 $0x140000, s3  }
0xc: {  	_ =	strace $0x80000053;
	s24 =	ssub.s32 $0x2, s3;
	s3 =	smul.u32 $0x28000, s3  }
0xd: {  	[dreg:$0x4] =	wrdreg s22;
	s22 =	simm.s32 $0x100;
	s12 =	sshrl.u32 s24, $0x1  }
0xe: {  	s10 =	sadd.s32 s11, s10;
	s11 =	sshrl.u32 s23, $0x2;
	s3 =	sadd.s32 s13, s3  }
0xf: {  	s23 =	simm.s32 $0x300;
	s13 =	simm.s32 $0x50;
	s10 =	sshrl.u32 s10, $0x3  }
0x10: {  	s11 =	sadd.s32 s11, s1;
	[dreg:$0x6] =	wrdreg s3;
	s3 =	simm.s32 $0x2  }
0x11: {  	s0 =	sadd.s32 s10, s0;
	s10 =	ssub.s32 s24, s12;
	s12 =	sor.u32 $0x1C03, s25  }
0x12: {  	s14 =	sshrl.u32 s11, $0x3;
	s24 =	simm.s32 $0x500;
	[dreg:$0x5] =	wrdreg s12  }
0x13: {  	s25 =	simm.s32 $0x180;
	s0 =	sadd.s32 $0xA5CC00, s0;
	[dreg:$0x9] =	wrdreg s14  }
0x14: {  	s26 =	smax.u32 s10, $0x1;
	s10 =	simm.s32 $0x1;
	[dreg:$0x7] =	wrdreg s0  }
0x15: {  	[dreg:$0x8] =	wrdreg s26;
	s26 =	simm.s32 $0x380;
	s0 =	simm.s32 $0x7E00  }
.LBB2_1:
0x16: {  	[dreg:$0x3] =	wrdreg s2  }
0x17: {  	s16 =	rddreg [dreg:$0x4]  }
0x18: {  	[spmem:s14], [sflag:s12] =	dma.local [hbm:s16], $0x2800  }
0x19: {  	_ =	swait.ge [sflag:s15], $0x2800  }
0x1a: {  	[sflag:s15] =	ssyncset.done $0x0  }
0x1b: {  	[sflag:s15] =	ssyncadd.s32 $0xFFFFD800  }
0x1c: {  	s14 =	simm.s32 $0x0;
	[bflag:$0x0] =	sbarrier.arrive $0xFFFF  }
.LBB2_2:
0x1d: {  	s11 =	smul.u32 $0x140, s14  }
0x1e: {  	s2 =	rddreg [dreg:$0x6]  }
0x1f: {  	s15 =	sadd.s32 s11, s2  }
0x20: {  	s16 =	sshrl.u32 s15, $0x3  }
0x21: {  	s11 =	simm.s32 $0x0;
	s12 =	sadd.s32 s7, s16  }
0x22: {  	[tilespmem:s11], [sflag:$0x2] =	stream.linear.gather [hbm4b:s12+s11], $0x50, $0x38;
	[tilespmem:$0x1E600] =	vst v63  }
0x23: {  	s12 =	sadd.s32 s8, s16  }
0x24: {  	[tilespmem:s19], [sflag:$0x2] =	stream.linear.gather [hbm4b:s12+s11], $0x50, $0x38;
	[tilespmem:$0x1E600] =	vst v63  }
0x25: {  	s2 =	sadd.s32 $0x50, s15;
	s16 =	sadd.s32 s9, s16  }
0x26: {  	[tilespmem:s17], [sflag:$0x2] =	stream.linear.gather [hbm4b:s16+s11], $0x50, $0x38;
	[tilespmem:$0x1E600] =	vst v63  }
0x27: {  	s16 =	sshrl.u32 s2, $0x3  }
0x28: {  	s12 =	sadd.s32 s7, s16  }
0x29: {  	[tilespmem:s20], [sflag:$0x2] =	stream.linear.gather [hbm4b:s12+s11], $0x50, $0x38;
	[tilespmem:$0x1E600] =	vst v63  }
0x2a: {  	s17 =	sadd.s32 s8, s16;
	s12 =	sadd.s32 $0xA0, s15  }
0x2b: {  	[tilespmem:s21], [sflag:$0x2] =	stream.linear.gather [hbm4b:s17+s11], $0x50, $0x38;
	[tilespmem:$0x1E600] =	vst v63  }
0x2c: {  	s17 =	sadd.s32 s9, s16;
	s16 =	sshrl.u32 s12, $0x3  }
0x2d: {  	[tilespmem:s18], [sflag:$0x2] =	stream.linear.gather [hbm4b:s17+s11], $0x50, $0x38;
	[tilespmem:$0x1E600] =	vst v63  }
0x2e: {  	s18 =	sadd.s32 s7, s16  }
0x2f: {  	[tilespmem:s22], [sflag:$0x2] =	stream.linear.gather [hbm4b:s18+s11], $0x50, $0x38;
	[tilespmem:$0x1E600] =	vst v63  }
0x30: {  	s18 =	sadd.s32 s8, s16  }
0x31: {  	[tilespmem:s23], [sflag:$0x2] =	stream.linear.gather [hbm4b:s18+s11], $0x50, $0x38;
	[tilespmem:$0x1E600] =	vst v63  }
0x32: {  	s16 =	sadd.s32 s9, s16  }
0x33: {  	[tilespmem:s24], [sflag:$0x2] =	stream.linear.gather [hbm4b:s16+s11], $0x50, $0x38;
	[tilespmem:$0x1E600] =	vst v63  }
0x34: {  	s16 =	sadd.s32 $0xF0, s15  }
0x35: {  	s17 =	sshrl.u32 s16, $0x3  }
0x36: {  	s18 =	sadd.s32 s7, s17  }
0x37: {  	[tilespmem:s25], [sflag:$0x2] =	stream.linear.gather [hbm4b:s18+s11], $0x50, $0x38;
	[tilespmem:$0x1E600] =	vst v63  }
0x38: {  	s18 =	sadd.s32 s8, s17  }
0x39: {  	[tilespmem:s26], [sflag:$0x2] =	stream.linear.gather [hbm4b:s18+s11], $0x50, $0x38;
	[tilespmem:$0x1E600] =	vst v63  }
0x3a: {  	s15 =	sshll.u32 s15, $0x4;
	s17 =	sadd.s32 s9, s17  }
0x3b: {  	[tilespmem:s28], [sflag:$0x2] =	stream.linear.gather [hbm4b:s17+s11], $0x50, $0x38;
	[tilespmem:$0x1E600] =	vst v63  }
0x3c: {  	s2 =	sshll.u32 s2, $0x4;
	s15 =	sadd.s32 s4, s15  }
0x3d: {  	[tilespmem:s29], [sflag:$0x1] =	stream.linear.gather [hbm4b:s15+s11], $0x2800, $0x38;
	[tilespmem:$0x1E600] =	vst v63  }
0x3e: {  	s2 =	sadd.s32 s4, s2;
	s17 =	sshll.u32 s12, $0x4  }
0x3f: {  	[tilespmem:s30], [sflag:$0x1] =	stream.linear.gather [hbm4b:s2+s11], $0x2800, $0x38;
	[tilespmem:$0x1E600] =	vst v63  }
0x40: {  	s18 =	sshll.u32 s16, $0x4;
	s2 =	sadd.s32 s4, s17  }
0x41: {  	[tilespmem:s31], [sflag:$0x1] =	stream.linear.gather [hbm4b:s2+s11], $0x2800, $0x38;
	[tilespmem:$0x1E600] =	vst v63  }
0x42: {  	s2 =	sadd.s32 s4, s18  }
0x43: {  	[tilespmem:s0], [sflag:$0x1] =	stream.linear.gather [hbm4b:s2+s11], $0x2800, $0x38;
	[tilespmem:$0x1E600] =	vst v63  }
0x44: {  	_ =	swait.ge [sflag:s3], $0x50  }
0x45: {  	[sflag:s3] =	ssyncset.done $0x0  }
0x46: {  	[sflag:s3] =	ssyncadd.s32 $0xFFFFFFB0  }
0x47: {  	_ =	swait.ge [sflag:s3], $0x50  }
0x48: {  	[sflag:s3] =	ssyncset.done $0x0  }
0x49: {  	[sflag:s3] =	ssyncadd.s32 $0xFFFFFFB0  }
0x4a: {  	_ =	swait.ge [sflag:s3], $0x50  }
0x4b: {  	[sflag:s3] =	ssyncset.done $0x0  }
0x4c: {  	[sflag:s3] =	ssyncadd.s32 $0xFFFFFFB0  }
0x4d: {  	_ =	swait.ge [sflag:s3], $0x50  }
0x4e: {  	[sflag:s3] =	ssyncset.done $0x0  }
0x4f: {  	[sflag:s3] =	ssyncadd.s32 $0xFFFFFFB0  }
0x50: {  	_ =	swait.ge [sflag:s3], $0x50  }
0x51: {  	[sflag:s3] =	ssyncset.done $0x0  }
0x52: {  	[sflag:s3] =	ssyncadd.s32 $0xFFFFFFB0  }
0x53: {  	_ =	swait.ge [sflag:s3], $0x50  }
0x54: {  	[sflag:s3] =	ssyncset.done $0x0  }
0x55: {  	[sflag:s3] =	ssyncadd.s32 $0xFFFFFFB0  }
0x56: {  	_ =	swait.ge [sflag:s3], $0x50  }
0x57: {  	[sflag:s3] =	ssyncset.done $0x0  }
0x58: {  	[sflag:s3] =	ssyncadd.s32 $0xFFFFFFB0  }
0x59: {  	_ =	swait.ge [sflag:s3], $0x50  }
0x5a: {  	[sflag:s3] =	ssyncset.done $0x0  }
0x5b: {  	[sflag:s3] =	ssyncadd.s32 $0xFFFFFFB0  }
0x5c: {  	_ =	swait.ge [sflag:s3], $0x50  }
0x5d: {  	[sflag:s3] =	ssyncset.done $0x0  }
0x5e: {  	[sflag:s3] =	ssyncadd.s32 $0xFFFFFFB0  }
0x5f: {  	_ =	swait.ge [sflag:s3], $0x50  }
0x60: {  	[sflag:s3] =	ssyncset.done $0x0  }
0x61: {  	[sflag:s3] =	ssyncadd.s32 $0xFFFFFFB0  }
0x62: {  	_ =	swait.ge [sflag:s3], $0x50  }
0x63: {  	[sflag:s3] =	ssyncset.done $0x0  }
0x64: {  	[sflag:s3] =	ssyncadd.s32 $0xFFFFFFB0  }
0x65: {  	_ =	swait.ge [sflag:s3], $0x50  }
0x66: {  	[sflag:s3] =	ssyncset.done $0x0  }
0x67: {  	[sflag:s3] =	ssyncadd.s32 $0xFFFFFFB0  }
0x68: {  	_ =	swait.ge [sflag:s10], $0x2800  }
0x69: {  	[sflag:s10] =	ssyncset.done $0x0  }
0x6a: {  	[sflag:s10] =	ssyncadd.s32 $0xFFFFD800  }
0x6b: {  	_ =	swait.ge [sflag:s10], $0x2800  }
0x6c: {  	[sflag:s10] =	ssyncset.done $0x0  }
0x6d: {  	[sflag:s10] =	ssyncadd.s32 $0xFFFFD800  }
0x6e: {  	_ =	swait.ge [sflag:s10], $0x2800  }
0x6f: {  	[sflag:s10] =	ssyncset.done $0x0  }
0x70: {  	[sflag:s10] =	ssyncadd.s32 $0xFFFFD800  }
0x71: {  	_ =	swait.ge [sflag:s10], $0x2800  }
0x72: {  	[sflag:s10] =	ssyncset.done $0x0  }
0x73: {  	[sflag:s10] =	ssyncadd.s32 $0xFFFFD800  }
0x74: {  	[tilespmem:s29], [sflag:$0x1] =	stream.indirect.gather.add.f32 [hbm:s5], $0x80, s11, s13, $0xb8;
	[tilespmem:$0x1E600] =	vst v63  }
0x75: {  	_ = 	snop  }
0x76: {  	[tilespmem:s30], [sflag:$0x1] =	stream.indirect.gather.add.f32 [hbm:s5], $0x80, s20, s13, $0xb8;
	[tilespmem:$0x1E600] =	vst v63  }
0x77: {  	_ = 	snop  }
0x78: {  	[tilespmem:s31], [sflag:$0x1] =	stream.indirect.gather.add.f32 [hbm:s5], $0x80, s22, s13, $0xb8;
	[tilespmem:$0x1E600] =	vst v63  }
0x79: {  	_ = 	snop  }
0x7a: {  	[tilespmem:s0], [sflag:$0x1] =	stream.indirect.gather.add.f32 [hbm:s5], $0x80, s25, s13, $0xb8;
	[tilespmem:$0x1E600] =	vst v63  }
0x7b: {  	_ =	swait.ge [sflag:s10], $0x2800  }
0x7c: {  	[sflag:s10] =	ssyncset.done $0x0  }
0x7d: {  	[sflag:s10] =	ssyncadd.s32 $0xFFFFD800  }
0x7e: {  	_ =	swait.ge [sflag:s10], $0x2800  }
0x7f: {  	[sflag:s10] =	ssyncset.done $0x0  }
0x80: {  	[sflag:s10] =	ssyncadd.s32 $0xFFFFD800  }
0x81: {  	_ =	swait.ge [sflag:s10], $0x2800  }
0x82: {  	[sflag:s10] =	ssyncset.done $0x0  }
0x83: {  	[sflag:s10] =	ssyncadd.s32 $0xFFFFD800  }
0x84: {  	_ =	swait.ge [sflag:s10], $0x2800  }
0x85: {  	[sflag:s10] =	ssyncset.done $0x0  }
0x86: {  	[sflag:s10] =	ssyncadd.s32 $0xFFFFD800  }
0x87: {  	[tilespmem:s29], [sflag:$0x1] =	stream.indirect.gather.add.f32 [hbm:s6], $0x80, s19, s13, $0xb8;
	[tilespmem:$0x1E600] =	vst v63  }
0x88: {  	_ = 	snop  }
0x89: {  	[tilespmem:s30], [sflag:$0x1] =	stream.indirect.gather.add.f32 [hbm:s6], $0x80, s21, s13, $0xb8;
	[tilespmem:$0x1E600] =	vst v63  }
0x8a: {  	_ = 	snop  }
0x8b: {  	[tilespmem:s31], [sflag:$0x1] =	stream.indirect.gather.add.f32 [hbm:s6], $0x80, s23, s13, $0xb8;
	[tilespmem:$0x1E600] =	vst v63  }
0x8c: {  	_ = 	snop  }
0x8d: {  	[tilespmem:s0], [sflag:$0x1] =	stream.indirect.gather.add.f32 [hbm:s6], $0x80, s26, s13, $0xb8;
	[tilespmem:$0x1E600] =	vst v63  }
0x8e: {  	_ =	swait.ge [sflag:s10], $0x2800  }
0x8f: {  	[sflag:s10] =	ssyncset.done $0x0  }
0x90: {  	[sflag:s10] =	ssyncadd.s32 $0xFFFFD800  }
0x91: {  	_ =	swait.ge [sflag:s10], $0x2800  }
0x92: {  	[sflag:s10] =	ssyncset.done $0x0  }
0x93: {  	[sflag:s10] =	ssyncadd.s32 $0xFFFFD800  }
0x94: {  	_ =	swait.ge [sflag:s10], $0x2800  }
0x95: {  	[sflag:s10] =	ssyncset.done $0x0  }
0x96: {  	[sflag:s10] =	ssyncadd.s32 $0xFFFFD800  }
0x97: {  	_ =	swait.ge [sflag:s10], $0x2800  }
0x98: {  	[sflag:s10] =	ssyncset.done $0x0  }
0x99: {  	s11 =	simm.s32 $0x0;
	[sflag:s10] =	ssyncadd.s32 $0xFFFFD800  }
0x9a: {  	v2 =	vld [tilespmem:s11+$0x600]  }
0x9b: {  	v4 =	vld [tilespmem:s11+$0x610]  }
0x9c: {  	v3 =	vld [tilespmem:s11+$0x620]  }
0x9d: {  	v1 =	vld [tilespmem:s11+$0x630]  }
0x9e: {  	v0 =	vld [tilespmem:s11+$0x640]  }
0x9f: {  	v5 =	vmax.f32 v2, $0.0e+00;
	v2 =	vld [tilespmem:s11+$0x650]  }
0xa0: {  	s16 =	simm.s32 $0x200;
	s15 =	simm.s32 $0x0;
	[tilespmem:s11+$0x600] =	vst v5;
	v5 =	vmax.f32 v4, $0.0e+00;
	v4 =	vld [tilespmem:s11+$0x660]  }
.LBB2_3:
0xa1: {  	s2 =	sshra.s32 s16, $0x2;
	p0 =	sne.s32 s16, $0x9E00;
	[tilespmem:s15+$0x610] =	vst v5;
	v3 =	vmax.f32 v3, $0.0e+00;
	v5 =	vld [tilespmem:s15+$0x670]  }
0xa2: {  	v6 =	vld [tilespmem:s2+$0x600];
	[tilespmem:s15+$0x620] =	vst v3;
	v1 =	vmax.f32 v1, $0.0e+00  }
0xa3: {  	v7 =	vld [tilespmem:s2+$0x610];
	[tilespmem:s15+$0x630] =	vst v1;
	v0 =	vmax.f32 v0, $0.0e+00  }
.Ltmp0:
0xa4: {  	v3 =	vld [tilespmem:s2+$0x620];
	[tilespmem:s15+$0x640] =	vst v0;
	v0 =	vmax.f32 v2, $0.0e+00;
	(pc) =	sbr.rel @p0 .LBB2_3-.Ltmp0, $4  }
0xa5: {  	v1 =	vld [tilespmem:s2+$0x630];
	[tilespmem:s15+$0x650] =	vst v0;
	v2 =	vmax.f32 v4, $0.0e+00  }
0xa6: {  	v0 =	vld [tilespmem:s2+$0x640];
	[tilespmem:s15+$0x660] =	vst v2;
	v4 =	vmax.f32 v5, $0.0e+00  }
0xa7: {  	v5 =	vmax.f32 v6, $0.0e+00;
	v2 =	vld [tilespmem:s2+$0x650];
	[tilespmem:s15+$0x670] =	vst v4;
	s15 =	smov.u32 s2  }
0xa8: {  	s16 =	sadd.s32 $0x200, s16;
	[tilespmem:s15+$0x600] =	vst v5;
	v5 =	vmax.f32 v7, $0.0e+00;
	v4 =	vld [tilespmem:s15+$0x660]  }
0xa9: {  	[tilespmem:s15+$0x610] =	vst v5;
	v3 =	vmax.f32 v3, $0.0e+00;
	v5 =	vld [tilespmem:s15+$0x670]  }
0xaa: {  	[tilespmem:s15+$0x620] =	vst v3;
	v1 =	vmax.f32 v1, $0.0e+00  }
0xab: {  	[tilespmem:s15+$0x630] =	vst v1;
	v0 =	vmax.f32 v0, $0.0e+00  }
0xac: {  	[tilespmem:s15+$0x640] =	vst v0;
	v0 =	vmax.f32 v2, $0.0e+00  }
0xad: {  	[tilespmem:s15+$0x650] =	vst v0;
	v0 =	vmax.f32 v4, $0.0e+00  }
0xae: {  	[tilespmem:s15+$0x660] =	vst v0;
	v0 =	vmax.f32 v5, $0.0e+00  }
0xaf: {  	[tilespmem:s15+$0x670] =	vst v0  }
0xb0: {  	v2 =	vld [tilespmem:s11+$0x2E00]  }
0xb1: {  	v4 =	vld [tilespmem:s11+$0x2E10]  }
0xb2: {  	v3 =	vld [tilespmem:s11+$0x2E20]  }
0xb3: {  	v1 =	vld [tilespmem:s11+$0x2E30]  }
0xb4: {  	v0 =	vld [tilespmem:s11+$0x2E40]  }
0xb5: {  	v5 =	vmax.f32 v2, $0.0e+00;
	v2 =	vld [tilespmem:s11+$0x2E50]  }
0xb6: {  	s15 =	simm.s32 $0x200;
	[tilespmem:s11+$0x2E00] =	vst v5;
	v5 =	vmax.f32 v4, $0.0e+00;
	v4 =	vld [tilespmem:s11+$0x2E60]  }
.LBB2_5:
0xb7: {  	s2 =	sshra.s32 s15, $0x2;
	p0 =	sne.s32 s15, $0x9E00;
	[tilespmem:s11+$0x2E10] =	vst v5;
	v3 =	vmax.f32 v3, $0.0e+00;
	v5 =	vld [tilespmem:s11+$0x2E70]  }
0xb8: {  	v6 =	vld [tilespmem:s2+$0x2E00];
	[tilespmem:s11+$0x2E20] =	vst v3;
	v1 =	vmax.f32 v1, $0.0e+00  }
0xb9: {  	v7 =	vld [tilespmem:s2+$0x2E10];
	[tilespmem:s11+$0x2E30] =	vst v1;
	v0 =	vmax.f32 v0, $0.0e+00  }
.Ltmp1:
0xba: {  	v3 =	vld [tilespmem:s2+$0x2E20];
	[tilespmem:s11+$0x2E40] =	vst v0;
	v0 =	vmax.f32 v2, $0.0e+00;
	(pc) =	sbr.rel @p0 .LBB2_5-.Ltmp1, $4  }
0xbb: {  	v1 =	vld [tilespmem:s2+$0x2E30];
	[tilespmem:s11+$0x2E50] =	vst v0;
	v2 =	vmax.f32 v4, $0.0e+00  }
0xbc: {  	v0 =	vld [tilespmem:s2+$0x2E40];
	[tilespmem:s11+$0x2E60] =	vst v2;
	v4 =	vmax.f32 v5, $0.0e+00  }
0xbd: {  	v5 =	vmax.f32 v6, $0.0e+00;
	v2 =	vld [tilespmem:s2+$0x2E50];
	[tilespmem:s11+$0x2E70] =	vst v4;
	s11 =	smov.u32 s2  }
0xbe: {  	s15 =	sadd.s32 $0x200, s15;
	[tilespmem:s11+$0x2E00] =	vst v5;
	v5 =	vmax.f32 v7, $0.0e+00;
	v4 =	vld [tilespmem:s11+$0x2E60]  }
0xbf: {  	[tilespmem:s11+$0x2E10] =	vst v5;
	v3 =	vmax.f32 v3, $0.0e+00;
	v5 =	vld [tilespmem:s11+$0x2E70]  }
0xc0: {  	[tilespmem:s11+$0x2E20] =	vst v3;
	v1 =	vmax.f32 v1, $0.0e+00  }
0xc1: {  	[tilespmem:s11+$0x2E30] =	vst v1;
	v0 =	vmax.f32 v0, $0.0e+00  }
0xc2: {  	[tilespmem:s11+$0x2E40] =	vst v0;
	v0 =	vmax.f32 v2, $0.0e+00  }
0xc3: {  	[tilespmem:s11+$0x2E50] =	vst v0;
	v0 =	vmax.f32 v4, $0.0e+00  }
0xc4: {  	[tilespmem:s11+$0x2E60] =	vst v0;
	v0 =	vmax.f32 v5, $0.0e+00  }
0xc5: {  	[tilespmem:s11+$0x2E70] =	vst v0;
	s11 =	simm.s32 $0x0  }
0xc6: {  	v2 =	vld [tilespmem:s11+$0x5600]  }
0xc7: {  	v4 =	vld [tilespmem:s11+$0x5610]  }
0xc8: {  	v3 =	vld [tilespmem:s11+$0x5620]  }
0xc9: {  	v1 =	vld [tilespmem:s11+$0x5630]  }
0xca: {  	v0 =	vld [tilespmem:s11+$0x5640]  }
0xcb: {  	s16 =	simm.s32 $0x200;
	v5 =	vmax.f32 v2, $0.0e+00;
	v2 =	vld [tilespmem:s11+$0x5650]  }
0xcc: {  	s15 =	simm.s32 $0x0;
	s17 =	simm.s32 $0x400;
	s18 =	simm.s32 $0x480;
	[tilespmem:s11+$0x5600] =	vst v5;
	v5 =	vmax.f32 v4, $0.0e+00;
	v4 =	vld [tilespmem:s11+$0x5660]  }
.LBB2_7:
0xcd: {  	s2 =	sshra.s32 s16, $0x2;
	p0 =	sne.s32 s16, $0x9E00;
	[tilespmem:s15+$0x5610] =	vst v5;
	v3 =	vmax.f32 v3, $0.0e+00;
	v5 =	vld [tilespmem:s15+$0x5670]  }
0xce: {  	v6 =	vld [tilespmem:s2+$0x5600];
	[tilespmem:s15+$0x5620] =	vst v3;
	v1 =	vmax.f32 v1, $0.0e+00  }
0xcf: {  	v7 =	vld [tilespmem:s2+$0x5610];
	[tilespmem:s15+$0x5630] =	vst v1;
	v0 =	vmax.f32 v0, $0.0e+00  }
.Ltmp2:
0xd0: {  	v3 =	vld [tilespmem:s2+$0x5620];
	[tilespmem:s15+$0x5640] =	vst v0;
	v0 =	vmax.f32 v2, $0.0e+00;
	(pc) =	sbr.rel @p0 .LBB2_7-.Ltmp2, $4  }
0xd1: {  	v1 =	vld [tilespmem:s2+$0x5630];
	[tilespmem:s15+$0x5650] =	vst v0;
	v2 =	vmax.f32 v4, $0.0e+00  }
0xd2: {  	v0 =	vld [tilespmem:s2+$0x5640];
	[tilespmem:s15+$0x5660] =	vst v2;
	v4 =	vmax.f32 v5, $0.0e+00  }
0xd3: {  	v5 =	vmax.f32 v6, $0.0e+00;
	v2 =	vld [tilespmem:s2+$0x5650];
	[tilespmem:s15+$0x5670] =	vst v4;
	s15 =	smov.u32 s2  }
0xd4: {  	s16 =	sadd.s32 $0x200, s16;
	[tilespmem:s15+$0x5600] =	vst v5;
	v5 =	vmax.f32 v7, $0.0e+00;
	v4 =	vld [tilespmem:s15+$0x5660]  }
0xd5: {  	[tilespmem:s15+$0x5610] =	vst v5;
	v3 =	vmax.f32 v3, $0.0e+00;
	v5 =	vld [tilespmem:s15+$0x5670]  }
0xd6: {  	[tilespmem:s15+$0x5620] =	vst v3;
	v1 =	vmax.f32 v1, $0.0e+00  }
0xd7: {  	[tilespmem:s15+$0x5630] =	vst v1;
	v0 =	vmax.f32 v0, $0.0e+00  }
0xd8: {  	[tilespmem:s15+$0x5640] =	vst v0;
	v0 =	vmax.f32 v2, $0.0e+00  }
0xd9: {  	[tilespmem:s15+$0x5650] =	vst v0;
	v0 =	vmax.f32 v4, $0.0e+00  }
0xda: {  	[tilespmem:s15+$0x5660] =	vst v0;
	v0 =	vmax.f32 v5, $0.0e+00  }
0xdb: {  	[tilespmem:s15+$0x5670] =	vst v0  }
0xdc: {  	v2 =	vld [tilespmem:s11+$0x7E00]  }
0xdd: {  	v4 =	vld [tilespmem:s11+$0x7E10]  }
0xde: {  	v3 =	vld [tilespmem:s11+$0x7E20]  }
0xdf: {  	v1 =	vld [tilespmem:s11+$0x7E30]  }
0xe0: {  	v0 =	vld [tilespmem:s11+$0x7E40]  }
0xe1: {  	v5 =	vmax.f32 v2, $0.0e+00;
	v2 =	vld [tilespmem:s11+$0x7E50]  }
0xe2: {  	s15 =	simm.s32 $0x200;
	[tilespmem:s11+$0x7E00] =	vst v5;
	v5 =	vmax.f32 v4, $0.0e+00;
	v4 =	vld [tilespmem:s11+$0x7E60]  }
.LBB2_9:
0xe3: {  	s2 =	sshra.s32 s15, $0x2;
	p0 =	sne.s32 s15, $0x9E00;
	[tilespmem:s11+$0x7E10] =	vst v5;
	v3 =	vmax.f32 v3, $0.0e+00;
	v5 =	vld [tilespmem:s11+$0x7E70]  }
0xe4: {  	v6 =	vld [tilespmem:s2+$0x7E00];
	[tilespmem:s11+$0x7E20] =	vst v3;
	v1 =	vmax.f32 v1, $0.0e+00  }
0xe5: {  	v7 =	vld [tilespmem:s2+$0x7E10];
	[tilespmem:s11+$0x7E30] =	vst v1;
	v0 =	vmax.f32 v0, $0.0e+00  }
.Ltmp3:
0xe6: {  	v3 =	vld [tilespmem:s2+$0x7E20];
	[tilespmem:s11+$0x7E40] =	vst v0;
	v0 =	vmax.f32 v2, $0.0e+00;
	(pc) =	sbr.rel @p0 .LBB2_9-.Ltmp3, $4  }
0xe7: {  	v1 =	vld [tilespmem:s2+$0x7E30];
	[tilespmem:s11+$0x7E50] =	vst v0;
	v2 =	vmax.f32 v4, $0.0e+00  }
0xe8: {  	v0 =	vld [tilespmem:s2+$0x7E40];
	[tilespmem:s11+$0x7E60] =	vst v2;
	v4 =	vmax.f32 v5, $0.0e+00  }
0xe9: {  	v5 =	vmax.f32 v6, $0.0e+00;
	v2 =	vld [tilespmem:s2+$0x7E50];
	[tilespmem:s11+$0x7E70] =	vst v4;
	s11 =	smov.u32 s2  }
0xea: {  	s15 =	sadd.s32 $0x200, s15;
	[tilespmem:s11+$0x7E00] =	vst v5;
	v5 =	vmax.f32 v7, $0.0e+00;
	v4 =	vld [tilespmem:s11+$0x7E60]  }
0xeb: {  	[tilespmem:s11+$0x7E10] =	vst v5;
	v3 =	vmax.f32 v3, $0.0e+00;
	v60 =	vld [tilespmem:s11+$0x7E70]  }
0xec: {  	[tilespmem:s11+$0x7E20] =	vst v3;
	v1 =	vmax.f32 v1, $0.0e+00  }
0xed: {  	[tilespmem:s11+$0x7E30] =	vst v1;
	v0 =	vmax.f32 v0, $0.0e+00  }
0xee: {  	[tilespmem:s11+$0x7E40] =	vst v0;
	v61 =	vmax.f32 v2, $0.0e+00  }
0xef: {  	[tilespmem:s11+$0x7E50] =	vst v61;
	v62 =	vmax.f32 v4, $0.0e+00  }
0xf0: {  	[tilespmem:s11+$0x7E60] =	vst v62;
	v63 =	vmax.f32 v60, $0.0e+00  }
0xf1: {  	[tilespmem:s11+$0x7E70] =	vst v63  }
0xf2: {  	[spmem:s1] =	stream.indirect.scatter.add.f32 [tilespmem:s29], [sflag:$0x1], $0x80, s17, s13, $0xb8;
	[tilespmem:$0x1E600] =	vst v63  }
0xf3: {  	_ = 	snop  }
0xf4: {  	[spmem:s1] =	stream.indirect.scatter.add.f32 [tilespmem:s30], [sflag:$0x1], $0x80, s18, s13, $0xb8;
	[tilespmem:$0x1E600] =	vst v63  }
0xf5: {  	_ = 	snop  }
0xf6: {  	[spmem:s1] =	stream.indirect.scatter.add.f32 [tilespmem:s31], [sflag:$0x1], $0x80, s24, s13, $0xb8;
	[tilespmem:$0x1E600] =	vst v63  }
0xf7: {  	_ = 	snop  }
0xf8: {  	[spmem:s1] =	stream.indirect.scatter.add.f32 [tilespmem:s0], [sflag:$0x1], $0x80, s28, s13, $0xb8;
	[tilespmem:$0x1E600] =	vst v63  }
0xf9: {  	_ =	swait.ge [sflag:s10], $0x2800  }
0xfa: {  	[sflag:s10] =	ssyncset.done $0x0  }
0xfb: {  	[sflag:s10] =	ssyncadd.s32 $0xFFFFD800  }
0xfc: {  	_ =	swait.ge [sflag:s10], $0x2800  }
0xfd: {  	[sflag:s10] =	ssyncset.done $0x0  }
0xfe: {  	s14 =	sadd.s32 $0x1, s14;
	[sflag:s10] =	ssyncadd.s32 $0xFFFFD800  }
0xff: {  	p0 =	sne.s32 s14, $0x20;
	_ =	swait.ge [sflag:s10], $0x2800  }
.Ltmp4:
0x100: {  	[sflag:s10] =	ssyncset.done $0x0;
	(pc) =	sbr.rel @p0 .LBB2_2-.Ltmp4, $4  }
0x101: {  	[sflag:s10] =	ssyncadd.s32 $0xFFFFD800  }
0x102: {  	_ =	swait.ge [sflag:s10], $0x2800  }
0x103: {  	[sflag:s10] =	ssyncset.done $0x0  }
0x104: {  	[sflag:s10] =	ssyncadd.s32 $0xFFFFD800  }
0x105: {  	[bflag:$0x0] =	sbarrier.arrive $0xFFFF  }
0x106: {  	s12 =	rddreg [dreg:$0x5]  }
0x107: {  	s2 =	rddreg [dreg:$0x7]  }
0x108: {  	s15 =	simm.s32 $0x3;
	s14 =	rddreg [dreg:$0x9]  }
0x109: {  	[hbm:s2], [sflag:s12] =	dma.local [spmem:s14], $0x2800  }
0x10a: {  	_ =	swait.ge [sflag:s15], $0x2800  }
0x10b: {  	s16 =	rddreg [dreg:$0x3]  }
0x10c: {  	s11 =	rddreg [dreg:$0x8];
	s2 =	sadd.s32 $0x1, s16  }
0x10d: {  	p0 =	sne.s32 s2, s11  }
.Ltmp5:
0x10e: {  	_ = 	snop;
	(pc) =	sbr.rel @p0 .LBB2_1-.Ltmp5, $3  }
0x10f: {  	_ =	sdelay $0x1  }
0x110: {  	[sflag:s15] =	ssyncset.done $0x0  }
0x111: {  	[sflag:s15] =	ssyncadd.s32 $0xFFFFD800  }
0x112: {  	_ =	sfence.sel $0x180000  }
0x113: {  	[bflag:$0x0] =	sbarrier.arrive $0xFFFF  }
0x114: {  	_ =	strace $0x90000053  }
0x115: {  	s0 =	stileid.u32;
	[bflag:$0x2] =	sbarrier.arrive $0xFFFF  }
0x116: {  	p0 =	sne.s32 s0, $0x0;
	s0 =	rddreg [dreg:$0x2]  }
0x117: {  	s0 =	sadd.s32 @!p0 $0x100000, s0  }
0x118: {  	[sflag:s0] =	ssyncadd.tile.s32 @!p0 $0x1;
	_ =	shalt  }
.Lfunc_end2:
_tile_overlayer_lowered:
.L_overlay_start_2:
0x119: {  	(tag) =	ssettag $0x2  }
0x11a: {  	s0 =	rddreg [dreg:$0x0];
	s2 =	stileid.u32  }
0x11b: {  	s1 =	rddreg [dreg:$0x1];
	p0 =	sne.s32 s2, $0x0  }
0x11c: {  	s3 =	rddreg [dreg:$0x2];
	[bflag:$0x3] =	sbarrier.arrive $0xFFFF;
	s2 =	simm.s32 @!p0 $0x1C03  }
0x11d: {  	[timem:s3], [sflag:s2] =	dma.local @!p0 [hbm:s0], s1  }
0x11e: {  	s0 =	simm.s32 @!p0 $0x3  }
0x11f: {  	_ =	swait.ge @!p0 [sflag:s0], s1  }
0x120: {  	s1 =	ssub.s32 @!p0 $0x0, s1;
	[sflag:s0] =	ssyncset.done @!p0 $0x0  }
0x121: {  	[sflag:s0] =	ssyncadd.s32 @!p0 s1  }
0x122: {  	[bflag:$0x3] =	sbarrier.arrive $0xFFFF  }
0x123: {  	_ =	shalt  }

</sc_bundles>
